<compile_context>
chip_gen: v7x
topology: tpu7x:2x2x1
jax: 0.10.2.dev20260603
libtpu: 0.0.44.dev20260713+nightly
codegen_flags: <defaults>
</compile_context>

<pallas_src>
import functools

import jax
import jax.numpy as jnp
from jax import lax
from jax.experimental import pallas as pl
from jax.experimental.pallas import tpu as pltpu
from jax.experimental.pallas import tpu_sc as plsc

_NC = 2
_NS = 16
_NW = _NC * _NS
_LANES = 16


_NBUF = 2


def _aggregate_sc(idx_flat, x, N, K, D, C, npw):
    mesh = plsc.VectorSubcoreMesh(core_axis_name="c", subcore_axis_name="s")
    G = C * K

    @functools.partial(
        pl.kernel,
        out_type=jax.ShapeDtypeStruct((N, D), jnp.float32),
        mesh=mesh,
        scratch_types=[
            pltpu.VMEM((npw * K,), jnp.int32),
            pltpu.VMEM((_NBUF, G, D), jnp.float32),
            pltpu.VMEM((_NBUF, C, D), jnp.float32),
            pltpu.VMEM_SHARED((N, D), jnp.float32),
        ] + [pltpu.SemaphoreType.DMA] * (2 * _NBUF),
    )
    def aggr_kernel(idx_hbm, x_hbm, out_hbm, idx_v, rows_v, out_v, x_sh,
                    *sems):
        wid = lax.axis_index("s") * _NC + lax.axis_index("c")
        gsem = sems[:_NBUF]
        osem = sems[_NBUF:]

        ch = -(-(-(-N // _NS)) // 8) * 8
        cstart = jnp.minimum(lax.axis_index("s") * ch, N - ch)
        pltpu.sync_copy(x_hbm.at[pl.ds(cstart, ch)],
                        x_sh.at[pl.ds(cstart, ch)])
        plsc.subcore_barrier()

        node_start = wid * npw
        cnt = jnp.minimum(N - node_start, npw)
        T = cnt // C
        copy_start = jnp.minimum(node_start, N - npw) * K
        off = node_start * K - copy_start

        def gather_desc(t, buf):
            return pltpu.make_async_copy(
                x_sh.at[idx_v.at[pl.ds(off + t * G, G)]], rows_v.at[buf],
                gsem[buf])

        def out_desc(t, buf):
            return pltpu.make_async_copy(
                out_v.at[buf], out_hbm.at[pl.ds(node_start + t * C, C)],
                osem[buf])

        pltpu.sync_copy(idx_hbm.at[pl.ds(copy_start, npw * K)], idx_v)
        for buf in range(_NBUF):
            gather_desc(buf, buf).start()

        @pl.loop(0, T // _NBUF)
        def _(i):
            for buf in range(_NBUF):
                t = i * _NBUF + buf
                gather_desc(t, buf).wait()

                @pl.when(i > 0)
                def _():
                    out_desc(t, buf).wait()

                for n in range(C):
                    base = n * K
                    accs = tuple(
                        rows_v[buf, base, pl.ds(d * _LANES, _LANES)]
                        for d in range(D // _LANES)
                    )

                    def body(k, a, base=base):
                        return tuple(
                            v + rows_v[buf, base + k, pl.ds(d * _LANES, _LANES)]
                            for d, v in enumerate(a)
                        )

                    accs = lax.fori_loop(1, K, body, accs)
                    for d, v in enumerate(accs):
                        out_v[buf, n, pl.ds(d * _LANES, _LANES)] = v

                out_desc(t, buf).start()

                @pl.when(t + _NBUF < T)
                def _():
                    gather_desc(t + _NBUF, buf).start()

        for buf in range(_NBUF):
            out_desc(T - _NBUF + buf, buf).wait()

    return aggr_kernel(idx_flat, x)


def _matmul_bias_tc(x, wt, bias, N, D):
    BLK = 1000

    def body(x_ref, w_ref, b_ref, o_ref):
        o_ref[...] = jnp.dot(
            x_ref[...], w_ref[...],
            preferred_element_type=jnp.float32) + b_ref[...]

    return pl.pallas_call(
        body,
        grid=(N // BLK,),
        in_specs=[
            pl.BlockSpec((BLK, D), lambda i: (i, 0)),
            pl.BlockSpec((D, D), lambda i: (0, 0)),
            pl.BlockSpec((1, D), lambda i: (0, 0)),
        ],
        out_specs=pl.BlockSpec((BLK, D), lambda i: (i, 0)),
        out_shape=jax.ShapeDtypeStruct((N, D), jnp.float32),
    )(x, wt, bias)


def _combine_tc(out1, aggr, w2t, N, D):
    BLK = 1000

    def body(o1_ref, a_ref, w_ref, o_ref):
        acc = jnp.dot(a_ref[...], w_ref[...],
                      preferred_element_type=jnp.float32)
        o_ref[...] = jnp.maximum(acc + o1_ref[...], 0.0)

    return pl.pallas_call(
        body,
        grid=(N // BLK,),
        in_specs=[
            pl.BlockSpec((BLK, D), lambda i: (i, 0)),
            pl.BlockSpec((BLK, D), lambda i: (i, 0)),
            pl.BlockSpec((D, D), lambda i: (0, 0)),
        ],
        out_specs=pl.BlockSpec((BLK, D), lambda i: (i, 0)),
        out_shape=jax.ShapeDtypeStruct((N, D), jnp.float32),
    )(out1, aggr, w2t)


def kernel(neighbours, shape_features, W1, b1, W2, b2):
    N, K = neighbours.shape
    D = shape_features.shape[1]

    C = 128 // K
    npw = -(-N // _NW)
    npw = -(-npw // (_NBUF * C)) * (_NBUF * C)

    idx_flat = neighbours.reshape(-1).astype(jnp.int32)
    aggr = _aggregate_sc(idx_flat, shape_features, N, K, D, C, npw)

    bias = (b1 + b2).reshape(1, D)
    out1 = _matmul_bias_tc(shape_features, W1.T, bias, N, D)
    return _combine_tc(out1, aggr, W2.T, N, D)

# --- scband reference (transcript-rebuilt; emitter-appended) ---
"""Pipeline reference for scband-graph-convolution-43173011259781 (READ-ONLY COPY).

The authoritative reference and input builder live on the scoring server;
editing this copy changes nothing except your own understanding.
"""

import jax, jax.numpy as jnp
import numpy as np

N, K, D = 10000, 32, 128

def setup_inputs(seed: int = 0) -> dict:
    key = jax.random.key(seed)
    k1, k2, k3, k4 = jax.random.split(key, 4)
    neighbours = jax.random.randint(k1, (N, K), 0, N)
    shape_features = jax.random.normal(k2, (N, D), dtype=jnp.float32)
    W1 = jax.random.normal(k3, (D, D), dtype=jnp.float32) * 0.02
    b1 = jnp.zeros((D,), dtype=jnp.float32)
    W2 = jax.random.normal(k4, (D, D), dtype=jnp.float32) * 0.02
    b2 = jnp.zeros((D,), dtype=jnp.float32)
    return {"neighbours": neighbours, "shape_features": shape_features,
            "W1": W1, "b1": b1, "W2": W2, "b2": b2}

def reference(neighbours, shape_features, W1, b1, W2, b2):
    # linear1(shape_features)
    out1 = shape_features @ W1.T + b1
    # neighbor aggregation: for each node, sum features of its neighbours
    # (torch loop: shapeFeaturesAggr[i] = sum(shape_features[neighbours[i]], 0))
    gathered = jnp.take(shape_features, neighbours, axis=0)  # [N, K, D]
    shapeFeaturesAggr = jnp.sum(gathered, axis=1)            # [N, D]
    # out = linear1(x) + linear2(aggr), then ReLU activation
    out = out1 + shapeFeaturesAggr @ W2.T + b2
    return jax.nn.relu(out)

if __name__ == "__main__":
    import jax
    _d = setup_inputs()
    print(jax.jit(kernel)(*tuple(_d.values())))

</pallas_src>

<mosaic_0001>
#map = affine_map<(d0, d1) -> (0)>
#map1 = affine_map<(d0, d1) -> (0, 0)>
module attributes {stable_mosaic.version = 14 : i64} {
  func.func @aggr_kernel(%arg0: i32, %arg1: i32, %arg2: memref<320000xi32, #tpu.memory_space<hbm>>, %arg3: memref<10000x128xf32, #tpu.memory_space<hbm>>, %arg4: memref<10000x128xf32, #tpu.memory_space<hbm>>, %arg5: memref<10240xi32, #tpu.memory_space<vmem>>, %arg6: memref<2x128x128xf32, #tpu.memory_space<vmem>>, %arg7: memref<2x4x128xf32, #tpu.memory_space<vmem>>, %arg8: memref<10000x128xf32, #tpu.memory_space<vmem_shared>>, %arg9: memref<!tpu.dma_semaphore, #tpu.memory_space<semaphore_mem>>, %arg10: memref<!tpu.dma_semaphore, #tpu.memory_space<semaphore_mem>>, %arg11: memref<!tpu.dma_semaphore, #tpu.memory_space<semaphore_mem>>, %arg12: memref<!tpu.dma_semaphore, #tpu.memory_space<semaphore_mem>>) attributes {dimension_semantics = [#tpu.dimension_semantics<core_parallel>, #tpu.dimension_semantics<subcore_parallel>], iteration_bounds = array<i64: 2, 16>, scalar_prefetch = 0 : i64, scratch_operands = 8 : i64, tpu.core_type = #tpu.core_type<sc_vector_subcore>, window_params = [{transform_indices = #map}, {transform_indices = #map1}, {transform_indices = #map1}]} {
    %mul3A = arith.constant 2 : i32
    %mul3A_0 = arith.muli %arg1, %mul3A : i32
    %add3A = arith.addi %mul3A_0, %arg0 : i32
    %mul3A_1 = arith.constant 632 : i32
    %mul3A_2 = arith.muli %arg1, %mul3A_1 : i32
    %min3A = arith.constant 9368 : i32
    %min3A_3 = arith.minsi %mul3A_2, %min3A : i32
    "tpu.region"() ({
      %run_scoped3A = tpu.sem_alloc : memref<!tpu.dma_semaphore, #tpu.memory_space<semaphore_mem>>
      %dma_start3A_135 = arith.constant 0 : i32
      %dma_start3A_136 = tpu.memref_slice %arg8[%min3A_3, %dma_start3A_135] : memref<10000x128xf32, #tpu.memory_space<vmem_shared>> -> memref<632x128xf32, #tpu.memory_space<vmem_shared>>
      %dma_start3A_137 = arith.constant 0 : i32
      %dma_start3A_138 = tpu.memref_slice %arg3[%min3A_3, %dma_start3A_137] : memref<10000x128xf32, #tpu.memory_space<hbm>> -> memref<632x128xf32, #tpu.memory_space<hbm>>
      tpu.enqueue_dma source(%dma_start3A_138 : memref<632x128xf32, #tpu.memory_space<hbm>>) target(%dma_start3A_136 : memref<632x128xf32, #tpu.memory_space<vmem_shared>>) target_semaphore(%run_scoped3A : memref<!tpu.dma_semaphore, #tpu.memory_space<semaphore_mem>>)
      %dma_wait3A_139 = arith.constant 0 : i32
      %dma_wait3A_140 = tpu.memref_slice %arg8[%min3A_3, %dma_wait3A_139] : memref<10000x128xf32, #tpu.memory_space<vmem_shared>> -> memref<632x128xf32, #tpu.memory_space<vmem_shared>>
      %dma_wait3A_141 = arith.constant 0 : i32
      %dma_wait3A_142 = tpu.memref_slice %arg3[%min3A_3, %dma_wait3A_141] : memref<10000x128xf32, #tpu.memory_space<hbm>> -> memref<632x128xf32, #tpu.memory_space<hbm>>
      tpu.wait_dma2 semaphore(%run_scoped3A : memref<!tpu.dma_semaphore, #tpu.memory_space<semaphore_mem>>) src(%dma_wait3A_142 : memref<632x128xf32, #tpu.memory_space<hbm>>) dst(%dma_wait3A_140 : memref<632x128xf32, #tpu.memory_space<vmem_shared>>)
      tpu.yield
    }) : () -> ()
    %barrier3A = arith.constant 0 : index
    tpu.barrier barrier_id(%barrier3A)
    %mul3A_4 = arith.constant 320 : i32
    %mul3A_5 = arith.muli %add3A, %mul3A_4 : i32
    %sub3A = arith.constant 10000 : i32
    %sub3A_6 = arith.subi %sub3A, %mul3A_5 : i32
    %min3A_7 = arith.constant 320 : i32
    %min3A_8 = arith.minsi %sub3A_6, %min3A_7 : i32
    %jit3A = arith.constant 4 : i32
    %div3A = arith.divsi %min3A_8, %jit3A : i32
    %sign3A = arith.constant 0 : i32
    %sign3A_9 = arith.cmpi sgt, %min3A_8, %sign3A : i32
    %sign3A_10 = arith.extui %sign3A_9 : i1 to i32
    %sign3A_11 = arith.constant 0 : i32
    %sign3A_12 = arith.cmpi slt, %min3A_8, %sign3A_11 : i32
    %sign3A_13 = arith.extui %sign3A_12 : i1 to i32
    %sign3A_14 = arith.subi %sign3A_10, %sign3A_13 : i32
    %sign3A_15 = arith.constant 0 : i32
    %sign3A_16 = arith.cmpi sgt, %jit3A, %sign3A_15 : i32
    %sign3A_17 = arith.extui %sign3A_16 : i1 to i32
    %sign3A_18 = arith.constant 0 : i32
    %sign3A_19 = arith.cmpi slt, %jit3A, %sign3A_18 : i32
    %sign3A_20 = arith.extui %sign3A_19 : i1 to i32
    %sign3A_21 = arith.subi %sign3A_17, %sign3A_20 : i32
    %ne3A = arith.cmpi ne, %sign3A_14, %sign3A_21 : i32
    %rem3A = arith.remsi %min3A_8, %jit3A : i32
    %ne3A_22 = arith.constant 0 : i32
    %ne3A_23 = arith.cmpi ne, %rem3A, %ne3A_22 : i32
    %and3A = arith.andi %ne3A, %ne3A_23 : i1
    %sub3A_24 = arith.constant 1 : i32
    %sub3A_25 = arith.subi %div3A, %sub3A_24 : i32
    %select_n3A = arith.select %and3A, %sub3A_25, %div3A : i32
    %min3A_26 = arith.constant 9680 : i32
    %min3A_27 = arith.minsi %mul3A_5, %min3A_26 : i32
    %mul3A_28 = arith.constant 32 : i32
    %mul3A_29 = arith.muli %min3A_27, %mul3A_28 : i32
    %mul3A_30 = arith.constant 32 : i32
    %mul3A_31 = arith.muli %mul3A_5, %mul3A_30 : i32
    %sub3A_32 = arith.subi %mul3A_31, %mul3A_29 : i32
    "tpu.region"() ({
      %run_scoped3A = tpu.sem_alloc : memref<!tpu.dma_semaphore, #tpu.memory_space<semaphore_mem>>
      %dma_start3A_135 = tpu.memref_slice %arg2[%mul3A_29] : memref<320000xi32, #tpu.memory_space<hbm>> -> memref<10240xi32, #tpu.memory_space<hbm>>
      %dma_start3A_136 = tpu.memref_slice %arg2[%mul3A_29] : memref<320000xi32, #tpu.memory_space<hbm>> -> memref<10240xi32, #tpu.memory_space<hbm>>
      tpu.enqueue_dma source(%dma_start3A_136 : memref<10240xi32, #tpu.memory_space<hbm>>) target(%arg5 : memref<10240xi32, #tpu.memory_space<vmem>>) target_semaphore(%run_scoped3A : memref<!tpu.dma_semaphore, #tpu.memory_space<semaphore_mem>>)
      %dma_wait3A_137 = tpu.memref_slice %arg2[%mul3A_29] : memref<320000xi32, #tpu.memory_space<hbm>> -> memref<10240xi32, #tpu.memory_space<hbm>>
      %dma_wait3A_138 = tpu.memref_slice %arg2[%mul3A_29] : memref<320000xi32, #tpu.memory_space<hbm>> -> memref<10240xi32, #tpu.memory_space<hbm>>
      tpu.wait_dma2 semaphore(%run_scoped3A : memref<!tpu.dma_semaphore, #tpu.memory_space<semaphore_mem>>) src(%dma_wait3A_138 : memref<10240xi32, #tpu.memory_space<hbm>>) dst(%arg5 : memref<10240xi32, #tpu.memory_space<vmem>>)
      tpu.yield
    }) : () -> ()
    %add3A_33 = arith.constant 0 : i32
    %add3A_34 = arith.addi %sub3A_32, %add3A_33 : i32
    %dma_start3A = arith.constant 0 : i32
    %dma_start3A_35 = arith.constant 0 : i32
    %dma_start3A_36 = arith.constant 0 : i32
    %dma_start3A_37 = tpu.memref_slice %arg6[%dma_start3A, %dma_start3A_35, %dma_start3A_36] : memref<2x128x128xf32, #tpu.memory_space<vmem>> -> memref<1x128x128xf32, #tpu.memory_space<vmem>>
    %dma_start3A_38 = tpu.memref_squeeze %dma_start3A_37 : memref<1x128x128xf32, #tpu.memory_space<vmem>> -> memref<128x128xf32, #tpu.memory_space<vmem>>
    %dma_start3A_39 = tpu.memref_slice %arg5[%add3A_34] : memref<10240xi32, #tpu.memory_space<vmem>> -> memref<128xi32, #tpu.memory_space<vmem>>
    %dma_start3A_40 = arith.constant 0 : i32
    %dma_start3A_41 = arith.constant 0 : i32
    %dma_start3A_42 = tpu.memref_slice %arg8[%dma_start3A_40, %dma_start3A_41] : memref<10000x128xf32, #tpu.memory_space<vmem_shared>> -> memref<10000x128xf32, #tpu.memory_space<vmem_shared>>
    tpu.enqueue_indirect_dma source(%dma_start3A_42 : memref<10000x128xf32, #tpu.memory_space<vmem_shared>>) target(%dma_start3A_38 : memref<128x128xf32, #tpu.memory_space<vmem>>) offsets(%dma_start3A_39 : memref<128xi32, #tpu.memory_space<vmem>>) semaphore(%arg9 : memref<!tpu.dma_semaphore, #tpu.memory_space<semaphore_mem>>)
    %add3A_43 = arith.constant 128 : i32
    %add3A_44 = arith.addi %sub3A_32, %add3A_43 : i32
    %dma_start3A_45 = arith.constant 1 : i32
    %dma_start3A_46 = arith.constant 0 : i32
    %dma_start3A_47 = arith.constant 0 : i32
    %dma_start3A_48 = tpu.memref_slice %arg6[%dma_start3A_45, %dma_start3A_46, %dma_start3A_47] : memref<2x128x128xf32, #tpu.memory_space<vmem>> -> memref<1x128x128xf32, #tpu.memory_space<vmem>>
    %dma_start3A_49 = tpu.memref_squeeze %dma_start3A_48 : memref<1x128x128xf32, #tpu.memory_space<vmem>> -> memref<128x128xf32, #tpu.memory_space<vmem>>
    %dma_start3A_50 = tpu.memref_slice %arg5[%add3A_44] : memref<10240xi32, #tpu.memory_space<vmem>> -> memref<128xi32, #tpu.memory_space<vmem>>
    %dma_start3A_51 = arith.constant 0 : i32
    %dma_start3A_52 = arith.constant 0 : i32
    %dma_start3A_53 = tpu.memref_slice %arg8[%dma_start3A_51, %dma_start3A_52] : memref<10000x128xf32, #tpu.memory_space<vmem_shared>> -> memref<10000x128xf32, #tpu.memory_space<vmem_shared>>
    tpu.enqueue_indirect_dma source(%dma_start3A_53 : memref<10000x128xf32, #tpu.memory_space<vmem_shared>>) target(%dma_start3A_49 : memref<128x128xf32, #tpu.memory_space<vmem>>) offsets(%dma_start3A_50 : memref<128xi32, #tpu.memory_space<vmem>>) semaphore(%arg10 : memref<!tpu.dma_semaphore, #tpu.memory_space<semaphore_mem>>)
    %jit3A_54 = arith.constant 2 : i32
    %div3A_55 = arith.divsi %select_n3A, %jit3A_54 : i32
    %sign3A_56 = arith.constant 0 : i32
    %sign3A_57 = arith.cmpi sgt, %select_n3A, %sign3A_56 : i32
    %sign3A_58 = arith.extui %sign3A_57 : i1 to i32
    %sign3A_59 = arith.constant 0 : i32
    %sign3A_60 = arith.cmpi slt, %select_n3A, %sign3A_59 : i32
    %sign3A_61 = arith.extui %sign3A_60 : i1 to i32
    %sign3A_62 = arith.subi %sign3A_58, %sign3A_61 : i32
    %sign3A_63 = arith.constant 0 : i32
    %sign3A_64 = arith.cmpi sgt, %jit3A_54, %sign3A_63 : i32
    %sign3A_65 = arith.extui %sign3A_64 : i1 to i32
    %sign3A_66 = arith.constant 0 : i32
    %sign3A_67 = arith.cmpi slt, %jit3A_54, %sign3A_66 : i32
    %sign3A_68 = arith.extui %sign3A_67 : i1 to i32
    %sign3A_69 = arith.subi %sign3A_65, %sign3A_68 : i32
    %ne3A_70 = arith.cmpi ne, %sign3A_62, %sign3A_69 : i32
    %rem3A_71 = arith.remsi %select_n3A, %jit3A_54 : i32
    %ne3A_72 = arith.constant 0 : i32
    %ne3A_73 = arith.cmpi ne, %rem3A_71, %ne3A_72 : i32
    %and3A_74 = arith.andi %ne3A_70, %ne3A_73 : i1
    %sub3A_75 = arith.constant 1 : i32
    %sub3A_76 = arith.subi %div3A_55, %sub3A_75 : i32
    %select_n3A_77 = arith.select %and3A_74, %sub3A_76, %div3A_55 : i32
    %sub3A_78 = arith.constant 0 : i32
    %sub3A_79 = arith.subi %select_n3A_77, %sub3A_78 : i32
    %sub3A_80 = arith.constant 1 : i32
    %sub3A_81 = arith.constant 1 : i32
    %sub3A_82 = arith.subi %sub3A_80, %sub3A_81 : i32
    %add3A_83 = arith.addi %sub3A_79, %sub3A_82 : i32
    %div3A_84 = arith.constant 1 : i32
    %div3A_85 = arith.divsi %add3A_83, %div3A_84 : i32
    %while3A = arith.constant 1 : i32
    %while3A_86 = arith.constant 0 : i32
    %while3A_87 = arith.constant 0 : i32
    %while3A_88 = arith.subi %div3A_85, %while3A_87 : i32
    %while3A_89 = arith.addi %while3A_87, %while3A_88 : i32
    %while3A_90 = arith.constant 1 : i32
    %while3A_91 = arith.divsi %while3A_88, %while3A_90 : i32
    %while3A_92 = arith.muli %while3A_91, %while3A_90 : i32
    %while3A_93 = arith.addi %while3A_87, %while3A_92 : i32
    %while3A_94 = arith.constant 1 : i32
    scf.for %while3A_135 = %while3A_87 to %while3A_93 step %while3A_94  : i32 {
      %mul3A_136 = arith.muli %while3A_135, %while3A : i32
      %add3A_137 = arith.addi %while3A_86, %mul3A_136 : i32
      %mul3A_138 = arith.constant 2 : i32
      %mul3A_139 = arith.muli %add3A_137, %mul3A_138 : i32
      %add3A_140 = arith.constant 0 : i32
      %add3A_141 = arith.addi %mul3A_139, %add3A_140 : i32
      %mul3A_142 = arith.constant 128 : i32
      %mul3A_143 = arith.muli %add3A_141, %mul3A_142 : i32
      %add3A_144 = arith.addi %sub3A_32, %mul3A_143 : i32
      %dma_wait3A_145 = arith.constant 0 : i32
      %dma_wait3A_146 = arith.constant 0 : i32
      %dma_wait3A_147 = arith.constant 0 : i32
      %dma_wait3A_148 = tpu.memref_slice %arg6[%dma_wait3A_145, %dma_wait3A_146, %dma_wait3A_147] : memref<2x128x128xf32, #tpu.memory_space<vmem>> -> memref<1x128x128xf32, #tpu.memory_space<vmem>>
      %dma_wait3A_149 = tpu.memref_squeeze %dma_wait3A_148 : memref<1x128x128xf32, #tpu.memory_space<vmem>> -> memref<128x128xf32, #tpu.memory_space<vmem>>
      %dma_wait3A_150 = tpu.memref_slice %arg5[%add3A_144] : memref<10240xi32, #tpu.memory_space<vmem>> -> memref<128xi32, #tpu.memory_space<vmem>>
      %dma_wait3A_151 = arith.constant 0 : i32
      %dma_wait3A_152 = arith.constant 0 : i32
      %dma_wait3A_153 = tpu.memref_slice %arg8[%dma_wait3A_151, %dma_wait3A_152] : memref<10000x128xf32, #tpu.memory_space<vmem_shared>> -> memref<10000x128xf32, #tpu.memory_space<vmem_shared>>
      tpu.wait_indirect_dma semaphore(%arg9 : memref<!tpu.dma_semaphore, #tpu.memory_space<semaphore_mem>>) src(%dma_wait3A_153 : memref<10000x128xf32, #tpu.memory_space<vmem_shared>>) dst(%dma_wait3A_149 : memref<128x128xf32, #tpu.memory_space<vmem>>)
      %gt3A = arith.constant 0 : i32
      %gt3A_154 = arith.cmpi sgt, %add3A_137, %gt3A : i32
      %convert_element_type3A = arith.extui %gt3A_154 : i1 to i32
      %cond3A = arith.constant 0 : i32
      %cond3A_155 = arith.cmpi ne, %convert_element_type3A, %cond3A : i32
      scf.if %cond3A_155 {
        %mul3A_1225 = arith.constant 4 : i32
        %mul3A_1226 = arith.muli %add3A_141, %mul3A_1225 : i32
        %add3A_1227 = arith.addi %mul3A_5, %mul3A_1226 : i32
        %dma_wait3A_1228 = arith.constant 0 : i32
        %dma_wait3A_1229 = arith.constant 0 : i32
        %dma_wait3A_1230 = arith.constant 0 : i32
        %dma_wait3A_1231 = tpu.memref_slice %arg7[%dma_wait3A_1228, %dma_wait3A_1229, %dma_wait3A_1230] : memref<2x4x128xf32, #tpu.memory_space<vmem>> -> memref<1x4x128xf32, #tpu.memory_space<vmem>>
        %dma_wait3A_1232 = tpu.memref_squeeze %dma_wait3A_1231 : memref<1x4x128xf32, #tpu.memory_space<vmem>> -> memref<4x128xf32, #tpu.memory_space<vmem>>
        %dma_wait3A_1233 = arith.constant 0 : i32
        %dma_wait3A_1234 = tpu.memref_slice %arg4[%add3A_1227, %dma_wait3A_1233] : memref<10000x128xf32, #tpu.memory_space<hbm>> -> memref<4x128xf32, #tpu.memory_space<hbm>>
        %dma_wait3A_1235 = arith.constant 0 : i32
        %dma_wait3A_1236 = tpu.memref_slice %arg4[%add3A_1227, %dma_wait3A_1235] : memref<10000x128xf32, #tpu.memory_space<hbm>> -> memref<4x128xf32, #tpu.memory_space<hbm>>
        %dma_wait3A_1237 = arith.constant 0 : i32
        %dma_wait3A_1238 = arith.constant 0 : i32
        %dma_wait3A_1239 = tpu.memref_slice %arg7[%dma_wait3A_1228, %dma_wait3A_1237, %dma_wait3A_1238] : memref<2x4x128xf32, #tpu.memory_space<vmem>> -> memref<1x4x128xf32, #tpu.memory_space<vmem>>
        %dma_wait3A_1240 = tpu.memref_squeeze %dma_wait3A_1239 : memref<1x4x128xf32, #tpu.memory_space<vmem>> -> memref<4x128xf32, #tpu.memory_space<vmem>>
        tpu.wait_dma2 semaphore(%arg11 : memref<!tpu.dma_semaphore, #tpu.memory_space<semaphore_mem>>) src(%dma_wait3A_1240 : memref<4x128xf32, #tpu.memory_space<vmem>>) dst(%dma_wait3A_1236 : memref<4x128xf32, #tpu.memory_space<hbm>>)
      } else {
      }
      %get3A = arith.constant 0 : i32
      %get3A_156 = arith.constant 0 : i32
      %get3A_157 = arith.index_cast %get3A : i32 to index
      %get3A_158 = arith.index_cast %get3A_156 : i32 to index
      %get3A_159 = arith.constant 0 : index
      %get3A_160 = tpu.vector_load %arg6[%get3A_157, %get3A_158, %get3A_159] {strides = array<i32>} : memref<2x128x128xf32, #tpu.memory_space<vmem>>, vector<1x1x16xf32>,
      %get3A_161 = vector.shape_cast %get3A_160 : vector<1x1x16xf32> to vector<16xf32>
      %get3A_162 = arith.constant 0 : i32
      %get3A_163 = arith.constant 0 : i32
      %get3A_164 = arith.index_cast %get3A_162 : i32 to index
      %get3A_165 = arith.index_cast %get3A_163 : i32 to index
      %get3A_166 = arith.constant 16 : index
      %get3A_167 = tpu.vector_load %arg6[%get3A_164, %get3A_165, %get3A_166] {strides = array<i32>} : memref<2x128x128xf32, #tpu.memory_space<vmem>>, vector<1x1x16xf32>,
      %get3A_168 = vector.shape_cast %get3A_167 : vector<1x1x16xf32> to vector<16xf32>
      %get3A_169 = arith.constant 0 : i32
      %get3A_170 = arith.constant 0 : i32
      %get3A_171 = arith.index_cast %get3A_169 : i32 to index
      %get3A_172 = arith.index_cast %get3A_170 : i32 to index
      %get3A_173 = arith.constant 32 : index
      %get3A_174 = tpu.vector_load %arg6[%get3A_171, %get3A_172, %get3A_173] {strides = array<i32>} : memref<2x128x128xf32, #tpu.memory_space<vmem>>, vector<1x1x16xf32>,
      %get3A_175 = vector.shape_cast %get3A_174 : vector<1x1x16xf32> to vector<16xf32>
      %get3A_176 = arith.constant 0 : i32
      %get3A_177 = arith.constant 0 : i32
      %get3A_178 = arith.index_cast %get3A_176 : i32 to index
      %get3A_179 = arith.index_cast %get3A_177 : i32 to index
      %get3A_180 = arith.constant 48 : index
      %get3A_181 = tpu.vector_load %arg6[%get3A_178, %get3A_179, %get3A_180] {strides = array<i32>} : memref<2x128x128xf32, #tpu.memory_space<vmem>>, vector<1x1x16xf32>,
      %get3A_182 = vector.shape_cast %get3A_181 : vector<1x1x16xf32> to vector<16xf32>
      %get3A_183 = arith.constant 0 : i32
      %get3A_184 = arith.constant 0 : i32
      %get3A_185 = arith.index_cast %get3A_183 : i32 to index
      %get3A_186 = arith.index_cast %get3A_184 : i32 to index
      %get3A_187 = arith.constant 64 : index
      %get3A_188 = tpu.vector_load %arg6[%get3A_185, %get3A_186, %get3A_187] {strides = array<i32>} : memref<2x128x128xf32, #tpu.memory_space<vmem>>, vector<1x1x16xf32>,
      %get3A_189 = vector.shape_cast %get3A_188 : vector<1x1x16xf32> to vector<16xf32>
      %get3A_190 = arith.constant 0 : i32
      %get3A_191 = arith.constant 0 : i32
      %get3A_192 = arith.index_cast %get3A_190 : i32 to index
      %get3A_193 = arith.index_cast %get3A_191 : i32 to index
      %get3A_194 = arith.constant 80 : index
      %get3A_195 = tpu.vector_load %arg6[%get3A_192, %get3A_193, %get3A_194] {strides = array<i32>} : memref<2x128x128xf32, #tpu.memory_space<vmem>>, vector<1x1x16xf32>,
      %get3A_196 = vector.shape_cast %get3A_195 : vector<1x1x16xf32> to vector<16xf32>
      %get3A_197 = arith.constant 0 : i32
      %get3A_198 = arith.constant 0 : i32
      %get3A_199 = arith.index_cast %get3A_197 : i32 to index
      %get3A_200 = arith.index_cast %get3A_198 : i32 to index
      %get3A_201 = arith.constant 96 : index
      %get3A_202 = tpu.vector_load %arg6[%get3A_199, %get3A_200, %get3A_201] {strides = array<i32>} : memref<2x128x128xf32, #tpu.memory_space<vmem>>, vector<1x1x16xf32>,
      %get3A_203 = vector.shape_cast %get3A_202 : vector<1x1x16xf32> to vector<16xf32>
      %get3A_204 = arith.constant 0 : i32
      %get3A_205 = arith.constant 0 : i32
      %get3A_206 = arith.index_cast %get3A_204 : i32 to index
      %get3A_207 = arith.index_cast %get3A_205 : i32 to index
      %get3A_208 = arith.constant 112 : index
      %get3A_209 = tpu.vector_load %arg6[%get3A_206, %get3A_207, %get3A_208] {strides = array<i32>} : memref<2x128x128xf32, #tpu.memory_space<vmem>>, vector<1x1x16xf32>,
      %get3A_210 = vector.shape_cast %get3A_209 : vector<1x1x16xf32> to vector<16xf32>
      %scan3A = arith.constant 1 : i32
      %scan3A_211 = arith.constant 31 : i32
      %scan3A_212 = arith.addi %scan3A, %scan3A_211 : i32
      %scan3A_213 = arith.constant 1 : i32
      %scan3A_214:8 = scf.for %scan3A_1225 = %scan3A to %scan3A_212 step %scan3A_213 iter_args(%scan3A_1226 = %get3A_161, %scan3A_1227 = %get3A_168, %scan3A_1228 = %get3A_175, %scan3A_1229 = %get3A_182, %scan3A_1230 = %get3A_189, %scan3A_1231 = %get3A_196, %scan3A_1232 = %get3A_203, %scan3A_1233 = %get3A_210) -> (vector<16xf32>, vector<16xf32>, vector<16xf32>, vector<16xf32>, vector<16xf32>, vector<16xf32>, vector<16xf32>, vector<16xf32>)  : i32 {
        %add3A_1234 = arith.constant 0 : i32
        %add3A_1235 = arith.addi %add3A_1234, %scan3A_1225 : i32
        %get3A_1236 = arith.constant 0 : i32
        %get3A_1237 = arith.index_cast %get3A_1236 : i32 to index
        %get3A_1238 = arith.index_cast %add3A_1235 : i32 to index
        %get3A_1239 = arith.constant 0 : index
        %get3A_1240 = tpu.vector_load %arg6[%get3A_1237, %get3A_1238, %get3A_1239] {strides = array<i32>} : memref<2x128x128xf32, #tpu.memory_space<vmem>>, vector<1x1x16xf32>,
        %get3A_1241 = vector.shape_cast %get3A_1240 : vector<1x1x16xf32> to vector<16xf32>
        %add3A_1242 = arith.addf %scan3A_1226, %get3A_1241 : vector<16xf32>
        %add3A_1243 = arith.constant 0 : i32
        %add3A_1244 = arith.addi %add3A_1243, %scan3A_1225 : i32
        %get3A_1245 = arith.constant 0 : i32
        %get3A_1246 = arith.index_cast %get3A_1245 : i32 to index
        %get3A_1247 = arith.index_cast %add3A_1244 : i32 to index
        %get3A_1248 = arith.constant 16 : index
        %get3A_1249 = tpu.vector_load %arg6[%get3A_1246, %get3A_1247, %get3A_1248] {strides = array<i32>} : memref<2x128x128xf32, #tpu.memory_space<vmem>>, vector<1x1x16xf32>,
        %get3A_1250 = vector.shape_cast %get3A_1249 : vector<1x1x16xf32> to vector<16xf32>
        %add3A_1251 = arith.addf %scan3A_1227, %get3A_1250 : vector<16xf32>
        %add3A_1252 = arith.constant 0 : i32
        %add3A_1253 = arith.addi %add3A_1252, %scan3A_1225 : i32
        %get3A_1254 = arith.constant 0 : i32
        %get3A_1255 = arith.index_cast %get3A_1254 : i32 to index
        %get3A_1256 = arith.index_cast %add3A_1253 : i32 to index
        %get3A_1257 = arith.constant 32 : index
        %get3A_1258 = tpu.vector_load %arg6[%get3A_1255, %get3A_1256, %get3A_1257] {strides = array<i32>} : memref<2x128x128xf32, #tpu.memory_space<vmem>>, vector<1x1x16xf32>,
        %get3A_1259 = vector.shape_cast %get3A_1258 : vector<1x1x16xf32> to vector<16xf32>
        %add3A_1260 = arith.addf %scan3A_1228, %get3A_1259 : vector<16xf32>
        %add3A_1261 = arith.constant 0 : i32
        %add3A_1262 = arith.addi %add3A_1261, %scan3A_1225 : i32
        %get3A_1263 = arith.constant 0 : i32
        %get3A_1264 = arith.index_cast %get3A_1263 : i32 to index
        %get3A_1265 = arith.index_cast %add3A_1262 : i32 to index
        %get3A_1266 = arith.constant 48 : index
        %get3A_1267 = tpu.vector_load %arg6[%get3A_1264, %get3A_1265, %get3A_1266] {strides = array<i32>} : memref<2x128x128xf32, #tpu.memory_space<vmem>>, vector<1x1x16xf32>,
        %get3A_1268 = vector.shape_cast %get3A_1267 : vector<1x1x16xf32> to vector<16xf32>
        %add3A_1269 = arith.addf %scan3A_1229, %get3A_1268 : vector<16xf32>
        %add3A_1270 = arith.constant 0 : i32
        %add3A_1271 = arith.addi %add3A_1270, %scan3A_1225 : i32
        %get3A_1272 = arith.constant 0 : i32
        %get3A_1273 = arith.index_cast %get3A_1272 : i32 to index
        %get3A_1274 = arith.index_cast %add3A_1271 : i32 to index
        %get3A_1275 = arith.constant 64 : index
        %get3A_1276 = tpu.vector_load %arg6[%get3A_1273, %get3A_1274, %get3A_1275] {strides = array<i32>} : memref<2x128x128xf32, #tpu.memory_space<vmem>>, vector<1x1x16xf32>,
        %get3A_1277 = vector.shape_cast %get3A_1276 : vector<1x1x16xf32> to vector<16xf32>
        %add3A_1278 = arith.addf %scan3A_1230, %get3A_1277 : vector<16xf32>
        %add3A_1279 = arith.constant 0 : i32
        %add3A_1280 = arith.addi %add3A_1279, %scan3A_1225 : i32
        %get3A_1281 = arith.constant 0 : i32
        %get3A_1282 = arith.index_cast %get3A_1281 : i32 to index
        %get3A_1283 = arith.index_cast %add3A_1280 : i32 to index
        %get3A_1284 = arith.constant 80 : index
        %get3A_1285 = tpu.vector_load %arg6[%get3A_1282, %get3A_1283, %get3A_1284] {strides = array<i32>} : memref<2x128x128xf32, #tpu.memory_space<vmem>>, vector<1x1x16xf32>,
        %get3A_1286 = vector.shape_cast %get3A_1285 : vector<1x1x16xf32> to vector<16xf32>
        %add3A_1287 = arith.addf %scan3A_1231, %get3A_1286 : vector<16xf32>
        %add3A_1288 = arith.constant 0 : i32
        %add3A_1289 = arith.addi %add3A_1288, %scan3A_1225 : i32
        %get3A_1290 = arith.constant 0 : i32
        %get3A_1291 = arith.index_cast %get3A_1290 : i32 to index
        %get3A_1292 = arith.index_cast %add3A_1289 : i32 to index
        %get3A_1293 = arith.constant 96 : index
        %get3A_1294 = tpu.vector_load %arg6[%get3A_1291, %get3A_1292, %get3A_1293] {strides = array<i32>} : memref<2x128x128xf32, #tpu.memory_space<vmem>>, vector<1x1x16xf32>,
        %get3A_1295 = vector.shape_cast %get3A_1294 : vector<1x1x16xf32> to vector<16xf32>
        %add3A_1296 = arith.addf %scan3A_1232, %get3A_1295 : vector<16xf32>
        %add3A_1297 = arith.constant 0 : i32
        %add3A_1298 = arith.addi %add3A_1297, %scan3A_1225 : i32
        %get3A_1299 = arith.constant 0 : i32
        %get3A_1300 = arith.index_cast %get3A_1299 : i32 to index
        %get3A_1301 = arith.index_cast %add3A_1298 : i32 to index
        %get3A_1302 = arith.constant 112 : index
        %get3A_1303 = tpu.vector_load %arg6[%get3A_1300, %get3A_1301, %get3A_1302] {strides = array<i32>} : memref<2x128x128xf32, #tpu.memory_space<vmem>>, vector<1x1x16xf32>,
        %get3A_1304 = vector.shape_cast %get3A_1303 : vector<1x1x16xf32> to vector<16xf32>
        %add3A_1305 = arith.addf %scan3A_1233, %get3A_1304 : vector<16xf32>
        scf.yield %add3A_1242, %add3A_1251, %add3A_1260, %add3A_1269, %add3A_1278, %add3A_1287, %add3A_1296, %add3A_1305 : vector<16xf32>, vector<16xf32>, vector<16xf32>, vector<16xf32>, vector<16xf32>, vector<16xf32>, vector<16xf32>, vector<16xf32>
      }
      %scan3A_215 = arith.constant 31 : i32
      %swap3A = arith.constant 0 : i32
      %swap3A_216 = arith.constant 0 : i32
      %swap3A_217 = arith.index_cast %swap3A : i32 to index
      %swap3A_218 = arith.index_cast %swap3A_216 : i32 to index
      %swap3A_219 = arith.constant 0 : index
      %swap3A_220 = tpu.vector_load %arg7[%swap3A_217, %swap3A_218, %swap3A_219] {strides = array<i32>} : memref<2x4x128xf32, #tpu.memory_space<vmem>>, vector<1x1x16xf32>,
      %swap3A_221 = vector.shape_cast %swap3A_220 : vector<1x1x16xf32> to vector<16xf32>
      %swap3A_222 = vector.shape_cast %scan3A_214#0 : vector<16xf32> to vector<1x1x16xf32>
      tpu.vector_store %arg7[%swap3A_217, %swap3A_218, %swap3A_219], %swap3A_222 {strides = array<i32>} : memref<2x4x128xf32, #tpu.memory_space<vmem>>, vector<1x1x16xf32>,
      %swap3A_223 = arith.constant 0 : i32
      %swap3A_224 = arith.constant 0 : i32
      %swap3A_225 = arith.index_cast %swap3A_223 : i32 to index
      %swap3A_226 = arith.index_cast %swap3A_224 : i32 to index
      %swap3A_227 = arith.constant 16 : index
      %swap3A_228 = tpu.vector_load %arg7[%swap3A_225, %swap3A_226, %swap3A_227] {strides = array<i32>} : memref<2x4x128xf32, #tpu.memory_space<vmem>>, vector<1x1x16xf32>,
      %swap3A_229 = vector.shape_cast %swap3A_228 : vector<1x1x16xf32> to vector<16xf32>
      %swap3A_230 = vector.shape_cast %scan3A_214#1 : vector<16xf32> to vector<1x1x16xf32>
      tpu.vector_store %arg7[%swap3A_225, %swap3A_226, %swap3A_227], %swap3A_230 {strides = array<i32>} : memref<2x4x128xf32, #tpu.memory_space<vmem>>, vector<1x1x16xf32>,
      %swap3A_231 = arith.constant 0 : i32
      %swap3A_232 = arith.constant 0 : i32
      %swap3A_233 = arith.index_cast %swap3A_231 : i32 to index
      %swap3A_234 = arith.index_cast %swap3A_232 : i32 to index
      %swap3A_235 = arith.constant 32 : index
      %swap3A_236 = tpu.vector_load %arg7[%swap3A_233, %swap3A_234, %swap3A_235] {strides = array<i32>} : memref<2x4x128xf32, #tpu.memory_space<vmem>>, vector<1x1x16xf32>,
      %swap3A_237 = vector.shape_cast %swap3A_236 : vector<1x1x16xf32> to vector<16xf32>
      %swap3A_238 = vector.shape_cast %scan3A_214#2 : vector<16xf32> to vector<1x1x16xf32>
      tpu.vector_store %arg7[%swap3A_233, %swap3A_234, %swap3A_235], %swap3A_238 {strides = array<i32>} : memref<2x4x128xf32, #tpu.memory_space<vmem>>, vector<1x1x16xf32>,
      %swap3A_239 = arith.constant 0 : i32
      %swap3A_240 = arith.constant 0 : i32
      %swap3A_241 = arith.index_cast %swap3A_239 : i32 to index
      %swap3A_242 = arith.index_cast %swap3A_240 : i32 to index
      %swap3A_243 = arith.constant 48 : index
      %swap3A_244 = tpu.vector_load %arg7[%swap3A_241, %swap3A_242, %swap3A_243] {strides = array<i32>} : memref<2x4x128xf32, #tpu.memory_space<vmem>>, vector<1x1x16xf32>,
      %swap3A_245 = vector.shape_cast %swap3A_244 : vector<1x1x16xf32> to vector<16xf32>
      %swap3A_246 = vector.shape_cast %scan3A_214#3 : vector<16xf32> to vector<1x1x16xf32>
      tpu.vector_store %arg7[%swap3A_241, %swap3A_242, %swap3A_243], %swap3A_246 {strides = array<i32>} : memref<2x4x128xf32, #tpu.memory_space<vmem>>, vector<1x1x16xf32>,
      %swap3A_247 = arith.constant 0 : i32
      %swap3A_248 = arith.constant 0 : i32
      %swap3A_249 = arith.index_cast %swap3A_247 : i32 to index
      %swap3A_250 = arith.index_cast %swap3A_248 : i32 to index
      %swap3A_251 = arith.constant 64 : index
      %swap3A_252 = tpu.vector_load %arg7[%swap3A_249, %swap3A_250, %swap3A_251] {strides = array<i32>} : memref<2x4x128xf32, #tpu.memory_space<vmem>>, vector<1x1x16xf32>,
      %swap3A_253 = vector.shape_cast %swap3A_252 : vector<1x1x16xf32> to vector<16xf32>
      %swap3A_254 = vector.shape_cast %scan3A_214#4 : vector<16xf32> to vector<1x1x16xf32>
      tpu.vector_store %arg7[%swap3A_249, %swap3A_250, %swap3A_251], %swap3A_254 {strides = array<i32>} : memref<2x4x128xf32, #tpu.memory_space<vmem>>, vector<1x1x16xf32>,
      %swap3A_255 = arith.constant 0 : i32
      %swap3A_256 = arith.constant 0 : i32
      %swap3A_257 = arith.index_cast %swap3A_255 : i32 to index
      %swap3A_258 = arith.index_cast %swap3A_256 : i32 to index
      %swap3A_259 = arith.constant 80 : index
      %swap3A_260 = tpu.vector_load %arg7[%swap3A_257, %swap3A_258, %swap3A_259] {strides = array<i32>} : memref<2x4x128xf32, #tpu.memory_space<vmem>>, vector<1x1x16xf32>,
      %swap3A_261 = vector.shape_cast %swap3A_260 : vector<1x1x16xf32> to vector<16xf32>
      %swap3A_262 = vector.shape_cast %scan3A_214#5 : vector<16xf32> to vector<1x1x16xf32>
      tpu.vector_store %arg7[%swap3A_257, %swap3A_258, %swap3A_259], %swap3A_262 {strides = array<i32>} : memref<2x4x128xf32, #tpu.memory_space<vmem>>, vector<1x1x16xf32>,
      %swap3A_263 = arith.constant 0 : i32
      %swap3A_264 = arith.constant 0 : i32
      %swap3A_265 = arith.index_cast %swap3A_263 : i32 to index
      %swap3A_266 = arith.index_cast %swap3A_264 : i32 to index
      %swap3A_267 = arith.constant 96 : index
      %swap3A_268 = tpu.vector_load %arg7[%swap3A_265, %swap3A_266, %swap3A_267] {strides = array<i32>} : memref<2x4x128xf32, #tpu.memory_space<vmem>>, vector<1x1x16xf32>,
      %swap3A_269 = vector.shape_cast %swap3A_268 : vector<1x1x16xf32> to vector<16xf32>
      %swap3A_270 = vector.shape_cast %scan3A_214#6 : vector<16xf32> to vector<1x1x16xf32>
      tpu.vector_store %arg7[%swap3A_265, %swap3A_266, %swap3A_267], %swap3A_270 {strides = array<i32>} : memref<2x4x128xf32, #tpu.memory_space<vmem>>, vector<1x1x16xf32>,
      %swap3A_271 = arith.constant 0 : i32
      %swap3A_272 = arith.constant 0 : i32
      %swap3A_273 = arith.index_cast %swap3A_271 : i32 to index
      %swap3A_274 = arith.index_cast %swap3A_272 : i32 to index
      %swap3A_275 = arith.constant 112 : index
      %swap3A_276 = tpu.vector_load %arg7[%swap3A_273, %swap3A_274, %swap3A_275] {strides = array<i32>} : memref<2x4x128xf32, #tpu.memory_space<vmem>>, vector<1x1x16xf32>,
      %swap3A_277 = vector.shape_cast %swap3A_276 : vector<1x1x16xf32> to vector<16xf32>
      %swap3A_278 = vector.shape_cast %scan3A_214#7 : vector<16xf32> to vector<1x1x16xf32>
      tpu.vector_store %arg7[%swap3A_273, %swap3A_274, %swap3A_275], %swap3A_278 {strides = array<i32>} : memref<2x4x128xf32, #tpu.memory_space<vmem>>, vector<1x1x16xf32>,
      %get3A_279 = arith.constant 0 : i32
      %get3A_280 = arith.constant 32 : i32
      %get3A_281 = arith.index_cast %get3A_279 : i32 to index
      %get3A_282 = arith.index_cast %get3A_280 : i32 to index
      %get3A_283 = arith.constant 0 : index
      %get3A_284 = tpu.vector_load %arg6[%get3A_281, %get3A_282, %get3A_283] {strides = array<i32>} : memref<2x128x128xf32, #tpu.memory_space<vmem>>, vector<1x1x16xf32>,
      %get3A_285 = vector.shape_cast %get3A_284 : vector<1x1x16xf32> to vector<16xf32>
      %get3A_286 = arith.constant 0 : i32
      %get3A_287 = arith.constant 32 : i32
      %get3A_288 = arith.index_cast %get3A_286 : i32 to index
      %get3A_289 = arith.index_cast %get3A_287 : i32 to index
      %get3A_290 = arith.constant 16 : index
      %get3A_291 = tpu.vector_load %arg6[%get3A_288, %get3A_289, %get3A_290] {strides = array<i32>} : memref<2x128x128xf32, #tpu.memory_space<vmem>>, vector<1x1x16xf32>,
      %get3A_292 = vector.shape_cast %get3A_291 : vector<1x1x16xf32> to vector<16xf32>
      %get3A_293 = arith.constant 0 : i32
      %get3A_294 = arith.constant 32 : i32
      %get3A_295 = arith.index_cast %get3A_293 : i32 to index
      %get3A_296 = arith.index_cast %get3A_294 : i32 to index
      %get3A_297 = arith.constant 32 : index
      %get3A_298 = tpu.vector_load %arg6[%get3A_295, %get3A_296, %get3A_297] {strides = array<i32>} : memref<2x128x128xf32, #tpu.memory_space<vmem>>, vector<1x1x16xf32>,
      %get3A_299 = vector.shape_cast %get3A_298 : vector<1x1x16xf32> to vector<16xf32>
      %get3A_300 = arith.constant 0 : i32
      %get3A_301 = arith.constant 32 : i32
      %get3A_302 = arith.index_cast %get3A_300 : i32 to index
      %get3A_303 = arith.index_cast %get3A_301 : i32 to index
      %get3A_304 = arith.constant 48 : index
      %get3A_305 = tpu.vector_load %arg6[%get3A_302, %get3A_303, %get3A_304] {strides = array<i32>} : memref<2x128x128xf32, #tpu.memory_space<vmem>>, vector<1x1x16xf32>,
      %get3A_306 = vector.shape_cast %get3A_305 : vector<1x1x16xf32> to vector<16xf32>
      %get3A_307 = arith.constant 0 : i32
      %get3A_308 = arith.constant 32 : i32
      %get3A_309 = arith.index_cast %get3A_307 : i32 to index
      %get3A_310 = arith.index_cast %get3A_308 : i32 to index
      %get3A_311 = arith.constant 64 : index
      %get3A_312 = tpu.vector_load %arg6[%get3A_309, %get3A_310, %get3A_311] {strides = array<i32>} : memref<2x128x128xf32, #tpu.memory_space<vmem>>, vector<1x1x16xf32>,
      %get3A_313 = vector.shape_cast %get3A_312 : vector<1x1x16xf32> to vector<16xf32>
      %get3A_314 = arith.constant 0 : i32
      %get3A_315 = arith.constant 32 : i32
      %get3A_316 = arith.index_cast %get3A_314 : i32 to index
      %get3A_317 = arith.index_cast %get3A_315 : i32 to index
      %get3A_318 = arith.constant 80 : index
      %get3A_319 = tpu.vector_load %arg6[%get3A_316, %get3A_317, %get3A_318] {strides = array<i32>} : memref<2x128x128xf32, #tpu.memory_space<vmem>>, vector<1x1x16xf32>,
      %get3A_320 = vector.shape_cast %get3A_319 : vector<1x1x16xf32> to vector<16xf32>
      %get3A_321 = arith.constant 0 : i32
      %get3A_322 = arith.constant 32 : i32
      %get3A_323 = arith.index_cast %get3A_321 : i32 to index
      %get3A_324 = arith.index_cast %get3A_322 : i32 to index
      %get3A_325 = arith.constant 96 : index
      %get3A_326 = tpu.vector_load %arg6[%get3A_323, %get3A_324, %get3A_325] {strides = array<i32>} : memref<2x128x128xf32, #tpu.memory_space<vmem>>, vector<1x1x16xf32>,
      %get3A_327 = vector.shape_cast %get3A_326 : vector<1x1x16xf32> to vector<16xf32>
      %get3A_328 = arith.constant 0 : i32
      %get3A_329 = arith.constant 32 : i32
      %get3A_330 = arith.index_cast %get3A_328 : i32 to index
      %get3A_331 = arith.index_cast %get3A_329 : i32 to index
      %get3A_332 = arith.constant 112 : index
      %get3A_333 = tpu.vector_load %arg6[%get3A_330, %get3A_331, %get3A_332] {strides = array<i32>} : memref<2x128x128xf32, #tpu.memory_space<vmem>>, vector<1x1x16xf32>,
      %get3A_334 = vector.shape_cast %get3A_333 : vector<1x1x16xf32> to vector<16xf32>
      %scan3A_335 = arith.constant 1 : i32
      %scan3A_336 = arith.constant 31 : i32
      %scan3A_337 = arith.addi %scan3A_335, %scan3A_336 : i32
      %scan3A_338 = arith.constant 1 : i32
      %scan3A_339:8 = scf.for %scan3A_1225 = %scan3A_335 to %scan3A_337 step %scan3A_338 iter_args(%scan3A_1226 = %get3A_285, %scan3A_1227 = %get3A_292, %scan3A_1228 = %get3A_299, %scan3A_1229 = %get3A_306, %scan3A_1230 = %get3A_313, %scan3A_1231 = %get3A_320, %scan3A_1232 = %get3A_327, %scan3A_1233 = %get3A_334) -> (vector<16xf32>, vector<16xf32>, vector<16xf32>, vector<16xf32>, vector<16xf32>, vector<16xf32>, vector<16xf32>, vector<16xf32>)  : i32 {
        %add3A_1234 = arith.constant 32 : i32
        %add3A_1235 = arith.addi %add3A_1234, %scan3A_1225 : i32
        %get3A_1236 = arith.constant 0 : i32
        %get3A_1237 = arith.index_cast %get3A_1236 : i32 to index
        %get3A_1238 = arith.index_cast %add3A_1235 : i32 to index
        %get3A_1239 = arith.constant 0 : index
        %get3A_1240 = tpu.vector_load %arg6[%get3A_1237, %get3A_1238, %get3A_1239] {strides = array<i32>} : memref<2x128x128xf32, #tpu.memory_space<vmem>>, vector<1x1x16xf32>,
        %get3A_1241 = vector.shape_cast %get3A_1240 : vector<1x1x16xf32> to vector<16xf32>
        %add3A_1242 = arith.addf %scan3A_1226, %get3A_1241 : vector<16xf32>
        %add3A_1243 = arith.constant 32 : i32
        %add3A_1244 = arith.addi %add3A_1243, %scan3A_1225 : i32
        %get3A_1245 = arith.constant 0 : i32
        %get3A_1246 = arith.index_cast %get3A_1245 : i32 to index
        %get3A_1247 = arith.index_cast %add3A_1244 : i32 to index
        %get3A_1248 = arith.constant 16 : index
        %get3A_1249 = tpu.vector_load %arg6[%get3A_1246, %get3A_1247, %get3A_1248] {strides = array<i32>} : memref<2x128x128xf32, #tpu.memory_space<vmem>>, vector<1x1x16xf32>,
        %get3A_1250 = vector.shape_cast %get3A_1249 : vector<1x1x16xf32> to vector<16xf32>
        %add3A_1251 = arith.addf %scan3A_1227, %get3A_1250 : vector<16xf32>
        %add3A_1252 = arith.constant 32 : i32
        %add3A_1253 = arith.addi %add3A_1252, %scan3A_1225 : i32
        %get3A_1254 = arith.constant 0 : i32
        %get3A_1255 = arith.index_cast %get3A_1254 : i32 to index
        %get3A_1256 = arith.index_cast %add3A_1253 : i32 to index
        %get3A_1257 = arith.constant 32 : index
        %get3A_1258 = tpu.vector_load %arg6[%get3A_1255, %get3A_1256, %get3A_1257] {strides = array<i32>} : memref<2x128x128xf32, #tpu.memory_space<vmem>>, vector<1x1x16xf32>,
        %get3A_1259 = vector.shape_cast %get3A_1258 : vector<1x1x16xf32> to vector<16xf32>
        %add3A_1260 = arith.addf %scan3A_1228, %get3A_1259 : vector<16xf32>
        %add3A_1261 = arith.constant 32 : i32
        %add3A_1262 = arith.addi %add3A_1261, %scan3A_1225 : i32
        %get3A_1263 = arith.constant 0 : i32
        %get3A_1264 = arith.index_cast %get3A_1263 : i32 to index
        %get3A_1265 = arith.index_cast %add3A_1262 : i32 to index
        %get3A_1266 = arith.constant 48 : index
        %get3A_1267 = tpu.vector_load %arg6[%get3A_1264, %get3A_1265, %get3A_1266] {strides = array<i32>} : memref<2x128x128xf32, #tpu.memory_space<vmem>>, vector<1x1x16xf32>,
        %get3A_1268 = vector.shape_cast %get3A_1267 : vector<1x1x16xf32> to vector<16xf32>
        %add3A_1269 = arith.addf %scan3A_1229, %get3A_1268 : vector<16xf32>
        %add3A_1270 = arith.constant 32 : i32
        %add3A_1271 = arith.addi %add3A_1270, %scan3A_1225 : i32
        %get3A_1272 = arith.constant 0 : i32
        %get3A_1273 = arith.index_cast %get3A_1272 : i32 to index
        %get3A_1274 = arith.index_cast %add3A_1271 : i32 to index
        %get3A_1275 = arith.constant 64 : index
        %get3A_1276 = tpu.vector_load %arg6[%get3A_1273, %get3A_1274, %get3A_1275] {strides = array<i32>} : memref<2x128x128xf32, #tpu.memory_space<vmem>>, vector<1x1x16xf32>,
        %get3A_1277 = vector.shape_cast %get3A_1276 : vector<1x1x16xf32> to vector<16xf32>
        %add3A_1278 = arith.addf %scan3A_1230, %get3A_1277 : vector<16xf32>
        %add3A_1279 = arith.constant 32 : i32
        %add3A_1280 = arith.addi %add3A_1279, %scan3A_1225 : i32
        %get3A_1281 = arith.constant 0 : i32
        %get3A_1282 = arith.index_cast %get3A_1281 : i32 to index
        %get3A_1283 = arith.index_cast %add3A_1280 : i32 to index
        %get3A_1284 = arith.constant 80 : index
        %get3A_1285 = tpu.vector_load %arg6[%get3A_1282, %get3A_1283, %get3A_1284] {strides = array<i32>} : memref<2x128x128xf32, #tpu.memory_space<vmem>>, vector<1x1x16xf32>,
        %get3A_1286 = vector.shape_cast %get3A_1285 : vector<1x1x16xf32> to vector<16xf32>
        %add3A_1287 = arith.addf %scan3A_1231, %get3A_1286 : vector<16xf32>
        %add3A_1288 = arith.constant 32 : i32
        %add3A_1289 = arith.addi %add3A_1288, %scan3A_1225 : i32
        %get3A_1290 = arith.constant 0 : i32
        %get3A_1291 = arith.index_cast %get3A_1290 : i32 to index
        %get3A_1292 = arith.index_cast %add3A_1289 : i32 to index
        %get3A_1293 = arith.constant 96 : index
        %get3A_1294 = tpu.vector_load %arg6[%get3A_1291, %get3A_1292, %get3A_1293] {strides = array<i32>} : memref<2x128x128xf32, #tpu.memory_space<vmem>>, vector<1x1x16xf32>,
        %get3A_1295 = vector.shape_cast %get3A_1294 : vector<1x1x16xf32> to vector<16xf32>
        %add3A_1296 = arith.addf %scan3A_1232, %get3A_1295 : vector<16xf32>
        %add3A_1297 = arith.constant 32 : i32
        %add3A_1298 = arith.addi %add3A_1297, %scan3A_1225 : i32
        %get3A_1299 = arith.constant 0 : i32
        %get3A_1300 = arith.index_cast %get3A_1299 : i32 to index
        %get3A_1301 = arith.index_cast %add3A_1298 : i32 to index
        %get3A_1302 = arith.constant 112 : index
        %get3A_1303 = tpu.vector_load %arg6[%get3A_1300, %get3A_1301, %get3A_1302] {strides = array<i32>} : memref<2x128x128xf32, #tpu.memory_space<vmem>>, vector<1x1x16xf32>,
        %get3A_1304 = vector.shape_cast %get3A_1303 : vector<1x1x16xf32> to vector<16xf32>
        %add3A_1305 = arith.addf %scan3A_1233, %get3A_1304 : vector<16xf32>
        scf.yield %add3A_1242, %add3A_1251, %add3A_1260, %add3A_1269, %add3A_1278, %add3A_1287, %add3A_1296, %add3A_1305 : vector<16xf32>, vector<16xf32>, vector<16xf32>, vector<16xf32>, vector<16xf32>, vector<16xf32>, vector<16xf32>, vector<16xf32>
      }
      %scan3A_340 = arith.constant 31 : i32
      %swap3A_341 = arith.constant 0 : i32
      %swap3A_342 = arith.constant 1 : i32
      %swap3A_343 = arith.index_cast %swap3A_341 : i32 to index
      %swap3A_344 = arith.index_cast %swap3A_342 : i32 to index
      %swap3A_345 = arith.constant 0 : index
      %swap3A_346 = tpu.vector_load %arg7[%swap3A_343, %swap3A_344, %swap3A_345] {strides = array<i32>} : memref<2x4x128xf32, #tpu.memory_space<vmem>>, vector<1x1x16xf32>,
      %swap3A_347 = vector.shape_cast %swap3A_346 : vector<1x1x16xf32> to vector<16xf32>
      %swap3A_348 = vector.shape_cast %scan3A_339#0 : vector<16xf32> to vector<1x1x16xf32>
      tpu.vector_store %arg7[%swap3A_343, %swap3A_344, %swap3A_345], %swap3A_348 {strides = array<i32>} : memref<2x4x128xf32, #tpu.memory_space<vmem>>, vector<1x1x16xf32>,
      %swap3A_349 = arith.constant 0 : i32
      %swap3A_350 = arith.constant 1 : i32
      %swap3A_351 = arith.index_cast %swap3A_349 : i32 to index
      %swap3A_352 = arith.index_cast %swap3A_350 : i32 to index
      %swap3A_353 = arith.constant 16 : index
      %swap3A_354 = tpu.vector_load %arg7[%swap3A_351, %swap3A_352, %swap3A_353] {strides = array<i32>} : memref<2x4x128xf32, #tpu.memory_space<vmem>>, vector<1x1x16xf32>,
      %swap3A_355 = vector.shape_cast %swap3A_354 : vector<1x1x16xf32> to vector<16xf32>
      %swap3A_356 = vector.shape_cast %scan3A_339#1 : vector<16xf32> to vector<1x1x16xf32>
      tpu.vector_store %arg7[%swap3A_351, %swap3A_352, %swap3A_353], %swap3A_356 {strides = array<i32>} : memref<2x4x128xf32, #tpu.memory_space<vmem>>, vector<1x1x16xf32>,
      %swap3A_357 = arith.constant 0 : i32
      %swap3A_358 = arith.constant 1 : i32
      %swap3A_359 = arith.index_cast %swap3A_357 : i32 to index
      %swap3A_360 = arith.index_cast %swap3A_358 : i32 to index
      %swap3A_361 = arith.constant 32 : index
      %swap3A_362 = tpu.vector_load %arg7[%swap3A_359, %swap3A_360, %swap3A_361] {strides = array<i32>} : memref<2x4x128xf32, #tpu.memory_space<vmem>>, vector<1x1x16xf32>,
      %swap3A_363 = vector.shape_cast %swap3A_362 : vector<1x1x16xf32> to vector<16xf32>
      %swap3A_364 = vector.shape_cast %scan3A_339#2 : vector<16xf32> to vector<1x1x16xf32>
      tpu.vector_store %arg7[%swap3A_359, %swap3A_360, %swap3A_361], %swap3A_364 {strides = array<i32>} : memref<2x4x128xf32, #tpu.memory_space<vmem>>, vector<1x1x16xf32>,
      %swap3A_365 = arith.constant 0 : i32
      %swap3A_366 = arith.constant 1 : i32
      %swap3A_367 = arith.index_cast %swap3A_365 : i32 to index
      %swap3A_368 = arith.index_cast %swap3A_366 : i32 to index
      %swap3A_369 = arith.constant 48 : index
      %swap3A_370 = tpu.vector_load %arg7[%swap3A_367, %swap3A_368, %swap3A_369] {strides = array<i32>} : memref<2x4x128xf32, #tpu.memory_space<vmem>>, vector<1x1x16xf32>,
      %swap3A_371 = vector.shape_cast %swap3A_370 : vector<1x1x16xf32> to vector<16xf32>
      %swap3A_372 = vector.shape_cast %scan3A_339#3 : vector<16xf32> to vector<1x1x16xf32>
      tpu.vector_store %arg7[%swap3A_367, %swap3A_368, %swap3A_369], %swap3A_372 {strides = array<i32>} : memref<2x4x128xf32, #tpu.memory_space<vmem>>, vector<1x1x16xf32>,
      %swap3A_373 = arith.constant 0 : i32
      %swap3A_374 = arith.constant 1 : i32
      %swap3A_375 = arith.index_cast %swap3A_373 : i32 to index
      %swap3A_376 = arith.index_cast %swap3A_374 : i32 to index
      %swap3A_377 = arith.constant 64 : index
      %swap3A_378 = tpu.vector_load %arg7[%swap3A_375, %swap3A_376, %swap3A_377] {strides = array<i32>} : memref<2x4x128xf32, #tpu.memory_space<vmem>>, vector<1x1x16xf32>,
      %swap3A_379 = vector.shape_cast %swap3A_378 : vector<1x1x16xf32> to vector<16xf32>
      %swap3A_380 = vector.shape_cast %scan3A_339#4 : vector<16xf32> to vector<1x1x16xf32>
      tpu.vector_store %arg7[%swap3A_375, %swap3A_376, %swap3A_377], %swap3A_380 {strides = array<i32>} : memref<2x4x128xf32, #tpu.memory_space<vmem>>, vector<1x1x16xf32>,
      %swap3A_381 = arith.constant 0 : i32
      %swap3A_382 = arith.constant 1 : i32
      %swap3A_383 = arith.index_cast %swap3A_381 : i32 to index
      %swap3A_384 = arith.index_cast %swap3A_382 : i32 to index
      %swap3A_385 = arith.constant 80 : index
      %swap3A_386 = tpu.vector_load %arg7[%swap3A_383, %swap3A_384, %swap3A_385] {strides = array<i32>} : memref<2x4x128xf32, #tpu.memory_space<vmem>>, vector<1x1x16xf32>,
      %swap3A_387 = vector.shape_cast %swap3A_386 : vector<1x1x16xf32> to vector<16xf32>
      %swap3A_388 = vector.shape_cast %scan3A_339#5 : vector<16xf32> to vector<1x1x16xf32>
      tpu.vector_store %arg7[%swap3A_383, %swap3A_384, %swap3A_385], %swap3A_388 {strides = array<i32>} : memref<2x4x128xf32, #tpu.memory_space<vmem>>, vector<1x1x16xf32>,
      %swap3A_389 = arith.constant 0 : i32
      %swap3A_390 = arith.constant 1 : i32
      %swap3A_391 = arith.index_cast %swap3A_389 : i32 to index
      %swap3A_392 = arith.index_cast %swap3A_390 : i32 to index
      %swap3A_393 = arith.constant 96 : index
      %swap3A_394 = tpu.vector_load %arg7[%swap3A_391, %swap3A_392, %swap3A_393] {strides = array<i32>} : memref<2x4x128xf32, #tpu.memory_space<vmem>>, vector<1x1x16xf32>,
      %swap3A_395 = vector.shape_cast %swap3A_394 : vector<1x1x16xf32> to vector<16xf32>
      %swap3A_396 = vector.shape_cast %scan3A_339#6 : vector<16xf32> to vector<1x1x16xf32>
      tpu.vector_store %arg7[%swap3A_391, %swap3A_392, %swap3A_393], %swap3A_396 {strides = array<i32>} : memref<2x4x128xf32, #tpu.memory_space<vmem>>, vector<1x1x16xf32>,
      %swap3A_397 = arith.constant 0 : i32
      %swap3A_398 = arith.constant 1 : i32
      %swap3A_399 = arith.index_cast %swap3A_397 : i32 to index
      %swap3A_400 = arith.index_cast %swap3A_398 : i32 to index
      %swap3A_401 = arith.constant 112 : index
      %swap3A_402 = tpu.vector_load %arg7[%swap3A_399, %swap3A_400, %swap3A_401] {strides = array<i32>} : memref<2x4x128xf32, #tpu.memory_space<vmem>>, vector<1x1x16xf32>,
      %swap3A_403 = vector.shape_cast %swap3A_402 : vector<1x1x16xf32> to vector<16xf32>
      %swap3A_404 = vector.shape_cast %scan3A_339#7 : vector<16xf32> to vector<1x1x16xf32>
      tpu.vector_store %arg7[%swap3A_399, %swap3A_400, %swap3A_401], %swap3A_404 {strides = array<i32>} : memref<2x4x128xf32, #tpu.memory_space<vmem>>, vector<1x1x16xf32>,
      %get3A_405 = arith.constant 0 : i32
      %get3A_406 = arith.constant 64 : i32
      %get3A_407 = arith.index_cast %get3A_405 : i32 to index
      %get3A_408 = arith.index_cast %get3A_406 : i32 to index
      %get3A_409 = arith.constant 0 : index
      %get3A_410 = tpu.vector_load %arg6[%get3A_407, %get3A_408, %get3A_409] {strides = array<i32>} : memref<2x128x128xf32, #tpu.memory_space<vmem>>, vector<1x1x16xf32>,
      %get3A_411 = vector.shape_cast %get3A_410 : vector<1x1x16xf32> to vector<16xf32>
      %get3A_412 = arith.constant 0 : i32
      %get3A_413 = arith.constant 64 : i32
      %get3A_414 = arith.index_cast %get3A_412 : i32 to index
      %get3A_415 = arith.index_cast %get3A_413 : i32 to index
      %get3A_416 = arith.constant 16 : index
      %get3A_417 = tpu.vector_load %arg6[%get3A_414, %get3A_415, %get3A_416] {strides = array<i32>} : memref<2x128x128xf32, #tpu.memory_space<vmem>>, vector<1x1x16xf32>,
      %get3A_418 = vector.shape_cast %get3A_417 : vector<1x1x16xf32> to vector<16xf32>
      %get3A_419 = arith.constant 0 : i32
      %get3A_420 = arith.constant 64 : i32
      %get3A_421 = arith.index_cast %get3A_419 : i32 to index
      %get3A_422 = arith.index_cast %get3A_420 : i32 to index
      %get3A_423 = arith.constant 32 : index
      %get3A_424 = tpu.vector_load %arg6[%get3A_421, %get3A_422, %get3A_423] {strides = array<i32>} : memref<2x128x128xf32, #tpu.memory_space<vmem>>, vector<1x1x16xf32>,
      %get3A_425 = vector.shape_cast %get3A_424 : vector<1x1x16xf32> to vector<16xf32>
      %get3A_426 = arith.constant 0 : i32
      %get3A_427 = arith.constant 64 : i32
      %get3A_428 = arith.index_cast %get3A_426 : i32 to index
      %get3A_429 = arith.index_cast %get3A_427 : i32 to index
      %get3A_430 = arith.constant 48 : index
      %get3A_431 = tpu.vector_load %arg6[%get3A_428, %get3A_429, %get3A_430] {strides = array<i32>} : memref<2x128x128xf32, #tpu.memory_space<vmem>>, vector<1x1x16xf32>,
      %get3A_432 = vector.shape_cast %get3A_431 : vector<1x1x16xf32> to vector<16xf32>
      %get3A_433 = arith.constant 0 : i32
      %get3A_434 = arith.constant 64 : i32
      %get3A_435 = arith.index_cast %get3A_433 : i32 to index
      %get3A_436 = arith.index_cast %get3A_434 : i32 to index
      %get3A_437 = arith.constant 64 : index
      %get3A_438 = tpu.vector_load %arg6[%get3A_435, %get3A_436, %get3A_437] {strides = array<i32>} : memref<2x128x128xf32, #tpu.memory_space<vmem>>, vector<1x1x16xf32>,
      %get3A_439 = vector.shape_cast %get3A_438 : vector<1x1x16xf32> to vector<16xf32>
      %get3A_440 = arith.constant 0 : i32
      %get3A_441 = arith.constant 64 : i32
      %get3A_442 = arith.index_cast %get3A_440 : i32 to index
      %get3A_443 = arith.index_cast %get3A_441 : i32 to index
      %get3A_444 = arith.constant 80 : index
      %get3A_445 = tpu.vector_load %arg6[%get3A_442, %get3A_443, %get3A_444] {strides = array<i32>} : memref<2x128x128xf32, #tpu.memory_space<vmem>>, vector<1x1x16xf32>,
      %get3A_446 = vector.shape_cast %get3A_445 : vector<1x1x16xf32> to vector<16xf32>
      %get3A_447 = arith.constant 0 : i32
      %get3A_448 = arith.constant 64 : i32
      %get3A_449 = arith.index_cast %get3A_447 : i32 to index
      %get3A_450 = arith.index_cast %get3A_448 : i32 to index
      %get3A_451 = arith.constant 96 : index
      %get3A_452 = tpu.vector_load %arg6[%get3A_449, %get3A_450, %get3A_451] {strides = array<i32>} : memref<2x128x128xf32, #tpu.memory_space<vmem>>, vector<1x1x16xf32>,
      %get3A_453 = vector.shape_cast %get3A_452 : vector<1x1x16xf32> to vector<16xf32>
      %get3A_454 = arith.constant 0 : i32
      %get3A_455 = arith.constant 64 : i32
      %get3A_456 = arith.index_cast %get3A_454 : i32 to index
      %get3A_457 = arith.index_cast %get3A_455 : i32 to index
      %get3A_458 = arith.constant 112 : index
      %get3A_459 = tpu.vector_load %arg6[%get3A_456, %get3A_457, %get3A_458] {strides = array<i32>} : memref<2x128x128xf32, #tpu.memory_space<vmem>>, vector<1x1x16xf32>,
      %get3A_460 = vector.shape_cast %get3A_459 : vector<1x1x16xf32> to vector<16xf32>
      %scan3A_461 = arith.constant 1 : i32
      %scan3A_462 = arith.constant 31 : i32
      %scan3A_463 = arith.addi %scan3A_461, %scan3A_462 : i32
      %scan3A_464 = arith.constant 1 : i32
      %scan3A_465:8 = scf.for %scan3A_1225 = %scan3A_461 to %scan3A_463 step %scan3A_464 iter_args(%scan3A_1226 = %get3A_411, %scan3A_1227 = %get3A_418, %scan3A_1228 = %get3A_425, %scan3A_1229 = %get3A_432, %scan3A_1230 = %get3A_439, %scan3A_1231 = %get3A_446, %scan3A_1232 = %get3A_453, %scan3A_1233 = %get3A_460) -> (vector<16xf32>, vector<16xf32>, vector<16xf32>, vector<16xf32>, vector<16xf32>, vector<16xf32>, vector<16xf32>, vector<16xf32>)  : i32 {
        %add3A_1234 = arith.constant 64 : i32
        %add3A_1235 = arith.addi %add3A_1234, %scan3A_1225 : i32
        %get3A_1236 = arith.constant 0 : i32
        %get3A_1237 = arith.index_cast %get3A_1236 : i32 to index
        %get3A_1238 = arith.index_cast %add3A_1235 : i32 to index
        %get3A_1239 = arith.constant 0 : index
        %get3A_1240 = tpu.vector_load %arg6[%get3A_1237, %get3A_1238, %get3A_1239] {strides = array<i32>} : memref<2x128x128xf32, #tpu.memory_space<vmem>>, vector<1x1x16xf32>,
        %get3A_1241 = vector.shape_cast %get3A_1240 : vector<1x1x16xf32> to vector<16xf32>
        %add3A_1242 = arith.addf %scan3A_1226, %get3A_1241 : vector<16xf32>
        %add3A_1243 = arith.constant 64 : i32
        %add3A_1244 = arith.addi %add3A_1243, %scan3A_1225 : i32
        %get3A_1245 = arith.constant 0 : i32
        %get3A_1246 = arith.index_cast %get3A_1245 : i32 to index
        %get3A_1247 = arith.index_cast %add3A_1244 : i32 to index
        %get3A_1248 = arith.constant 16 : index
        %get3A_1249 = tpu.vector_load %arg6[%get3A_1246, %get3A_1247, %get3A_1248] {strides = array<i32>} : memref<2x128x128xf32, #tpu.memory_space<vmem>>, vector<1x1x16xf32>,
        %get3A_1250 = vector.shape_cast %get3A_1249 : vector<1x1x16xf32> to vector<16xf32>
        %add3A_1251 = arith.addf %scan3A_1227, %get3A_1250 : vector<16xf32>
        %add3A_1252 = arith.constant 64 : i32
        %add3A_1253 = arith.addi %add3A_1252, %scan3A_1225 : i32
        %get3A_1254 = arith.constant 0 : i32
        %get3A_1255 = arith.index_cast %get3A_1254 : i32 to index
        %get3A_1256 = arith.index_cast %add3A_1253 : i32 to index
        %get3A_1257 = arith.constant 32 : index
        %get3A_1258 = tpu.vector_load %arg6[%get3A_1255, %get3A_1256, %get3A_1257] {strides = array<i32>} : memref<2x128x128xf32, #tpu.memory_space<vmem>>, vector<1x1x16xf32>,
        %get3A_1259 = vector.shape_cast %get3A_1258 : vector<1x1x16xf32> to vector<16xf32>
        %add3A_1260 = arith.addf %scan3A_1228, %get3A_1259 : vector<16xf32>
        %add3A_1261 = arith.constant 64 : i32
        %add3A_1262 = arith.addi %add3A_1261, %scan3A_1225 : i32
        %get3A_1263 = arith.constant 0 : i32
        %get3A_1264 = arith.index_cast %get3A_1263 : i32 to index
        %get3A_1265 = arith.index_cast %add3A_1262 : i32 to index
        %get3A_1266 = arith.constant 48 : index
        %get3A_1267 = tpu.vector_load %arg6[%get3A_1264, %get3A_1265, %get3A_1266] {strides = array<i32>} : memref<2x128x128xf32, #tpu.memory_space<vmem>>, vector<1x1x16xf32>,
        %get3A_1268 = vector.shape_cast %get3A_1267 : vector<1x1x16xf32> to vector<16xf32>
        %add3A_1269 = arith.addf %scan3A_1229, %get3A_1268 : vector<16xf32>
        %add3A_1270 = arith.constant 64 : i32
        %add3A_1271 = arith.addi %add3A_1270, %scan3A_1225 : i32
        %get3A_1272 = arith.constant 0 : i32
        %get3A_1273 = arith.index_cast %get3A_1272 : i32 to index
        %get3A_1274 = arith.index_cast %add3A_1271 : i32 to index
        %get3A_1275 = arith.constant 64 : index
        %get3A_1276 = tpu.vector_load %arg6[%get3A_1273, %get3A_1274, %get3A_1275] {strides = array<i32>} : memref<2x128x128xf32, #tpu.memory_space<vmem>>, vector<1x1x16xf32>,
        %get3A_1277 = vector.shape_cast %get3A_1276 : vector<1x1x16xf32> to vector<16xf32>
        %add3A_1278 = arith.addf %scan3A_1230, %get3A_1277 : vector<16xf32>
        %add3A_1279 = arith.constant 64 : i32
        %add3A_1280 = arith.addi %add3A_1279, %scan3A_1225 : i32
        %get3A_1281 = arith.constant 0 : i32
        %get3A_1282 = arith.index_cast %get3A_1281 : i32 to index
        %get3A_1283 = arith.index_cast %add3A_1280 : i32 to index
        %get3A_1284 = arith.constant 80 : index
        %get3A_1285 = tpu.vector_load %arg6[%get3A_1282, %get3A_1283, %get3A_1284] {strides = array<i32>} : memref<2x128x128xf32, #tpu.memory_space<vmem>>, vector<1x1x16xf32>,
        %get3A_1286 = vector.shape_cast %get3A_1285 : vector<1x1x16xf32> to vector<16xf32>
        %add3A_1287 = arith.addf %scan3A_1231, %get3A_1286 : vector<16xf32>
        %add3A_1288 = arith.constant 64 : i32
        %add3A_1289 = arith.addi %add3A_1288, %scan3A_1225 : i32
        %get3A_1290 = arith.constant 0 : i32
        %get3A_1291 = arith.index_cast %get3A_1290 : i32 to index
        %get3A_1292 = arith.index_cast %add3A_1289 : i32 to index
        %get3A_1293 = arith.constant 96 : index
        %get3A_1294 = tpu.vector_load %arg6[%get3A_1291, %get3A_1292, %get3A_1293] {strides = array<i32>} : memref<2x128x128xf32, #tpu.memory_space<vmem>>, vector<1x1x16xf32>,
        %get3A_1295 = vector.shape_cast %get3A_1294 : vector<1x1x16xf32> to vector<16xf32>
        %add3A_1296 = arith.addf %scan3A_1232, %get3A_1295 : vector<16xf32>
        %add3A_1297 = arith.constant 64 : i32
        %add3A_1298 = arith.addi %add3A_1297, %scan3A_1225 : i32
        %get3A_1299 = arith.constant 0 : i32
        %get3A_1300 = arith.index_cast %get3A_1299 : i32 to index
        %get3A_1301 = arith.index_cast %add3A_1298 : i32 to index
        %get3A_1302 = arith.constant 112 : index
        %get3A_1303 = tpu.vector_load %arg6[%get3A_1300, %get3A_1301, %get3A_1302] {strides = array<i32>} : memref<2x128x128xf32, #tpu.memory_space<vmem>>, vector<1x1x16xf32>,
        %get3A_1304 = vector.shape_cast %get3A_1303 : vector<1x1x16xf32> to vector<16xf32>
        %add3A_1305 = arith.addf %scan3A_1233, %get3A_1304 : vector<16xf32>
        scf.yield %add3A_1242, %add3A_1251, %add3A_1260, %add3A_1269, %add3A_1278, %add3A_1287, %add3A_1296, %add3A_1305 : vector<16xf32>, vector<16xf32>, vector<16xf32>, vector<16xf32>, vector<16xf32>, vector<16xf32>, vector<16xf32>, vector<16xf32>
      }
      %scan3A_466 = arith.constant 31 : i32
      %swap3A_467 = arith.constant 0 : i32
      %swap3A_468 = arith.constant 2 : i32
      %swap3A_469 = arith.index_cast %swap3A_467 : i32 to index
      %swap3A_470 = arith.index_cast %swap3A_468 : i32 to index
      %swap3A_471 = arith.constant 0 : index
      %swap3A_472 = tpu.vector_load %arg7[%swap3A_469, %swap3A_470, %swap3A_471] {strides = array<i32>} : memref<2x4x128xf32, #tpu.memory_space<vmem>>, vector<1x1x16xf32>,
      %swap3A_473 = vector.shape_cast %swap3A_472 : vector<1x1x16xf32> to vector<16xf32>
      %swap3A_474 = vector.shape_cast %scan3A_465#0 : vector<16xf32> to vector<1x1x16xf32>
      tpu.vector_store %arg7[%swap3A_469, %swap3A_470, %swap3A_471], %swap3A_474 {strides = array<i32>} : memref<2x4x128xf32, #tpu.memory_space<vmem>>, vector<1x1x16xf32>,
      %swap3A_475 = arith.constant 0 : i32
      %swap3A_476 = arith.constant 2 : i32
      %swap3A_477 = arith.index_cast %swap3A_475 : i32 to index
      %swap3A_478 = arith.index_cast %swap3A_476 : i32 to index
      %swap3A_479 = arith.constant 16 : index
      %swap3A_480 = tpu.vector_load %arg7[%swap3A_477, %swap3A_478, %swap3A_479] {strides = array<i32>} : memref<2x4x128xf32, #tpu.memory_space<vmem>>, vector<1x1x16xf32>,
      %swap3A_481 = vector.shape_cast %swap3A_480 : vector<1x1x16xf32> to vector<16xf32>
      %swap3A_482 = vector.shape_cast %scan3A_465#1 : vector<16xf32> to vector<1x1x16xf32>
      tpu.vector_store %arg7[%swap3A_477, %swap3A_478, %swap3A_479], %swap3A_482 {strides = array<i32>} : memref<2x4x128xf32, #tpu.memory_space<vmem>>, vector<1x1x16xf32>,
      %swap3A_483 = arith.constant 0 : i32
      %swap3A_484 = arith.constant 2 : i32
      %swap3A_485 = arith.index_cast %swap3A_483 : i32 to index
      %swap3A_486 = arith.index_cast %swap3A_484 : i32 to index
      %swap3A_487 = arith.constant 32 : index
      %swap3A_488 = tpu.vector_load %arg7[%swap3A_485, %swap3A_486, %swap3A_487] {strides = array<i32>} : memref<2x4x128xf32, #tpu.memory_space<vmem>>, vector<1x1x16xf32>,
      %swap3A_489 = vector.shape_cast %swap3A_488 : vector<1x1x16xf32> to vector<16xf32>
      %swap3A_490 = vector.shape_cast %scan3A_465#2 : vector<16xf32> to vector<1x1x16xf32>
      tpu.vector_store %arg7[%swap3A_485, %swap3A_486, %swap3A_487], %swap3A_490 {strides = array<i32>} : memref<2x4x128xf32, #tpu.memory_space<vmem>>, vector<1x1x16xf32>,
      %swap3A_491 = arith.constant 0 : i32
      %swap3A_492 = arith.constant 2 : i32
      %swap3A_493 = arith.index_cast %swap3A_491 : i32 to index
      %swap3A_494 = arith.index_cast %swap3A_492 : i32 to index
      %swap3A_495 = arith.constant 48 : index
      %swap3A_496 = tpu.vector_load %arg7[%swap3A_493, %swap3A_494, %swap3A_495] {strides = array<i32>} : memref<2x4x128xf32, #tpu.memory_space<vmem>>, vector<1x1x16xf32>,
      %swap3A_497 = vector.shape_cast %swap3A_496 : vector<1x1x16xf32> to vector<16xf32>
      %swap3A_498 = vector.shape_cast %scan3A_465#3 : vector<16xf32> to vector<1x1x16xf32>
      tpu.vector_store %arg7[%swap3A_493, %swap3A_494, %swap3A_495], %swap3A_498 {strides = array<i32>} : memref<2x4x128xf32, #tpu.memory_space<vmem>>, vector<1x1x16xf32>,
      %swap3A_499 = arith.constant 0 : i32
      %swap3A_500 = arith.constant 2 : i32
      %swap3A_501 = arith.index_cast %swap3A_499 : i32 to index
      %swap3A_502 = arith.index_cast %swap3A_500 : i32 to index
      %swap3A_503 = arith.constant 64 : index
      %swap3A_504 = tpu.vector_load %arg7[%swap3A_501, %swap3A_502, %swap3A_503] {strides = array<i32>} : memref<2x4x128xf32, #tpu.memory_space<vmem>>, vector<1x1x16xf32>,
      %swap3A_505 = vector.shape_cast %swap3A_504 : vector<1x1x16xf32> to vector<16xf32>
      %swap3A_506 = vector.shape_cast %scan3A_465#4 : vector<16xf32> to vector<1x1x16xf32>
      tpu.vector_store %arg7[%swap3A_501, %swap3A_502, %swap3A_503], %swap3A_506 {strides = array<i32>} : memref<2x4x128xf32, #tpu.memory_space<vmem>>, vector<1x1x16xf32>,
      %swap3A_507 = arith.constant 0 : i32
      %swap3A_508 = arith.constant 2 : i32
      %swap3A_509 = arith.index_cast %swap3A_507 : i32 to index
      %swap3A_510 = arith.index_cast %swap3A_508 : i32 to index
      %swap3A_511 = arith.constant 80 : index
      %swap3A_512 = tpu.vector_load %arg7[%swap3A_509, %swap3A_510, %swap3A_511] {strides = array<i32>} : memref<2x4x128xf32, #tpu.memory_space<vmem>>, vector<1x1x16xf32>,
      %swap3A_513 = vector.shape_cast %swap3A_512 : vector<1x1x16xf32> to vector<16xf32>
      %swap3A_514 = vector.shape_cast %scan3A_465#5 : vector<16xf32> to vector<1x1x16xf32>
      tpu.vector_store %arg7[%swap3A_509, %swap3A_510, %swap3A_511], %swap3A_514 {strides = array<i32>} : memref<2x4x128xf32, #tpu.memory_space<vmem>>, vector<1x1x16xf32>,
      %swap3A_515 = arith.constant 0 : i32
      %swap3A_516 = arith.constant 2 : i32
      %swap3A_517 = arith.index_cast %swap3A_515 : i32 to index
      %swap3A_518 = arith.index_cast %swap3A_516 : i32 to index
      %swap3A_519 = arith.constant 96 : index
      %swap3A_520 = tpu.vector_load %arg7[%swap3A_517, %swap3A_518, %swap3A_519] {strides = array<i32>} : memref<2x4x128xf32, #tpu.memory_space<vmem>>, vector<1x1x16xf32>,
      %swap3A_521 = vector.shape_cast %swap3A_520 : vector<1x1x16xf32> to vector<16xf32>
      %swap3A_522 = vector.shape_cast %scan3A_465#6 : vector<16xf32> to vector<1x1x16xf32>
      tpu.vector_store %arg7[%swap3A_517, %swap3A_518, %swap3A_519], %swap3A_522 {strides = array<i32>} : memref<2x4x128xf32, #tpu.memory_space<vmem>>, vector<1x1x16xf32>,
      %swap3A_523 = arith.constant 0 : i32
      %swap3A_524 = arith.constant 2 : i32
      %swap3A_525 = arith.index_cast %swap3A_523 : i32 to index
      %swap3A_526 = arith.index_cast %swap3A_524 : i32 to index
      %swap3A_527 = arith.constant 112 : index
      %swap3A_528 = tpu.vector_load %arg7[%swap3A_525, %swap3A_526, %swap3A_527] {strides = array<i32>} : memref<2x4x128xf32, #tpu.memory_space<vmem>>, vector<1x1x16xf32>,
      %swap3A_529 = vector.shape_cast %swap3A_528 : vector<1x1x16xf32> to vector<16xf32>
      %swap3A_530 = vector.shape_cast %scan3A_465#7 : vector<16xf32> to vector<1x1x16xf32>
      tpu.vector_store %arg7[%swap3A_525, %swap3A_526, %swap3A_527], %swap3A_530 {strides = array<i32>} : memref<2x4x128xf32, #tpu.memory_space<vmem>>, vector<1x1x16xf32>,
      %get3A_531 = arith.constant 0 : i32
      %get3A_532 = arith.constant 96 : i32
      %get3A_533 = arith.index_cast %get3A_531 : i32 to index
      %get3A_534 = arith.index_cast %get3A_532 : i32 to index
      %get3A_535 = arith.constant 0 : index
      %get3A_536 = tpu.vector_load %arg6[%get3A_533, %get3A_534, %get3A_535] {strides = array<i32>} : memref<2x128x128xf32, #tpu.memory_space<vmem>>, vector<1x1x16xf32>,
      %get3A_537 = vector.shape_cast %get3A_536 : vector<1x1x16xf32> to vector<16xf32>
      %get3A_538 = arith.constant 0 : i32
      %get3A_539 = arith.constant 96 : i32
      %get3A_540 = arith.index_cast %get3A_538 : i32 to index
      %get3A_541 = arith.index_cast %get3A_539 : i32 to index
      %get3A_542 = arith.constant 16 : index
      %get3A_543 = tpu.vector_load %arg6[%get3A_540, %get3A_541, %get3A_542] {strides = array<i32>} : memref<2x128x128xf32, #tpu.memory_space<vmem>>, vector<1x1x16xf32>,
      %get3A_544 = vector.shape_cast %get3A_543 : vector<1x1x16xf32> to vector<16xf32>
      %get3A_545 = arith.constant 0 : i32
      %get3A_546 = arith.constant 96 : i32
      %get3A_547 = arith.index_cast %get3A_545 : i32 to index
      %get3A_548 = arith.index_cast %get3A_546 : i32 to index
      %get3A_549 = arith.constant 32 : index
      %get3A_550 = tpu.vector_load %arg6[%get3A_547, %get3A_548, %get3A_549] {strides = array<i32>} : memref<2x128x128xf32, #tpu.memory_space<vmem>>, vector<1x1x16xf32>,
      %get3A_551 = vector.shape_cast %get3A_550 : vector<1x1x16xf32> to vector<16xf32>
      %get3A_552 = arith.constant 0 : i32
      %get3A_553 = arith.constant 96 : i32
      %get3A_554 = arith.index_cast %get3A_552 : i32 to index
      %get3A_555 = arith.index_cast %get3A_553 : i32 to index
      %get3A_556 = arith.constant 48 : index
      %get3A_557 = tpu.vector_load %arg6[%get3A_554, %get3A_555, %get3A_556] {strides = array<i32>} : memref<2x128x128xf32, #tpu.memory_space<vmem>>, vector<1x1x16xf32>,
      %get3A_558 = vector.shape_cast %get3A_557 : vector<1x1x16xf32> to vector<16xf32>
      %get3A_559 = arith.constant 0 : i32
      %get3A_560 = arith.constant 96 : i32
      %get3A_561 = arith.index_cast %get3A_559 : i32 to index
      %get3A_562 = arith.index_cast %get3A_560 : i32 to index
      %get3A_563 = arith.constant 64 : index
      %get3A_564 = tpu.vector_load %arg6[%get3A_561, %get3A_562, %get3A_563] {strides = array<i32>} : memref<2x128x128xf32, #tpu.memory_space<vmem>>, vector<1x1x16xf32>,
      %get3A_565 = vector.shape_cast %get3A_564 : vector<1x1x16xf32> to vector<16xf32>
      %get3A_566 = arith.constant 0 : i32
      %get3A_567 = arith.constant 96 : i32
      %get3A_568 = arith.index_cast %get3A_566 : i32 to index
      %get3A_569 = arith.index_cast %get3A_567 : i32 to index
      %get3A_570 = arith.constant 80 : index
      %get3A_571 = tpu.vector_load %arg6[%get3A_568, %get3A_569, %get3A_570] {strides = array<i32>} : memref<2x128x128xf32, #tpu.memory_space<vmem>>, vector<1x1x16xf32>,
      %get3A_572 = vector.shape_cast %get3A_571 : vector<1x1x16xf32> to vector<16xf32>
      %get3A_573 = arith.constant 0 : i32
      %get3A_574 = arith.constant 96 : i32
      %get3A_575 = arith.index_cast %get3A_573 : i32 to index
      %get3A_576 = arith.index_cast %get3A_574 : i32 to index
      %get3A_577 = arith.constant 96 : index
      %get3A_578 = tpu.vector_load %arg6[%get3A_575, %get3A_576, %get3A_577] {strides = array<i32>} : memref<2x128x128xf32, #tpu.memory_space<vmem>>, vector<1x1x16xf32>,
      %get3A_579 = vector.shape_cast %get3A_578 : vector<1x1x16xf32> to vector<16xf32>
      %get3A_580 = arith.constant 0 : i32
      %get3A_581 = arith.constant 96 : i32
      %get3A_582 = arith.index_cast %get3A_580 : i32 to index
      %get3A_583 = arith.index_cast %get3A_581 : i32 to index
      %get3A_584 = arith.constant 112 : index
      %get3A_585 = tpu.vector_load %arg6[%get3A_582, %get3A_583, %get3A_584] {strides = array<i32>} : memref<2x128x128xf32, #tpu.memory_space<vmem>>, vector<1x1x16xf32>,
      %get3A_586 = vector.shape_cast %get3A_585 : vector<1x1x16xf32> to vector<16xf32>
      %scan3A_587 = arith.constant 1 : i32
      %scan3A_588 = arith.constant 31 : i32
      %scan3A_589 = arith.addi %scan3A_587, %scan3A_588 : i32
      %scan3A_590 = arith.constant 1 : i32
      %scan3A_591:8 = scf.for %scan3A_1225 = %scan3A_587 to %scan3A_589 step %scan3A_590 iter_args(%scan3A_1226 = %get3A_537, %scan3A_1227 = %get3A_544, %scan3A_1228 = %get3A_551, %scan3A_1229 = %get3A_558, %scan3A_1230 = %get3A_565, %scan3A_1231 = %get3A_572, %scan3A_1232 = %get3A_579, %scan3A_1233 = %get3A_586) -> (vector<16xf32>, vector<16xf32>, vector<16xf32>, vector<16xf32>, vector<16xf32>, vector<16xf32>, vector<16xf32>, vector<16xf32>)  : i32 {
        %add3A_1234 = arith.constant 96 : i32
        %add3A_1235 = arith.addi %add3A_1234, %scan3A_1225 : i32
        %get3A_1236 = arith.constant 0 : i32
        %get3A_1237 = arith.index_cast %get3A_1236 : i32 to index
        %get3A_1238 = arith.index_cast %add3A_1235 : i32 to index
        %get3A_1239 = arith.constant 0 : index
        %get3A_1240 = tpu.vector_load %arg6[%get3A_1237, %get3A_1238, %get3A_1239] {strides = array<i32>} : memref<2x128x128xf32, #tpu.memory_space<vmem>>, vector<1x1x16xf32>,
        %get3A_1241 = vector.shape_cast %get3A_1240 : vector<1x1x16xf32> to vector<16xf32>
        %add3A_1242 = arith.addf %scan3A_1226, %get3A_1241 : vector<16xf32>
        %add3A_1243 = arith.constant 96 : i32
        %add3A_1244 = arith.addi %add3A_1243, %scan3A_1225 : i32
        %get3A_1245 = arith.constant 0 : i32
        %get3A_1246 = arith.index_cast %get3A_1245 : i32 to index
        %get3A_1247 = arith.index_cast %add3A_1244 : i32 to index
        %get3A_1248 = arith.constant 16 : index
        %get3A_1249 = tpu.vector_load %arg6[%get3A_1246, %get3A_1247, %get3A_1248] {strides = array<i32>} : memref<2x128x128xf32, #tpu.memory_space<vmem>>, vector<1x1x16xf32>,
        %get3A_1250 = vector.shape_cast %get3A_1249 : vector<1x1x16xf32> to vector<16xf32>
        %add3A_1251 = arith.addf %scan3A_1227, %get3A_1250 : vector<16xf32>
        %add3A_1252 = arith.constant 96 : i32
        %add3A_1253 = arith.addi %add3A_1252, %scan3A_1225 : i32
        %get3A_1254 = arith.constant 0 : i32
        %get3A_1255 = arith.index_cast %get3A_1254 : i32 to index
        %get3A_1256 = arith.index_cast %add3A_1253 : i32 to index
        %get3A_1257 = arith.constant 32 : index
        %get3A_1258 = tpu.vector_load %arg6[%get3A_1255, %get3A_1256, %get3A_1257] {strides = array<i32>} : memref<2x128x128xf32, #tpu.memory_space<vmem>>, vector<1x1x16xf32>,
        %get3A_1259 = vector.shape_cast %get3A_1258 : vector<1x1x16xf32> to vector<16xf32>
        %add3A_1260 = arith.addf %scan3A_1228, %get3A_1259 : vector<16xf32>
        %add3A_1261 = arith.constant 96 : i32
        %add3A_1262 = arith.addi %add3A_1261, %scan3A_1225 : i32
        %get3A_1263 = arith.constant 0 : i32
        %get3A_1264 = arith.index_cast %get3A_1263 : i32 to index
        %get3A_1265 = arith.index_cast %add3A_1262 : i32 to index
        %get3A_1266 = arith.constant 48 : index
        %get3A_1267 = tpu.vector_load %arg6[%get3A_1264, %get3A_1265, %get3A_1266] {strides = array<i32>} : memref<2x128x128xf32, #tpu.memory_space<vmem>>, vector<1x1x16xf32>,
        %get3A_1268 = vector.shape_cast %get3A_1267 : vector<1x1x16xf32> to vector<16xf32>
        %add3A_1269 = arith.addf %scan3A_1229, %get3A_1268 : vector<16xf32>
        %add3A_1270 = arith.constant 96 : i32
        %add3A_1271 = arith.addi %add3A_1270, %scan3A_1225 : i32
        %get3A_1272 = arith.constant 0 : i32
        %get3A_1273 = arith.index_cast %get3A_1272 : i32 to index
        %get3A_1274 = arith.index_cast %add3A_1271 : i32 to index
        %get3A_1275 = arith.constant 64 : index
        %get3A_1276 = tpu.vector_load %arg6[%get3A_1273, %get3A_1274, %get3A_1275] {strides = array<i32>} : memref<2x128x128xf32, #tpu.memory_space<vmem>>, vector<1x1x16xf32>,
        %get3A_1277 = vector.shape_cast %get3A_1276 : vector<1x1x16xf32> to vector<16xf32>
        %add3A_1278 = arith.addf %scan3A_1230, %get3A_1277 : vector<16xf32>
        %add3A_1279 = arith.constant 96 : i32
        %add3A_1280 = arith.addi %add3A_1279, %scan3A_1225 : i32
        %get3A_1281 = arith.constant 0 : i32
        %get3A_1282 = arith.index_cast %get3A_1281 : i32 to index
        %get3A_1283 = arith.index_cast %add3A_1280 : i32 to index
        %get3A_1284 = arith.constant 80 : index
        %get3A_1285 = tpu.vector_load %arg6[%get3A_1282, %get3A_1283, %get3A_1284] {strides = array<i32>} : memref<2x128x128xf32, #tpu.memory_space<vmem>>, vector<1x1x16xf32>,
        %get3A_1286 = vector.shape_cast %get3A_1285 : vector<1x1x16xf32> to vector<16xf32>
        %add3A_1287 = arith.addf %scan3A_1231, %get3A_1286 : vector<16xf32>
        %add3A_1288 = arith.constant 96 : i32
        %add3A_1289 = arith.addi %add3A_1288, %scan3A_1225 : i32
        %get3A_1290 = arith.constant 0 : i32
        %get3A_1291 = arith.index_cast %get3A_1290 : i32 to index
        %get3A_1292 = arith.index_cast %add3A_1289 : i32 to index
        %get3A_1293 = arith.constant 96 : index
        %get3A_1294 = tpu.vector_load %arg6[%get3A_1291, %get3A_1292, %get3A_1293] {strides = array<i32>} : memref<2x128x128xf32, #tpu.memory_space<vmem>>, vector<1x1x16xf32>,
        %get3A_1295 = vector.shape_cast %get3A_1294 : vector<1x1x16xf32> to vector<16xf32>
        %add3A_1296 = arith.addf %scan3A_1232, %get3A_1295 : vector<16xf32>
        %add3A_1297 = arith.constant 96 : i32
        %add3A_1298 = arith.addi %add3A_1297, %scan3A_1225 : i32
        %get3A_1299 = arith.constant 0 : i32
        %get3A_1300 = arith.index_cast %get3A_1299 : i32 to index
        %get3A_1301 = arith.index_cast %add3A_1298 : i32 to index
        %get3A_1302 = arith.constant 112 : index
        %get3A_1303 = tpu.vector_load %arg6[%get3A_1300, %get3A_1301, %get3A_1302] {strides = array<i32>} : memref<2x128x128xf32, #tpu.memory_space<vmem>>, vector<1x1x16xf32>,
        %get3A_1304 = vector.shape_cast %get3A_1303 : vector<1x1x16xf32> to vector<16xf32>
        %add3A_1305 = arith.addf %scan3A_1233, %get3A_1304 : vector<16xf32>
        scf.yield %add3A_1242, %add3A_1251, %add3A_1260, %add3A_1269, %add3A_1278, %add3A_1287, %add3A_1296, %add3A_1305 : vector<16xf32>, vector<16xf32>, vector<16xf32>, vector<16xf32>, vector<16xf32>, vector<16xf32>, vector<16xf32>, vector<16xf32>
      }
      %scan3A_592 = arith.constant 31 : i32
      %swap3A_593 = arith.constant 0 : i32
      %swap3A_594 = arith.constant 3 : i32
      %swap3A_595 = arith.index_cast %swap3A_593 : i32 to index
      %swap3A_596 = arith.index_cast %swap3A_594 : i32 to index
      %swap3A_597 = arith.constant 0 : index
      %swap3A_598 = tpu.vector_load %arg7[%swap3A_595, %swap3A_596, %swap3A_597] {strides = array<i32>} : memref<2x4x128xf32, #tpu.memory_space<vmem>>, vector<1x1x16xf32>,
      %swap3A_599 = vector.shape_cast %swap3A_598 : vector<1x1x16xf32> to vector<16xf32>
      %swap3A_600 = vector.shape_cast %scan3A_591#0 : vector<16xf32> to vector<1x1x16xf32>
      tpu.vector_store %arg7[%swap3A_595, %swap3A_596, %swap3A_597], %swap3A_600 {strides = array<i32>} : memref<2x4x128xf32, #tpu.memory_space<vmem>>, vector<1x1x16xf32>,
      %swap3A_601 = arith.constant 0 : i32
      %swap3A_602 = arith.constant 3 : i32
      %swap3A_603 = arith.index_cast %swap3A_601 : i32 to index
      %swap3A_604 = arith.index_cast %swap3A_602 : i32 to index
      %swap3A_605 = arith.constant 16 : index
      %swap3A_606 = tpu.vector_load %arg7[%swap3A_603, %swap3A_604, %swap3A_605] {strides = array<i32>} : memref<2x4x128xf32, #tpu.memory_space<vmem>>, vector<1x1x16xf32>,
      %swap3A_607 = vector.shape_cast %swap3A_606 : vector<1x1x16xf32> to vector<16xf32>
      %swap3A_608 = vector.shape_cast %scan3A_591#1 : vector<16xf32> to vector<1x1x16xf32>
      tpu.vector_store %arg7[%swap3A_603, %swap3A_604, %swap3A_605], %swap3A_608 {strides = array<i32>} : memref<2x4x128xf32, #tpu.memory_space<vmem>>, vector<1x1x16xf32>,
      %swap3A_609 = arith.constant 0 : i32
      %swap3A_610 = arith.constant 3 : i32
      %swap3A_611 = arith.index_cast %swap3A_609 : i32 to index
      %swap3A_612 = arith.index_cast %swap3A_610 : i32 to index
      %swap3A_613 = arith.constant 32 : index
      %swap3A_614 = tpu.vector_load %arg7[%swap3A_611, %swap3A_612, %swap3A_613] {strides = array<i32>} : memref<2x4x128xf32, #tpu.memory_space<vmem>>, vector<1x1x16xf32>,
      %swap3A_615 = vector.shape_cast %swap3A_614 : vector<1x1x16xf32> to vector<16xf32>
      %swap3A_616 = vector.shape_cast %scan3A_591#2 : vector<16xf32> to vector<1x1x16xf32>
      tpu.vector_store %arg7[%swap3A_611, %swap3A_612, %swap3A_613], %swap3A_616 {strides = array<i32>} : memref<2x4x128xf32, #tpu.memory_space<vmem>>, vector<1x1x16xf32>,
      %swap3A_617 = arith.constant 0 : i32
      %swap3A_618 = arith.constant 3 : i32
      %swap3A_619 = arith.index_cast %swap3A_617 : i32 to index
      %swap3A_620 = arith.index_cast %swap3A_618 : i32 to index
      %swap3A_621 = arith.constant 48 : index
      %swap3A_622 = tpu.vector_load %arg7[%swap3A_619, %swap3A_620, %swap3A_621] {strides = array<i32>} : memref<2x4x128xf32, #tpu.memory_space<vmem>>, vector<1x1x16xf32>,
      %swap3A_623 = vector.shape_cast %swap3A_622 : vector<1x1x16xf32> to vector<16xf32>
      %swap3A_624 = vector.shape_cast %scan3A_591#3 : vector<16xf32> to vector<1x1x16xf32>
      tpu.vector_store %arg7[%swap3A_619, %swap3A_620, %swap3A_621], %swap3A_624 {strides = array<i32>} : memref<2x4x128xf32, #tpu.memory_space<vmem>>, vector<1x1x16xf32>,
      %swap3A_625 = arith.constant 0 : i32
      %swap3A_626 = arith.constant 3 : i32
      %swap3A_627 = arith.index_cast %swap3A_625 : i32 to index
      %swap3A_628 = arith.index_cast %swap3A_626 : i32 to index
      %swap3A_629 = arith.constant 64 : index
      %swap3A_630 = tpu.vector_load %arg7[%swap3A_627, %swap3A_628, %swap3A_629] {strides = array<i32>} : memref<2x4x128xf32, #tpu.memory_space<vmem>>, vector<1x1x16xf32>,
      %swap3A_631 = vector.shape_cast %swap3A_630 : vector<1x1x16xf32> to vector<16xf32>
      %swap3A_632 = vector.shape_cast %scan3A_591#4 : vector<16xf32> to vector<1x1x16xf32>
      tpu.vector_store %arg7[%swap3A_627, %swap3A_628, %swap3A_629], %swap3A_632 {strides = array<i32>} : memref<2x4x128xf32, #tpu.memory_space<vmem>>, vector<1x1x16xf32>,
      %swap3A_633 = arith.constant 0 : i32
      %swap3A_634 = arith.constant 3 : i32
      %swap3A_635 = arith.index_cast %swap3A_633 : i32 to index
      %swap3A_636 = arith.index_cast %swap3A_634 : i32 to index
      %swap3A_637 = arith.constant 80 : index
      %swap3A_638 = tpu.vector_load %arg7[%swap3A_635, %swap3A_636, %swap3A_637] {strides = array<i32>} : memref<2x4x128xf32, #tpu.memory_space<vmem>>, vector<1x1x16xf32>,
      %swap3A_639 = vector.shape_cast %swap3A_638 : vector<1x1x16xf32> to vector<16xf32>
      %swap3A_640 = vector.shape_cast %scan3A_591#5 : vector<16xf32> to vector<1x1x16xf32>
      tpu.vector_store %arg7[%swap3A_635, %swap3A_636, %swap3A_637], %swap3A_640 {strides = array<i32>} : memref<2x4x128xf32, #tpu.memory_space<vmem>>, vector<1x1x16xf32>,
      %swap3A_641 = arith.constant 0 : i32
      %swap3A_642 = arith.constant 3 : i32
      %swap3A_643 = arith.index_cast %swap3A_641 : i32 to index
      %swap3A_644 = arith.index_cast %swap3A_642 : i32 to index
      %swap3A_645 = arith.constant 96 : index
      %swap3A_646 = tpu.vector_load %arg7[%swap3A_643, %swap3A_644, %swap3A_645] {strides = array<i32>} : memref<2x4x128xf32, #tpu.memory_space<vmem>>, vector<1x1x16xf32>,
      %swap3A_647 = vector.shape_cast %swap3A_646 : vector<1x1x16xf32> to vector<16xf32>
      %swap3A_648 = vector.shape_cast %scan3A_591#6 : vector<16xf32> to vector<1x1x16xf32>
      tpu.vector_store %arg7[%swap3A_643, %swap3A_644, %swap3A_645], %swap3A_648 {strides = array<i32>} : memref<2x4x128xf32, #tpu.memory_space<vmem>>, vector<1x1x16xf32>,
      %swap3A_649 = arith.constant 0 : i32
      %swap3A_650 = arith.constant 3 : i32
      %swap3A_651 = arith.index_cast %swap3A_649 : i32 to index
      %swap3A_652 = arith.index_cast %swap3A_650 : i32 to index
      %swap3A_653 = arith.constant 112 : index
      %swap3A_654 = tpu.vector_load %arg7[%swap3A_651, %swap3A_652, %swap3A_653] {strides = array<i32>} : memref<2x4x128xf32, #tpu.memory_space<vmem>>, vector<1x1x16xf32>,
      %swap3A_655 = vector.shape_cast %swap3A_654 : vector<1x1x16xf32> to vector<16xf32>
      %swap3A_656 = vector.shape_cast %scan3A_591#7 : vector<16xf32> to vector<1x1x16xf32>
      tpu.vector_store %arg7[%swap3A_651, %swap3A_652, %swap3A_653], %swap3A_656 {strides = array<i32>} : memref<2x4x128xf32, #tpu.memory_space<vmem>>, vector<1x1x16xf32>,
      %mul3A_657 = arith.constant 4 : i32
      %mul3A_658 = arith.muli %add3A_141, %mul3A_657 : i32
      %add3A_659 = arith.addi %mul3A_5, %mul3A_658 : i32
      %dma_start3A_660 = arith.constant 0 : i32
      %dma_start3A_661 = arith.constant 0 : i32
      %dma_start3A_662 = arith.constant 0 : i32
      %dma_start3A_663 = tpu.memref_slice %arg7[%dma_start3A_660, %dma_start3A_661, %dma_start3A_662] : memref<2x4x128xf32, #tpu.memory_space<vmem>> -> memref<1x4x128xf32, #tpu.memory_space<vmem>>
      %dma_start3A_664 = tpu.memref_squeeze %dma_start3A_663 : memref<1x4x128xf32, #tpu.memory_space<vmem>> -> memref<4x128xf32, #tpu.memory_space<vmem>>
      %dma_start3A_665 = arith.constant 0 : i32
      %dma_start3A_666 = tpu.memref_slice %arg4[%add3A_659, %dma_start3A_665] : memref<10000x128xf32, #tpu.memory_space<hbm>> -> memref<4x128xf32, #tpu.memory_space<hbm>>
      %dma_start3A_667 = arith.constant 0 : i32
      %dma_start3A_668 = tpu.memref_slice %arg4[%add3A_659, %dma_start3A_667] : memref<10000x128xf32, #tpu.memory_space<hbm>> -> memref<4x128xf32, #tpu.memory_space<hbm>>
      %dma_start3A_669 = arith.constant 0 : i32
      %dma_start3A_670 = arith.constant 0 : i32
      %dma_start3A_671 = tpu.memref_slice %arg7[%dma_start3A_660, %dma_start3A_669, %dma_start3A_670] : memref<2x4x128xf32, #tpu.memory_space<vmem>> -> memref<1x4x128xf32, #tpu.memory_space<vmem>>
      %dma_start3A_672 = tpu.memref_squeeze %dma_start3A_671 : memref<1x4x128xf32, #tpu.memory_space<vmem>> -> memref<4x128xf32, #tpu.memory_space<vmem>>
      tpu.enqueue_dma source(%dma_start3A_672 : memref<4x128xf32, #tpu.memory_space<vmem>>) target(%dma_start3A_668 : memref<4x128xf32, #tpu.memory_space<hbm>>) target_semaphore(%arg11 : memref<!tpu.dma_semaphore, #tpu.memory_space<semaphore_mem>>)
      %add3A_673 = arith.constant 2 : i32
      %add3A_674 = arith.addi %add3A_141, %add3A_673 : i32
      %lt3A = arith.cmpi slt, %add3A_674, %select_n3A : i32
      %convert_element_type3A_675 = arith.extui %lt3A : i1 to i32
      %cond3A_676 = arith.constant 0 : i32
      %cond3A_677 = arith.cmpi ne, %convert_element_type3A_675, %cond3A_676 : i32
      scf.if %cond3A_677 {
        %add3A_1225 = arith.constant 2 : i32
        %add3A_1226 = arith.addi %add3A_141, %add3A_1225 : i32
        %mul3A_1227 = arith.constant 128 : i32
        %mul3A_1228 = arith.muli %add3A_1226, %mul3A_1227 : i32
        %add3A_1229 = arith.addi %sub3A_32, %mul3A_1228 : i32
        %dma_start3A_1230 = arith.constant 0 : i32
        %dma_start3A_1231 = arith.constant 0 : i32
        %dma_start3A_1232 = arith.constant 0 : i32
        %dma_start3A_1233 = tpu.memref_slice %arg6[%dma_start3A_1230, %dma_start3A_1231, %dma_start3A_1232] : memref<2x128x128xf32, #tpu.memory_space<vmem>> -> memref<1x128x128xf32, #tpu.memory_space<vmem>>
        %dma_start3A_1234 = tpu.memref_squeeze %dma_start3A_1233 : memref<1x128x128xf32, #tpu.memory_space<vmem>> -> memref<128x128xf32, #tpu.memory_space<vmem>>
        %dma_start3A_1235 = tpu.memref_slice %arg5[%add3A_1229] : memref<10240xi32, #tpu.memory_space<vmem>> -> memref<128xi32, #tpu.memory_space<vmem>>
        %dma_start3A_1236 = arith.constant 0 : i32
        %dma_start3A_1237 = arith.constant 0 : i32
        %dma_start3A_1238 = tpu.memref_slice %arg8[%dma_start3A_1236, %dma_start3A_1237] : memref<10000x128xf32, #tpu.memory_space<vmem_shared>> -> memref<10000x128xf32, #tpu.memory_space<vmem_shared>>
        tpu.enqueue_indirect_dma source(%dma_start3A_1238 : memref<10000x128xf32, #tpu.memory_space<vmem_shared>>) target(%dma_start3A_1234 : memref<128x128xf32, #tpu.memory_space<vmem>>) offsets(%dma_start3A_1235 : memref<128xi32, #tpu.memory_space<vmem>>) semaphore(%arg9 : memref<!tpu.dma_semaphore, #tpu.memory_space<semaphore_mem>>)
      } else {
      }
      %mul3A_678 = arith.constant 2 : i32
      %mul3A_679 = arith.muli %add3A_137, %mul3A_678 : i32
      %add3A_680 = arith.constant 1 : i32
      %add3A_681 = arith.addi %mul3A_679, %add3A_680 : i32
      %mul3A_682 = arith.constant 128 : i32
      %mul3A_683 = arith.muli %add3A_681, %mul3A_682 : i32
      %add3A_684 = arith.addi %sub3A_32, %mul3A_683 : i32
      %dma_wait3A_685 = arith.constant 1 : i32
      %dma_wait3A_686 = arith.constant 0 : i32
      %dma_wait3A_687 = arith.constant 0 : i32
      %dma_wait3A_688 = tpu.memref_slice %arg6[%dma_wait3A_685, %dma_wait3A_686, %dma_wait3A_687] : memref<2x128x128xf32, #tpu.memory_space<vmem>> -> memref<1x128x128xf32, #tpu.memory_space<vmem>>
      %dma_wait3A_689 = tpu.memref_squeeze %dma_wait3A_688 : memref<1x128x128xf32, #tpu.memory_space<vmem>> -> memref<128x128xf32, #tpu.memory_space<vmem>>
      %dma_wait3A_690 = tpu.memref_slice %arg5[%add3A_684] : memref<10240xi32, #tpu.memory_space<vmem>> -> memref<128xi32, #tpu.memory_space<vmem>>
      %dma_wait3A_691 = arith.constant 0 : i32
      %dma_wait3A_692 = arith.constant 0 : i32
      %dma_wait3A_693 = tpu.memref_slice %arg8[%dma_wait3A_691, %dma_wait3A_692] : memref<10000x128xf32, #tpu.memory_space<vmem_shared>> -> memref<10000x128xf32, #tpu.memory_space<vmem_shared>>
      tpu.wait_indirect_dma semaphore(%arg10 : memref<!tpu.dma_semaphore, #tpu.memory_space<semaphore_mem>>) src(%dma_wait3A_693 : memref<10000x128xf32, #tpu.memory_space<vmem_shared>>) dst(%dma_wait3A_689 : memref<128x128xf32, #tpu.memory_space<vmem>>)
      %gt3A_694 = arith.constant 0 : i32
      %gt3A_695 = arith.cmpi sgt, %add3A_137, %gt3A_694 : i32
      %convert_element_type3A_696 = arith.extui %gt3A_695 : i1 to i32
      %cond3A_697 = arith.constant 0 : i32
      %cond3A_698 = arith.cmpi ne, %convert_element_type3A_696, %cond3A_697 : i32
      scf.if %cond3A_698 {
        %mul3A_1225 = arith.constant 4 : i32
        %mul3A_1226 = arith.muli %add3A_681, %mul3A_1225 : i32
        %add3A_1227 = arith.addi %mul3A_5, %mul3A_1226 : i32
        %dma_wait3A_1228 = arith.constant 1 : i32
        %dma_wait3A_1229 = arith.constant 0 : i32
        %dma_wait3A_1230 = arith.constant 0 : i32
        %dma_wait3A_1231 = tpu.memref_slice %arg7[%dma_wait3A_1228, %dma_wait3A_1229, %dma_wait3A_1230] : memref<2x4x128xf32, #tpu.memory_space<vmem>> -> memref<1x4x128xf32, #tpu.memory_space<vmem>>
        %dma_wait3A_1232 = tpu.memref_squeeze %dma_wait3A_1231 : memref<1x4x128xf32, #tpu.memory_space<vmem>> -> memref<4x128xf32, #tpu.memory_space<vmem>>
        %dma_wait3A_1233 = arith.constant 0 : i32
        %dma_wait3A_1234 = tpu.memref_slice %arg4[%add3A_1227, %dma_wait3A_1233] : memref<10000x128xf32, #tpu.memory_space<hbm>> -> memref<4x128xf32, #tpu.memory_space<hbm>>
        %dma_wait3A_1235 = arith.constant 0 : i32
        %dma_wait3A_1236 = tpu.memref_slice %arg4[%add3A_1227, %dma_wait3A_1235] : memref<10000x128xf32, #tpu.memory_space<hbm>> -> memref<4x128xf32, #tpu.memory_space<hbm>>
        %dma_wait3A_1237 = arith.constant 0 : i32
        %dma_wait3A_1238 = arith.constant 0 : i32
        %dma_wait3A_1239 = tpu.memref_slice %arg7[%dma_wait3A_1228, %dma_wait3A_1237, %dma_wait3A_1238] : memref<2x4x128xf32, #tpu.memory_space<vmem>> -> memref<1x4x128xf32, #tpu.memory_space<vmem>>
        %dma_wait3A_1240 = tpu.memref_squeeze %dma_wait3A_1239 : memref<1x4x128xf32, #tpu.memory_space<vmem>> -> memref<4x128xf32, #tpu.memory_space<vmem>>
        tpu.wait_dma2 semaphore(%arg12 : memref<!tpu.dma_semaphore, #tpu.memory_space<semaphore_mem>>) src(%dma_wait3A_1240 : memref<4x128xf32, #tpu.memory_space<vmem>>) dst(%dma_wait3A_1236 : memref<4x128xf32, #tpu.memory_space<hbm>>)
      } else {
      }
      %get3A_699 = arith.constant 1 : i32
      %get3A_700 = arith.constant 0 : i32
      %get3A_701 = arith.index_cast %get3A_699 : i32 to index
      %get3A_702 = arith.index_cast %get3A_700 : i32 to index
      %get3A_703 = arith.constant 0 : index
      %get3A_704 = tpu.vector_load %arg6[%get3A_701, %get3A_702, %get3A_703] {strides = array<i32>} : memref<2x128x128xf32, #tpu.memory_space<vmem>>, vector<1x1x16xf32>,
      %get3A_705 = vector.shape_cast %get3A_704 : vector<1x1x16xf32> to vector<16xf32>
      %get3A_706 = arith.constant 1 : i32
      %get3A_707 = arith.constant 0 : i32
      %get3A_708 = arith.index_cast %get3A_706 : i32 to index
      %get3A_709 = arith.index_cast %get3A_707 : i32 to index
      %get3A_710 = arith.constant 16 : index
      %get3A_711 = tpu.vector_load %arg6[%get3A_708, %get3A_709, %get3A_710] {strides = array<i32>} : memref<2x128x128xf32, #tpu.memory_space<vmem>>, vector<1x1x16xf32>,
      %get3A_712 = vector.shape_cast %get3A_711 : vector<1x1x16xf32> to vector<16xf32>
      %get3A_713 = arith.constant 1 : i32
      %get3A_714 = arith.constant 0 : i32
      %get3A_715 = arith.index_cast %get3A_713 : i32 to index
      %get3A_716 = arith.index_cast %get3A_714 : i32 to index
      %get3A_717 = arith.constant 32 : index
      %get3A_718 = tpu.vector_load %arg6[%get3A_715, %get3A_716, %get3A_717] {strides = array<i32>} : memref<2x128x128xf32, #tpu.memory_space<vmem>>, vector<1x1x16xf32>,
      %get3A_719 = vector.shape_cast %get3A_718 : vector<1x1x16xf32> to vector<16xf32>
      %get3A_720 = arith.constant 1 : i32
      %get3A_721 = arith.constant 0 : i32
      %get3A_722 = arith.index_cast %get3A_720 : i32 to index
      %get3A_723 = arith.index_cast %get3A_721 : i32 to index
      %get3A_724 = arith.constant 48 : index
      %get3A_725 = tpu.vector_load %arg6[%get3A_722, %get3A_723, %get3A_724] {strides = array<i32>} : memref<2x128x128xf32, #tpu.memory_space<vmem>>, vector<1x1x16xf32>,
      %get3A_726 = vector.shape_cast %get3A_725 : vector<1x1x16xf32> to vector<16xf32>
      %get3A_727 = arith.constant 1 : i32
      %get3A_728 = arith.constant 0 : i32
      %get3A_729 = arith.index_cast %get3A_727 : i32 to index
      %get3A_730 = arith.index_cast %get3A_728 : i32 to index
      %get3A_731 = arith.constant 64 : index
      %get3A_732 = tpu.vector_load %arg6[%get3A_729, %get3A_730, %get3A_731] {strides = array<i32>} : memref<2x128x128xf32, #tpu.memory_space<vmem>>, vector<1x1x16xf32>,
      %get3A_733 = vector.shape_cast %get3A_732 : vector<1x1x16xf32> to vector<16xf32>
      %get3A_734 = arith.constant 1 : i32
      %get3A_735 = arith.constant 0 : i32
      %get3A_736 = arith.index_cast %get3A_734 : i32 to index
      %get3A_737 = arith.index_cast %get3A_735 : i32 to index
      %get3A_738 = arith.constant 80 : index
      %get3A_739 = tpu.vector_load %arg6[%get3A_736, %get3A_737, %get3A_738] {strides = array<i32>} : memref<2x128x128xf32, #tpu.memory_space<vmem>>, vector<1x1x16xf32>,
      %get3A_740 = vector.shape_cast %get3A_739 : vector<1x1x16xf32> to vector<16xf32>
      %get3A_741 = arith.constant 1 : i32
      %get3A_742 = arith.constant 0 : i32
      %get3A_743 = arith.index_cast %get3A_741 : i32 to index
      %get3A_744 = arith.index_cast %get3A_742 : i32 to index
      %get3A_745 = arith.constant 96 : index
      %get3A_746 = tpu.vector_load %arg6[%get3A_743, %get3A_744, %get3A_745] {strides = array<i32>} : memref<2x128x128xf32, #tpu.memory_space<vmem>>, vector<1x1x16xf32>,
      %get3A_747 = vector.shape_cast %get3A_746 : vector<1x1x16xf32> to vector<16xf32>
      %get3A_748 = arith.constant 1 : i32
      %get3A_749 = arith.constant 0 : i32
      %get3A_750 = arith.index_cast %get3A_748 : i32 to index
      %get3A_751 = arith.index_cast %get3A_749 : i32 to index
      %get3A_752 = arith.constant 112 : index
      %get3A_753 = tpu.vector_load %arg6[%get3A_750, %get3A_751, %get3A_752] {strides = array<i32>} : memref<2x128x128xf32, #tpu.memory_space<vmem>>, vector<1x1x16xf32>,
      %get3A_754 = vector.shape_cast %get3A_753 : vector<1x1x16xf32> to vector<16xf32>
      %scan3A_755 = arith.constant 1 : i32
      %scan3A_756 = arith.constant 31 : i32
      %scan3A_757 = arith.addi %scan3A_755, %scan3A_756 : i32
      %scan3A_758 = arith.constant 1 : i32
      %scan3A_759:8 = scf.for %scan3A_1225 = %scan3A_755 to %scan3A_757 step %scan3A_758 iter_args(%scan3A_1226 = %get3A_705, %scan3A_1227 = %get3A_712, %scan3A_1228 = %get3A_719, %scan3A_1229 = %get3A_726, %scan3A_1230 = %get3A_733, %scan3A_1231 = %get3A_740, %scan3A_1232 = %get3A_747, %scan3A_1233 = %get3A_754) -> (vector<16xf32>, vector<16xf32>, vector<16xf32>, vector<16xf32>, vector<16xf32>, vector<16xf32>, vector<16xf32>, vector<16xf32>)  : i32 {
        %add3A_1234 = arith.constant 0 : i32
        %add3A_1235 = arith.addi %add3A_1234, %scan3A_1225 : i32
        %get3A_1236 = arith.constant 1 : i32
        %get3A_1237 = arith.index_cast %get3A_1236 : i32 to index
        %get3A_1238 = arith.index_cast %add3A_1235 : i32 to index
        %get3A_1239 = arith.constant 0 : index
        %get3A_1240 = tpu.vector_load %arg6[%get3A_1237, %get3A_1238, %get3A_1239] {strides = array<i32>} : memref<2x128x128xf32, #tpu.memory_space<vmem>>, vector<1x1x16xf32>,
        %get3A_1241 = vector.shape_cast %get3A_1240 : vector<1x1x16xf32> to vector<16xf32>
        %add3A_1242 = arith.addf %scan3A_1226, %get3A_1241 : vector<16xf32>
        %add3A_1243 = arith.constant 0 : i32
        %add3A_1244 = arith.addi %add3A_1243, %scan3A_1225 : i32
        %get3A_1245 = arith.constant 1 : i32
        %get3A_1246 = arith.index_cast %get3A_1245 : i32 to index
        %get3A_1247 = arith.index_cast %add3A_1244 : i32 to index
        %get3A_1248 = arith.constant 16 : index
        %get3A_1249 = tpu.vector_load %arg6[%get3A_1246, %get3A_1247, %get3A_1248] {strides = array<i32>} : memref<2x128x128xf32, #tpu.memory_space<vmem>>, vector<1x1x16xf32>,
        %get3A_1250 = vector.shape_cast %get3A_1249 : vector<1x1x16xf32> to vector<16xf32>
        %add3A_1251 = arith.addf %scan3A_1227, %get3A_1250 : vector<16xf32>
        %add3A_1252 = arith.constant 0 : i32
        %add3A_1253 = arith.addi %add3A_1252, %scan3A_1225 : i32
        %get3A_1254 = arith.constant 1 : i32
        %get3A_1255 = arith.index_cast %get3A_1254 : i32 to index
        %get3A_1256 = arith.index_cast %add3A_1253 : i32 to index
        %get3A_1257 = arith.constant 32 : index
        %get3A_1258 = tpu.vector_load %arg6[%get3A_1255, %get3A_1256, %get3A_1257] {strides = array<i32>} : memref<2x128x128xf32, #tpu.memory_space<vmem>>, vector<1x1x16xf32>,
        %get3A_1259 = vector.shape_cast %get3A_1258 : vector<1x1x16xf32> to vector<16xf32>
        %add3A_1260 = arith.addf %scan3A_1228, %get3A_1259 : vector<16xf32>
        %add3A_1261 = arith.constant 0 : i32
        %add3A_1262 = arith.addi %add3A_1261, %scan3A_1225 : i32
        %get3A_1263 = arith.constant 1 : i32
        %get3A_1264 = arith.index_cast %get3A_1263 : i32 to index
        %get3A_1265 = arith.index_cast %add3A_1262 : i32 to index
        %get3A_1266 = arith.constant 48 : index
        %get3A_1267 = tpu.vector_load %arg6[%get3A_1264, %get3A_1265, %get3A_1266] {strides = array<i32>} : memref<2x128x128xf32, #tpu.memory_space<vmem>>, vector<1x1x16xf32>,
        %get3A_1268 = vector.shape_cast %get3A_1267 : vector<1x1x16xf32> to vector<16xf32>
        %add3A_1269 = arith.addf %scan3A_1229, %get3A_1268 : vector<16xf32>
        %add3A_1270 = arith.constant 0 : i32
        %add3A_1271 = arith.addi %add3A_1270, %scan3A_1225 : i32
        %get3A_1272 = arith.constant 1 : i32
        %get3A_1273 = arith.index_cast %get3A_1272 : i32 to index
        %get3A_1274 = arith.index_cast %add3A_1271 : i32 to index
        %get3A_1275 = arith.constant 64 : index
        %get3A_1276 = tpu.vector_load %arg6[%get3A_1273, %get3A_1274, %get3A_1275] {strides = array<i32>} : memref<2x128x128xf32, #tpu.memory_space<vmem>>, vector<1x1x16xf32>,
        %get3A_1277 = vector.shape_cast %get3A_1276 : vector<1x1x16xf32> to vector<16xf32>
        %add3A_1278 = arith.addf %scan3A_1230, %get3A_1277 : vector<16xf32>
        %add3A_1279 = arith.constant 0 : i32
        %add3A_1280 = arith.addi %add3A_1279, %scan3A_1225 : i32
        %get3A_1281 = arith.constant 1 : i32
        %get3A_1282 = arith.index_cast %get3A_1281 : i32 to index
        %get3A_1283 = arith.index_cast %add3A_1280 : i32 to index
        %get3A_1284 = arith.constant 80 : index
        %get3A_1285 = tpu.vector_load %arg6[%get3A_1282, %get3A_1283, %get3A_1284] {strides = array<i32>} : memref<2x128x128xf32, #tpu.memory_space<vmem>>, vector<1x1x16xf32>,
        %get3A_1286 = vector.shape_cast %get3A_1285 : vector<1x1x16xf32> to vector<16xf32>
        %add3A_1287 = arith.addf %scan3A_1231, %get3A_1286 : vector<16xf32>
        %add3A_1288 = arith.constant 0 : i32
        %add3A_1289 = arith.addi %add3A_1288, %scan3A_1225 : i32
        %get3A_1290 = arith.constant 1 : i32
        %get3A_1291 = arith.index_cast %get3A_1290 : i32 to index
        %get3A_1292 = arith.index_cast %add3A_1289 : i32 to index
        %get3A_1293 = arith.constant 96 : index
        %get3A_1294 = tpu.vector_load %arg6[%get3A_1291, %get3A_1292, %get3A_1293] {strides = array<i32>} : memref<2x128x128xf32, #tpu.memory_space<vmem>>, vector<1x1x16xf32>,
        %get3A_1295 = vector.shape_cast %get3A_1294 : vector<1x1x16xf32> to vector<16xf32>
        %add3A_1296 = arith.addf %scan3A_1232, %get3A_1295 : vector<16xf32>
        %add3A_1297 = arith.constant 0 : i32
        %add3A_1298 = arith.addi %add3A_1297, %scan3A_1225 : i32
        %get3A_1299 = arith.constant 1 : i32
        %get3A_1300 = arith.index_cast %get3A_1299 : i32 to index
        %get3A_1301 = arith.index_cast %add3A_1298 : i32 to index
        %get3A_1302 = arith.constant 112 : index
        %get3A_1303 = tpu.vector_load %arg6[%get3A_1300, %get3A_1301, %get3A_1302] {strides = array<i32>} : memref<2x128x128xf32, #tpu.memory_space<vmem>>, vector<1x1x16xf32>,
        %get3A_1304 = vector.shape_cast %get3A_1303 : vector<1x1x16xf32> to vector<16xf32>
        %add3A_1305 = arith.addf %scan3A_1233, %get3A_1304 : vector<16xf32>
        scf.yield %add3A_1242, %add3A_1251, %add3A_1260, %add3A_1269, %add3A_1278, %add3A_1287, %add3A_1296, %add3A_1305 : vector<16xf32>, vector<16xf32>, vector<16xf32>, vector<16xf32>, vector<16xf32>, vector<16xf32>, vector<16xf32>, vector<16xf32>
      }
      %scan3A_760 = arith.constant 31 : i32
      %swap3A_761 = arith.constant 1 : i32
      %swap3A_762 = arith.constant 0 : i32
      %swap3A_763 = arith.index_cast %swap3A_761 : i32 to index
      %swap3A_764 = arith.index_cast %swap3A_762 : i32 to index
      %swap3A_765 = arith.constant 0 : index
      %swap3A_766 = tpu.vector_load %arg7[%swap3A_763, %swap3A_764, %swap3A_765] {strides = array<i32>} : memref<2x4x128xf32, #tpu.memory_space<vmem>>, vector<1x1x16xf32>,
      %swap3A_767 = vector.shape_cast %swap3A_766 : vector<1x1x16xf32> to vector<16xf32>
      %swap3A_768 = vector.shape_cast %scan3A_759#0 : vector<16xf32> to vector<1x1x16xf32>
      tpu.vector_store %arg7[%swap3A_763, %swap3A_764, %swap3A_765], %swap3A_768 {strides = array<i32>} : memref<2x4x128xf32, #tpu.memory_space<vmem>>, vector<1x1x16xf32>,
      %swap3A_769 = arith.constant 1 : i32
      %swap3A_770 = arith.constant 0 : i32
      %swap3A_771 = arith.index_cast %swap3A_769 : i32 to index
      %swap3A_772 = arith.index_cast %swap3A_770 : i32 to index
      %swap3A_773 = arith.constant 16 : index
      %swap3A_774 = tpu.vector_load %arg7[%swap3A_771, %swap3A_772, %swap3A_773] {strides = array<i32>} : memref<2x4x128xf32, #tpu.memory_space<vmem>>, vector<1x1x16xf32>,
      %swap3A_775 = vector.shape_cast %swap3A_774 : vector<1x1x16xf32> to vector<16xf32>
      %swap3A_776 = vector.shape_cast %scan3A_759#1 : vector<16xf32> to vector<1x1x16xf32>
      tpu.vector_store %arg7[%swap3A_771, %swap3A_772, %swap3A_773], %swap3A_776 {strides = array<i32>} : memref<2x4x128xf32, #tpu.memory_space<vmem>>, vector<1x1x16xf32>,
      %swap3A_777 = arith.constant 1 : i32
      %swap3A_778 = arith.constant 0 : i32
      %swap3A_779 = arith.index_cast %swap3A_777 : i32 to index
      %swap3A_780 = arith.index_cast %swap3A_778 : i32 to index
      %swap3A_781 = arith.constant 32 : index
      %swap3A_782 = tpu.vector_load %arg7[%swap3A_779, %swap3A_780, %swap3A_781] {strides = array<i32>} : memref<2x4x128xf32, #tpu.memory_space<vmem>>, vector<1x1x16xf32>,
      %swap3A_783 = vector.shape_cast %swap3A_782 : vector<1x1x16xf32> to vector<16xf32>
      %swap3A_784 = vector.shape_cast %scan3A_759#2 : vector<16xf32> to vector<1x1x16xf32>
      tpu.vector_store %arg7[%swap3A_779, %swap3A_780, %swap3A_781], %swap3A_784 {strides = array<i32>} : memref<2x4x128xf32, #tpu.memory_space<vmem>>, vector<1x1x16xf32>,
      %swap3A_785 = arith.constant 1 : i32
      %swap3A_786 = arith.constant 0 : i32
      %swap3A_787 = arith.index_cast %swap3A_785 : i32 to index
      %swap3A_788 = arith.index_cast %swap3A_786 : i32 to index
      %swap3A_789 = arith.constant 48 : index
      %swap3A_790 = tpu.vector_load %arg7[%swap3A_787, %swap3A_788, %swap3A_789] {strides = array<i32>} : memref<2x4x128xf32, #tpu.memory_space<vmem>>, vector<1x1x16xf32>,
      %swap3A_791 = vector.shape_cast %swap3A_790 : vector<1x1x16xf32> to vector<16xf32>
      %swap3A_792 = vector.shape_cast %scan3A_759#3 : vector<16xf32> to vector<1x1x16xf32>
      tpu.vector_store %arg7[%swap3A_787, %swap3A_788, %swap3A_789], %swap3A_792 {strides = array<i32>} : memref<2x4x128xf32, #tpu.memory_space<vmem>>, vector<1x1x16xf32>,
      %swap3A_793 = arith.constant 1 : i32
      %swap3A_794 = arith.constant 0 : i32
      %swap3A_795 = arith.index_cast %swap3A_793 : i32 to index
      %swap3A_796 = arith.index_cast %swap3A_794 : i32 to index
      %swap3A_797 = arith.constant 64 : index
      %swap3A_798 = tpu.vector_load %arg7[%swap3A_795, %swap3A_796, %swap3A_797] {strides = array<i32>} : memref<2x4x128xf32, #tpu.memory_space<vmem>>, vector<1x1x16xf32>,
      %swap3A_799 = vector.shape_cast %swap3A_798 : vector<1x1x16xf32> to vector<16xf32>
      %swap3A_800 = vector.shape_cast %scan3A_759#4 : vector<16xf32> to vector<1x1x16xf32>
      tpu.vector_store %arg7[%swap3A_795, %swap3A_796, %swap3A_797], %swap3A_800 {strides = array<i32>} : memref<2x4x128xf32, #tpu.memory_space<vmem>>, vector<1x1x16xf32>,
      %swap3A_801 = arith.constant 1 : i32
      %swap3A_802 = arith.constant 0 : i32
      %swap3A_803 = arith.index_cast %swap3A_801 : i32 to index
      %swap3A_804 = arith.index_cast %swap3A_802 : i32 to index
      %swap3A_805 = arith.constant 80 : index
      %swap3A_806 = tpu.vector_load %arg7[%swap3A_803, %swap3A_804, %swap3A_805] {strides = array<i32>} : memref<2x4x128xf32, #tpu.memory_space<vmem>>, vector<1x1x16xf32>,
      %swap3A_807 = vector.shape_cast %swap3A_806 : vector<1x1x16xf32> to vector<16xf32>
      %swap3A_808 = vector.shape_cast %scan3A_759#5 : vector<16xf32> to vector<1x1x16xf32>
      tpu.vector_store %arg7[%swap3A_803, %swap3A_804, %swap3A_805], %swap3A_808 {strides = array<i32>} : memref<2x4x128xf32, #tpu.memory_space<vmem>>, vector<1x1x16xf32>,
      %swap3A_809 = arith.constant 1 : i32
      %swap3A_810 = arith.constant 0 : i32
      %swap3A_811 = arith.index_cast %swap3A_809 : i32 to index
      %swap3A_812 = arith.index_cast %swap3A_810 : i32 to index
      %swap3A_813 = arith.constant 96 : index
      %swap3A_814 = tpu.vector_load %arg7[%swap3A_811, %swap3A_812, %swap3A_813] {strides = array<i32>} : memref<2x4x128xf32, #tpu.memory_space<vmem>>, vector<1x1x16xf32>,
      %swap3A_815 = vector.shape_cast %swap3A_814 : vector<1x1x16xf32> to vector<16xf32>
      %swap3A_816 = vector.shape_cast %scan3A_759#6 : vector<16xf32> to vector<1x1x16xf32>
      tpu.vector_store %arg7[%swap3A_811, %swap3A_812, %swap3A_813], %swap3A_816 {strides = array<i32>} : memref<2x4x128xf32, #tpu.memory_space<vmem>>, vector<1x1x16xf32>,
      %swap3A_817 = arith.constant 1 : i32
      %swap3A_818 = arith.constant 0 : i32
      %swap3A_819 = arith.index_cast %swap3A_817 : i32 to index
      %swap3A_820 = arith.index_cast %swap3A_818 : i32 to index
      %swap3A_821 = arith.constant 112 : index
      %swap3A_822 = tpu.vector_load %arg7[%swap3A_819, %swap3A_820, %swap3A_821] {strides = array<i32>} : memref<2x4x128xf32, #tpu.memory_space<vmem>>, vector<1x1x16xf32>,
      %swap3A_823 = vector.shape_cast %swap3A_822 : vector<1x1x16xf32> to vector<16xf32>
      %swap3A_824 = vector.shape_cast %scan3A_759#7 : vector<16xf32> to vector<1x1x16xf32>
      tpu.vector_store %arg7[%swap3A_819, %swap3A_820, %swap3A_821], %swap3A_824 {strides = array<i32>} : memref<2x4x128xf32, #tpu.memory_space<vmem>>, vector<1x1x16xf32>,
      %get3A_825 = arith.constant 1 : i32
      %get3A_826 = arith.constant 32 : i32
      %get3A_827 = arith.index_cast %get3A_825 : i32 to index
      %get3A_828 = arith.index_cast %get3A_826 : i32 to index
      %get3A_829 = arith.constant 0 : index
      %get3A_830 = tpu.vector_load %arg6[%get3A_827, %get3A_828, %get3A_829] {strides = array<i32>} : memref<2x128x128xf32, #tpu.memory_space<vmem>>, vector<1x1x16xf32>,
      %get3A_831 = vector.shape_cast %get3A_830 : vector<1x1x16xf32> to vector<16xf32>
      %get3A_832 = arith.constant 1 : i32
      %get3A_833 = arith.constant 32 : i32
      %get3A_834 = arith.index_cast %get3A_832 : i32 to index
      %get3A_835 = arith.index_cast %get3A_833 : i32 to index
      %get3A_836 = arith.constant 16 : index
      %get3A_837 = tpu.vector_load %arg6[%get3A_834, %get3A_835, %get3A_836] {strides = array<i32>} : memref<2x128x128xf32, #tpu.memory_space<vmem>>, vector<1x1x16xf32>,
      %get3A_838 = vector.shape_cast %get3A_837 : vector<1x1x16xf32> to vector<16xf32>
      %get3A_839 = arith.constant 1 : i32
      %get3A_840 = arith.constant 32 : i32
      %get3A_841 = arith.index_cast %get3A_839 : i32 to index
      %get3A_842 = arith.index_cast %get3A_840 : i32 to index
      %get3A_843 = arith.constant 32 : index
      %get3A_844 = tpu.vector_load %arg6[%get3A_841, %get3A_842, %get3A_843] {strides = array<i32>} : memref<2x128x128xf32, #tpu.memory_space<vmem>>, vector<1x1x16xf32>,
      %get3A_845 = vector.shape_cast %get3A_844 : vector<1x1x16xf32> to vector<16xf32>
      %get3A_846 = arith.constant 1 : i32
      %get3A_847 = arith.constant 32 : i32
      %get3A_848 = arith.index_cast %get3A_846 : i32 to index
      %get3A_849 = arith.index_cast %get3A_847 : i32 to index
      %get3A_850 = arith.constant 48 : index
      %get3A_851 = tpu.vector_load %arg6[%get3A_848, %get3A_849, %get3A_850] {strides = array<i32>} : memref<2x128x128xf32, #tpu.memory_space<vmem>>, vector<1x1x16xf32>,
      %get3A_852 = vector.shape_cast %get3A_851 : vector<1x1x16xf32> to vector<16xf32>
      %get3A_853 = arith.constant 1 : i32
      %get3A_854 = arith.constant 32 : i32
      %get3A_855 = arith.index_cast %get3A_853 : i32 to index
      %get3A_856 = arith.index_cast %get3A_854 : i32 to index
      %get3A_857 = arith.constant 64 : index
      %get3A_858 = tpu.vector_load %arg6[%get3A_855, %get3A_856, %get3A_857] {strides = array<i32>} : memref<2x128x128xf32, #tpu.memory_space<vmem>>, vector<1x1x16xf32>,
      %get3A_859 = vector.shape_cast %get3A_858 : vector<1x1x16xf32> to vector<16xf32>
      %get3A_860 = arith.constant 1 : i32
      %get3A_861 = arith.constant 32 : i32
      %get3A_862 = arith.index_cast %get3A_860 : i32 to index
      %get3A_863 = arith.index_cast %get3A_861 : i32 to index
      %get3A_864 = arith.constant 80 : index
      %get3A_865 = tpu.vector_load %arg6[%get3A_862, %get3A_863, %get3A_864] {strides = array<i32>} : memref<2x128x128xf32, #tpu.memory_space<vmem>>, vector<1x1x16xf32>,
      %get3A_866 = vector.shape_cast %get3A_865 : vector<1x1x16xf32> to vector<16xf32>
      %get3A_867 = arith.constant 1 : i32
      %get3A_868 = arith.constant 32 : i32
      %get3A_869 = arith.index_cast %get3A_867 : i32 to index
      %get3A_870 = arith.index_cast %get3A_868 : i32 to index
      %get3A_871 = arith.constant 96 : index
      %get3A_872 = tpu.vector_load %arg6[%get3A_869, %get3A_870, %get3A_871] {strides = array<i32>} : memref<2x128x128xf32, #tpu.memory_space<vmem>>, vector<1x1x16xf32>,
      %get3A_873 = vector.shape_cast %get3A_872 : vector<1x1x16xf32> to vector<16xf32>
      %get3A_874 = arith.constant 1 : i32
      %get3A_875 = arith.constant 32 : i32
      %get3A_876 = arith.index_cast %get3A_874 : i32 to index
      %get3A_877 = arith.index_cast %get3A_875 : i32 to index
      %get3A_878 = arith.constant 112 : index
      %get3A_879 = tpu.vector_load %arg6[%get3A_876, %get3A_877, %get3A_878] {strides = array<i32>} : memref<2x128x128xf32, #tpu.memory_space<vmem>>, vector<1x1x16xf32>,
      %get3A_880 = vector.shape_cast %get3A_879 : vector<1x1x16xf32> to vector<16xf32>
      %scan3A_881 = arith.constant 1 : i32
      %scan3A_882 = arith.constant 31 : i32
      %scan3A_883 = arith.addi %scan3A_881, %scan3A_882 : i32
      %scan3A_884 = arith.constant 1 : i32
      %scan3A_885:8 = scf.for %scan3A_1225 = %scan3A_881 to %scan3A_883 step %scan3A_884 iter_args(%scan3A_1226 = %get3A_831, %scan3A_1227 = %get3A_838, %scan3A_1228 = %get3A_845, %scan3A_1229 = %get3A_852, %scan3A_1230 = %get3A_859, %scan3A_1231 = %get3A_866, %scan3A_1232 = %get3A_873, %scan3A_1233 = %get3A_880) -> (vector<16xf32>, vector<16xf32>, vector<16xf32>, vector<16xf32>, vector<16xf32>, vector<16xf32>, vector<16xf32>, vector<16xf32>)  : i32 {
        %add3A_1234 = arith.constant 32 : i32
        %add3A_1235 = arith.addi %add3A_1234, %scan3A_1225 : i32
        %get3A_1236 = arith.constant 1 : i32
        %get3A_1237 = arith.index_cast %get3A_1236 : i32 to index
        %get3A_1238 = arith.index_cast %add3A_1235 : i32 to index
        %get3A_1239 = arith.constant 0 : index
        %get3A_1240 = tpu.vector_load %arg6[%get3A_1237, %get3A_1238, %get3A_1239] {strides = array<i32>} : memref<2x128x128xf32, #tpu.memory_space<vmem>>, vector<1x1x16xf32>,
        %get3A_1241 = vector.shape_cast %get3A_1240 : vector<1x1x16xf32> to vector<16xf32>
        %add3A_1242 = arith.addf %scan3A_1226, %get3A_1241 : vector<16xf32>
        %add3A_1243 = arith.constant 32 : i32
        %add3A_1244 = arith.addi %add3A_1243, %scan3A_1225 : i32
        %get3A_1245 = arith.constant 1 : i32
        %get3A_1246 = arith.index_cast %get3A_1245 : i32 to index
        %get3A_1247 = arith.index_cast %add3A_1244 : i32 to index
        %get3A_1248 = arith.constant 16 : index
        %get3A_1249 = tpu.vector_load %arg6[%get3A_1246, %get3A_1247, %get3A_1248] {strides = array<i32>} : memref<2x128x128xf32, #tpu.memory_space<vmem>>, vector<1x1x16xf32>,
        %get3A_1250 = vector.shape_cast %get3A_1249 : vector<1x1x16xf32> to vector<16xf32>
        %add3A_1251 = arith.addf %scan3A_1227, %get3A_1250 : vector<16xf32>
        %add3A_1252 = arith.constant 32 : i32
        %add3A_1253 = arith.addi %add3A_1252, %scan3A_1225 : i32
        %get3A_1254 = arith.constant 1 : i32
        %get3A_1255 = arith.index_cast %get3A_1254 : i32 to index
        %get3A_1256 = arith.index_cast %add3A_1253 : i32 to index
        %get3A_1257 = arith.constant 32 : index
        %get3A_1258 = tpu.vector_load %arg6[%get3A_1255, %get3A_1256, %get3A_1257] {strides = array<i32>} : memref<2x128x128xf32, #tpu.memory_space<vmem>>, vector<1x1x16xf32>,
        %get3A_1259 = vector.shape_cast %get3A_1258 : vector<1x1x16xf32> to vector<16xf32>
        %add3A_1260 = arith.addf %scan3A_1228, %get3A_1259 : vector<16xf32>
        %add3A_1261 = arith.constant 32 : i32
        %add3A_1262 = arith.addi %add3A_1261, %scan3A_1225 : i32
        %get3A_1263 = arith.constant 1 : i32
        %get3A_1264 = arith.index_cast %get3A_1263 : i32 to index
        %get3A_1265 = arith.index_cast %add3A_1262 : i32 to index
        %get3A_1266 = arith.constant 48 : index
        %get3A_1267 = tpu.vector_load %arg6[%get3A_1264, %get3A_1265, %get3A_1266] {strides = array<i32>} : memref<2x128x128xf32, #tpu.memory_space<vmem>>, vector<1x1x16xf32>,
        %get3A_1268 = vector.shape_cast %get3A_1267 : vector<1x1x16xf32> to vector<16xf32>
        %add3A_1269 = arith.addf %scan3A_1229, %get3A_1268 : vector<16xf32>
        %add3A_1270 = arith.constant 32 : i32
        %add3A_1271 = arith.addi %add3A_1270, %scan3A_1225 : i32
        %get3A_1272 = arith.constant 1 : i32
        %get3A_1273 = arith.index_cast %get3A_1272 : i32 to index
        %get3A_1274 = arith.index_cast %add3A_1271 : i32 to index
        %get3A_1275 = arith.constant 64 : index
        %get3A_1276 = tpu.vector_load %arg6[%get3A_1273, %get3A_1274, %get3A_1275] {strides = array<i32>} : memref<2x128x128xf32, #tpu.memory_space<vmem>>, vector<1x1x16xf32>,
        %get3A_1277 = vector.shape_cast %get3A_1276 : vector<1x1x16xf32> to vector<16xf32>
        %add3A_1278 = arith.addf %scan3A_1230, %get3A_1277 : vector<16xf32>
        %add3A_1279 = arith.constant 32 : i32
        %add3A_1280 = arith.addi %add3A_1279, %scan3A_1225 : i32
        %get3A_1281 = arith.constant 1 : i32
        %get3A_1282 = arith.index_cast %get3A_1281 : i32 to index
        %get3A_1283 = arith.index_cast %add3A_1280 : i32 to index
        %get3A_1284 = arith.constant 80 : index
        %get3A_1285 = tpu.vector_load %arg6[%get3A_1282, %get3A_1283, %get3A_1284] {strides = array<i32>} : memref<2x128x128xf32, #tpu.memory_space<vmem>>, vector<1x1x16xf32>,
        %get3A_1286 = vector.shape_cast %get3A_1285 : vector<1x1x16xf32> to vector<16xf32>
        %add3A_1287 = arith.addf %scan3A_1231, %get3A_1286 : vector<16xf32>
        %add3A_1288 = arith.constant 32 : i32
        %add3A_1289 = arith.addi %add3A_1288, %scan3A_1225 : i32
        %get3A_1290 = arith.constant 1 : i32
        %get3A_1291 = arith.index_cast %get3A_1290 : i32 to index
        %get3A_1292 = arith.index_cast %add3A_1289 : i32 to index
        %get3A_1293 = arith.constant 96 : index
        %get3A_1294 = tpu.vector_load %arg6[%get3A_1291, %get3A_1292, %get3A_1293] {strides = array<i32>} : memref<2x128x128xf32, #tpu.memory_space<vmem>>, vector<1x1x16xf32>,
        %get3A_1295 = vector.shape_cast %get3A_1294 : vector<1x1x16xf32> to vector<16xf32>
        %add3A_1296 = arith.addf %scan3A_1232, %get3A_1295 : vector<16xf32>
        %add3A_1297 = arith.constant 32 : i32
        %add3A_1298 = arith.addi %add3A_1297, %scan3A_1225 : i32
        %get3A_1299 = arith.constant 1 : i32
        %get3A_1300 = arith.index_cast %get3A_1299 : i32 to index
        %get3A_1301 = arith.index_cast %add3A_1298 : i32 to index
        %get3A_1302 = arith.constant 112 : index
        %get3A_1303 = tpu.vector_load %arg6[%get3A_1300, %get3A_1301, %get3A_1302] {strides = array<i32>} : memref<2x128x128xf32, #tpu.memory_space<vmem>>, vector<1x1x16xf32>,
        %get3A_1304 = vector.shape_cast %get3A_1303 : vector<1x1x16xf32> to vector<16xf32>
        %add3A_1305 = arith.addf %scan3A_1233, %get3A_1304 : vector<16xf32>
        scf.yield %add3A_1242, %add3A_1251, %add3A_1260, %add3A_1269, %add3A_1278, %add3A_1287, %add3A_1296, %add3A_1305 : vector<16xf32>, vector<16xf32>, vector<16xf32>, vector<16xf32>, vector<16xf32>, vector<16xf32>, vector<16xf32>, vector<16xf32>
      }
      %scan3A_886 = arith.constant 31 : i32
      %swap3A_887 = arith.constant 1 : i32
      %swap3A_888 = arith.constant 1 : i32
      %swap3A_889 = arith.index_cast %swap3A_887 : i32 to index
      %swap3A_890 = arith.index_cast %swap3A_888 : i32 to index
      %swap3A_891 = arith.constant 0 : index
      %swap3A_892 = tpu.vector_load %arg7[%swap3A_889, %swap3A_890, %swap3A_891] {strides = array<i32>} : memref<2x4x128xf32, #tpu.memory_space<vmem>>, vector<1x1x16xf32>,
      %swap3A_893 = vector.shape_cast %swap3A_892 : vector<1x1x16xf32> to vector<16xf32>
      %swap3A_894 = vector.shape_cast %scan3A_885#0 : vector<16xf32> to vector<1x1x16xf32>
      tpu.vector_store %arg7[%swap3A_889, %swap3A_890, %swap3A_891], %swap3A_894 {strides = array<i32>} : memref<2x4x128xf32, #tpu.memory_space<vmem>>, vector<1x1x16xf32>,
      %swap3A_895 = arith.constant 1 : i32
      %swap3A_896 = arith.constant 1 : i32
      %swap3A_897 = arith.index_cast %swap3A_895 : i32 to index
      %swap3A_898 = arith.index_cast %swap3A_896 : i32 to index
      %swap3A_899 = arith.constant 16 : index
      %swap3A_900 = tpu.vector_load %arg7[%swap3A_897, %swap3A_898, %swap3A_899] {strides = array<i32>} : memref<2x4x128xf32, #tpu.memory_space<vmem>>, vector<1x1x16xf32>,
      %swap3A_901 = vector.shape_cast %swap3A_900 : vector<1x1x16xf32> to vector<16xf32>
      %swap3A_902 = vector.shape_cast %scan3A_885#1 : vector<16xf32> to vector<1x1x16xf32>
      tpu.vector_store %arg7[%swap3A_897, %swap3A_898, %swap3A_899], %swap3A_902 {strides = array<i32>} : memref<2x4x128xf32, #tpu.memory_space<vmem>>, vector<1x1x16xf32>,
      %swap3A_903 = arith.constant 1 : i32
      %swap3A_904 = arith.constant 1 : i32
      %swap3A_905 = arith.index_cast %swap3A_903 : i32 to index
      %swap3A_906 = arith.index_cast %swap3A_904 : i32 to index
      %swap3A_907 = arith.constant 32 : index
      %swap3A_908 = tpu.vector_load %arg7[%swap3A_905, %swap3A_906, %swap3A_907] {strides = array<i32>} : memref<2x4x128xf32, #tpu.memory_space<vmem>>, vector<1x1x16xf32>,
      %swap3A_909 = vector.shape_cast %swap3A_908 : vector<1x1x16xf32> to vector<16xf32>
      %swap3A_910 = vector.shape_cast %scan3A_885#2 : vector<16xf32> to vector<1x1x16xf32>
      tpu.vector_store %arg7[%swap3A_905, %swap3A_906, %swap3A_907], %swap3A_910 {strides = array<i32>} : memref<2x4x128xf32, #tpu.memory_space<vmem>>, vector<1x1x16xf32>,
      %swap3A_911 = arith.constant 1 : i32
      %swap3A_912 = arith.constant 1 : i32
      %swap3A_913 = arith.index_cast %swap3A_911 : i32 to index
      %swap3A_914 = arith.index_cast %swap3A_912 : i32 to index
      %swap3A_915 = arith.constant 48 : index
      %swap3A_916 = tpu.vector_load %arg7[%swap3A_913, %swap3A_914, %swap3A_915] {strides = array<i32>} : memref<2x4x128xf32, #tpu.memory_space<vmem>>, vector<1x1x16xf32>,
      %swap3A_917 = vector.shape_cast %swap3A_916 : vector<1x1x16xf32> to vector<16xf32>
      %swap3A_918 = vector.shape_cast %scan3A_885#3 : vector<16xf32> to vector<1x1x16xf32>
      tpu.vector_store %arg7[%swap3A_913, %swap3A_914, %swap3A_915], %swap3A_918 {strides = array<i32>} : memref<2x4x128xf32, #tpu.memory_space<vmem>>, vector<1x1x16xf32>,
      %swap3A_919 = arith.constant 1 : i32
      %swap3A_920 = arith.constant 1 : i32
      %swap3A_921 = arith.index_cast %swap3A_919 : i32 to index
      %swap3A_922 = arith.index_cast %swap3A_920 : i32 to index
      %swap3A_923 = arith.constant 64 : index
      %swap3A_924 = tpu.vector_load %arg7[%swap3A_921, %swap3A_922, %swap3A_923] {strides = array<i32>} : memref<2x4x128xf32, #tpu.memory_space<vmem>>, vector<1x1x16xf32>,
      %swap3A_925 = vector.shape_cast %swap3A_924 : vector<1x1x16xf32> to vector<16xf32>
      %swap3A_926 = vector.shape_cast %scan3A_885#4 : vector<16xf32> to vector<1x1x16xf32>
      tpu.vector_store %arg7[%swap3A_921, %swap3A_922, %swap3A_923], %swap3A_926 {strides = array<i32>} : memref<2x4x128xf32, #tpu.memory_space<vmem>>, vector<1x1x16xf32>,
      %swap3A_927 = arith.constant 1 : i32
      %swap3A_928 = arith.constant 1 : i32
      %swap3A_929 = arith.index_cast %swap3A_927 : i32 to index
      %swap3A_930 = arith.index_cast %swap3A_928 : i32 to index
      %swap3A_931 = arith.constant 80 : index
      %swap3A_932 = tpu.vector_load %arg7[%swap3A_929, %swap3A_930, %swap3A_931] {strides = array<i32>} : memref<2x4x128xf32, #tpu.memory_space<vmem>>, vector<1x1x16xf32>,
      %swap3A_933 = vector.shape_cast %swap3A_932 : vector<1x1x16xf32> to vector<16xf32>
      %swap3A_934 = vector.shape_cast %scan3A_885#5 : vector<16xf32> to vector<1x1x16xf32>
      tpu.vector_store %arg7[%swap3A_929, %swap3A_930, %swap3A_931], %swap3A_934 {strides = array<i32>} : memref<2x4x128xf32, #tpu.memory_space<vmem>>, vector<1x1x16xf32>,
      %swap3A_935 = arith.constant 1 : i32
      %swap3A_936 = arith.constant 1 : i32
      %swap3A_937 = arith.index_cast %swap3A_935 : i32 to index
      %swap3A_938 = arith.index_cast %swap3A_936 : i32 to index
      %swap3A_939 = arith.constant 96 : index
      %swap3A_940 = tpu.vector_load %arg7[%swap3A_937, %swap3A_938, %swap3A_939] {strides = array<i32>} : memref<2x4x128xf32, #tpu.memory_space<vmem>>, vector<1x1x16xf32>,
      %swap3A_941 = vector.shape_cast %swap3A_940 : vector<1x1x16xf32> to vector<16xf32>
      %swap3A_942 = vector.shape_cast %scan3A_885#6 : vector<16xf32> to vector<1x1x16xf32>
      tpu.vector_store %arg7[%swap3A_937, %swap3A_938, %swap3A_939], %swap3A_942 {strides = array<i32>} : memref<2x4x128xf32, #tpu.memory_space<vmem>>, vector<1x1x16xf32>,
      %swap3A_943 = arith.constant 1 : i32
      %swap3A_944 = arith.constant 1 : i32
      %swap3A_945 = arith.index_cast %swap3A_943 : i32 to index
      %swap3A_946 = arith.index_cast %swap3A_944 : i32 to index
      %swap3A_947 = arith.constant 112 : index
      %swap3A_948 = tpu.vector_load %arg7[%swap3A_945, %swap3A_946, %swap3A_947] {strides = array<i32>} : memref<2x4x128xf32, #tpu.memory_space<vmem>>, vector<1x1x16xf32>,
      %swap3A_949 = vector.shape_cast %swap3A_948 : vector<1x1x16xf32> to vector<16xf32>
      %swap3A_950 = vector.shape_cast %scan3A_885#7 : vector<16xf32> to vector<1x1x16xf32>
      tpu.vector_store %arg7[%swap3A_945, %swap3A_946, %swap3A_947], %swap3A_950 {strides = array<i32>} : memref<2x4x128xf32, #tpu.memory_space<vmem>>, vector<1x1x16xf32>,
      %get3A_951 = arith.constant 1 : i32
      %get3A_952 = arith.constant 64 : i32
      %get3A_953 = arith.index_cast %get3A_951 : i32 to index
      %get3A_954 = arith.index_cast %get3A_952 : i32 to index
      %get3A_955 = arith.constant 0 : index
      %get3A_956 = tpu.vector_load %arg6[%get3A_953, %get3A_954, %get3A_955] {strides = array<i32>} : memref<2x128x128xf32, #tpu.memory_space<vmem>>, vector<1x1x16xf32>,
      %get3A_957 = vector.shape_cast %get3A_956 : vector<1x1x16xf32> to vector<16xf32>
      %get3A_958 = arith.constant 1 : i32
      %get3A_959 = arith.constant 64 : i32
      %get3A_960 = arith.index_cast %get3A_958 : i32 to index
      %get3A_961 = arith.index_cast %get3A_959 : i32 to index
      %get3A_962 = arith.constant 16 : index
      %get3A_963 = tpu.vector_load %arg6[%get3A_960, %get3A_961, %get3A_962] {strides = array<i32>} : memref<2x128x128xf32, #tpu.memory_space<vmem>>, vector<1x1x16xf32>,
      %get3A_964 = vector.shape_cast %get3A_963 : vector<1x1x16xf32> to vector<16xf32>
      %get3A_965 = arith.constant 1 : i32
      %get3A_966 = arith.constant 64 : i32
      %get3A_967 = arith.index_cast %get3A_965 : i32 to index
      %get3A_968 = arith.index_cast %get3A_966 : i32 to index
      %get3A_969 = arith.constant 32 : index
      %get3A_970 = tpu.vector_load %arg6[%get3A_967, %get3A_968, %get3A_969] {strides = array<i32>} : memref<2x128x128xf32, #tpu.memory_space<vmem>>, vector<1x1x16xf32>,
      %get3A_971 = vector.shape_cast %get3A_970 : vector<1x1x16xf32> to vector<16xf32>
      %get3A_972 = arith.constant 1 : i32
      %get3A_973 = arith.constant 64 : i32
      %get3A_974 = arith.index_cast %get3A_972 : i32 to index
      %get3A_975 = arith.index_cast %get3A_973 : i32 to index
      %get3A_976 = arith.constant 48 : index
      %get3A_977 = tpu.vector_load %arg6[%get3A_974, %get3A_975, %get3A_976] {strides = array<i32>} : memref<2x128x128xf32, #tpu.memory_space<vmem>>, vector<1x1x16xf32>,
      %get3A_978 = vector.shape_cast %get3A_977 : vector<1x1x16xf32> to vector<16xf32>
      %get3A_979 = arith.constant 1 : i32
      %get3A_980 = arith.constant 64 : i32
      %get3A_981 = arith.index_cast %get3A_979 : i32 to index
      %get3A_982 = arith.index_cast %get3A_980 : i32 to index
      %get3A_983 = arith.constant 64 : index
      %get3A_984 = tpu.vector_load %arg6[%get3A_981, %get3A_982, %get3A_983] {strides = array<i32>} : memref<2x128x128xf32, #tpu.memory_space<vmem>>, vector<1x1x16xf32>,
      %get3A_985 = vector.shape_cast %get3A_984 : vector<1x1x16xf32> to vector<16xf32>
      %get3A_986 = arith.constant 1 : i32
      %get3A_987 = arith.constant 64 : i32
      %get3A_988 = arith.index_cast %get3A_986 : i32 to index
      %get3A_989 = arith.index_cast %get3A_987 : i32 to index
      %get3A_990 = arith.constant 80 : index
      %get3A_991 = tpu.vector_load %arg6[%get3A_988, %get3A_989, %get3A_990] {strides = array<i32>} : memref<2x128x128xf32, #tpu.memory_space<vmem>>, vector<1x1x16xf32>,
      %get3A_992 = vector.shape_cast %get3A_991 : vector<1x1x16xf32> to vector<16xf32>
      %get3A_993 = arith.constant 1 : i32
      %get3A_994 = arith.constant 64 : i32
      %get3A_995 = arith.index_cast %get3A_993 : i32 to index
      %get3A_996 = arith.index_cast %get3A_994 : i32 to index
      %get3A_997 = arith.constant 96 : index
      %get3A_998 = tpu.vector_load %arg6[%get3A_995, %get3A_996, %get3A_997] {strides = array<i32>} : memref<2x128x128xf32, #tpu.memory_space<vmem>>, vector<1x1x16xf32>,
      %get3A_999 = vector.shape_cast %get3A_998 : vector<1x1x16xf32> to vector<16xf32>
      %get3A_1000 = arith.constant 1 : i32
      %get3A_1001 = arith.constant 64 : i32
      %get3A_1002 = arith.index_cast %get3A_1000 : i32 to index
      %get3A_1003 = arith.index_cast %get3A_1001 : i32 to index
      %get3A_1004 = arith.constant 112 : index
      %get3A_1005 = tpu.vector_load %arg6[%get3A_1002, %get3A_1003, %get3A_1004] {strides = array<i32>} : memref<2x128x128xf32, #tpu.memory_space<vmem>>, vector<1x1x16xf32>,
      %get3A_1006 = vector.shape_cast %get3A_1005 : vector<1x1x16xf32> to vector<16xf32>
      %scan3A_1007 = arith.constant 1 : i32
      %scan3A_1008 = arith.constant 31 : i32
      %scan3A_1009 = arith.addi %scan3A_1007, %scan3A_1008 : i32
      %scan3A_1010 = arith.constant 1 : i32
      %scan3A_1011:8 = scf.for %scan3A_1225 = %scan3A_1007 to %scan3A_1009 step %scan3A_1010 iter_args(%scan3A_1226 = %get3A_957, %scan3A_1227 = %get3A_964, %scan3A_1228 = %get3A_971, %scan3A_1229 = %get3A_978, %scan3A_1230 = %get3A_985, %scan3A_1231 = %get3A_992, %scan3A_1232 = %get3A_999, %scan3A_1233 = %get3A_1006) -> (vector<16xf32>, vector<16xf32>, vector<16xf32>, vector<16xf32>, vector<16xf32>, vector<16xf32>, vector<16xf32>, vector<16xf32>)  : i32 {
        %add3A_1234 = arith.constant 64 : i32
        %add3A_1235 = arith.addi %add3A_1234, %scan3A_1225 : i32
        %get3A_1236 = arith.constant 1 : i32
        %get3A_1237 = arith.index_cast %get3A_1236 : i32 to index
        %get3A_1238 = arith.index_cast %add3A_1235 : i32 to index
        %get3A_1239 = arith.constant 0 : index
        %get3A_1240 = tpu.vector_load %arg6[%get3A_1237, %get3A_1238, %get3A_1239] {strides = array<i32>} : memref<2x128x128xf32, #tpu.memory_space<vmem>>, vector<1x1x16xf32>,
        %get3A_1241 = vector.shape_cast %get3A_1240 : vector<1x1x16xf32> to vector<16xf32>
        %add3A_1242 = arith.addf %scan3A_1226, %get3A_1241 : vector<16xf32>
        %add3A_1243 = arith.constant 64 : i32
        %add3A_1244 = arith.addi %add3A_1243, %scan3A_1225 : i32
        %get3A_1245 = arith.constant 1 : i32
        %get3A_1246 = arith.index_cast %get3A_1245 : i32 to index
        %get3A_1247 = arith.index_cast %add3A_1244 : i32 to index
        %get3A_1248 = arith.constant 16 : index
        %get3A_1249 = tpu.vector_load %arg6[%get3A_1246, %get3A_1247, %get3A_1248] {strides = array<i32>} : memref<2x128x128xf32, #tpu.memory_space<vmem>>, vector<1x1x16xf32>,
        %get3A_1250 = vector.shape_cast %get3A_1249 : vector<1x1x16xf32> to vector<16xf32>
        %add3A_1251 = arith.addf %scan3A_1227, %get3A_1250 : vector<16xf32>
        %add3A_1252 = arith.constant 64 : i32
        %add3A_1253 = arith.addi %add3A_1252, %scan3A_1225 : i32
        %get3A_1254 = arith.constant 1 : i32
        %get3A_1255 = arith.index_cast %get3A_1254 : i32 to index
        %get3A_1256 = arith.index_cast %add3A_1253 : i32 to index
        %get3A_1257 = arith.constant 32 : index
        %get3A_1258 = tpu.vector_load %arg6[%get3A_1255, %get3A_1256, %get3A_1257] {strides = array<i32>} : memref<2x128x128xf32, #tpu.memory_space<vmem>>, vector<1x1x16xf32>,
        %get3A_1259 = vector.shape_cast %get3A_1258 : vector<1x1x16xf32> to vector<16xf32>
        %add3A_1260 = arith.addf %scan3A_1228, %get3A_1259 : vector<16xf32>
        %add3A_1261 = arith.constant 64 : i32
        %add3A_1262 = arith.addi %add3A_1261, %scan3A_1225 : i32
        %get3A_1263 = arith.constant 1 : i32
        %get3A_1264 = arith.index_cast %get3A_1263 : i32 to index
        %get3A_1265 = arith.index_cast %add3A_1262 : i32 to index
        %get3A_1266 = arith.constant 48 : index
        %get3A_1267 = tpu.vector_load %arg6[%get3A_1264, %get3A_1265, %get3A_1266] {strides = array<i32>} : memref<2x128x128xf32, #tpu.memory_space<vmem>>, vector<1x1x16xf32>,
        %get3A_1268 = vector.shape_cast %get3A_1267 : vector<1x1x16xf32> to vector<16xf32>
        %add3A_1269 = arith.addf %scan3A_1229, %get3A_1268 : vector<16xf32>
        %add3A_1270 = arith.constant 64 : i32
        %add3A_1271 = arith.addi %add3A_1270, %scan3A_1225 : i32
        %get3A_1272 = arith.constant 1 : i32
        %get3A_1273 = arith.index_cast %get3A_1272 : i32 to index
        %get3A_1274 = arith.index_cast %add3A_1271 : i32 to index
        %get3A_1275 = arith.constant 64 : index
        %get3A_1276 = tpu.vector_load %arg6[%get3A_1273, %get3A_1274, %get3A_1275] {strides = array<i32>} : memref<2x128x128xf32, #tpu.memory_space<vmem>>, vector<1x1x16xf32>,
        %get3A_1277 = vector.shape_cast %get3A_1276 : vector<1x1x16xf32> to vector<16xf32>
        %add3A_1278 = arith.addf %scan3A_1230, %get3A_1277 : vector<16xf32>
        %add3A_1279 = arith.constant 64 : i32
        %add3A_1280 = arith.addi %add3A_1279, %scan3A_1225 : i32
        %get3A_1281 = arith.constant 1 : i32
        %get3A_1282 = arith.index_cast %get3A_1281 : i32 to index
        %get3A_1283 = arith.index_cast %add3A_1280 : i32 to index
        %get3A_1284 = arith.constant 80 : index
        %get3A_1285 = tpu.vector_load %arg6[%get3A_1282, %get3A_1283, %get3A_1284] {strides = array<i32>} : memref<2x128x128xf32, #tpu.memory_space<vmem>>, vector<1x1x16xf32>,
        %get3A_1286 = vector.shape_cast %get3A_1285 : vector<1x1x16xf32> to vector<16xf32>
        %add3A_1287 = arith.addf %scan3A_1231, %get3A_1286 : vector<16xf32>
        %add3A_1288 = arith.constant 64 : i32
        %add3A_1289 = arith.addi %add3A_1288, %scan3A_1225 : i32
        %get3A_1290 = arith.constant 1 : i32
        %get3A_1291 = arith.index_cast %get3A_1290 : i32 to index
        %get3A_1292 = arith.index_cast %add3A_1289 : i32 to index
        %get3A_1293 = arith.constant 96 : index
        %get3A_1294 = tpu.vector_load %arg6[%get3A_1291, %get3A_1292, %get3A_1293] {strides = array<i32>} : memref<2x128x128xf32, #tpu.memory_space<vmem>>, vector<1x1x16xf32>,
        %get3A_1295 = vector.shape_cast %get3A_1294 : vector<1x1x16xf32> to vector<16xf32>
        %add3A_1296 = arith.addf %scan3A_1232, %get3A_1295 : vector<16xf32>
        %add3A_1297 = arith.constant 64 : i32
        %add3A_1298 = arith.addi %add3A_1297, %scan3A_1225 : i32
        %get3A_1299 = arith.constant 1 : i32
        %get3A_1300 = arith.index_cast %get3A_1299 : i32 to index
        %get3A_1301 = arith.index_cast %add3A_1298 : i32 to index
        %get3A_1302 = arith.constant 112 : index
        %get3A_1303 = tpu.vector_load %arg6[%get3A_1300, %get3A_1301, %get3A_1302] {strides = array<i32>} : memref<2x128x128xf32, #tpu.memory_space<vmem>>, vector<1x1x16xf32>,
        %get3A_1304 = vector.shape_cast %get3A_1303 : vector<1x1x16xf32> to vector<16xf32>
        %add3A_1305 = arith.addf %scan3A_1233, %get3A_1304 : vector<16xf32>
        scf.yield %add3A_1242, %add3A_1251, %add3A_1260, %add3A_1269, %add3A_1278, %add3A_1287, %add3A_1296, %add3A_1305 : vector<16xf32>, vector<16xf32>, vector<16xf32>, vector<16xf32>, vector<16xf32>, vector<16xf32>, vector<16xf32>, vector<16xf32>
      }
      %scan3A_1012 = arith.constant 31 : i32
      %swap3A_1013 = arith.constant 1 : i32
      %swap3A_1014 = arith.constant 2 : i32
      %swap3A_1015 = arith.index_cast %swap3A_1013 : i32 to index
      %swap3A_1016 = arith.index_cast %swap3A_1014 : i32 to index
      %swap3A_1017 = arith.constant 0 : index
      %swap3A_1018 = tpu.vector_load %arg7[%swap3A_1015, %swap3A_1016, %swap3A_1017] {strides = array<i32>} : memref<2x4x128xf32, #tpu.memory_space<vmem>>, vector<1x1x16xf32>,
      %swap3A_1019 = vector.shape_cast %swap3A_1018 : vector<1x1x16xf32> to vector<16xf32>
      %swap3A_1020 = vector.shape_cast %scan3A_1011#0 : vector<16xf32> to vector<1x1x16xf32>
      tpu.vector_store %arg7[%swap3A_1015, %swap3A_1016, %swap3A_1017], %swap3A_1020 {strides = array<i32>} : memref<2x4x128xf32, #tpu.memory_space<vmem>>, vector<1x1x16xf32>,
      %swap3A_1021 = arith.constant 1 : i32
      %swap3A_1022 = arith.constant 2 : i32
      %swap3A_1023 = arith.index_cast %swap3A_1021 : i32 to index
      %swap3A_1024 = arith.index_cast %swap3A_1022 : i32 to index
      %swap3A_1025 = arith.constant 16 : index
      %swap3A_1026 = tpu.vector_load %arg7[%swap3A_1023, %swap3A_1024, %swap3A_1025] {strides = array<i32>} : memref<2x4x128xf32, #tpu.memory_space<vmem>>, vector<1x1x16xf32>,
      %swap3A_1027 = vector.shape_cast %swap3A_1026 : vector<1x1x16xf32> to vector<16xf32>
      %swap3A_1028 = vector.shape_cast %scan3A_1011#1 : vector<16xf32> to vector<1x1x16xf32>
      tpu.vector_store %arg7[%swap3A_1023, %swap3A_1024, %swap3A_1025], %swap3A_1028 {strides = array<i32>} : memref<2x4x128xf32, #tpu.memory_space<vmem>>, vector<1x1x16xf32>,
      %swap3A_1029 = arith.constant 1 : i32
      %swap3A_1030 = arith.constant 2 : i32
      %swap3A_1031 = arith.index_cast %swap3A_1029 : i32 to index
      %swap3A_1032 = arith.index_cast %swap3A_1030 : i32 to index
      %swap3A_1033 = arith.constant 32 : index
      %swap3A_1034 = tpu.vector_load %arg7[%swap3A_1031, %swap3A_1032, %swap3A_1033] {strides = array<i32>} : memref<2x4x128xf32, #tpu.memory_space<vmem>>, vector<1x1x16xf32>,
      %swap3A_1035 = vector.shape_cast %swap3A_1034 : vector<1x1x16xf32> to vector<16xf32>
      %swap3A_1036 = vector.shape_cast %scan3A_1011#2 : vector<16xf32> to vector<1x1x16xf32>
      tpu.vector_store %arg7[%swap3A_1031, %swap3A_1032, %swap3A_1033], %swap3A_1036 {strides = array<i32>} : memref<2x4x128xf32, #tpu.memory_space<vmem>>, vector<1x1x16xf32>,
      %swap3A_1037 = arith.constant 1 : i32
      %swap3A_1038 = arith.constant 2 : i32
      %swap3A_1039 = arith.index_cast %swap3A_1037 : i32 to index
      %swap3A_1040 = arith.index_cast %swap3A_1038 : i32 to index
      %swap3A_1041 = arith.constant 48 : index
      %swap3A_1042 = tpu.vector_load %arg7[%swap3A_1039, %swap3A_1040, %swap3A_1041] {strides = array<i32>} : memref<2x4x128xf32, #tpu.memory_space<vmem>>, vector<1x1x16xf32>,
      %swap3A_1043 = vector.shape_cast %swap3A_1042 : vector<1x1x16xf32> to vector<16xf32>
      %swap3A_1044 = vector.shape_cast %scan3A_1011#3 : vector<16xf32> to vector<1x1x16xf32>
      tpu.vector_store %arg7[%swap3A_1039, %swap3A_1040, %swap3A_1041], %swap3A_1044 {strides = array<i32>} : memref<2x4x128xf32, #tpu.memory_space<vmem>>, vector<1x1x16xf32>,
      %swap3A_1045 = arith.constant 1 : i32
      %swap3A_1046 = arith.constant 2 : i32
      %swap3A_1047 = arith.index_cast %swap3A_1045 : i32 to index
      %swap3A_1048 = arith.index_cast %swap3A_1046 : i32 to index
      %swap3A_1049 = arith.constant 64 : index
      %swap3A_1050 = tpu.vector_load %arg7[%swap3A_1047, %swap3A_1048, %swap3A_1049] {strides = array<i32>} : memref<2x4x128xf32, #tpu.memory_space<vmem>>, vector<1x1x16xf32>,
      %swap3A_1051 = vector.shape_cast %swap3A_1050 : vector<1x1x16xf32> to vector<16xf32>
      %swap3A_1052 = vector.shape_cast %scan3A_1011#4 : vector<16xf32> to vector<1x1x16xf32>
      tpu.vector_store %arg7[%swap3A_1047, %swap3A_1048, %swap3A_1049], %swap3A_1052 {strides = array<i32>} : memref<2x4x128xf32, #tpu.memory_space<vmem>>, vector<1x1x16xf32>,
      %swap3A_1053 = arith.constant 1 : i32
      %swap3A_1054 = arith.constant 2 : i32
      %swap3A_1055 = arith.index_cast %swap3A_1053 : i32 to index
      %swap3A_1056 = arith.index_cast %swap3A_1054 : i32 to index
      %swap3A_1057 = arith.constant 80 : index
      %swap3A_1058 = tpu.vector_load %arg7[%swap3A_1055, %swap3A_1056, %swap3A_1057] {strides = array<i32>} : memref<2x4x128xf32, #tpu.memory_space<vmem>>, vector<1x1x16xf32>,
      %swap3A_1059 = vector.shape_cast %swap3A_1058 : vector<1x1x16xf32> to vector<16xf32>
      %swap3A_1060 = vector.shape_cast %scan3A_1011#5 : vector<16xf32> to vector<1x1x16xf32>
      tpu.vector_store %arg7[%swap3A_1055, %swap3A_1056, %swap3A_1057], %swap3A_1060 {strides = array<i32>} : memref<2x4x128xf32, #tpu.memory_space<vmem>>, vector<1x1x16xf32>,
      %swap3A_1061 = arith.constant 1 : i32
      %swap3A_1062 = arith.constant 2 : i32
      %swap3A_1063 = arith.index_cast %swap3A_1061 : i32 to index
      %swap3A_1064 = arith.index_cast %swap3A_1062 : i32 to index
      %swap3A_1065 = arith.constant 96 : index
      %swap3A_1066 = tpu.vector_load %arg7[%swap3A_1063, %swap3A_1064, %swap3A_1065] {strides = array<i32>} : memref<2x4x128xf32, #tpu.memory_space<vmem>>, vector<1x1x16xf32>,
      %swap3A_1067 = vector.shape_cast %swap3A_1066 : vector<1x1x16xf32> to vector<16xf32>
      %swap3A_1068 = vector.shape_cast %scan3A_1011#6 : vector<16xf32> to vector<1x1x16xf32>
      tpu.vector_store %arg7[%swap3A_1063, %swap3A_1064, %swap3A_1065], %swap3A_1068 {strides = array<i32>} : memref<2x4x128xf32, #tpu.memory_space<vmem>>, vector<1x1x16xf32>,
      %swap3A_1069 = arith.constant 1 : i32
      %swap3A_1070 = arith.constant 2 : i32
      %swap3A_1071 = arith.index_cast %swap3A_1069 : i32 to index
      %swap3A_1072 = arith.index_cast %swap3A_1070 : i32 to index
      %swap3A_1073 = arith.constant 112 : index
      %swap3A_1074 = tpu.vector_load %arg7[%swap3A_1071, %swap3A_1072, %swap3A_1073] {strides = array<i32>} : memref<2x4x128xf32, #tpu.memory_space<vmem>>, vector<1x1x16xf32>,
      %swap3A_1075 = vector.shape_cast %swap3A_1074 : vector<1x1x16xf32> to vector<16xf32>
      %swap3A_1076 = vector.shape_cast %scan3A_1011#7 : vector<16xf32> to vector<1x1x16xf32>
      tpu.vector_store %arg7[%swap3A_1071, %swap3A_1072, %swap3A_1073], %swap3A_1076 {strides = array<i32>} : memref<2x4x128xf32, #tpu.memory_space<vmem>>, vector<1x1x16xf32>,
      %get3A_1077 = arith.constant 1 : i32
      %get3A_1078 = arith.constant 96 : i32
      %get3A_1079 = arith.index_cast %get3A_1077 : i32 to index
      %get3A_1080 = arith.index_cast %get3A_1078 : i32 to index
      %get3A_1081 = arith.constant 0 : index
      %get3A_1082 = tpu.vector_load %arg6[%get3A_1079, %get3A_1080, %get3A_1081] {strides = array<i32>} : memref<2x128x128xf32, #tpu.memory_space<vmem>>, vector<1x1x16xf32>,
      %get3A_1083 = vector.shape_cast %get3A_1082 : vector<1x1x16xf32> to vector<16xf32>
      %get3A_1084 = arith.constant 1 : i32
      %get3A_1085 = arith.constant 96 : i32
      %get3A_1086 = arith.index_cast %get3A_1084 : i32 to index
      %get3A_1087 = arith.index_cast %get3A_1085 : i32 to index
      %get3A_1088 = arith.constant 16 : index
      %get3A_1089 = tpu.vector_load %arg6[%get3A_1086, %get3A_1087, %get3A_1088] {strides = array<i32>} : memref<2x128x128xf32, #tpu.memory_space<vmem>>, vector<1x1x16xf32>,
      %get3A_1090 = vector.shape_cast %get3A_1089 : vector<1x1x16xf32> to vector<16xf32>
      %get3A_1091 = arith.constant 1 : i32
      %get3A_1092 = arith.constant 96 : i32
      %get3A_1093 = arith.index_cast %get3A_1091 : i32 to index
      %get3A_1094 = arith.index_cast %get3A_1092 : i32 to index
      %get3A_1095 = arith.constant 32 : index
      %get3A_1096 = tpu.vector_load %arg6[%get3A_1093, %get3A_1094, %get3A_1095] {strides = array<i32>} : memref<2x128x128xf32, #tpu.memory_space<vmem>>, vector<1x1x16xf32>,
      %get3A_1097 = vector.shape_cast %get3A_1096 : vector<1x1x16xf32> to vector<16xf32>
      %get3A_1098 = arith.constant 1 : i32
      %get3A_1099 = arith.constant 96 : i32
      %get3A_1100 = arith.index_cast %get3A_1098 : i32 to index
      %get3A_1101 = arith.index_cast %get3A_1099 : i32 to index
      %get3A_1102 = arith.constant 48 : index
      %get3A_1103 = tpu.vector_load %arg6[%get3A_1100, %get3A_1101, %get3A_1102] {strides = array<i32>} : memref<2x128x128xf32, #tpu.memory_space<vmem>>, vector<1x1x16xf32>,
      %get3A_1104 = vector.shape_cast %get3A_1103 : vector<1x1x16xf32> to vector<16xf32>
      %get3A_1105 = arith.constant 1 : i32
      %get3A_1106 = arith.constant 96 : i32
      %get3A_1107 = arith.index_cast %get3A_1105 : i32 to index
      %get3A_1108 = arith.index_cast %get3A_1106 : i32 to index
      %get3A_1109 = arith.constant 64 : index
      %get3A_1110 = tpu.vector_load %arg6[%get3A_1107, %get3A_1108, %get3A_1109] {strides = array<i32>} : memref<2x128x128xf32, #tpu.memory_space<vmem>>, vector<1x1x16xf32>,
      %get3A_1111 = vector.shape_cast %get3A_1110 : vector<1x1x16xf32> to vector<16xf32>
      %get3A_1112 = arith.constant 1 : i32
      %get3A_1113 = arith.constant 96 : i32
      %get3A_1114 = arith.index_cast %get3A_1112 : i32 to index
      %get3A_1115 = arith.index_cast %get3A_1113 : i32 to index
      %get3A_1116 = arith.constant 80 : index
      %get3A_1117 = tpu.vector_load %arg6[%get3A_1114, %get3A_1115, %get3A_1116] {strides = array<i32>} : memref<2x128x128xf32, #tpu.memory_space<vmem>>, vector<1x1x16xf32>,
      %get3A_1118 = vector.shape_cast %get3A_1117 : vector<1x1x16xf32> to vector<16xf32>
      %get3A_1119 = arith.constant 1 : i32
      %get3A_1120 = arith.constant 96 : i32
      %get3A_1121 = arith.index_cast %get3A_1119 : i32 to index
      %get3A_1122 = arith.index_cast %get3A_1120 : i32 to index
      %get3A_1123 = arith.constant 96 : index
      %get3A_1124 = tpu.vector_load %arg6[%get3A_1121, %get3A_1122, %get3A_1123] {strides = array<i32>} : memref<2x128x128xf32, #tpu.memory_space<vmem>>, vector<1x1x16xf32>,
      %get3A_1125 = vector.shape_cast %get3A_1124 : vector<1x1x16xf32> to vector<16xf32>
      %get3A_1126 = arith.constant 1 : i32
      %get3A_1127 = arith.constant 96 : i32
      %get3A_1128 = arith.index_cast %get3A_1126 : i32 to index
      %get3A_1129 = arith.index_cast %get3A_1127 : i32 to index
      %get3A_1130 = arith.constant 112 : index
      %get3A_1131 = tpu.vector_load %arg6[%get3A_1128, %get3A_1129, %get3A_1130] {strides = array<i32>} : memref<2x128x128xf32, #tpu.memory_space<vmem>>, vector<1x1x16xf32>,
      %get3A_1132 = vector.shape_cast %get3A_1131 : vector<1x1x16xf32> to vector<16xf32>
      %scan3A_1133 = arith.constant 1 : i32
      %scan3A_1134 = arith.constant 31 : i32
      %scan3A_1135 = arith.addi %scan3A_1133, %scan3A_1134 : i32
      %scan3A_1136 = arith.constant 1 : i32
      %scan3A_1137:8 = scf.for %scan3A_1225 = %scan3A_1133 to %scan3A_1135 step %scan3A_1136 iter_args(%scan3A_1226 = %get3A_1083, %scan3A_1227 = %get3A_1090, %scan3A_1228 = %get3A_1097, %scan3A_1229 = %get3A_1104, %scan3A_1230 = %get3A_1111, %scan3A_1231 = %get3A_1118, %scan3A_1232 = %get3A_1125, %scan3A_1233 = %get3A_1132) -> (vector<16xf32>, vector<16xf32>, vector<16xf32>, vector<16xf32>, vector<16xf32>, vector<16xf32>, vector<16xf32>, vector<16xf32>)  : i32 {
        %add3A_1234 = arith.constant 96 : i32
        %add3A_1235 = arith.addi %add3A_1234, %scan3A_1225 : i32
        %get3A_1236 = arith.constant 1 : i32
        %get3A_1237 = arith.index_cast %get3A_1236 : i32 to index
        %get3A_1238 = arith.index_cast %add3A_1235 : i32 to index
        %get3A_1239 = arith.constant 0 : index
        %get3A_1240 = tpu.vector_load %arg6[%get3A_1237, %get3A_1238, %get3A_1239] {strides = array<i32>} : memref<2x128x128xf32, #tpu.memory_space<vmem>>, vector<1x1x16xf32>,
        %get3A_1241 = vector.shape_cast %get3A_1240 : vector<1x1x16xf32> to vector<16xf32>
        %add3A_1242 = arith.addf %scan3A_1226, %get3A_1241 : vector<16xf32>
        %add3A_1243 = arith.constant 96 : i32
        %add3A_1244 = arith.addi %add3A_1243, %scan3A_1225 : i32
        %get3A_1245 = arith.constant 1 : i32
        %get3A_1246 = arith.index_cast %get3A_1245 : i32 to index
        %get3A_1247 = arith.index_cast %add3A_1244 : i32 to index
        %get3A_1248 = arith.constant 16 : index
        %get3A_1249 = tpu.vector_load %arg6[%get3A_1246, %get3A_1247, %get3A_1248] {strides = array<i32>} : memref<2x128x128xf32, #tpu.memory_space<vmem>>, vector<1x1x16xf32>,
        %get3A_1250 = vector.shape_cast %get3A_1249 : vector<1x1x16xf32> to vector<16xf32>
        %add3A_1251 = arith.addf %scan3A_1227, %get3A_1250 : vector<16xf32>
        %add3A_1252 = arith.constant 96 : i32
        %add3A_1253 = arith.addi %add3A_1252, %scan3A_1225 : i32
        %get3A_1254 = arith.constant 1 : i32
        %get3A_1255 = arith.index_cast %get3A_1254 : i32 to index
        %get3A_1256 = arith.index_cast %add3A_1253 : i32 to index
        %get3A_1257 = arith.constant 32 : index
        %get3A_1258 = tpu.vector_load %arg6[%get3A_1255, %get3A_1256, %get3A_1257] {strides = array<i32>} : memref<2x128x128xf32, #tpu.memory_space<vmem>>, vector<1x1x16xf32>,
        %get3A_1259 = vector.shape_cast %get3A_1258 : vector<1x1x16xf32> to vector<16xf32>
        %add3A_1260 = arith.addf %scan3A_1228, %get3A_1259 : vector<16xf32>
        %add3A_1261 = arith.constant 96 : i32
        %add3A_1262 = arith.addi %add3A_1261, %scan3A_1225 : i32
        %get3A_1263 = arith.constant 1 : i32
        %get3A_1264 = arith.index_cast %get3A_1263 : i32 to index
        %get3A_1265 = arith.index_cast %add3A_1262 : i32 to index
        %get3A_1266 = arith.constant 48 : index
        %get3A_1267 = tpu.vector_load %arg6[%get3A_1264, %get3A_1265, %get3A_1266] {strides = array<i32>} : memref<2x128x128xf32, #tpu.memory_space<vmem>>, vector<1x1x16xf32>,
        %get3A_1268 = vector.shape_cast %get3A_1267 : vector<1x1x16xf32> to vector<16xf32>
        %add3A_1269 = arith.addf %scan3A_1229, %get3A_1268 : vector<16xf32>
        %add3A_1270 = arith.constant 96 : i32
        %add3A_1271 = arith.addi %add3A_1270, %scan3A_1225 : i32
        %get3A_1272 = arith.constant 1 : i32
        %get3A_1273 = arith.index_cast %get3A_1272 : i32 to index
        %get3A_1274 = arith.index_cast %add3A_1271 : i32 to index
        %get3A_1275 = arith.constant 64 : index
        %get3A_1276 = tpu.vector_load %arg6[%get3A_1273, %get3A_1274, %get3A_1275] {strides = array<i32>} : memref<2x128x128xf32, #tpu.memory_space<vmem>>, vector<1x1x16xf32>,
        %get3A_1277 = vector.shape_cast %get3A_1276 : vector<1x1x16xf32> to vector<16xf32>
        %add3A_1278 = arith.addf %scan3A_1230, %get3A_1277 : vector<16xf32>
        %add3A_1279 = arith.constant 96 : i32
        %add3A_1280 = arith.addi %add3A_1279, %scan3A_1225 : i32
        %get3A_1281 = arith.constant 1 : i32
        %get3A_1282 = arith.index_cast %get3A_1281 : i32 to index
        %get3A_1283 = arith.index_cast %add3A_1280 : i32 to index
        %get3A_1284 = arith.constant 80 : index
        %get3A_1285 = tpu.vector_load %arg6[%get3A_1282, %get3A_1283, %get3A_1284] {strides = array<i32>} : memref<2x128x128xf32, #tpu.memory_space<vmem>>, vector<1x1x16xf32>,
        %get3A_1286 = vector.shape_cast %get3A_1285 : vector<1x1x16xf32> to vector<16xf32>
        %add3A_1287 = arith.addf %scan3A_1231, %get3A_1286 : vector<16xf32>
        %add3A_1288 = arith.constant 96 : i32
        %add3A_1289 = arith.addi %add3A_1288, %scan3A_1225 : i32
        %get3A_1290 = arith.constant 1 : i32
        %get3A_1291 = arith.index_cast %get3A_1290 : i32 to index
        %get3A_1292 = arith.index_cast %add3A_1289 : i32 to index
        %get3A_1293 = arith.constant 96 : index
        %get3A_1294 = tpu.vector_load %arg6[%get3A_1291, %get3A_1292, %get3A_1293] {strides = array<i32>} : memref<2x128x128xf32, #tpu.memory_space<vmem>>, vector<1x1x16xf32>,
        %get3A_1295 = vector.shape_cast %get3A_1294 : vector<1x1x16xf32> to vector<16xf32>
        %add3A_1296 = arith.addf %scan3A_1232, %get3A_1295 : vector<16xf32>
        %add3A_1297 = arith.constant 96 : i32
        %add3A_1298 = arith.addi %add3A_1297, %scan3A_1225 : i32
        %get3A_1299 = arith.constant 1 : i32
        %get3A_1300 = arith.index_cast %get3A_1299 : i32 to index
        %get3A_1301 = arith.index_cast %add3A_1298 : i32 to index
        %get3A_1302 = arith.constant 112 : index
        %get3A_1303 = tpu.vector_load %arg6[%get3A_1300, %get3A_1301, %get3A_1302] {strides = array<i32>} : memref<2x128x128xf32, #tpu.memory_space<vmem>>, vector<1x1x16xf32>,
        %get3A_1304 = vector.shape_cast %get3A_1303 : vector<1x1x16xf32> to vector<16xf32>
        %add3A_1305 = arith.addf %scan3A_1233, %get3A_1304 : vector<16xf32>
        scf.yield %add3A_1242, %add3A_1251, %add3A_1260, %add3A_1269, %add3A_1278, %add3A_1287, %add3A_1296, %add3A_1305 : vector<16xf32>, vector<16xf32>, vector<16xf32>, vector<16xf32>, vector<16xf32>, vector<16xf32>, vector<16xf32>, vector<16xf32>
      }
      %scan3A_1138 = arith.constant 31 : i32
      %swap3A_1139 = arith.constant 1 : i32
      %swap3A_1140 = arith.constant 3 : i32
      %swap3A_1141 = arith.index_cast %swap3A_1139 : i32 to index
      %swap3A_1142 = arith.index_cast %swap3A_1140 : i32 to index
      %swap3A_1143 = arith.constant 0 : index
      %swap3A_1144 = tpu.vector_load %arg7[%swap3A_1141, %swap3A_1142, %swap3A_1143] {strides = array<i32>} : memref<2x4x128xf32, #tpu.memory_space<vmem>>, vector<1x1x16xf32>,
      %swap3A_1145 = vector.shape_cast %swap3A_1144 : vector<1x1x16xf32> to vector<16xf32>
      %swap3A_1146 = vector.shape_cast %scan3A_1137#0 : vector<16xf32> to vector<1x1x16xf32>
      tpu.vector_store %arg7[%swap3A_1141, %swap3A_1142, %swap3A_1143], %swap3A_1146 {strides = array<i32>} : memref<2x4x128xf32, #tpu.memory_space<vmem>>, vector<1x1x16xf32>,
      %swap3A_1147 = arith.constant 1 : i32
      %swap3A_1148 = arith.constant 3 : i32
      %swap3A_1149 = arith.index_cast %swap3A_1147 : i32 to index
      %swap3A_1150 = arith.index_cast %swap3A_1148 : i32 to index
      %swap3A_1151 = arith.constant 16 : index
      %swap3A_1152 = tpu.vector_load %arg7[%swap3A_1149, %swap3A_1150, %swap3A_1151] {strides = array<i32>} : memref<2x4x128xf32, #tpu.memory_space<vmem>>, vector<1x1x16xf32>,
      %swap3A_1153 = vector.shape_cast %swap3A_1152 : vector<1x1x16xf32> to vector<16xf32>
      %swap3A_1154 = vector.shape_cast %scan3A_1137#1 : vector<16xf32> to vector<1x1x16xf32>
      tpu.vector_store %arg7[%swap3A_1149, %swap3A_1150, %swap3A_1151], %swap3A_1154 {strides = array<i32>} : memref<2x4x128xf32, #tpu.memory_space<vmem>>, vector<1x1x16xf32>,
      %swap3A_1155 = arith.constant 1 : i32
      %swap3A_1156 = arith.constant 3 : i32
      %swap3A_1157 = arith.index_cast %swap3A_1155 : i32 to index
      %swap3A_1158 = arith.index_cast %swap3A_1156 : i32 to index
      %swap3A_1159 = arith.constant 32 : index
      %swap3A_1160 = tpu.vector_load %arg7[%swap3A_1157, %swap3A_1158, %swap3A_1159] {strides = array<i32>} : memref<2x4x128xf32, #tpu.memory_space<vmem>>, vector<1x1x16xf32>,
      %swap3A_1161 = vector.shape_cast %swap3A_1160 : vector<1x1x16xf32> to vector<16xf32>
      %swap3A_1162 = vector.shape_cast %scan3A_1137#2 : vector<16xf32> to vector<1x1x16xf32>
      tpu.vector_store %arg7[%swap3A_1157, %swap3A_1158, %swap3A_1159], %swap3A_1162 {strides = array<i32>} : memref<2x4x128xf32, #tpu.memory_space<vmem>>, vector<1x1x16xf32>,
      %swap3A_1163 = arith.constant 1 : i32
      %swap3A_1164 = arith.constant 3 : i32
      %swap3A_1165 = arith.index_cast %swap3A_1163 : i32 to index
      %swap3A_1166 = arith.index_cast %swap3A_1164 : i32 to index
      %swap3A_1167 = arith.constant 48 : index
      %swap3A_1168 = tpu.vector_load %arg7[%swap3A_1165, %swap3A_1166, %swap3A_1167] {strides = array<i32>} : memref<2x4x128xf32, #tpu.memory_space<vmem>>, vector<1x1x16xf32>,
      %swap3A_1169 = vector.shape_cast %swap3A_1168 : vector<1x1x16xf32> to vector<16xf32>
      %swap3A_1170 = vector.shape_cast %scan3A_1137#3 : vector<16xf32> to vector<1x1x16xf32>
      tpu.vector_store %arg7[%swap3A_1165, %swap3A_1166, %swap3A_1167], %swap3A_1170 {strides = array<i32>} : memref<2x4x128xf32, #tpu.memory_space<vmem>>, vector<1x1x16xf32>,
      %swap3A_1171 = arith.constant 1 : i32
      %swap3A_1172 = arith.constant 3 : i32
      %swap3A_1173 = arith.index_cast %swap3A_1171 : i32 to index
      %swap3A_1174 = arith.index_cast %swap3A_1172 : i32 to index
      %swap3A_1175 = arith.constant 64 : index
      %swap3A_1176 = tpu.vector_load %arg7[%swap3A_1173, %swap3A_1174, %swap3A_1175] {strides = array<i32>} : memref<2x4x128xf32, #tpu.memory_space<vmem>>, vector<1x1x16xf32>,
      %swap3A_1177 = vector.shape_cast %swap3A_1176 : vector<1x1x16xf32> to vector<16xf32>
      %swap3A_1178 = vector.shape_cast %scan3A_1137#4 : vector<16xf32> to vector<1x1x16xf32>
      tpu.vector_store %arg7[%swap3A_1173, %swap3A_1174, %swap3A_1175], %swap3A_1178 {strides = array<i32>} : memref<2x4x128xf32, #tpu.memory_space<vmem>>, vector<1x1x16xf32>,
      %swap3A_1179 = arith.constant 1 : i32
      %swap3A_1180 = arith.constant 3 : i32
      %swap3A_1181 = arith.index_cast %swap3A_1179 : i32 to index
      %swap3A_1182 = arith.index_cast %swap3A_1180 : i32 to index
      %swap3A_1183 = arith.constant 80 : index
      %swap3A_1184 = tpu.vector_load %arg7[%swap3A_1181, %swap3A_1182, %swap3A_1183] {strides = array<i32>} : memref<2x4x128xf32, #tpu.memory_space<vmem>>, vector<1x1x16xf32>,
      %swap3A_1185 = vector.shape_cast %swap3A_1184 : vector<1x1x16xf32> to vector<16xf32>
      %swap3A_1186 = vector.shape_cast %scan3A_1137#5 : vector<16xf32> to vector<1x1x16xf32>
      tpu.vector_store %arg7[%swap3A_1181, %swap3A_1182, %swap3A_1183], %swap3A_1186 {strides = array<i32>} : memref<2x4x128xf32, #tpu.memory_space<vmem>>, vector<1x1x16xf32>,
      %swap3A_1187 = arith.constant 1 : i32
      %swap3A_1188 = arith.constant 3 : i32
      %swap3A_1189 = arith.index_cast %swap3A_1187 : i32 to index
      %swap3A_1190 = arith.index_cast %swap3A_1188 : i32 to index
      %swap3A_1191 = arith.constant 96 : index
      %swap3A_1192 = tpu.vector_load %arg7[%swap3A_1189, %swap3A_1190, %swap3A_1191] {strides = array<i32>} : memref<2x4x128xf32, #tpu.memory_space<vmem>>, vector<1x1x16xf32>,
      %swap3A_1193 = vector.shape_cast %swap3A_1192 : vector<1x1x16xf32> to vector<16xf32>
      %swap3A_1194 = vector.shape_cast %scan3A_1137#6 : vector<16xf32> to vector<1x1x16xf32>
      tpu.vector_store %arg7[%swap3A_1189, %swap3A_1190, %swap3A_1191], %swap3A_1194 {strides = array<i32>} : memref<2x4x128xf32, #tpu.memory_space<vmem>>, vector<1x1x16xf32>,
      %swap3A_1195 = arith.constant 1 : i32
      %swap3A_1196 = arith.constant 3 : i32
      %swap3A_1197 = arith.index_cast %swap3A_1195 : i32 to index
      %swap3A_1198 = arith.index_cast %swap3A_1196 : i32 to index
      %swap3A_1199 = arith.constant 112 : index
      %swap3A_1200 = tpu.vector_load %arg7[%swap3A_1197, %swap3A_1198, %swap3A_1199] {strides = array<i32>} : memref<2x4x128xf32, #tpu.memory_space<vmem>>, vector<1x1x16xf32>,
      %swap3A_1201 = vector.shape_cast %swap3A_1200 : vector<1x1x16xf32> to vector<16xf32>
      %swap3A_1202 = vector.shape_cast %scan3A_1137#7 : vector<16xf32> to vector<1x1x16xf32>
      tpu.vector_store %arg7[%swap3A_1197, %swap3A_1198, %swap3A_1199], %swap3A_1202 {strides = array<i32>} : memref<2x4x128xf32, #tpu.memory_space<vmem>>, vector<1x1x16xf32>,
      %mul3A_1203 = arith.constant 4 : i32
      %mul3A_1204 = arith.muli %add3A_681, %mul3A_1203 : i32
      %add3A_1205 = arith.addi %mul3A_5, %mul3A_1204 : i32
      %dma_start3A_1206 = arith.constant 1 : i32
      %dma_start3A_1207 = arith.constant 0 : i32
      %dma_start3A_1208 = arith.constant 0 : i32
      %dma_start3A_1209 = tpu.memref_slice %arg7[%dma_start3A_1206, %dma_start3A_1207, %dma_start3A_1208] : memref<2x4x128xf32, #tpu.memory_space<vmem>> -> memref<1x4x128xf32, #tpu.memory_space<vmem>>
      %dma_start3A_1210 = tpu.memref_squeeze %dma_start3A_1209 : memref<1x4x128xf32, #tpu.memory_space<vmem>> -> memref<4x128xf32, #tpu.memory_space<vmem>>
      %dma_start3A_1211 = arith.constant 0 : i32
      %dma_start3A_1212 = tpu.memref_slice %arg4[%add3A_1205, %dma_start3A_1211] : memref<10000x128xf32, #tpu.memory_space<hbm>> -> memref<4x128xf32, #tpu.memory_space<hbm>>
      %dma_start3A_1213 = arith.constant 0 : i32
      %dma_start3A_1214 = tpu.memref_slice %arg4[%add3A_1205, %dma_start3A_1213] : memref<10000x128xf32, #tpu.memory_space<hbm>> -> memref<4x128xf32, #tpu.memory_space<hbm>>
      %dma_start3A_1215 = arith.constant 0 : i32
      %dma_start3A_1216 = arith.constant 0 : i32
      %dma_start3A_1217 = tpu.memref_slice %arg7[%dma_start3A_1206, %dma_start3A_1215, %dma_start3A_1216] : memref<2x4x128xf32, #tpu.memory_space<vmem>> -> memref<1x4x128xf32, #tpu.memory_space<vmem>>
      %dma_start3A_1218 = tpu.memref_squeeze %dma_start3A_1217 : memref<1x4x128xf32, #tpu.memory_space<vmem>> -> memref<4x128xf32, #tpu.memory_space<vmem>>
      tpu.enqueue_dma source(%dma_start3A_1218 : memref<4x128xf32, #tpu.memory_space<vmem>>) target(%dma_start3A_1214 : memref<4x128xf32, #tpu.memory_space<hbm>>) target_semaphore(%arg12 : memref<!tpu.dma_semaphore, #tpu.memory_space<semaphore_mem>>)
      %add3A_1219 = arith.constant 2 : i32
      %add3A_1220 = arith.addi %add3A_681, %add3A_1219 : i32
      %lt3A_1221 = arith.cmpi slt, %add3A_1220, %select_n3A : i32
      %convert_element_type3A_1222 = arith.extui %lt3A_1221 : i1 to i32
      %cond3A_1223 = arith.constant 0 : i32
      %cond3A_1224 = arith.cmpi ne, %convert_element_type3A_1222, %cond3A_1223 : i32
      scf.if %cond3A_1224 {
        %add3A_1225 = arith.constant 2 : i32
        %add3A_1226 = arith.addi %add3A_681, %add3A_1225 : i32
        %mul3A_1227 = arith.constant 128 : i32
        %mul3A_1228 = arith.muli %add3A_1226, %mul3A_1227 : i32
        %add3A_1229 = arith.addi %sub3A_32, %mul3A_1228 : i32
        %dma_start3A_1230 = arith.constant 1 : i32
        %dma_start3A_1231 = arith.constant 0 : i32
        %dma_start3A_1232 = arith.constant 0 : i32
        %dma_start3A_1233 = tpu.memref_slice %arg6[%dma_start3A_1230, %dma_start3A_1231, %dma_start3A_1232] : memref<2x128x128xf32, #tpu.memory_space<vmem>> -> memref<1x128x128xf32, #tpu.memory_space<vmem>>
        %dma_start3A_1234 = tpu.memref_squeeze %dma_start3A_1233 : memref<1x128x128xf32, #tpu.memory_space<vmem>> -> memref<128x128xf32, #tpu.memory_space<vmem>>
        %dma_start3A_1235 = tpu.memref_slice %arg5[%add3A_1229] : memref<10240xi32, #tpu.memory_space<vmem>> -> memref<128xi32, #tpu.memory_space<vmem>>
        %dma_start3A_1236 = arith.constant 0 : i32
        %dma_start3A_1237 = arith.constant 0 : i32
        %dma_start3A_1238 = tpu.memref_slice %arg8[%dma_start3A_1236, %dma_start3A_1237] : memref<10000x128xf32, #tpu.memory_space<vmem_shared>> -> memref<10000x128xf32, #tpu.memory_space<vmem_shared>>
        tpu.enqueue_indirect_dma source(%dma_start3A_1238 : memref<10000x128xf32, #tpu.memory_space<vmem_shared>>) target(%dma_start3A_1234 : memref<128x128xf32, #tpu.memory_space<vmem>>) offsets(%dma_start3A_1235 : memref<128xi32, #tpu.memory_space<vmem>>) semaphore(%arg10 : memref<!tpu.dma_semaphore, #tpu.memory_space<semaphore_mem>>)
      } else {
      }
    }
    %while3A_95 = arith.constant 1 : i32
    scf.for %while3A_135 = %while3A_93 to %while3A_89 step %while3A_95  : i32 {
      %mul3A_136 = arith.muli %while3A_135, %while3A : i32
      %add3A_137 = arith.addi %while3A_86, %mul3A_136 : i32
      %mul3A_138 = arith.constant 2 : i32
      %mul3A_139 = arith.muli %add3A_137, %mul3A_138 : i32
      %add3A_140 = arith.constant 0 : i32
      %add3A_141 = arith.addi %mul3A_139, %add3A_140 : i32
      %mul3A_142 = arith.constant 128 : i32
      %mul3A_143 = arith.muli %add3A_141, %mul3A_142 : i32
      %add3A_144 = arith.addi %sub3A_32, %mul3A_143 : i32
      %dma_wait3A_145 = arith.constant 0 : i32
      %dma_wait3A_146 = arith.constant 0 : i32
      %dma_wait3A_147 = arith.constant 0 : i32
      %dma_wait3A_148 = tpu.memref_slice %arg6[%dma_wait3A_145, %dma_wait3A_146, %dma_wait3A_147] : memref<2x128x128xf32, #tpu.memory_space<vmem>> -> memref<1x128x128xf32, #tpu.memory_space<vmem>>
      %dma_wait3A_149 = tpu.memref_squeeze %dma_wait3A_148 : memref<1x128x128xf32, #tpu.memory_space<vmem>> -> memref<128x128xf32, #tpu.memory_space<vmem>>
      %dma_wait3A_150 = tpu.memref_slice %arg5[%add3A_144] : memref<10240xi32, #tpu.memory_space<vmem>> -> memref<128xi32, #tpu.memory_space<vmem>>
      %dma_wait3A_151 = arith.constant 0 : i32
      %dma_wait3A_152 = arith.constant 0 : i32
      %dma_wait3A_153 = tpu.memref_slice %arg8[%dma_wait3A_151, %dma_wait3A_152] : memref<10000x128xf32, #tpu.memory_space<vmem_shared>> -> memref<10000x128xf32, #tpu.memory_space<vmem_shared>>
      tpu.wait_indirect_dma semaphore(%arg9 : memref<!tpu.dma_semaphore, #tpu.memory_space<semaphore_mem>>) src(%dma_wait3A_153 : memref<10000x128xf32, #tpu.memory_space<vmem_shared>>) dst(%dma_wait3A_149 : memref<128x128xf32, #tpu.memory_space<vmem>>)
      %gt3A = arith.constant 0 : i32
      %gt3A_154 = arith.cmpi sgt, %add3A_137, %gt3A : i32
      %convert_element_type3A = arith.extui %gt3A_154 : i1 to i32
      %cond3A = arith.constant 0 : i32
      %cond3A_155 = arith.cmpi ne, %convert_element_type3A, %cond3A : i32
      scf.if %cond3A_155 {
        %mul3A_1225 = arith.constant 4 : i32
        %mul3A_1226 = arith.muli %add3A_141, %mul3A_1225 : i32
        %add3A_1227 = arith.addi %mul3A_5, %mul3A_1226 : i32
        %dma_wait3A_1228 = arith.constant 0 : i32
        %dma_wait3A_1229 = arith.constant 0 : i32
        %dma_wait3A_1230 = arith.constant 0 : i32
        %dma_wait3A_1231 = tpu.memref_slice %arg7[%dma_wait3A_1228, %dma_wait3A_1229, %dma_wait3A_1230] : memref<2x4x128xf32, #tpu.memory_space<vmem>> -> memref<1x4x128xf32, #tpu.memory_space<vmem>>
        %dma_wait3A_1232 = tpu.memref_squeeze %dma_wait3A_1231 : memref<1x4x128xf32, #tpu.memory_space<vmem>> -> memref<4x128xf32, #tpu.memory_space<vmem>>
        %dma_wait3A_1233 = arith.constant 0 : i32
        %dma_wait3A_1234 = tpu.memref_slice %arg4[%add3A_1227, %dma_wait3A_1233] : memref<10000x128xf32, #tpu.memory_space<hbm>> -> memref<4x128xf32, #tpu.memory_space<hbm>>
        %dma_wait3A_1235 = arith.constant 0 : i32
        %dma_wait3A_1236 = tpu.memref_slice %arg4[%add3A_1227, %dma_wait3A_1235] : memref<10000x128xf32, #tpu.memory_space<hbm>> -> memref<4x128xf32, #tpu.memory_space<hbm>>
        %dma_wait3A_1237 = arith.constant 0 : i32
        %dma_wait3A_1238 = arith.constant 0 : i32
        %dma_wait3A_1239 = tpu.memref_slice %arg7[%dma_wait3A_1228, %dma_wait3A_1237, %dma_wait3A_1238] : memref<2x4x128xf32, #tpu.memory_space<vmem>> -> memref<1x4x128xf32, #tpu.memory_space<vmem>>
        %dma_wait3A_1240 = tpu.memref_squeeze %dma_wait3A_1239 : memref<1x4x128xf32, #tpu.memory_space<vmem>> -> memref<4x128xf32, #tpu.memory_space<vmem>>
        tpu.wait_dma2 semaphore(%arg11 : memref<!tpu.dma_semaphore, #tpu.memory_space<semaphore_mem>>) src(%dma_wait3A_1240 : memref<4x128xf32, #tpu.memory_space<vmem>>) dst(%dma_wait3A_1236 : memref<4x128xf32, #tpu.memory_space<hbm>>)
      } else {
      }
      %get3A = arith.constant 0 : i32
      %get3A_156 = arith.constant 0 : i32
      %get3A_157 = arith.index_cast %get3A : i32 to index
      %get3A_158 = arith.index_cast %get3A_156 : i32 to index
      %get3A_159 = arith.constant 0 : index
      %get3A_160 = tpu.vector_load %arg6[%get3A_157, %get3A_158, %get3A_159] {strides = array<i32>} : memref<2x128x128xf32, #tpu.memory_space<vmem>>, vector<1x1x16xf32>,
      %get3A_161 = vector.shape_cast %get3A_160 : vector<1x1x16xf32> to vector<16xf32>
      %get3A_162 = arith.constant 0 : i32
      %get3A_163 = arith.constant 0 : i32
      %get3A_164 = arith.index_cast %get3A_162 : i32 to index
      %get3A_165 = arith.index_cast %get3A_163 : i32 to index
      %get3A_166 = arith.constant 16 : index
      %get3A_167 = tpu.vector_load %arg6[%get3A_164, %get3A_165, %get3A_166] {strides = array<i32>} : memref<2x128x128xf32, #tpu.memory_space<vmem>>, vector<1x1x16xf32>,
      %get3A_168 = vector.shape_cast %get3A_167 : vector<1x1x16xf32> to vector<16xf32>
      %get3A_169 = arith.constant 0 : i32
      %get3A_170 = arith.constant 0 : i32
      %get3A_171 = arith.index_cast %get3A_169 : i32 to index
      %get3A_172 = arith.index_cast %get3A_170 : i32 to index
      %get3A_173 = arith.constant 32 : index
      %get3A_174 = tpu.vector_load %arg6[%get3A_171, %get3A_172, %get3A_173] {strides = array<i32>} : memref<2x128x128xf32, #tpu.memory_space<vmem>>, vector<1x1x16xf32>,
      %get3A_175 = vector.shape_cast %get3A_174 : vector<1x1x16xf32> to vector<16xf32>
      %get3A_176 = arith.constant 0 : i32
      %get3A_177 = arith.constant 0 : i32
      %get3A_178 = arith.index_cast %get3A_176 : i32 to index
      %get3A_179 = arith.index_cast %get3A_177 : i32 to index
      %get3A_180 = arith.constant 48 : index
      %get3A_181 = tpu.vector_load %arg6[%get3A_178, %get3A_179, %get3A_180] {strides = array<i32>} : memref<2x128x128xf32, #tpu.memory_space<vmem>>, vector<1x1x16xf32>,
      %get3A_182 = vector.shape_cast %get3A_181 : vector<1x1x16xf32> to vector<16xf32>
      %get3A_183 = arith.constant 0 : i32
      %get3A_184 = arith.constant 0 : i32
      %get3A_185 = arith.index_cast %get3A_183 : i32 to index
      %get3A_186 = arith.index_cast %get3A_184 : i32 to index
      %get3A_187 = arith.constant 64 : index
      %get3A_188 = tpu.vector_load %arg6[%get3A_185, %get3A_186, %get3A_187] {strides = array<i32>} : memref<2x128x128xf32, #tpu.memory_space<vmem>>, vector<1x1x16xf32>,
      %get3A_189 = vector.shape_cast %get3A_188 : vector<1x1x16xf32> to vector<16xf32>
      %get3A_190 = arith.constant 0 : i32
      %get3A_191 = arith.constant 0 : i32
      %get3A_192 = arith.index_cast %get3A_190 : i32 to index
      %get3A_193 = arith.index_cast %get3A_191 : i32 to index
      %get3A_194 = arith.constant 80 : index
      %get3A_195 = tpu.vector_load %arg6[%get3A_192, %get3A_193, %get3A_194] {strides = array<i32>} : memref<2x128x128xf32, #tpu.memory_space<vmem>>, vector<1x1x16xf32>,
      %get3A_196 = vector.shape_cast %get3A_195 : vector<1x1x16xf32> to vector<16xf32>
      %get3A_197 = arith.constant 0 : i32
      %get3A_198 = arith.constant 0 : i32
      %get3A_199 = arith.index_cast %get3A_197 : i32 to index
      %get3A_200 = arith.index_cast %get3A_198 : i32 to index
      %get3A_201 = arith.constant 96 : index
      %get3A_202 = tpu.vector_load %arg6[%get3A_199, %get3A_200, %get3A_201] {strides = array<i32>} : memref<2x128x128xf32, #tpu.memory_space<vmem>>, vector<1x1x16xf32>,
      %get3A_203 = vector.shape_cast %get3A_202 : vector<1x1x16xf32> to vector<16xf32>
      %get3A_204 = arith.constant 0 : i32
      %get3A_205 = arith.constant 0 : i32
      %get3A_206 = arith.index_cast %get3A_204 : i32 to index
      %get3A_207 = arith.index_cast %get3A_205 : i32 to index
      %get3A_208 = arith.constant 112 : index
      %get3A_209 = tpu.vector_load %arg6[%get3A_206, %get3A_207, %get3A_208] {strides = array<i32>} : memref<2x128x128xf32, #tpu.memory_space<vmem>>, vector<1x1x16xf32>,
      %get3A_210 = vector.shape_cast %get3A_209 : vector<1x1x16xf32> to vector<16xf32>
      %scan3A = arith.constant 1 : i32
      %scan3A_211 = arith.constant 31 : i32
      %scan3A_212 = arith.addi %scan3A, %scan3A_211 : i32
      %scan3A_213 = arith.constant 1 : i32
      %scan3A_214:8 = scf.for %scan3A_1225 = %scan3A to %scan3A_212 step %scan3A_213 iter_args(%scan3A_1226 = %get3A_161, %scan3A_1227 = %get3A_168, %scan3A_1228 = %get3A_175, %scan3A_1229 = %get3A_182, %scan3A_1230 = %get3A_189, %scan3A_1231 = %get3A_196, %scan3A_1232 = %get3A_203, %scan3A_1233 = %get3A_210) -> (vector<16xf32>, vector<16xf32>, vector<16xf32>, vector<16xf32>, vector<16xf32>, vector<16xf32>, vector<16xf32>, vector<16xf32>)  : i32 {
        %add3A_1234 = arith.constant 0 : i32
        %add3A_1235 = arith.addi %add3A_1234, %scan3A_1225 : i32
        %get3A_1236 = arith.constant 0 : i32
        %get3A_1237 = arith.index_cast %get3A_1236 : i32 to index
        %get3A_1238 = arith.index_cast %add3A_1235 : i32 to index
        %get3A_1239 = arith.constant 0 : index
        %get3A_1240 = tpu.vector_load %arg6[%get3A_1237, %get3A_1238, %get3A_1239] {strides = array<i32>} : memref<2x128x128xf32, #tpu.memory_space<vmem>>, vector<1x1x16xf32>,
        %get3A_1241 = vector.shape_cast %get3A_1240 : vector<1x1x16xf32> to vector<16xf32>
        %add3A_1242 = arith.addf %scan3A_1226, %get3A_1241 : vector<16xf32>
        %add3A_1243 = arith.constant 0 : i32
        %add3A_1244 = arith.addi %add3A_1243, %scan3A_1225 : i32
        %get3A_1245 = arith.constant 0 : i32
        %get3A_1246 = arith.index_cast %get3A_1245 : i32 to index
        %get3A_1247 = arith.index_cast %add3A_1244 : i32 to index
        %get3A_1248 = arith.constant 16 : index
        %get3A_1249 = tpu.vector_load %arg6[%get3A_1246, %get3A_1247, %get3A_1248] {strides = array<i32>} : memref<2x128x128xf32, #tpu.memory_space<vmem>>, vector<1x1x16xf32>,
        %get3A_1250 = vector.shape_cast %get3A_1249 : vector<1x1x16xf32> to vector<16xf32>
        %add3A_1251 = arith.addf %scan3A_1227, %get3A_1250 : vector<16xf32>
        %add3A_1252 = arith.constant 0 : i32
        %add3A_1253 = arith.addi %add3A_1252, %scan3A_1225 : i32
        %get3A_1254 = arith.constant 0 : i32
        %get3A_1255 = arith.index_cast %get3A_1254 : i32 to index
        %get3A_1256 = arith.index_cast %add3A_1253 : i32 to index
        %get3A_1257 = arith.constant 32 : index
        %get3A_1258 = tpu.vector_load %arg6[%get3A_1255, %get3A_1256, %get3A_1257] {strides = array<i32>} : memref<2x128x128xf32, #tpu.memory_space<vmem>>, vector<1x1x16xf32>,
        %get3A_1259 = vector.shape_cast %get3A_1258 : vector<1x1x16xf32> to vector<16xf32>
        %add3A_1260 = arith.addf %scan3A_1228, %get3A_1259 : vector<16xf32>
        %add3A_1261 = arith.constant 0 : i32
        %add3A_1262 = arith.addi %add3A_1261, %scan3A_1225 : i32
        %get3A_1263 = arith.constant 0 : i32
        %get3A_1264 = arith.index_cast %get3A_1263 : i32 to index
        %get3A_1265 = arith.index_cast %add3A_1262 : i32 to index
        %get3A_1266 = arith.constant 48 : index
        %get3A_1267 = tpu.vector_load %arg6[%get3A_1264, %get3A_1265, %get3A_1266] {strides = array<i32>} : memref<2x128x128xf32, #tpu.memory_space<vmem>>, vector<1x1x16xf32>,
        %get3A_1268 = vector.shape_cast %get3A_1267 : vector<1x1x16xf32> to vector<16xf32>
        %add3A_1269 = arith.addf %scan3A_1229, %get3A_1268 : vector<16xf32>
        %add3A_1270 = arith.constant 0 : i32
        %add3A_1271 = arith.addi %add3A_1270, %scan3A_1225 : i32
        %get3A_1272 = arith.constant 0 : i32
        %get3A_1273 = arith.index_cast %get3A_1272 : i32 to index
        %get3A_1274 = arith.index_cast %add3A_1271 : i32 to index
        %get3A_1275 = arith.constant 64 : index
        %get3A_1276 = tpu.vector_load %arg6[%get3A_1273, %get3A_1274, %get3A_1275] {strides = array<i32>} : memref<2x128x128xf32, #tpu.memory_space<vmem>>, vector<1x1x16xf32>,
        %get3A_1277 = vector.shape_cast %get3A_1276 : vector<1x1x16xf32> to vector<16xf32>
        %add3A_1278 = arith.addf %scan3A_1230, %get3A_1277 : vector<16xf32>
        %add3A_1279 = arith.constant 0 : i32
        %add3A_1280 = arith.addi %add3A_1279, %scan3A_1225 : i32
        %get3A_1281 = arith.constant 0 : i32
        %get3A_1282 = arith.index_cast %get3A_1281 : i32 to index
        %get3A_1283 = arith.index_cast %add3A_1280 : i32 to index
        %get3A_1284 = arith.constant 80 : index
        %get3A_1285 = tpu.vector_load %arg6[%get3A_1282, %get3A_1283, %get3A_1284] {strides = array<i32>} : memref<2x128x128xf32, #tpu.memory_space<vmem>>, vector<1x1x16xf32>,
        %get3A_1286 = vector.shape_cast %get3A_1285 : vector<1x1x16xf32> to vector<16xf32>
        %add3A_1287 = arith.addf %scan3A_1231, %get3A_1286 : vector<16xf32>
        %add3A_1288 = arith.constant 0 : i32
        %add3A_1289 = arith.addi %add3A_1288, %scan3A_1225 : i32
        %get3A_1290 = arith.constant 0 : i32
        %get3A_1291 = arith.index_cast %get3A_1290 : i32 to index
        %get3A_1292 = arith.index_cast %add3A_1289 : i32 to index
        %get3A_1293 = arith.constant 96 : index
        %get3A_1294 = tpu.vector_load %arg6[%get3A_1291, %get3A_1292, %get3A_1293] {strides = array<i32>} : memref<2x128x128xf32, #tpu.memory_space<vmem>>, vector<1x1x16xf32>,
        %get3A_1295 = vector.shape_cast %get3A_1294 : vector<1x1x16xf32> to vector<16xf32>
        %add3A_1296 = arith.addf %scan3A_1232, %get3A_1295 : vector<16xf32>
        %add3A_1297 = arith.constant 0 : i32
        %add3A_1298 = arith.addi %add3A_1297, %scan3A_1225 : i32
        %get3A_1299 = arith.constant 0 : i32
        %get3A_1300 = arith.index_cast %get3A_1299 : i32 to index
        %get3A_1301 = arith.index_cast %add3A_1298 : i32 to index
        %get3A_1302 = arith.constant 112 : index
        %get3A_1303 = tpu.vector_load %arg6[%get3A_1300, %get3A_1301, %get3A_1302] {strides = array<i32>} : memref<2x128x128xf32, #tpu.memory_space<vmem>>, vector<1x1x16xf32>,
        %get3A_1304 = vector.shape_cast %get3A_1303 : vector<1x1x16xf32> to vector<16xf32>
        %add3A_1305 = arith.addf %scan3A_1233, %get3A_1304 : vector<16xf32>
        scf.yield %add3A_1242, %add3A_1251, %add3A_1260, %add3A_1269, %add3A_1278, %add3A_1287, %add3A_1296, %add3A_1305 : vector<16xf32>, vector<16xf32>, vector<16xf32>, vector<16xf32>, vector<16xf32>, vector<16xf32>, vector<16xf32>, vector<16xf32>
      }
      %scan3A_215 = arith.constant 31 : i32
      %swap3A = arith.constant 0 : i32
      %swap3A_216 = arith.constant 0 : i32
      %swap3A_217 = arith.index_cast %swap3A : i32 to index
      %swap3A_218 = arith.index_cast %swap3A_216 : i32 to index
      %swap3A_219 = arith.constant 0 : index
      %swap3A_220 = tpu.vector_load %arg7[%swap3A_217, %swap3A_218, %swap3A_219] {strides = array<i32>} : memref<2x4x128xf32, #tpu.memory_space<vmem>>, vector<1x1x16xf32>,
      %swap3A_221 = vector.shape_cast %swap3A_220 : vector<1x1x16xf32> to vector<16xf32>
      %swap3A_222 = vector.shape_cast %scan3A_214#0 : vector<16xf32> to vector<1x1x16xf32>
      tpu.vector_store %arg7[%swap3A_217, %swap3A_218, %swap3A_219], %swap3A_222 {strides = array<i32>} : memref<2x4x128xf32, #tpu.memory_space<vmem>>, vector<1x1x16xf32>,
      %swap3A_223 = arith.constant 0 : i32
      %swap3A_224 = arith.constant 0 : i32
      %swap3A_225 = arith.index_cast %swap3A_223 : i32 to index
      %swap3A_226 = arith.index_cast %swap3A_224 : i32 to index
      %swap3A_227 = arith.constant 16 : index
      %swap3A_228 = tpu.vector_load %arg7[%swap3A_225, %swap3A_226, %swap3A_227] {strides = array<i32>} : memref<2x4x128xf32, #tpu.memory_space<vmem>>, vector<1x1x16xf32>,
      %swap3A_229 = vector.shape_cast %swap3A_228 : vector<1x1x16xf32> to vector<16xf32>
      %swap3A_230 = vector.shape_cast %scan3A_214#1 : vector<16xf32> to vector<1x1x16xf32>
      tpu.vector_store %arg7[%swap3A_225, %swap3A_226, %swap3A_227], %swap3A_230 {strides = array<i32>} : memref<2x4x128xf32, #tpu.memory_space<vmem>>, vector<1x1x16xf32>,
      %swap3A_231 = arith.constant 0 : i32
      %swap3A_232 = arith.constant 0 : i32
      %swap3A_233 = arith.index_cast %swap3A_231 : i32 to index
      %swap3A_234 = arith.index_cast %swap3A_232 : i32 to index
      %swap3A_235 = arith.constant 32 : index
      %swap3A_236 = tpu.vector_load %arg7[%swap3A_233, %swap3A_234, %swap3A_235] {strides = array<i32>} : memref<2x4x128xf32, #tpu.memory_space<vmem>>, vector<1x1x16xf32>,
      %swap3A_237 = vector.shape_cast %swap3A_236 : vector<1x1x16xf32> to vector<16xf32>
      %swap3A_238 = vector.shape_cast %scan3A_214#2 : vector<16xf32> to vector<1x1x16xf32>
      tpu.vector_store %arg7[%swap3A_233, %swap3A_234, %swap3A_235], %swap3A_238 {strides = array<i32>} : memref<2x4x128xf32, #tpu.memory_space<vmem>>, vector<1x1x16xf32>,
      %swap3A_239 = arith.constant 0 : i32
      %swap3A_240 = arith.constant 0 : i32
      %swap3A_241 = arith.index_cast %swap3A_239 : i32 to index
      %swap3A_242 = arith.index_cast %swap3A_240 : i32 to index
      %swap3A_243 = arith.constant 48 : index
      %swap3A_244 = tpu.vector_load %arg7[%swap3A_241, %swap3A_242, %swap3A_243] {strides = array<i32>} : memref<2x4x128xf32, #tpu.memory_space<vmem>>, vector<1x1x16xf32>,
      %swap3A_245 = vector.shape_cast %swap3A_244 : vector<1x1x16xf32> to vector<16xf32>
      %swap3A_246 = vector.shape_cast %scan3A_214#3 : vector<16xf32> to vector<1x1x16xf32>
      tpu.vector_store %arg7[%swap3A_241, %swap3A_242, %swap3A_243], %swap3A_246 {strides = array<i32>} : memref<2x4x128xf32, #tpu.memory_space<vmem>>, vector<1x1x16xf32>,
      %swap3A_247 = arith.constant 0 : i32
      %swap3A_248 = arith.constant 0 : i32
      %swap3A_249 = arith.index_cast %swap3A_247 : i32 to index
      %swap3A_250 = arith.index_cast %swap3A_248 : i32 to index
      %swap3A_251 = arith.constant 64 : index
      %swap3A_252 = tpu.vector_load %arg7[%swap3A_249, %swap3A_250, %swap3A_251] {strides = array<i32>} : memref<2x4x128xf32, #tpu.memory_space<vmem>>, vector<1x1x16xf32>,
      %swap3A_253 = vector.shape_cast %swap3A_252 : vector<1x1x16xf32> to vector<16xf32>
      %swap3A_254 = vector.shape_cast %scan3A_214#4 : vector<16xf32> to vector<1x1x16xf32>
      tpu.vector_store %arg7[%swap3A_249, %swap3A_250, %swap3A_251], %swap3A_254 {strides = array<i32>} : memref<2x4x128xf32, #tpu.memory_space<vmem>>, vector<1x1x16xf32>,
      %swap3A_255 = arith.constant 0 : i32
      %swap3A_256 = arith.constant 0 : i32
      %swap3A_257 = arith.index_cast %swap3A_255 : i32 to index
      %swap3A_258 = arith.index_cast %swap3A_256 : i32 to index
      %swap3A_259 = arith.constant 80 : index
      %swap3A_260 = tpu.vector_load %arg7[%swap3A_257, %swap3A_258, %swap3A_259] {strides = array<i32>} : memref<2x4x128xf32, #tpu.memory_space<vmem>>, vector<1x1x16xf32>,
      %swap3A_261 = vector.shape_cast %swap3A_260 : vector<1x1x16xf32> to vector<16xf32>
      %swap3A_262 = vector.shape_cast %scan3A_214#5 : vector<16xf32> to vector<1x1x16xf32>
      tpu.vector_store %arg7[%swap3A_257, %swap3A_258, %swap3A_259], %swap3A_262 {strides = array<i32>} : memref<2x4x128xf32, #tpu.memory_space<vmem>>, vector<1x1x16xf32>,
      %swap3A_263 = arith.constant 0 : i32
      %swap3A_264 = arith.constant 0 : i32
      %swap3A_265 = arith.index_cast %swap3A_263 : i32 to index
      %swap3A_266 = arith.index_cast %swap3A_264 : i32 to index
      %swap3A_267 = arith.constant 96 : index
      %swap3A_268 = tpu.vector_load %arg7[%swap3A_265, %swap3A_266, %swap3A_267] {strides = array<i32>} : memref<2x4x128xf32, #tpu.memory_space<vmem>>, vector<1x1x16xf32>,
      %swap3A_269 = vector.shape_cast %swap3A_268 : vector<1x1x16xf32> to vector<16xf32>
      %swap3A_270 = vector.shape_cast %scan3A_214#6 : vector<16xf32> to vector<1x1x16xf32>
      tpu.vector_store %arg7[%swap3A_265, %swap3A_266, %swap3A_267], %swap3A_270 {strides = array<i32>} : memref<2x4x128xf32, #tpu.memory_space<vmem>>, vector<1x1x16xf32>,
      %swap3A_271 = arith.constant 0 : i32
      %swap3A_272 = arith.constant 0 : i32
      %swap3A_273 = arith.index_cast %swap3A_271 : i32 to index
      %swap3A_274 = arith.index_cast %swap3A_272 : i32 to index
      %swap3A_275 = arith.constant 112 : index
      %swap3A_276 = tpu.vector_load %arg7[%swap3A_273, %swap3A_274, %swap3A_275] {strides = array<i32>} : memref<2x4x128xf32, #tpu.memory_space<vmem>>, vector<1x1x16xf32>,
      %swap3A_277 = vector.shape_cast %swap3A_276 : vector<1x1x16xf32> to vector<16xf32>
      %swap3A_278 = vector.shape_cast %scan3A_214#7 : vector<16xf32> to vector<1x1x16xf32>
      tpu.vector_store %arg7[%swap3A_273, %swap3A_274, %swap3A_275], %swap3A_278 {strides = array<i32>} : memref<2x4x128xf32, #tpu.memory_space<vmem>>, vector<1x1x16xf32>,
      %get3A_279 = arith.constant 0 : i32
      %get3A_280 = arith.constant 32 : i32
      %get3A_281 = arith.index_cast %get3A_279 : i32 to index
      %get3A_282 = arith.index_cast %get3A_280 : i32 to index
      %get3A_283 = arith.constant 0 : index
      %get3A_284 = tpu.vector_load %arg6[%get3A_281, %get3A_282, %get3A_283] {strides = array<i32>} : memref<2x128x128xf32, #tpu.memory_space<vmem>>, vector<1x1x16xf32>,
      %get3A_285 = vector.shape_cast %get3A_284 : vector<1x1x16xf32> to vector<16xf32>
      %get3A_286 = arith.constant 0 : i32
      %get3A_287 = arith.constant 32 : i32
      %get3A_288 = arith.index_cast %get3A_286 : i32 to index
      %get3A_289 = arith.index_cast %get3A_287 : i32 to index
      %get3A_290 = arith.constant 16 : index
      %get3A_291 = tpu.vector_load %arg6[%get3A_288, %get3A_289, %get3A_290] {strides = array<i32>} : memref<2x128x128xf32, #tpu.memory_space<vmem>>, vector<1x1x16xf32>,
      %get3A_292 = vector.shape_cast %get3A_291 : vector<1x1x16xf32> to vector<16xf32>
      %get3A_293 = arith.constant 0 : i32
      %get3A_294 = arith.constant 32 : i32
      %get3A_295 = arith.index_cast %get3A_293 : i32 to index
      %get3A_296 = arith.index_cast %get3A_294 : i32 to index
      %get3A_297 = arith.constant 32 : index
      %get3A_298 = tpu.vector_load %arg6[%get3A_295, %get3A_296, %get3A_297] {strides = array<i32>} : memref<2x128x128xf32, #tpu.memory_space<vmem>>, vector<1x1x16xf32>,
      %get3A_299 = vector.shape_cast %get3A_298 : vector<1x1x16xf32> to vector<16xf32>
      %get3A_300 = arith.constant 0 : i32
      %get3A_301 = arith.constant 32 : i32
      %get3A_302 = arith.index_cast %get3A_300 : i32 to index
      %get3A_303 = arith.index_cast %get3A_301 : i32 to index
      %get3A_304 = arith.constant 48 : index
      %get3A_305 = tpu.vector_load %arg6[%get3A_302, %get3A_303, %get3A_304] {strides = array<i32>} : memref<2x128x128xf32, #tpu.memory_space<vmem>>, vector<1x1x16xf32>,
      %get3A_306 = vector.shape_cast %get3A_305 : vector<1x1x16xf32> to vector<16xf32>
      %get3A_307 = arith.constant 0 : i32
      %get3A_308 = arith.constant 32 : i32
      %get3A_309 = arith.index_cast %get3A_307 : i32 to index
      %get3A_310 = arith.index_cast %get3A_308 : i32 to index
      %get3A_311 = arith.constant 64 : index
      %get3A_312 = tpu.vector_load %arg6[%get3A_309, %get3A_310, %get3A_311] {strides = array<i32>} : memref<2x128x128xf32, #tpu.memory_space<vmem>>, vector<1x1x16xf32>,
      %get3A_313 = vector.shape_cast %get3A_312 : vector<1x1x16xf32> to vector<16xf32>
      %get3A_314 = arith.constant 0 : i32
      %get3A_315 = arith.constant 32 : i32
      %get3A_316 = arith.index_cast %get3A_314 : i32 to index
      %get3A_317 = arith.index_cast %get3A_315 : i32 to index
      %get3A_318 = arith.constant 80 : index
      %get3A_319 = tpu.vector_load %arg6[%get3A_316, %get3A_317, %get3A_318] {strides = array<i32>} : memref<2x128x128xf32, #tpu.memory_space<vmem>>, vector<1x1x16xf32>,
      %get3A_320 = vector.shape_cast %get3A_319 : vector<1x1x16xf32> to vector<16xf32>
      %get3A_321 = arith.constant 0 : i32
      %get3A_322 = arith.constant 32 : i32
      %get3A_323 = arith.index_cast %get3A_321 : i32 to index
      %get3A_324 = arith.index_cast %get3A_322 : i32 to index
      %get3A_325 = arith.constant 96 : index
      %get3A_326 = tpu.vector_load %arg6[%get3A_323, %get3A_324, %get3A_325] {strides = array<i32>} : memref<2x128x128xf32, #tpu.memory_space<vmem>>, vector<1x1x16xf32>,
      %get3A_327 = vector.shape_cast %get3A_326 : vector<1x1x16xf32> to vector<16xf32>
      %get3A_328 = arith.constant 0 : i32
      %get3A_329 = arith.constant 32 : i32
      %get3A_330 = arith.index_cast %get3A_328 : i32 to index
      %get3A_331 = arith.index_cast %get3A_329 : i32 to index
      %get3A_332 = arith.constant 112 : index
      %get3A_333 = tpu.vector_load %arg6[%get3A_330, %get3A_331, %get3A_332] {strides = array<i32>} : memref<2x128x128xf32, #tpu.memory_space<vmem>>, vector<1x1x16xf32>,
      %get3A_334 = vector.shape_cast %get3A_333 : vector<1x1x16xf32> to vector<16xf32>
      %scan3A_335 = arith.constant 1 : i32
      %scan3A_336 = arith.constant 31 : i32
      %scan3A_337 = arith.addi %scan3A_335, %scan3A_336 : i32
      %scan3A_338 = arith.constant 1 : i32
      %scan3A_339:8 = scf.for %scan3A_1225 = %scan3A_335 to %scan3A_337 step %scan3A_338 iter_args(%scan3A_1226 = %get3A_285, %scan3A_1227 = %get3A_292, %scan3A_1228 = %get3A_299, %scan3A_1229 = %get3A_306, %scan3A_1230 = %get3A_313, %scan3A_1231 = %get3A_320, %scan3A_1232 = %get3A_327, %scan3A_1233 = %get3A_334) -> (vector<16xf32>, vector<16xf32>, vector<16xf32>, vector<16xf32>, vector<16xf32>, vector<16xf32>, vector<16xf32>, vector<16xf32>)  : i32 {
        %add3A_1234 = arith.constant 32 : i32
        %add3A_1235 = arith.addi %add3A_1234, %scan3A_1225 : i32
        %get3A_1236 = arith.constant 0 : i32
        %get3A_1237 = arith.index_cast %get3A_1236 : i32 to index
        %get3A_1238 = arith.index_cast %add3A_1235 : i32 to index
        %get3A_1239 = arith.constant 0 : index
        %get3A_1240 = tpu.vector_load %arg6[%get3A_1237, %get3A_1238, %get3A_1239] {strides = array<i32>} : memref<2x128x128xf32, #tpu.memory_space<vmem>>, vector<1x1x16xf32>,
        %get3A_1241 = vector.shape_cast %get3A_1240 : vector<1x1x16xf32> to vector<16xf32>
        %add3A_1242 = arith.addf %scan3A_1226, %get3A_1241 : vector<16xf32>
        %add3A_1243 = arith.constant 32 : i32
        %add3A_1244 = arith.addi %add3A_1243, %scan3A_1225 : i32
        %get3A_1245 = arith.constant 0 : i32
        %get3A_1246 = arith.index_cast %get3A_1245 : i32 to index
        %get3A_1247 = arith.index_cast %add3A_1244 : i32 to index
        %get3A_1248 = arith.constant 16 : index
        %get3A_1249 = tpu.vector_load %arg6[%get3A_1246, %get3A_1247, %get3A_1248] {strides = array<i32>} : memref<2x128x128xf32, #tpu.memory_space<vmem>>, vector<1x1x16xf32>,
        %get3A_1250 = vector.shape_cast %get3A_1249 : vector<1x1x16xf32> to vector<16xf32>
        %add3A_1251 = arith.addf %scan3A_1227, %get3A_1250 : vector<16xf32>
        %add3A_1252 = arith.constant 32 : i32
        %add3A_1253 = arith.addi %add3A_1252, %scan3A_1225 : i32
        %get3A_1254 = arith.constant 0 : i32
        %get3A_1255 = arith.index_cast %get3A_1254 : i32 to index
        %get3A_1256 = arith.index_cast %add3A_1253 : i32 to index
        %get3A_1257 = arith.constant 32 : index
        %get3A_1258 = tpu.vector_load %arg6[%get3A_1255, %get3A_1256, %get3A_1257] {strides = array<i32>} : memref<2x128x128xf32, #tpu.memory_space<vmem>>, vector<1x1x16xf32>,
        %get3A_1259 = vector.shape_cast %get3A_1258 : vector<1x1x16xf32> to vector<16xf32>
        %add3A_1260 = arith.addf %scan3A_1228, %get3A_1259 : vector<16xf32>
        %add3A_1261 = arith.constant 32 : i32
        %add3A_1262 = arith.addi %add3A_1261, %scan3A_1225 : i32
        %get3A_1263 = arith.constant 0 : i32
        %get3A_1264 = arith.index_cast %get3A_1263 : i32 to index
        %get3A_1265 = arith.index_cast %add3A_1262 : i32 to index
        %get3A_1266 = arith.constant 48 : index
        %get3A_1267 = tpu.vector_load %arg6[%get3A_1264, %get3A_1265, %get3A_1266] {strides = array<i32>} : memref<2x128x128xf32, #tpu.memory_space<vmem>>, vector<1x1x16xf32>,
        %get3A_1268 = vector.shape_cast %get3A_1267 : vector<1x1x16xf32> to vector<16xf32>
        %add3A_1269 = arith.addf %scan3A_1229, %get3A_1268 : vector<16xf32>
        %add3A_1270 = arith.constant 32 : i32
        %add3A_1271 = arith.addi %add3A_1270, %scan3A_1225 : i32
        %get3A_1272 = arith.constant 0 : i32
        %get3A_1273 = arith.index_cast %get3A_1272 : i32 to index
        %get3A_1274 = arith.index_cast %add3A_1271 : i32 to index
        %get3A_1275 = arith.constant 64 : index
        %get3A_1276 = tpu.vector_load %arg6[%get3A_1273, %get3A_1274, %get3A_1275] {strides = array<i32>} : memref<2x128x128xf32, #tpu.memory_space<vmem>>, vector<1x1x16xf32>,
        %get3A_1277 = vector.shape_cast %get3A_1276 : vector<1x1x16xf32> to vector<16xf32>
        %add3A_1278 = arith.addf %scan3A_1230, %get3A_1277 : vector<16xf32>
        %add3A_1279 = arith.constant 32 : i32
        %add3A_1280 = arith.addi %add3A_1279, %scan3A_1225 : i32
        %get3A_1281 = arith.constant 0 : i32
        %get3A_1282 = arith.index_cast %get3A_1281 : i32 to index
        %get3A_1283 = arith.index_cast %add3A_1280 : i32 to index
        %get3A_1284 = arith.constant 80 : index
        %get3A_1285 = tpu.vector_load %arg6[%get3A_1282, %get3A_1283, %get3A_1284] {strides = array<i32>} : memref<2x128x128xf32, #tpu.memory_space<vmem>>, vector<1x1x16xf32>,
        %get3A_1286 = vector.shape_cast %get3A_1285 : vector<1x1x16xf32> to vector<16xf32>
        %add3A_1287 = arith.addf %scan3A_1231, %get3A_1286 : vector<16xf32>
        %add3A_1288 = arith.constant 32 : i32
        %add3A_1289 = arith.addi %add3A_1288, %scan3A_1225 : i32
        %get3A_1290 = arith.constant 0 : i32
        %get3A_1291 = arith.index_cast %get3A_1290 : i32 to index
        %get3A_1292 = arith.index_cast %add3A_1289 : i32 to index
        %get3A_1293 = arith.constant 96 : index
        %get3A_1294 = tpu.vector_load %arg6[%get3A_1291, %get3A_1292, %get3A_1293] {strides = array<i32>} : memref<2x128x128xf32, #tpu.memory_space<vmem>>, vector<1x1x16xf32>,
        %get3A_1295 = vector.shape_cast %get3A_1294 : vector<1x1x16xf32> to vector<16xf32>
        %add3A_1296 = arith.addf %scan3A_1232, %get3A_1295 : vector<16xf32>
        %add3A_1297 = arith.constant 32 : i32
        %add3A_1298 = arith.addi %add3A_1297, %scan3A_1225 : i32
        %get3A_1299 = arith.constant 0 : i32
        %get3A_1300 = arith.index_cast %get3A_1299 : i32 to index
        %get3A_1301 = arith.index_cast %add3A_1298 : i32 to index
        %get3A_1302 = arith.constant 112 : index
        %get3A_1303 = tpu.vector_load %arg6[%get3A_1300, %get3A_1301, %get3A_1302] {strides = array<i32>} : memref<2x128x128xf32, #tpu.memory_space<vmem>>, vector<1x1x16xf32>,
        %get3A_1304 = vector.shape_cast %get3A_1303 : vector<1x1x16xf32> to vector<16xf32>
        %add3A_1305 = arith.addf %scan3A_1233, %get3A_1304 : vector<16xf32>
        scf.yield %add3A_1242, %add3A_1251, %add3A_1260, %add3A_1269, %add3A_1278, %add3A_1287, %add3A_1296, %add3A_1305 : vector<16xf32>, vector<16xf32>, vector<16xf32>, vector<16xf32>, vector<16xf32>, vector<16xf32>, vector<16xf32>, vector<16xf32>
      }
      %scan3A_340 = arith.constant 31 : i32
      %swap3A_341 = arith.constant 0 : i32
      %swap3A_342 = arith.constant 1 : i32
      %swap3A_343 = arith.index_cast %swap3A_341 : i32 to index
      %swap3A_344 = arith.index_cast %swap3A_342 : i32 to index
      %swap3A_345 = arith.constant 0 : index
      %swap3A_346 = tpu.vector_load %arg7[%swap3A_343, %swap3A_344, %swap3A_345] {strides = array<i32>} : memref<2x4x128xf32, #tpu.memory_space<vmem>>, vector<1x1x16xf32>,
      %swap3A_347 = vector.shape_cast %swap3A_346 : vector<1x1x16xf32> to vector<16xf32>
      %swap3A_348 = vector.shape_cast %scan3A_339#0 : vector<16xf32> to vector<1x1x16xf32>
      tpu.vector_store %arg7[%swap3A_343, %swap3A_344, %swap3A_345], %swap3A_348 {strides = array<i32>} : memref<2x4x128xf32, #tpu.memory_space<vmem>>, vector<1x1x16xf32>,
      %swap3A_349 = arith.constant 0 : i32
      %swap3A_350 = arith.constant 1 : i32
      %swap3A_351 = arith.index_cast %swap3A_349 : i32 to index
      %swap3A_352 = arith.index_cast %swap3A_350 : i32 to index
      %swap3A_353 = arith.constant 16 : index
      %swap3A_354 = tpu.vector_load %arg7[%swap3A_351, %swap3A_352, %swap3A_353] {strides = array<i32>} : memref<2x4x128xf32, #tpu.memory_space<vmem>>, vector<1x1x16xf32>,
      %swap3A_355 = vector.shape_cast %swap3A_354 : vector<1x1x16xf32> to vector<16xf32>
      %swap3A_356 = vector.shape_cast %scan3A_339#1 : vector<16xf32> to vector<1x1x16xf32>
      tpu.vector_store %arg7[%swap3A_351, %swap3A_352, %swap3A_353], %swap3A_356 {strides = array<i32>} : memref<2x4x128xf32, #tpu.memory_space<vmem>>, vector<1x1x16xf32>,
      %swap3A_357 = arith.constant 0 : i32
      %swap3A_358 = arith.constant 1 : i32
      %swap3A_359 = arith.index_cast %swap3A_357 : i32 to index
      %swap3A_360 = arith.index_cast %swap3A_358 : i32 to index
      %swap3A_361 = arith.constant 32 : index
      %swap3A_362 = tpu.vector_load %arg7[%swap3A_359, %swap3A_360, %swap3A_361] {strides = array<i32>} : memref<2x4x128xf32, #tpu.memory_space<vmem>>, vector<1x1x16xf32>,
      %swap3A_363 = vector.shape_cast %swap3A_362 : vector<1x1x16xf32> to vector<16xf32>
      %swap3A_364 = vector.shape_cast %scan3A_339#2 : vector<16xf32> to vector<1x1x16xf32>
      tpu.vector_store %arg7[%swap3A_359, %swap3A_360, %swap3A_361], %swap3A_364 {strides = array<i32>} : memref<2x4x128xf32, #tpu.memory_space<vmem>>, vector<1x1x16xf32>,
      %swap3A_365 = arith.constant 0 : i32
      %swap3A_366 = arith.constant 1 : i32
      %swap3A_367 = arith.index_cast %swap3A_365 : i32 to index
      %swap3A_368 = arith.index_cast %swap3A_366 : i32 to index
      %swap3A_369 = arith.constant 48 : index
      %swap3A_370 = tpu.vector_load %arg7[%swap3A_367, %swap3A_368, %swap3A_369] {strides = array<i32>} : memref<2x4x128xf32, #tpu.memory_space<vmem>>, vector<1x1x16xf32>,
      %swap3A_371 = vector.shape_cast %swap3A_370 : vector<1x1x16xf32> to vector<16xf32>
      %swap3A_372 = vector.shape_cast %scan3A_339#3 : vector<16xf32> to vector<1x1x16xf32>
      tpu.vector_store %arg7[%swap3A_367, %swap3A_368, %swap3A_369], %swap3A_372 {strides = array<i32>} : memref<2x4x128xf32, #tpu.memory_space<vmem>>, vector<1x1x16xf32>,
      %swap3A_373 = arith.constant 0 : i32
      %swap3A_374 = arith.constant 1 : i32
      %swap3A_375 = arith.index_cast %swap3A_373 : i32 to index
      %swap3A_376 = arith.index_cast %swap3A_374 : i32 to index
      %swap3A_377 = arith.constant 64 : index
      %swap3A_378 = tpu.vector_load %arg7[%swap3A_375, %swap3A_376, %swap3A_377] {strides = array<i32>} : memref<2x4x128xf32, #tpu.memory_space<vmem>>, vector<1x1x16xf32>,
      %swap3A_379 = vector.shape_cast %swap3A_378 : vector<1x1x16xf32> to vector<16xf32>
      %swap3A_380 = vector.shape_cast %scan3A_339#4 : vector<16xf32> to vector<1x1x16xf32>
      tpu.vector_store %arg7[%swap3A_375, %swap3A_376, %swap3A_377], %swap3A_380 {strides = array<i32>} : memref<2x4x128xf32, #tpu.memory_space<vmem>>, vector<1x1x16xf32>,
      %swap3A_381 = arith.constant 0 : i32
      %swap3A_382 = arith.constant 1 : i32
      %swap3A_383 = arith.index_cast %swap3A_381 : i32 to index
      %swap3A_384 = arith.index_cast %swap3A_382 : i32 to index
      %swap3A_385 = arith.constant 80 : index
      %swap3A_386 = tpu.vector_load %arg7[%swap3A_383, %swap3A_384, %swap3A_385] {strides = array<i32>} : memref<2x4x128xf32, #tpu.memory_space<vmem>>, vector<1x1x16xf32>,
      %swap3A_387 = vector.shape_cast %swap3A_386 : vector<1x1x16xf32> to vector<16xf32>
      %swap3A_388 = vector.shape_cast %scan3A_339#5 : vector<16xf32> to vector<1x1x16xf32>
      tpu.vector_store %arg7[%swap3A_383, %swap3A_384, %swap3A_385], %swap3A_388 {strides = array<i32>} : memref<2x4x128xf32, #tpu.memory_space<vmem>>, vector<1x1x16xf32>,
      %swap3A_389 = arith.constant 0 : i32
      %swap3A_390 = arith.constant 1 : i32
      %swap3A_391 = arith.index_cast %swap3A_389 : i32 to index
      %swap3A_392 = arith.index_cast %swap3A_390 : i32 to index
      %swap3A_393 = arith.constant 96 : index
      %swap3A_394 = tpu.vector_load %arg7[%swap3A_391, %swap3A_392, %swap3A_393] {strides = array<i32>} : memref<2x4x128xf32, #tpu.memory_space<vmem>>, vector<1x1x16xf32>,
      %swap3A_395 = vector.shape_cast %swap3A_394 : vector<1x1x16xf32> to vector<16xf32>
      %swap3A_396 = vector.shape_cast %scan3A_339#6 : vector<16xf32> to vector<1x1x16xf32>
      tpu.vector_store %arg7[%swap3A_391, %swap3A_392, %swap3A_393], %swap3A_396 {strides = array<i32>} : memref<2x4x128xf32, #tpu.memory_space<vmem>>, vector<1x1x16xf32>,
      %swap3A_397 = arith.constant 0 : i32
      %swap3A_398 = arith.constant 1 : i32
      %swap3A_399 = arith.index_cast %swap3A_397 : i32 to index
      %swap3A_400 = arith.index_cast %swap3A_398 : i32 to index
      %swap3A_401 = arith.constant 112 : index
      %swap3A_402 = tpu.vector_load %arg7[%swap3A_399, %swap3A_400, %swap3A_401] {strides = array<i32>} : memref<2x4x128xf32, #tpu.memory_space<vmem>>, vector<1x1x16xf32>,
      %swap3A_403 = vector.shape_cast %swap3A_402 : vector<1x1x16xf32> to vector<16xf32>
      %swap3A_404 = vector.shape_cast %scan3A_339#7 : vector<16xf32> to vector<1x1x16xf32>
      tpu.vector_store %arg7[%swap3A_399, %swap3A_400, %swap3A_401], %swap3A_404 {strides = array<i32>} : memref<2x4x128xf32, #tpu.memory_space<vmem>>, vector<1x1x16xf32>,
      %get3A_405 = arith.constant 0 : i32
      %get3A_406 = arith.constant 64 : i32
      %get3A_407 = arith.index_cast %get3A_405 : i32 to index
      %get3A_408 = arith.index_cast %get3A_406 : i32 to index
      %get3A_409 = arith.constant 0 : index
      %get3A_410 = tpu.vector_load %arg6[%get3A_407, %get3A_408, %get3A_409] {strides = array<i32>} : memref<2x128x128xf32, #tpu.memory_space<vmem>>, vector<1x1x16xf32>,
      %get3A_411 = vector.shape_cast %get3A_410 : vector<1x1x16xf32> to vector<16xf32>
      %get3A_412 = arith.constant 0 : i32
      %get3A_413 = arith.constant 64 : i32
      %get3A_414 = arith.index_cast %get3A_412 : i32 to index
      %get3A_415 = arith.index_cast %get3A_413 : i32 to index
      %get3A_416 = arith.constant 16 : index
      %get3A_417 = tpu.vector_load %arg6[%get3A_414, %get3A_415, %get3A_416] {strides = array<i32>} : memref<2x128x128xf32, #tpu.memory_space<vmem>>, vector<1x1x16xf32>,
      %get3A_418 = vector.shape_cast %get3A_417 : vector<1x1x16xf32> to vector<16xf32>
      %get3A_419 = arith.constant 0 : i32
      %get3A_420 = arith.constant 64 : i32
      %get3A_421 = arith.index_cast %get3A_419 : i32 to index
      %get3A_422 = arith.index_cast %get3A_420 : i32 to index
      %get3A_423 = arith.constant 32 : index
      %get3A_424 = tpu.vector_load %arg6[%get3A_421, %get3A_422, %get3A_423] {strides = array<i32>} : memref<2x128x128xf32, #tpu.memory_space<vmem>>, vector<1x1x16xf32>,
      %get3A_425 = vector.shape_cast %get3A_424 : vector<1x1x16xf32> to vector<16xf32>
      %get3A_426 = arith.constant 0 : i32
      %get3A_427 = arith.constant 64 : i32
      %get3A_428 = arith.index_cast %get3A_426 : i32 to index
      %get3A_429 = arith.index_cast %get3A_427 : i32 to index
      %get3A_430 = arith.constant 48 : index
      %get3A_431 = tpu.vector_load %arg6[%get3A_428, %get3A_429, %get3A_430] {strides = array<i32>} : memref<2x128x128xf32, #tpu.memory_space<vmem>>, vector<1x1x16xf32>,
      %get3A_432 = vector.shape_cast %get3A_431 : vector<1x1x16xf32> to vector<16xf32>
      %get3A_433 = arith.constant 0 : i32
      %get3A_434 = arith.constant 64 : i32
      %get3A_435 = arith.index_cast %get3A_433 : i32 to index
      %get3A_436 = arith.index_cast %get3A_434 : i32 to index
      %get3A_437 = arith.constant 64 : index
      %get3A_438 = tpu.vector_load %arg6[%get3A_435, %get3A_436, %get3A_437] {strides = array<i32>} : memref<2x128x128xf32, #tpu.memory_space<vmem>>, vector<1x1x16xf32>,
      %get3A_439 = vector.shape_cast %get3A_438 : vector<1x1x16xf32> to vector<16xf32>
      %get3A_440 = arith.constant 0 : i32
      %get3A_441 = arith.constant 64 : i32
      %get3A_442 = arith.index_cast %get3A_440 : i32 to index
      %get3A_443 = arith.index_cast %get3A_441 : i32 to index
      %get3A_444 = arith.constant 80 : index
      %get3A_445 = tpu.vector_load %arg6[%get3A_442, %get3A_443, %get3A_444] {strides = array<i32>} : memref<2x128x128xf32, #tpu.memory_space<vmem>>, vector<1x1x16xf32>,
      %get3A_446 = vector.shape_cast %get3A_445 : vector<1x1x16xf32> to vector<16xf32>
      %get3A_447 = arith.constant 0 : i32
      %get3A_448 = arith.constant 64 : i32
      %get3A_449 = arith.index_cast %get3A_447 : i32 to index
      %get3A_450 = arith.index_cast %get3A_448 : i32 to index
      %get3A_451 = arith.constant 96 : index
      %get3A_452 = tpu.vector_load %arg6[%get3A_449, %get3A_450, %get3A_451] {strides = array<i32>} : memref<2x128x128xf32, #tpu.memory_space<vmem>>, vector<1x1x16xf32>,
      %get3A_453 = vector.shape_cast %get3A_452 : vector<1x1x16xf32> to vector<16xf32>
      %get3A_454 = arith.constant 0 : i32
      %get3A_455 = arith.constant 64 : i32
      %get3A_456 = arith.index_cast %get3A_454 : i32 to index
      %get3A_457 = arith.index_cast %get3A_455 : i32 to index
      %get3A_458 = arith.constant 112 : index
      %get3A_459 = tpu.vector_load %arg6[%get3A_456, %get3A_457, %get3A_458] {strides = array<i32>} : memref<2x128x128xf32, #tpu.memory_space<vmem>>, vector<1x1x16xf32>,
      %get3A_460 = vector.shape_cast %get3A_459 : vector<1x1x16xf32> to vector<16xf32>
      %scan3A_461 = arith.constant 1 : i32
      %scan3A_462 = arith.constant 31 : i32
      %scan3A_463 = arith.addi %scan3A_461, %scan3A_462 : i32
      %scan3A_464 = arith.constant 1 : i32
      %scan3A_465:8 = scf.for %scan3A_1225 = %scan3A_461 to %scan3A_463 step %scan3A_464 iter_args(%scan3A_1226 = %get3A_411, %scan3A_1227 = %get3A_418, %scan3A_1228 = %get3A_425, %scan3A_1229 = %get3A_432, %scan3A_1230 = %get3A_439, %scan3A_1231 = %get3A_446, %scan3A_1232 = %get3A_453, %scan3A_1233 = %get3A_460) -> (vector<16xf32>, vector<16xf32>, vector<16xf32>, vector<16xf32>, vector<16xf32>, vector<16xf32>, vector<16xf32>, vector<16xf32>)  : i32 {
        %add3A_1234 = arith.constant 64 : i32
        %add3A_1235 = arith.addi %add3A_1234, %scan3A_1225 : i32
        %get3A_1236 = arith.constant 0 : i32
        %get3A_1237 = arith.index_cast %get3A_1236 : i32 to index
        %get3A_1238 = arith.index_cast %add3A_1235 : i32 to index
        %get3A_1239 = arith.constant 0 : index
        %get3A_1240 = tpu.vector_load %arg6[%get3A_1237, %get3A_1238, %get3A_1239] {strides = array<i32>} : memref<2x128x128xf32, #tpu.memory_space<vmem>>, vector<1x1x16xf32>,
        %get3A_1241 = vector.shape_cast %get3A_1240 : vector<1x1x16xf32> to vector<16xf32>
        %add3A_1242 = arith.addf %scan3A_1226, %get3A_1241 : vector<16xf32>
        %add3A_1243 = arith.constant 64 : i32
        %add3A_1244 = arith.addi %add3A_1243, %scan3A_1225 : i32
        %get3A_1245 = arith.constant 0 : i32
        %get3A_1246 = arith.index_cast %get3A_1245 : i32 to index
        %get3A_1247 = arith.index_cast %add3A_1244 : i32 to index
        %get3A_1248 = arith.constant 16 : index
        %get3A_1249 = tpu.vector_load %arg6[%get3A_1246, %get3A_1247, %get3A_1248] {strides = array<i32>} : memref<2x128x128xf32, #tpu.memory_space<vmem>>, vector<1x1x16xf32>,
        %get3A_1250 = vector.shape_cast %get3A_1249 : vector<1x1x16xf32> to vector<16xf32>
        %add3A_1251 = arith.addf %scan3A_1227, %get3A_1250 : vector<16xf32>
        %add3A_1252 = arith.constant 64 : i32
        %add3A_1253 = arith.addi %add3A_1252, %scan3A_1225 : i32
        %get3A_1254 = arith.constant 0 : i32
        %get3A_1255 = arith.index_cast %get3A_1254 : i32 to index
        %get3A_1256 = arith.index_cast %add3A_1253 : i32 to index
        %get3A_1257 = arith.constant 32 : index
        %get3A_1258 = tpu.vector_load %arg6[%get3A_1255, %get3A_1256, %get3A_1257] {strides = array<i32>} : memref<2x128x128xf32, #tpu.memory_space<vmem>>, vector<1x1x16xf32>,
        %get3A_1259 = vector.shape_cast %get3A_1258 : vector<1x1x16xf32> to vector<16xf32>
        %add3A_1260 = arith.addf %scan3A_1228, %get3A_1259 : vector<16xf32>
        %add3A_1261 = arith.constant 64 : i32
        %add3A_1262 = arith.addi %add3A_1261, %scan3A_1225 : i32
        %get3A_1263 = arith.constant 0 : i32
        %get3A_1264 = arith.index_cast %get3A_1263 : i32 to index
        %get3A_1265 = arith.index_cast %add3A_1262 : i32 to index
        %get3A_1266 = arith.constant 48 : index
        %get3A_1267 = tpu.vector_load %arg6[%get3A_1264, %get3A_1265, %get3A_1266] {strides = array<i32>} : memref<2x128x128xf32, #tpu.memory_space<vmem>>, vector<1x1x16xf32>,
        %get3A_1268 = vector.shape_cast %get3A_1267 : vector<1x1x16xf32> to vector<16xf32>
        %add3A_1269 = arith.addf %scan3A_1229, %get3A_1268 : vector<16xf32>
        %add3A_1270 = arith.constant 64 : i32
        %add3A_1271 = arith.addi %add3A_1270, %scan3A_1225 : i32
        %get3A_1272 = arith.constant 0 : i32
        %get3A_1273 = arith.index_cast %get3A_1272 : i32 to index
        %get3A_1274 = arith.index_cast %add3A_1271 : i32 to index
        %get3A_1275 = arith.constant 64 : index
        %get3A_1276 = tpu.vector_load %arg6[%get3A_1273, %get3A_1274, %get3A_1275] {strides = array<i32>} : memref<2x128x128xf32, #tpu.memory_space<vmem>>, vector<1x1x16xf32>,
        %get3A_1277 = vector.shape_cast %get3A_1276 : vector<1x1x16xf32> to vector<16xf32>
        %add3A_1278 = arith.addf %scan3A_1230, %get3A_1277 : vector<16xf32>
        %add3A_1279 = arith.constant 64 : i32
        %add3A_1280 = arith.addi %add3A_1279, %scan3A_1225 : i32
        %get3A_1281 = arith.constant 0 : i32
        %get3A_1282 = arith.index_cast %get3A_1281 : i32 to index
        %get3A_1283 = arith.index_cast %add3A_1280 : i32 to index
        %get3A_1284 = arith.constant 80 : index
        %get3A_1285 = tpu.vector_load %arg6[%get3A_1282, %get3A_1283, %get3A_1284] {strides = array<i32>} : memref<2x128x128xf32, #tpu.memory_space<vmem>>, vector<1x1x16xf32>,
        %get3A_1286 = vector.shape_cast %get3A_1285 : vector<1x1x16xf32> to vector<16xf32>
        %add3A_1287 = arith.addf %scan3A_1231, %get3A_1286 : vector<16xf32>
        %add3A_1288 = arith.constant 64 : i32
        %add3A_1289 = arith.addi %add3A_1288, %scan3A_1225 : i32
        %get3A_1290 = arith.constant 0 : i32
        %get3A_1291 = arith.index_cast %get3A_1290 : i32 to index
        %get3A_1292 = arith.index_cast %add3A_1289 : i32 to index
        %get3A_1293 = arith.constant 96 : index
        %get3A_1294 = tpu.vector_load %arg6[%get3A_1291, %get3A_1292, %get3A_1293] {strides = array<i32>} : memref<2x128x128xf32, #tpu.memory_space<vmem>>, vector<1x1x16xf32>,
        %get3A_1295 = vector.shape_cast %get3A_1294 : vector<1x1x16xf32> to vector<16xf32>
        %add3A_1296 = arith.addf %scan3A_1232, %get3A_1295 : vector<16xf32>
        %add3A_1297 = arith.constant 64 : i32
        %add3A_1298 = arith.addi %add3A_1297, %scan3A_1225 : i32
        %get3A_1299 = arith.constant 0 : i32
        %get3A_1300 = arith.index_cast %get3A_1299 : i32 to index
        %get3A_1301 = arith.index_cast %add3A_1298 : i32 to index
        %get3A_1302 = arith.constant 112 : index
        %get3A_1303 = tpu.vector_load %arg6[%get3A_1300, %get3A_1301, %get3A_1302] {strides = array<i32>} : memref<2x128x128xf32, #tpu.memory_space<vmem>>, vector<1x1x16xf32>,
        %get3A_1304 = vector.shape_cast %get3A_1303 : vector<1x1x16xf32> to vector<16xf32>
        %add3A_1305 = arith.addf %scan3A_1233, %get3A_1304 : vector<16xf32>
        scf.yield %add3A_1242, %add3A_1251, %add3A_1260, %add3A_1269, %add3A_1278, %add3A_1287, %add3A_1296, %add3A_1305 : vector<16xf32>, vector<16xf32>, vector<16xf32>, vector<16xf32>, vector<16xf32>, vector<16xf32>, vector<16xf32>, vector<16xf32>
      }
      %scan3A_466 = arith.constant 31 : i32
      %swap3A_467 = arith.constant 0 : i32
      %swap3A_468 = arith.constant 2 : i32
      %swap3A_469 = arith.index_cast %swap3A_467 : i32 to index
      %swap3A_470 = arith.index_cast %swap3A_468 : i32 to index
      %swap3A_471 = arith.constant 0 : index
      %swap3A_472 = tpu.vector_load %arg7[%swap3A_469, %swap3A_470, %swap3A_471] {strides = array<i32>} : memref<2x4x128xf32, #tpu.memory_space<vmem>>, vector<1x1x16xf32>,
      %swap3A_473 = vector.shape_cast %swap3A_472 : vector<1x1x16xf32> to vector<16xf32>
      %swap3A_474 = vector.shape_cast %scan3A_465#0 : vector<16xf32> to vector<1x1x16xf32>
      tpu.vector_store %arg7[%swap3A_469, %swap3A_470, %swap3A_471], %swap3A_474 {strides = array<i32>} : memref<2x4x128xf32, #tpu.memory_space<vmem>>, vector<1x1x16xf32>,
      %swap3A_475 = arith.constant 0 : i32
      %swap3A_476 = arith.constant 2 : i32
      %swap3A_477 = arith.index_cast %swap3A_475 : i32 to index
      %swap3A_478 = arith.index_cast %swap3A_476 : i32 to index
      %swap3A_479 = arith.constant 16 : index
      %swap3A_480 = tpu.vector_load %arg7[%swap3A_477, %swap3A_478, %swap3A_479] {strides = array<i32>} : memref<2x4x128xf32, #tpu.memory_space<vmem>>, vector<1x1x16xf32>,
      %swap3A_481 = vector.shape_cast %swap3A_480 : vector<1x1x16xf32> to vector<16xf32>
      %swap3A_482 = vector.shape_cast %scan3A_465#1 : vector<16xf32> to vector<1x1x16xf32>
      tpu.vector_store %arg7[%swap3A_477, %swap3A_478, %swap3A_479], %swap3A_482 {strides = array<i32>} : memref<2x4x128xf32, #tpu.memory_space<vmem>>, vector<1x1x16xf32>,
      %swap3A_483 = arith.constant 0 : i32
      %swap3A_484 = arith.constant 2 : i32
      %swap3A_485 = arith.index_cast %swap3A_483 : i32 to index
      %swap3A_486 = arith.index_cast %swap3A_484 : i32 to index
      %swap3A_487 = arith.constant 32 : index
      %swap3A_488 = tpu.vector_load %arg7[%swap3A_485, %swap3A_486, %swap3A_487] {strides = array<i32>} : memref<2x4x128xf32, #tpu.memory_space<vmem>>, vector<1x1x16xf32>,
      %swap3A_489 = vector.shape_cast %swap3A_488 : vector<1x1x16xf32> to vector<16xf32>
      %swap3A_490 = vector.shape_cast %scan3A_465#2 : vector<16xf32> to vector<1x1x16xf32>
      tpu.vector_store %arg7[%swap3A_485, %swap3A_486, %swap3A_487], %swap3A_490 {strides = array<i32>} : memref<2x4x128xf32, #tpu.memory_space<vmem>>, vector<1x1x16xf32>,
      %swap3A_491 = arith.constant 0 : i32
      %swap3A_492 = arith.constant 2 : i32
      %swap3A_493 = arith.index_cast %swap3A_491 : i32 to index
      %swap3A_494 = arith.index_cast %swap3A_492 : i32 to index
      %swap3A_495 = arith.constant 48 : index
      %swap3A_496 = tpu.vector_load %arg7[%swap3A_493, %swap3A_494, %swap3A_495] {strides = array<i32>} : memref<2x4x128xf32, #tpu.memory_space<vmem>>, vector<1x1x16xf32>,
      %swap3A_497 = vector.shape_cast %swap3A_496 : vector<1x1x16xf32> to vector<16xf32>
      %swap3A_498 = vector.shape_cast %scan3A_465#3 : vector<16xf32> to vector<1x1x16xf32>
      tpu.vector_store %arg7[%swap3A_493, %swap3A_494, %swap3A_495], %swap3A_498 {strides = array<i32>} : memref<2x4x128xf32, #tpu.memory_space<vmem>>, vector<1x1x16xf32>,
      %swap3A_499 = arith.constant 0 : i32
      %swap3A_500 = arith.constant 2 : i32
      %swap3A_501 = arith.index_cast %swap3A_499 : i32 to index
      %swap3A_502 = arith.index_cast %swap3A_500 : i32 to index
      %swap3A_503 = arith.constant 64 : index
      %swap3A_504 = tpu.vector_load %arg7[%swap3A_501, %swap3A_502, %swap3A_503] {strides = array<i32>} : memref<2x4x128xf32, #tpu.memory_space<vmem>>, vector<1x1x16xf32>,
      %swap3A_505 = vector.shape_cast %swap3A_504 : vector<1x1x16xf32> to vector<16xf32>
      %swap3A_506 = vector.shape_cast %scan3A_465#4 : vector<16xf32> to vector<1x1x16xf32>
      tpu.vector_store %arg7[%swap3A_501, %swap3A_502, %swap3A_503], %swap3A_506 {strides = array<i32>} : memref<2x4x128xf32, #tpu.memory_space<vmem>>, vector<1x1x16xf32>,
      %swap3A_507 = arith.constant 0 : i32
      %swap3A_508 = arith.constant 2 : i32
      %swap3A_509 = arith.index_cast %swap3A_507 : i32 to index
      %swap3A_510 = arith.index_cast %swap3A_508 : i32 to index
      %swap3A_511 = arith.constant 80 : index
      %swap3A_512 = tpu.vector_load %arg7[%swap3A_509, %swap3A_510, %swap3A_511] {strides = array<i32>} : memref<2x4x128xf32, #tpu.memory_space<vmem>>, vector<1x1x16xf32>,
      %swap3A_513 = vector.shape_cast %swap3A_512 : vector<1x1x16xf32> to vector<16xf32>
      %swap3A_514 = vector.shape_cast %scan3A_465#5 : vector<16xf32> to vector<1x1x16xf32>
      tpu.vector_store %arg7[%swap3A_509, %swap3A_510, %swap3A_511], %swap3A_514 {strides = array<i32>} : memref<2x4x128xf32, #tpu.memory_space<vmem>>, vector<1x1x16xf32>,
      %swap3A_515 = arith.constant 0 : i32
      %swap3A_516 = arith.constant 2 : i32
      %swap3A_517 = arith.index_cast %swap3A_515 : i32 to index
      %swap3A_518 = arith.index_cast %swap3A_516 : i32 to index
      %swap3A_519 = arith.constant 96 : index
      %swap3A_520 = tpu.vector_load %arg7[%swap3A_517, %swap3A_518, %swap3A_519] {strides = array<i32>} : memref<2x4x128xf32, #tpu.memory_space<vmem>>, vector<1x1x16xf32>,
      %swap3A_521 = vector.shape_cast %swap3A_520 : vector<1x1x16xf32> to vector<16xf32>
      %swap3A_522 = vector.shape_cast %scan3A_465#6 : vector<16xf32> to vector<1x1x16xf32>
      tpu.vector_store %arg7[%swap3A_517, %swap3A_518, %swap3A_519], %swap3A_522 {strides = array<i32>} : memref<2x4x128xf32, #tpu.memory_space<vmem>>, vector<1x1x16xf32>,
      %swap3A_523 = arith.constant 0 : i32
      %swap3A_524 = arith.constant 2 : i32
      %swap3A_525 = arith.index_cast %swap3A_523 : i32 to index
      %swap3A_526 = arith.index_cast %swap3A_524 : i32 to index
      %swap3A_527 = arith.constant 112 : index
      %swap3A_528 = tpu.vector_load %arg7[%swap3A_525, %swap3A_526, %swap3A_527] {strides = array<i32>} : memref<2x4x128xf32, #tpu.memory_space<vmem>>, vector<1x1x16xf32>,
      %swap3A_529 = vector.shape_cast %swap3A_528 : vector<1x1x16xf32> to vector<16xf32>
      %swap3A_530 = vector.shape_cast %scan3A_465#7 : vector<16xf32> to vector<1x1x16xf32>
      tpu.vector_store %arg7[%swap3A_525, %swap3A_526, %swap3A_527], %swap3A_530 {strides = array<i32>} : memref<2x4x128xf32, #tpu.memory_space<vmem>>, vector<1x1x16xf32>,
      %get3A_531 = arith.constant 0 : i32
      %get3A_532 = arith.constant 96 : i32
      %get3A_533 = arith.index_cast %get3A_531 : i32 to index
      %get3A_534 = arith.index_cast %get3A_532 : i32 to index
      %get3A_535 = arith.constant 0 : index
      %get3A_536 = tpu.vector_load %arg6[%get3A_533, %get3A_534, %get3A_535] {strides = array<i32>} : memref<2x128x128xf32, #tpu.memory_space<vmem>>, vector<1x1x16xf32>,
      %get3A_537 = vector.shape_cast %get3A_536 : vector<1x1x16xf32> to vector<16xf32>
      %get3A_538 = arith.constant 0 : i32
      %get3A_539 = arith.constant 96 : i32
      %get3A_540 = arith.index_cast %get3A_538 : i32 to index
      %get3A_541 = arith.index_cast %get3A_539 : i32 to index
      %get3A_542 = arith.constant 16 : index
      %get3A_543 = tpu.vector_load %arg6[%get3A_540, %get3A_541, %get3A_542] {strides = array<i32>} : memref<2x128x128xf32, #tpu.memory_space<vmem>>, vector<1x1x16xf32>,
      %get3A_544 = vector.shape_cast %get3A_543 : vector<1x1x16xf32> to vector<16xf32>
      %get3A_545 = arith.constant 0 : i32
      %get3A_546 = arith.constant 96 : i32
      %get3A_547 = arith.index_cast %get3A_545 : i32 to index
      %get3A_548 = arith.index_cast %get3A_546 : i32 to index
      %get3A_549 = arith.constant 32 : index
      %get3A_550 = tpu.vector_load %arg6[%get3A_547, %get3A_548, %get3A_549] {strides = array<i32>} : memref<2x128x128xf32, #tpu.memory_space<vmem>>, vector<1x1x16xf32>,
      %get3A_551 = vector.shape_cast %get3A_550 : vector<1x1x16xf32> to vector<16xf32>
      %get3A_552 = arith.constant 0 : i32
      %get3A_553 = arith.constant 96 : i32
      %get3A_554 = arith.index_cast %get3A_552 : i32 to index
      %get3A_555 = arith.index_cast %get3A_553 : i32 to index
      %get3A_556 = arith.constant 48 : index
      %get3A_557 = tpu.vector_load %arg6[%get3A_554, %get3A_555, %get3A_556] {strides = array<i32>} : memref<2x128x128xf32, #tpu.memory_space<vmem>>, vector<1x1x16xf32>,
      %get3A_558 = vector.shape_cast %get3A_557 : vector<1x1x16xf32> to vector<16xf32>
      %get3A_559 = arith.constant 0 : i32
      %get3A_560 = arith.constant 96 : i32
      %get3A_561 = arith.index_cast %get3A_559 : i32 to index
      %get3A_562 = arith.index_cast %get3A_560 : i32 to index
      %get3A_563 = arith.constant 64 : index
      %get3A_564 = tpu.vector_load %arg6[%get3A_561, %get3A_562, %get3A_563] {strides = array<i32>} : memref<2x128x128xf32, #tpu.memory_space<vmem>>, vector<1x1x16xf32>,
      %get3A_565 = vector.shape_cast %get3A_564 : vector<1x1x16xf32> to vector<16xf32>
      %get3A_566 = arith.constant 0 : i32
      %get3A_567 = arith.constant 96 : i32
      %get3A_568 = arith.index_cast %get3A_566 : i32 to index
      %get3A_569 = arith.index_cast %get3A_567 : i32 to index
      %get3A_570 = arith.constant 80 : index
      %get3A_571 = tpu.vector_load %arg6[%get3A_568, %get3A_569, %get3A_570] {strides = array<i32>} : memref<2x128x128xf32, #tpu.memory_space<vmem>>, vector<1x1x16xf32>,
      %get3A_572 = vector.shape_cast %get3A_571 : vector<1x1x16xf32> to vector<16xf32>
      %get3A_573 = arith.constant 0 : i32
      %get3A_574 = arith.constant 96 : i32
      %get3A_575 = arith.index_cast %get3A_573 : i32 to index
      %get3A_576 = arith.index_cast %get3A_574 : i32 to index
      %get3A_577 = arith.constant 96 : index
      %get3A_578 = tpu.vector_load %arg6[%get3A_575, %get3A_576, %get3A_577] {strides = array<i32>} : memref<2x128x128xf32, #tpu.memory_space<vmem>>, vector<1x1x16xf32>,
      %get3A_579 = vector.shape_cast %get3A_578 : vector<1x1x16xf32> to vector<16xf32>
      %get3A_580 = arith.constant 0 : i32
      %get3A_581 = arith.constant 96 : i32
      %get3A_582 = arith.index_cast %get3A_580 : i32 to index
      %get3A_583 = arith.index_cast %get3A_581 : i32 to index
      %get3A_584 = arith.constant 112 : index
      %get3A_585 = tpu.vector_load %arg6[%get3A_582, %get3A_583, %get3A_584] {strides = array<i32>} : memref<2x128x128xf32, #tpu.memory_space<vmem>>, vector<1x1x16xf32>,
      %get3A_586 = vector.shape_cast %get3A_585 : vector<1x1x16xf32> to vector<16xf32>
      %scan3A_587 = arith.constant 1 : i32
      %scan3A_588 = arith.constant 31 : i32
      %scan3A_589 = arith.addi %scan3A_587, %scan3A_588 : i32
      %scan3A_590 = arith.constant 1 : i32
      %scan3A_591:8 = scf.for %scan3A_1225 = %scan3A_587 to %scan3A_589 step %scan3A_590 iter_args(%scan3A_1226 = %get3A_537, %scan3A_1227 = %get3A_544, %scan3A_1228 = %get3A_551, %scan3A_1229 = %get3A_558, %scan3A_1230 = %get3A_565, %scan3A_1231 = %get3A_572, %scan3A_1232 = %get3A_579, %scan3A_1233 = %get3A_586) -> (vector<16xf32>, vector<16xf32>, vector<16xf32>, vector<16xf32>, vector<16xf32>, vector<16xf32>, vector<16xf32>, vector<16xf32>)  : i32 {
        %add3A_1234 = arith.constant 96 : i32
        %add3A_1235 = arith.addi %add3A_1234, %scan3A_1225 : i32
        %get3A_1236 = arith.constant 0 : i32
        %get3A_1237 = arith.index_cast %get3A_1236 : i32 to index
        %get3A_1238 = arith.index_cast %add3A_1235 : i32 to index
        %get3A_1239 = arith.constant 0 : index
        %get3A_1240 = tpu.vector_load %arg6[%get3A_1237, %get3A_1238, %get3A_1239] {strides = array<i32>} : memref<2x128x128xf32, #tpu.memory_space<vmem>>, vector<1x1x16xf32>,
        %get3A_1241 = vector.shape_cast %get3A_1240 : vector<1x1x16xf32> to vector<16xf32>
        %add3A_1242 = arith.addf %scan3A_1226, %get3A_1241 : vector<16xf32>
        %add3A_1243 = arith.constant 96 : i32
        %add3A_1244 = arith.addi %add3A_1243, %scan3A_1225 : i32
        %get3A_1245 = arith.constant 0 : i32
        %get3A_1246 = arith.index_cast %get3A_1245 : i32 to index
        %get3A_1247 = arith.index_cast %add3A_1244 : i32 to index
        %get3A_1248 = arith.constant 16 : index
        %get3A_1249 = tpu.vector_load %arg6[%get3A_1246, %get3A_1247, %get3A_1248] {strides = array<i32>} : memref<2x128x128xf32, #tpu.memory_space<vmem>>, vector<1x1x16xf32>,
        %get3A_1250 = vector.shape_cast %get3A_1249 : vector<1x1x16xf32> to vector<16xf32>
        %add3A_1251 = arith.addf %scan3A_1227, %get3A_1250 : vector<16xf32>
        %add3A_1252 = arith.constant 96 : i32
        %add3A_1253 = arith.addi %add3A_1252, %scan3A_1225 : i32
        %get3A_1254 = arith.constant 0 : i32
        %get3A_1255 = arith.index_cast %get3A_1254 : i32 to index
        %get3A_1256 = arith.index_cast %add3A_1253 : i32 to index
        %get3A_1257 = arith.constant 32 : index
        %get3A_1258 = tpu.vector_load %arg6[%get3A_1255, %get3A_1256, %get3A_1257] {strides = array<i32>} : memref<2x128x128xf32, #tpu.memory_space<vmem>>, vector<1x1x16xf32>,
        %get3A_1259 = vector.shape_cast %get3A_1258 : vector<1x1x16xf32> to vector<16xf32>
        %add3A_1260 = arith.addf %scan3A_1228, %get3A_1259 : vector<16xf32>
        %add3A_1261 = arith.constant 96 : i32
        %add3A_1262 = arith.addi %add3A_1261, %scan3A_1225 : i32
        %get3A_1263 = arith.constant 0 : i32
        %get3A_1264 = arith.index_cast %get3A_1263 : i32 to index
        %get3A_1265 = arith.index_cast %add3A_1262 : i32 to index
        %get3A_1266 = arith.constant 48 : index
        %get3A_1267 = tpu.vector_load %arg6[%get3A_1264, %get3A_1265, %get3A_1266] {strides = array<i32>} : memref<2x128x128xf32, #tpu.memory_space<vmem>>, vector<1x1x16xf32>,
        %get3A_1268 = vector.shape_cast %get3A_1267 : vector<1x1x16xf32> to vector<16xf32>
        %add3A_1269 = arith.addf %scan3A_1229, %get3A_1268 : vector<16xf32>
        %add3A_1270 = arith.constant 96 : i32
        %add3A_1271 = arith.addi %add3A_1270, %scan3A_1225 : i32
        %get3A_1272 = arith.constant 0 : i32
        %get3A_1273 = arith.index_cast %get3A_1272 : i32 to index
        %get3A_1274 = arith.index_cast %add3A_1271 : i32 to index
        %get3A_1275 = arith.constant 64 : index
        %get3A_1276 = tpu.vector_load %arg6[%get3A_1273, %get3A_1274, %get3A_1275] {strides = array<i32>} : memref<2x128x128xf32, #tpu.memory_space<vmem>>, vector<1x1x16xf32>,
        %get3A_1277 = vector.shape_cast %get3A_1276 : vector<1x1x16xf32> to vector<16xf32>
        %add3A_1278 = arith.addf %scan3A_1230, %get3A_1277 : vector<16xf32>
        %add3A_1279 = arith.constant 96 : i32
        %add3A_1280 = arith.addi %add3A_1279, %scan3A_1225 : i32
        %get3A_1281 = arith.constant 0 : i32
        %get3A_1282 = arith.index_cast %get3A_1281 : i32 to index
        %get3A_1283 = arith.index_cast %add3A_1280 : i32 to index
        %get3A_1284 = arith.constant 80 : index
        %get3A_1285 = tpu.vector_load %arg6[%get3A_1282, %get3A_1283, %get3A_1284] {strides = array<i32>} : memref<2x128x128xf32, #tpu.memory_space<vmem>>, vector<1x1x16xf32>,
        %get3A_1286 = vector.shape_cast %get3A_1285 : vector<1x1x16xf32> to vector<16xf32>
        %add3A_1287 = arith.addf %scan3A_1231, %get3A_1286 : vector<16xf32>
        %add3A_1288 = arith.constant 96 : i32
        %add3A_1289 = arith.addi %add3A_1288, %scan3A_1225 : i32
        %get3A_1290 = arith.constant 0 : i32
        %get3A_1291 = arith.index_cast %get3A_1290 : i32 to index
        %get3A_1292 = arith.index_cast %add3A_1289 : i32 to index
        %get3A_1293 = arith.constant 96 : index
        %get3A_1294 = tpu.vector_load %arg6[%get3A_1291, %get3A_1292, %get3A_1293] {strides = array<i32>} : memref<2x128x128xf32, #tpu.memory_space<vmem>>, vector<1x1x16xf32>,
        %get3A_1295 = vector.shape_cast %get3A_1294 : vector<1x1x16xf32> to vector<16xf32>
        %add3A_1296 = arith.addf %scan3A_1232, %get3A_1295 : vector<16xf32>
        %add3A_1297 = arith.constant 96 : i32
        %add3A_1298 = arith.addi %add3A_1297, %scan3A_1225 : i32
        %get3A_1299 = arith.constant 0 : i32
        %get3A_1300 = arith.index_cast %get3A_1299 : i32 to index
        %get3A_1301 = arith.index_cast %add3A_1298 : i32 to index
        %get3A_1302 = arith.constant 112 : index
        %get3A_1303 = tpu.vector_load %arg6[%get3A_1300, %get3A_1301, %get3A_1302] {strides = array<i32>} : memref<2x128x128xf32, #tpu.memory_space<vmem>>, vector<1x1x16xf32>,
        %get3A_1304 = vector.shape_cast %get3A_1303 : vector<1x1x16xf32> to vector<16xf32>
        %add3A_1305 = arith.addf %scan3A_1233, %get3A_1304 : vector<16xf32>
        scf.yield %add3A_1242, %add3A_1251, %add3A_1260, %add3A_1269, %add3A_1278, %add3A_1287, %add3A_1296, %add3A_1305 : vector<16xf32>, vector<16xf32>, vector<16xf32>, vector<16xf32>, vector<16xf32>, vector<16xf32>, vector<16xf32>, vector<16xf32>
      }
      %scan3A_592 = arith.constant 31 : i32
      %swap3A_593 = arith.constant 0 : i32
      %swap3A_594 = arith.constant 3 : i32
      %swap3A_595 = arith.index_cast %swap3A_593 : i32 to index
      %swap3A_596 = arith.index_cast %swap3A_594 : i32 to index
      %swap3A_597 = arith.constant 0 : index
      %swap3A_598 = tpu.vector_load %arg7[%swap3A_595, %swap3A_596, %swap3A_597] {strides = array<i32>} : memref<2x4x128xf32, #tpu.memory_space<vmem>>, vector<1x1x16xf32>,
      %swap3A_599 = vector.shape_cast %swap3A_598 : vector<1x1x16xf32> to vector<16xf32>
      %swap3A_600 = vector.shape_cast %scan3A_591#0 : vector<16xf32> to vector<1x1x16xf32>
      tpu.vector_store %arg7[%swap3A_595, %swap3A_596, %swap3A_597], %swap3A_600 {strides = array<i32>} : memref<2x4x128xf32, #tpu.memory_space<vmem>>, vector<1x1x16xf32>,
      %swap3A_601 = arith.constant 0 : i32
      %swap3A_602 = arith.constant 3 : i32
      %swap3A_603 = arith.index_cast %swap3A_601 : i32 to index
      %swap3A_604 = arith.index_cast %swap3A_602 : i32 to index
      %swap3A_605 = arith.constant 16 : index
      %swap3A_606 = tpu.vector_load %arg7[%swap3A_603, %swap3A_604, %swap3A_605] {strides = array<i32>} : memref<2x4x128xf32, #tpu.memory_space<vmem>>, vector<1x1x16xf32>,
      %swap3A_607 = vector.shape_cast %swap3A_606 : vector<1x1x16xf32> to vector<16xf32>
      %swap3A_608 = vector.shape_cast %scan3A_591#1 : vector<16xf32> to vector<1x1x16xf32>
      tpu.vector_store %arg7[%swap3A_603, %swap3A_604, %swap3A_605], %swap3A_608 {strides = array<i32>} : memref<2x4x128xf32, #tpu.memory_space<vmem>>, vector<1x1x16xf32>,
      %swap3A_609 = arith.constant 0 : i32
      %swap3A_610 = arith.constant 3 : i32
      %swap3A_611 = arith.index_cast %swap3A_609 : i32 to index
      %swap3A_612 = arith.index_cast %swap3A_610 : i32 to index
      %swap3A_613 = arith.constant 32 : index
      %swap3A_614 = tpu.vector_load %arg7[%swap3A_611, %swap3A_612, %swap3A_613] {strides = array<i32>} : memref<2x4x128xf32, #tpu.memory_space<vmem>>, vector<1x1x16xf32>,
      %swap3A_615 = vector.shape_cast %swap3A_614 : vector<1x1x16xf32> to vector<16xf32>
      %swap3A_616 = vector.shape_cast %scan3A_591#2 : vector<16xf32> to vector<1x1x16xf32>
      tpu.vector_store %arg7[%swap3A_611, %swap3A_612, %swap3A_613], %swap3A_616 {strides = array<i32>} : memref<2x4x128xf32, #tpu.memory_space<vmem>>, vector<1x1x16xf32>,
      %swap3A_617 = arith.constant 0 : i32
      %swap3A_618 = arith.constant 3 : i32
      %swap3A_619 = arith.index_cast %swap3A_617 : i32 to index
      %swap3A_620 = arith.index_cast %swap3A_618 : i32 to index
      %swap3A_621 = arith.constant 48 : index
      %swap3A_622 = tpu.vector_load %arg7[%swap3A_619, %swap3A_620, %swap3A_621] {strides = array<i32>} : memref<2x4x128xf32, #tpu.memory_space<vmem>>, vector<1x1x16xf32>,
      %swap3A_623 = vector.shape_cast %swap3A_622 : vector<1x1x16xf32> to vector<16xf32>
      %swap3A_624 = vector.shape_cast %scan3A_591#3 : vector<16xf32> to vector<1x1x16xf32>
      tpu.vector_store %arg7[%swap3A_619, %swap3A_620, %swap3A_621], %swap3A_624 {strides = array<i32>} : memref<2x4x128xf32, #tpu.memory_space<vmem>>, vector<1x1x16xf32>,
      %swap3A_625 = arith.constant 0 : i32
      %swap3A_626 = arith.constant 3 : i32
      %swap3A_627 = arith.index_cast %swap3A_625 : i32 to index
      %swap3A_628 = arith.index_cast %swap3A_626 : i32 to index
      %swap3A_629 = arith.constant 64 : index
      %swap3A_630 = tpu.vector_load %arg7[%swap3A_627, %swap3A_628, %swap3A_629] {strides = array<i32>} : memref<2x4x128xf32, #tpu.memory_space<vmem>>, vector<1x1x16xf32>,
      %swap3A_631 = vector.shape_cast %swap3A_630 : vector<1x1x16xf32> to vector<16xf32>
      %swap3A_632 = vector.shape_cast %scan3A_591#4 : vector<16xf32> to vector<1x1x16xf32>
      tpu.vector_store %arg7[%swap3A_627, %swap3A_628, %swap3A_629], %swap3A_632 {strides = array<i32>} : memref<2x4x128xf32, #tpu.memory_space<vmem>>, vector<1x1x16xf32>,
      %swap3A_633 = arith.constant 0 : i32
      %swap3A_634 = arith.constant 3 : i32
      %swap3A_635 = arith.index_cast %swap3A_633 : i32 to index
      %swap3A_636 = arith.index_cast %swap3A_634 : i32 to index
      %swap3A_637 = arith.constant 80 : index
      %swap3A_638 = tpu.vector_load %arg7[%swap3A_635, %swap3A_636, %swap3A_637] {strides = array<i32>} : memref<2x4x128xf32, #tpu.memory_space<vmem>>, vector<1x1x16xf32>,
      %swap3A_639 = vector.shape_cast %swap3A_638 : vector<1x1x16xf32> to vector<16xf32>
      %swap3A_640 = vector.shape_cast %scan3A_591#5 : vector<16xf32> to vector<1x1x16xf32>
      tpu.vector_store %arg7[%swap3A_635, %swap3A_636, %swap3A_637], %swap3A_640 {strides = array<i32>} : memref<2x4x128xf32, #tpu.memory_space<vmem>>, vector<1x1x16xf32>,
      %swap3A_641 = arith.constant 0 : i32
      %swap3A_642 = arith.constant 3 : i32
      %swap3A_643 = arith.index_cast %swap3A_641 : i32 to index
      %swap3A_644 = arith.index_cast %swap3A_642 : i32 to index
      %swap3A_645 = arith.constant 96 : index
      %swap3A_646 = tpu.vector_load %arg7[%swap3A_643, %swap3A_644, %swap3A_645] {strides = array<i32>} : memref<2x4x128xf32, #tpu.memory_space<vmem>>, vector<1x1x16xf32>,
      %swap3A_647 = vector.shape_cast %swap3A_646 : vector<1x1x16xf32> to vector<16xf32>
      %swap3A_648 = vector.shape_cast %scan3A_591#6 : vector<16xf32> to vector<1x1x16xf32>
      tpu.vector_store %arg7[%swap3A_643, %swap3A_644, %swap3A_645], %swap3A_648 {strides = array<i32>} : memref<2x4x128xf32, #tpu.memory_space<vmem>>, vector<1x1x16xf32>,
      %swap3A_649 = arith.constant 0 : i32
      %swap3A_650 = arith.constant 3 : i32
      %swap3A_651 = arith.index_cast %swap3A_649 : i32 to index
      %swap3A_652 = arith.index_cast %swap3A_650 : i32 to index
      %swap3A_653 = arith.constant 112 : index
      %swap3A_654 = tpu.vector_load %arg7[%swap3A_651, %swap3A_652, %swap3A_653] {strides = array<i32>} : memref<2x4x128xf32, #tpu.memory_space<vmem>>, vector<1x1x16xf32>,
      %swap3A_655 = vector.shape_cast %swap3A_654 : vector<1x1x16xf32> to vector<16xf32>
      %swap3A_656 = vector.shape_cast %scan3A_591#7 : vector<16xf32> to vector<1x1x16xf32>
      tpu.vector_store %arg7[%swap3A_651, %swap3A_652, %swap3A_653], %swap3A_656 {strides = array<i32>} : memref<2x4x128xf32, #tpu.memory_space<vmem>>, vector<1x1x16xf32>,
      %mul3A_657 = arith.constant 4 : i32
      %mul3A_658 = arith.muli %add3A_141, %mul3A_657 : i32
      %add3A_659 = arith.addi %mul3A_5, %mul3A_658 : i32
      %dma_start3A_660 = arith.constant 0 : i32
      %dma_start3A_661 = arith.constant 0 : i32
      %dma_start3A_662 = arith.constant 0 : i32
      %dma_start3A_663 = tpu.memref_slice %arg7[%dma_start3A_660, %dma_start3A_661, %dma_start3A_662] : memref<2x4x128xf32, #tpu.memory_space<vmem>> -> memref<1x4x128xf32, #tpu.memory_space<vmem>>
      %dma_start3A_664 = tpu.memref_squeeze %dma_start3A_663 : memref<1x4x128xf32, #tpu.memory_space<vmem>> -> memref<4x128xf32, #tpu.memory_space<vmem>>
      %dma_start3A_665 = arith.constant 0 : i32
      %dma_start3A_666 = tpu.memref_slice %arg4[%add3A_659, %dma_start3A_665] : memref<10000x128xf32, #tpu.memory_space<hbm>> -> memref<4x128xf32, #tpu.memory_space<hbm>>
      %dma_start3A_667 = arith.constant 0 : i32
      %dma_start3A_668 = tpu.memref_slice %arg4[%add3A_659, %dma_start3A_667] : memref<10000x128xf32, #tpu.memory_space<hbm>> -> memref<4x128xf32, #tpu.memory_space<hbm>>
      %dma_start3A_669 = arith.constant 0 : i32
      %dma_start3A_670 = arith.constant 0 : i32
      %dma_start3A_671 = tpu.memref_slice %arg7[%dma_start3A_660, %dma_start3A_669, %dma_start3A_670] : memref<2x4x128xf32, #tpu.memory_space<vmem>> -> memref<1x4x128xf32, #tpu.memory_space<vmem>>
      %dma_start3A_672 = tpu.memref_squeeze %dma_start3A_671 : memref<1x4x128xf32, #tpu.memory_space<vmem>> -> memref<4x128xf32, #tpu.memory_space<vmem>>
      tpu.enqueue_dma source(%dma_start3A_672 : memref<4x128xf32, #tpu.memory_space<vmem>>) target(%dma_start3A_668 : memref<4x128xf32, #tpu.memory_space<hbm>>) target_semaphore(%arg11 : memref<!tpu.dma_semaphore, #tpu.memory_space<semaphore_mem>>)
      %add3A_673 = arith.constant 2 : i32
      %add3A_674 = arith.addi %add3A_141, %add3A_673 : i32
      %lt3A = arith.cmpi slt, %add3A_674, %select_n3A : i32
      %convert_element_type3A_675 = arith.extui %lt3A : i1 to i32
      %cond3A_676 = arith.constant 0 : i32
      %cond3A_677 = arith.cmpi ne, %convert_element_type3A_675, %cond3A_676 : i32
      scf.if %cond3A_677 {
        %add3A_1225 = arith.constant 2 : i32
        %add3A_1226 = arith.addi %add3A_141, %add3A_1225 : i32
        %mul3A_1227 = arith.constant 128 : i32
        %mul3A_1228 = arith.muli %add3A_1226, %mul3A_1227 : i32
        %add3A_1229 = arith.addi %sub3A_32, %mul3A_1228 : i32
        %dma_start3A_1230 = arith.constant 0 : i32
        %dma_start3A_1231 = arith.constant 0 : i32
        %dma_start3A_1232 = arith.constant 0 : i32
        %dma_start3A_1233 = tpu.memref_slice %arg6[%dma_start3A_1230, %dma_start3A_1231, %dma_start3A_1232] : memref<2x128x128xf32, #tpu.memory_space<vmem>> -> memref<1x128x128xf32, #tpu.memory_space<vmem>>
        %dma_start3A_1234 = tpu.memref_squeeze %dma_start3A_1233 : memref<1x128x128xf32, #tpu.memory_space<vmem>> -> memref<128x128xf32, #tpu.memory_space<vmem>>
        %dma_start3A_1235 = tpu.memref_slice %arg5[%add3A_1229] : memref<10240xi32, #tpu.memory_space<vmem>> -> memref<128xi32, #tpu.memory_space<vmem>>
        %dma_start3A_1236 = arith.constant 0 : i32
        %dma_start3A_1237 = arith.constant 0 : i32
        %dma_start3A_1238 = tpu.memref_slice %arg8[%dma_start3A_1236, %dma_start3A_1237] : memref<10000x128xf32, #tpu.memory_space<vmem_shared>> -> memref<10000x128xf32, #tpu.memory_space<vmem_shared>>
        tpu.enqueue_indirect_dma source(%dma_start3A_1238 : memref<10000x128xf32, #tpu.memory_space<vmem_shared>>) target(%dma_start3A_1234 : memref<128x128xf32, #tpu.memory_space<vmem>>) offsets(%dma_start3A_1235 : memref<128xi32, #tpu.memory_space<vmem>>) semaphore(%arg9 : memref<!tpu.dma_semaphore, #tpu.memory_space<semaphore_mem>>)
      } else {
      }
      %mul3A_678 = arith.constant 2 : i32
      %mul3A_679 = arith.muli %add3A_137, %mul3A_678 : i32
      %add3A_680 = arith.constant 1 : i32
      %add3A_681 = arith.addi %mul3A_679, %add3A_680 : i32
      %mul3A_682 = arith.constant 128 : i32
      %mul3A_683 = arith.muli %add3A_681, %mul3A_682 : i32
      %add3A_684 = arith.addi %sub3A_32, %mul3A_683 : i32
      %dma_wait3A_685 = arith.constant 1 : i32
      %dma_wait3A_686 = arith.constant 0 : i32
      %dma_wait3A_687 = arith.constant 0 : i32
      %dma_wait3A_688 = tpu.memref_slice %arg6[%dma_wait3A_685, %dma_wait3A_686, %dma_wait3A_687] : memref<2x128x128xf32, #tpu.memory_space<vmem>> -> memref<1x128x128xf32, #tpu.memory_space<vmem>>
      %dma_wait3A_689 = tpu.memref_squeeze %dma_wait3A_688 : memref<1x128x128xf32, #tpu.memory_space<vmem>> -> memref<128x128xf32, #tpu.memory_space<vmem>>
      %dma_wait3A_690 = tpu.memref_slice %arg5[%add3A_684] : memref<10240xi32, #tpu.memory_space<vmem>> -> memref<128xi32, #tpu.memory_space<vmem>>
      %dma_wait3A_691 = arith.constant 0 : i32
      %dma_wait3A_692 = arith.constant 0 : i32
      %dma_wait3A_693 = tpu.memref_slice %arg8[%dma_wait3A_691, %dma_wait3A_692] : memref<10000x128xf32, #tpu.memory_space<vmem_shared>> -> memref<10000x128xf32, #tpu.memory_space<vmem_shared>>
      tpu.wait_indirect_dma semaphore(%arg10 : memref<!tpu.dma_semaphore, #tpu.memory_space<semaphore_mem>>) src(%dma_wait3A_693 : memref<10000x128xf32, #tpu.memory_space<vmem_shared>>) dst(%dma_wait3A_689 : memref<128x128xf32, #tpu.memory_space<vmem>>)
      %gt3A_694 = arith.constant 0 : i32
      %gt3A_695 = arith.cmpi sgt, %add3A_137, %gt3A_694 : i32
      %convert_element_type3A_696 = arith.extui %gt3A_695 : i1 to i32
      %cond3A_697 = arith.constant 0 : i32
      %cond3A_698 = arith.cmpi ne, %convert_element_type3A_696, %cond3A_697 : i32
      scf.if %cond3A_698 {
        %mul3A_1225 = arith.constant 4 : i32
        %mul3A_1226 = arith.muli %add3A_681, %mul3A_1225 : i32
        %add3A_1227 = arith.addi %mul3A_5, %mul3A_1226 : i32
        %dma_wait3A_1228 = arith.constant 1 : i32
        %dma_wait3A_1229 = arith.constant 0 : i32
        %dma_wait3A_1230 = arith.constant 0 : i32
        %dma_wait3A_1231 = tpu.memref_slice %arg7[%dma_wait3A_1228, %dma_wait3A_1229, %dma_wait3A_1230] : memref<2x4x128xf32, #tpu.memory_space<vmem>> -> memref<1x4x128xf32, #tpu.memory_space<vmem>>
        %dma_wait3A_1232 = tpu.memref_squeeze %dma_wait3A_1231 : memref<1x4x128xf32, #tpu.memory_space<vmem>> -> memref<4x128xf32, #tpu.memory_space<vmem>>
        %dma_wait3A_1233 = arith.constant 0 : i32
        %dma_wait3A_1234 = tpu.memref_slice %arg4[%add3A_1227, %dma_wait3A_1233] : memref<10000x128xf32, #tpu.memory_space<hbm>> -> memref<4x128xf32, #tpu.memory_space<hbm>>
        %dma_wait3A_1235 = arith.constant 0 : i32
        %dma_wait3A_1236 = tpu.memref_slice %arg4[%add3A_1227, %dma_wait3A_1235] : memref<10000x128xf32, #tpu.memory_space<hbm>> -> memref<4x128xf32, #tpu.memory_space<hbm>>
        %dma_wait3A_1237 = arith.constant 0 : i32
        %dma_wait3A_1238 = arith.constant 0 : i32
        %dma_wait3A_1239 = tpu.memref_slice %arg7[%dma_wait3A_1228, %dma_wait3A_1237, %dma_wait3A_1238] : memref<2x4x128xf32, #tpu.memory_space<vmem>> -> memref<1x4x128xf32, #tpu.memory_space<vmem>>
        %dma_wait3A_1240 = tpu.memref_squeeze %dma_wait3A_1239 : memref<1x4x128xf32, #tpu.memory_space<vmem>> -> memref<4x128xf32, #tpu.memory_space<vmem>>
        tpu.wait_dma2 semaphore(%arg12 : memref<!tpu.dma_semaphore, #tpu.memory_space<semaphore_mem>>) src(%dma_wait3A_1240 : memref<4x128xf32, #tpu.memory_space<vmem>>) dst(%dma_wait3A_1236 : memref<4x128xf32, #tpu.memory_space<hbm>>)
      } else {
      }
      %get3A_699 = arith.constant 1 : i32
      %get3A_700 = arith.constant 0 : i32
      %get3A_701 = arith.index_cast %get3A_699 : i32 to index
      %get3A_702 = arith.index_cast %get3A_700 : i32 to index
      %get3A_703 = arith.constant 0 : index
      %get3A_704 = tpu.vector_load %arg6[%get3A_701, %get3A_702, %get3A_703] {strides = array<i32>} : memref<2x128x128xf32, #tpu.memory_space<vmem>>, vector<1x1x16xf32>,
      %get3A_705 = vector.shape_cast %get3A_704 : vector<1x1x16xf32> to vector<16xf32>
      %get3A_706 = arith.constant 1 : i32
      %get3A_707 = arith.constant 0 : i32
      %get3A_708 = arith.index_cast %get3A_706 : i32 to index
      %get3A_709 = arith.index_cast %get3A_707 : i32 to index
      %get3A_710 = arith.constant 16 : index
      %get3A_711 = tpu.vector_load %arg6[%get3A_708, %get3A_709, %get3A_710] {strides = array<i32>} : memref<2x128x128xf32, #tpu.memory_space<vmem>>, vector<1x1x16xf32>,
      %get3A_712 = vector.shape_cast %get3A_711 : vector<1x1x16xf32> to vector<16xf32>
      %get3A_713 = arith.constant 1 : i32
      %get3A_714 = arith.constant 0 : i32
      %get3A_715 = arith.index_cast %get3A_713 : i32 to index
      %get3A_716 = arith.index_cast %get3A_714 : i32 to index
      %get3A_717 = arith.constant 32 : index
      %get3A_718 = tpu.vector_load %arg6[%get3A_715, %get3A_716, %get3A_717] {strides = array<i32>} : memref<2x128x128xf32, #tpu.memory_space<vmem>>, vector<1x1x16xf32>,
      %get3A_719 = vector.shape_cast %get3A_718 : vector<1x1x16xf32> to vector<16xf32>
      %get3A_720 = arith.constant 1 : i32
      %get3A_721 = arith.constant 0 : i32
      %get3A_722 = arith.index_cast %get3A_720 : i32 to index
      %get3A_723 = arith.index_cast %get3A_721 : i32 to index
      %get3A_724 = arith.constant 48 : index
      %get3A_725 = tpu.vector_load %arg6[%get3A_722, %get3A_723, %get3A_724] {strides = array<i32>} : memref<2x128x128xf32, #tpu.memory_space<vmem>>, vector<1x1x16xf32>,
      %get3A_726 = vector.shape_cast %get3A_725 : vector<1x1x16xf32> to vector<16xf32>
      %get3A_727 = arith.constant 1 : i32
      %get3A_728 = arith.constant 0 : i32
      %get3A_729 = arith.index_cast %get3A_727 : i32 to index
      %get3A_730 = arith.index_cast %get3A_728 : i32 to index
      %get3A_731 = arith.constant 64 : index
      %get3A_732 = tpu.vector_load %arg6[%get3A_729, %get3A_730, %get3A_731] {strides = array<i32>} : memref<2x128x128xf32, #tpu.memory_space<vmem>>, vector<1x1x16xf32>,
      %get3A_733 = vector.shape_cast %get3A_732 : vector<1x1x16xf32> to vector<16xf32>
      %get3A_734 = arith.constant 1 : i32
      %get3A_735 = arith.constant 0 : i32
      %get3A_736 = arith.index_cast %get3A_734 : i32 to index
      %get3A_737 = arith.index_cast %get3A_735 : i32 to index
      %get3A_738 = arith.constant 80 : index
      %get3A_739 = tpu.vector_load %arg6[%get3A_736, %get3A_737, %get3A_738] {strides = array<i32>} : memref<2x128x128xf32, #tpu.memory_space<vmem>>, vector<1x1x16xf32>,
      %get3A_740 = vector.shape_cast %get3A_739 : vector<1x1x16xf32> to vector<16xf32>
      %get3A_741 = arith.constant 1 : i32
      %get3A_742 = arith.constant 0 : i32
      %get3A_743 = arith.index_cast %get3A_741 : i32 to index
      %get3A_744 = arith.index_cast %get3A_742 : i32 to index
      %get3A_745 = arith.constant 96 : index
      %get3A_746 = tpu.vector_load %arg6[%get3A_743, %get3A_744, %get3A_745] {strides = array<i32>} : memref<2x128x128xf32, #tpu.memory_space<vmem>>, vector<1x1x16xf32>,
      %get3A_747 = vector.shape_cast %get3A_746 : vector<1x1x16xf32> to vector<16xf32>
      %get3A_748 = arith.constant 1 : i32
      %get3A_749 = arith.constant 0 : i32
      %get3A_750 = arith.index_cast %get3A_748 : i32 to index
      %get3A_751 = arith.index_cast %get3A_749 : i32 to index
      %get3A_752 = arith.constant 112 : index
      %get3A_753 = tpu.vector_load %arg6[%get3A_750, %get3A_751, %get3A_752] {strides = array<i32>} : memref<2x128x128xf32, #tpu.memory_space<vmem>>, vector<1x1x16xf32>,
      %get3A_754 = vector.shape_cast %get3A_753 : vector<1x1x16xf32> to vector<16xf32>
      %scan3A_755 = arith.constant 1 : i32
      %scan3A_756 = arith.constant 31 : i32
      %scan3A_757 = arith.addi %scan3A_755, %scan3A_756 : i32
      %scan3A_758 = arith.constant 1 : i32
      %scan3A_759:8 = scf.for %scan3A_1225 = %scan3A_755 to %scan3A_757 step %scan3A_758 iter_args(%scan3A_1226 = %get3A_705, %scan3A_1227 = %get3A_712, %scan3A_1228 = %get3A_719, %scan3A_1229 = %get3A_726, %scan3A_1230 = %get3A_733, %scan3A_1231 = %get3A_740, %scan3A_1232 = %get3A_747, %scan3A_1233 = %get3A_754) -> (vector<16xf32>, vector<16xf32>, vector<16xf32>, vector<16xf32>, vector<16xf32>, vector<16xf32>, vector<16xf32>, vector<16xf32>)  : i32 {
        %add3A_1234 = arith.constant 0 : i32
        %add3A_1235 = arith.addi %add3A_1234, %scan3A_1225 : i32
        %get3A_1236 = arith.constant 1 : i32
        %get3A_1237 = arith.index_cast %get3A_1236 : i32 to index
        %get3A_1238 = arith.index_cast %add3A_1235 : i32 to index
        %get3A_1239 = arith.constant 0 : index
        %get3A_1240 = tpu.vector_load %arg6[%get3A_1237, %get3A_1238, %get3A_1239] {strides = array<i32>} : memref<2x128x128xf32, #tpu.memory_space<vmem>>, vector<1x1x16xf32>,
        %get3A_1241 = vector.shape_cast %get3A_1240 : vector<1x1x16xf32> to vector<16xf32>
        %add3A_1242 = arith.addf %scan3A_1226, %get3A_1241 : vector<16xf32>
        %add3A_1243 = arith.constant 0 : i32
        %add3A_1244 = arith.addi %add3A_1243, %scan3A_1225 : i32
        %get3A_1245 = arith.constant 1 : i32
        %get3A_1246 = arith.index_cast %get3A_1245 : i32 to index
        %get3A_1247 = arith.index_cast %add3A_1244 : i32 to index
        %get3A_1248 = arith.constant 16 : index
        %get3A_1249 = tpu.vector_load %arg6[%get3A_1246, %get3A_1247, %get3A_1248] {strides = array<i32>} : memref<2x128x128xf32, #tpu.memory_space<vmem>>, vector<1x1x16xf32>,
        %get3A_1250 = vector.shape_cast %get3A_1249 : vector<1x1x16xf32> to vector<16xf32>
        %add3A_1251 = arith.addf %scan3A_1227, %get3A_1250 : vector<16xf32>
        %add3A_1252 = arith.constant 0 : i32
        %add3A_1253 = arith.addi %add3A_1252, %scan3A_1225 : i32
        %get3A_1254 = arith.constant 1 : i32
        %get3A_1255 = arith.index_cast %get3A_1254 : i32 to index
        %get3A_1256 = arith.index_cast %add3A_1253 : i32 to index
        %get3A_1257 = arith.constant 32 : index
        %get3A_1258 = tpu.vector_load %arg6[%get3A_1255, %get3A_1256, %get3A_1257] {strides = array<i32>} : memref<2x128x128xf32, #tpu.memory_space<vmem>>, vector<1x1x16xf32>,
        %get3A_1259 = vector.shape_cast %get3A_1258 : vector<1x1x16xf32> to vector<16xf32>
        %add3A_1260 = arith.addf %scan3A_1228, %get3A_1259 : vector<16xf32>
        %add3A_1261 = arith.constant 0 : i32
        %add3A_1262 = arith.addi %add3A_1261, %scan3A_1225 : i32
        %get3A_1263 = arith.constant 1 : i32
        %get3A_1264 = arith.index_cast %get3A_1263 : i32 to index
        %get3A_1265 = arith.index_cast %add3A_1262 : i32 to index
        %get3A_1266 = arith.constant 48 : index
        %get3A_1267 = tpu.vector_load %arg6[%get3A_1264, %get3A_1265, %get3A_1266] {strides = array<i32>} : memref<2x128x128xf32, #tpu.memory_space<vmem>>, vector<1x1x16xf32>,
        %get3A_1268 = vector.shape_cast %get3A_1267 : vector<1x1x16xf32> to vector<16xf32>
        %add3A_1269 = arith.addf %scan3A_1229, %get3A_1268 : vector<16xf32>
        %add3A_1270 = arith.constant 0 : i32
        %add3A_1271 = arith.addi %add3A_1270, %scan3A_1225 : i32
        %get3A_1272 = arith.constant 1 : i32
        %get3A_1273 = arith.index_cast %get3A_1272 : i32 to index
        %get3A_1274 = arith.index_cast %add3A_1271 : i32 to index
        %get3A_1275 = arith.constant 64 : index
        %get3A_1276 = tpu.vector_load %arg6[%get3A_1273, %get3A_1274, %get3A_1275] {strides = array<i32>} : memref<2x128x128xf32, #tpu.memory_space<vmem>>, vector<1x1x16xf32>,
        %get3A_1277 = vector.shape_cast %get3A_1276 : vector<1x1x16xf32> to vector<16xf32>
        %add3A_1278 = arith.addf %scan3A_1230, %get3A_1277 : vector<16xf32>
        %add3A_1279 = arith.constant 0 : i32
        %add3A_1280 = arith.addi %add3A_1279, %scan3A_1225 : i32
        %get3A_1281 = arith.constant 1 : i32
        %get3A_1282 = arith.index_cast %get3A_1281 : i32 to index
        %get3A_1283 = arith.index_cast %add3A_1280 : i32 to index
        %get3A_1284 = arith.constant 80 : index
        %get3A_1285 = tpu.vector_load %arg6[%get3A_1282, %get3A_1283, %get3A_1284] {strides = array<i32>} : memref<2x128x128xf32, #tpu.memory_space<vmem>>, vector<1x1x16xf32>,
        %get3A_1286 = vector.shape_cast %get3A_1285 : vector<1x1x16xf32> to vector<16xf32>
        %add3A_1287 = arith.addf %scan3A_1231, %get3A_1286 : vector<16xf32>
        %add3A_1288 = arith.constant 0 : i32
        %add3A_1289 = arith.addi %add3A_1288, %scan3A_1225 : i32
        %get3A_1290 = arith.constant 1 : i32
        %get3A_1291 = arith.index_cast %get3A_1290 : i32 to index
        %get3A_1292 = arith.index_cast %add3A_1289 : i32 to index
        %get3A_1293 = arith.constant 96 : index
        %get3A_1294 = tpu.vector_load %arg6[%get3A_1291, %get3A_1292, %get3A_1293] {strides = array<i32>} : memref<2x128x128xf32, #tpu.memory_space<vmem>>, vector<1x1x16xf32>,
        %get3A_1295 = vector.shape_cast %get3A_1294 : vector<1x1x16xf32> to vector<16xf32>
        %add3A_1296 = arith.addf %scan3A_1232, %get3A_1295 : vector<16xf32>
        %add3A_1297 = arith.constant 0 : i32
        %add3A_1298 = arith.addi %add3A_1297, %scan3A_1225 : i32
        %get3A_1299 = arith.constant 1 : i32
        %get3A_1300 = arith.index_cast %get3A_1299 : i32 to index
        %get3A_1301 = arith.index_cast %add3A_1298 : i32 to index
        %get3A_1302 = arith.constant 112 : index
        %get3A_1303 = tpu.vector_load %arg6[%get3A_1300, %get3A_1301, %get3A_1302] {strides = array<i32>} : memref<2x128x128xf32, #tpu.memory_space<vmem>>, vector<1x1x16xf32>,
        %get3A_1304 = vector.shape_cast %get3A_1303 : vector<1x1x16xf32> to vector<16xf32>
        %add3A_1305 = arith.addf %scan3A_1233, %get3A_1304 : vector<16xf32>
        scf.yield %add3A_1242, %add3A_1251, %add3A_1260, %add3A_1269, %add3A_1278, %add3A_1287, %add3A_1296, %add3A_1305 : vector<16xf32>, vector<16xf32>, vector<16xf32>, vector<16xf32>, vector<16xf32>, vector<16xf32>, vector<16xf32>, vector<16xf32>
      }
      %scan3A_760 = arith.constant 31 : i32
      %swap3A_761 = arith.constant 1 : i32
      %swap3A_762 = arith.constant 0 : i32
      %swap3A_763 = arith.index_cast %swap3A_761 : i32 to index
      %swap3A_764 = arith.index_cast %swap3A_762 : i32 to index
      %swap3A_765 = arith.constant 0 : index
      %swap3A_766 = tpu.vector_load %arg7[%swap3A_763, %swap3A_764, %swap3A_765] {strides = array<i32>} : memref<2x4x128xf32, #tpu.memory_space<vmem>>, vector<1x1x16xf32>,
      %swap3A_767 = vector.shape_cast %swap3A_766 : vector<1x1x16xf32> to vector<16xf32>
      %swap3A_768 = vector.shape_cast %scan3A_759#0 : vector<16xf32> to vector<1x1x16xf32>
      tpu.vector_store %arg7[%swap3A_763, %swap3A_764, %swap3A_765], %swap3A_768 {strides = array<i32>} : memref<2x4x128xf32, #tpu.memory_space<vmem>>, vector<1x1x16xf32>,
      %swap3A_769 = arith.constant 1 : i32
      %swap3A_770 = arith.constant 0 : i32
      %swap3A_771 = arith.index_cast %swap3A_769 : i32 to index
      %swap3A_772 = arith.index_cast %swap3A_770 : i32 to index
      %swap3A_773 = arith.constant 16 : index
      %swap3A_774 = tpu.vector_load %arg7[%swap3A_771, %swap3A_772, %swap3A_773] {strides = array<i32>} : memref<2x4x128xf32, #tpu.memory_space<vmem>>, vector<1x1x16xf32>,
      %swap3A_775 = vector.shape_cast %swap3A_774 : vector<1x1x16xf32> to vector<16xf32>
      %swap3A_776 = vector.shape_cast %scan3A_759#1 : vector<16xf32> to vector<1x1x16xf32>
      tpu.vector_store %arg7[%swap3A_771, %swap3A_772, %swap3A_773], %swap3A_776 {strides = array<i32>} : memref<2x4x128xf32, #tpu.memory_space<vmem>>, vector<1x1x16xf32>,
      %swap3A_777 = arith.constant 1 : i32
      %swap3A_778 = arith.constant 0 : i32
      %swap3A_779 = arith.index_cast %swap3A_777 : i32 to index
      %swap3A_780 = arith.index_cast %swap3A_778 : i32 to index
      %swap3A_781 = arith.constant 32 : index
      %swap3A_782 = tpu.vector_load %arg7[%swap3A_779, %swap3A_780, %swap3A_781] {strides = array<i32>} : memref<2x4x128xf32, #tpu.memory_space<vmem>>, vector<1x1x16xf32>,
      %swap3A_783 = vector.shape_cast %swap3A_782 : vector<1x1x16xf32> to vector<16xf32>
      %swap3A_784 = vector.shape_cast %scan3A_759#2 : vector<16xf32> to vector<1x1x16xf32>
      tpu.vector_store %arg7[%swap3A_779, %swap3A_780, %swap3A_781], %swap3A_784 {strides = array<i32>} : memref<2x4x128xf32, #tpu.memory_space<vmem>>, vector<1x1x16xf32>,
      %swap3A_785 = arith.constant 1 : i32
      %swap3A_786 = arith.constant 0 : i32
      %swap3A_787 = arith.index_cast %swap3A_785 : i32 to index
      %swap3A_788 = arith.index_cast %swap3A_786 : i32 to index
      %swap3A_789 = arith.constant 48 : index
      %swap3A_790 = tpu.vector_load %arg7[%swap3A_787, %swap3A_788, %swap3A_789] {strides = array<i32>} : memref<2x4x128xf32, #tpu.memory_space<vmem>>, vector<1x1x16xf32>,
      %swap3A_791 = vector.shape_cast %swap3A_790 : vector<1x1x16xf32> to vector<16xf32>
      %swap3A_792 = vector.shape_cast %scan3A_759#3 : vector<16xf32> to vector<1x1x16xf32>
      tpu.vector_store %arg7[%swap3A_787, %swap3A_788, %swap3A_789], %swap3A_792 {strides = array<i32>} : memref<2x4x128xf32, #tpu.memory_space<vmem>>, vector<1x1x16xf32>,
      %swap3A_793 = arith.constant 1 : i32
      %swap3A_794 = arith.constant 0 : i32
      %swap3A_795 = arith.index_cast %swap3A_793 : i32 to index
      %swap3A_796 = arith.index_cast %swap3A_794 : i32 to index
      %swap3A_797 = arith.constant 64 : index
      %swap3A_798 = tpu.vector_load %arg7[%swap3A_795, %swap3A_796, %swap3A_797] {strides = array<i32>} : memref<2x4x128xf32, #tpu.memory_space<vmem>>, vector<1x1x16xf32>,
      %swap3A_799 = vector.shape_cast %swap3A_798 : vector<1x1x16xf32> to vector<16xf32>
      %swap3A_800 = vector.shape_cast %scan3A_759#4 : vector<16xf32> to vector<1x1x16xf32>
      tpu.vector_store %arg7[%swap3A_795, %swap3A_796, %swap3A_797], %swap3A_800 {strides = array<i32>} : memref<2x4x128xf32, #tpu.memory_space<vmem>>, vector<1x1x16xf32>,
      %swap3A_801 = arith.constant 1 : i32
      %swap3A_802 = arith.constant 0 : i32
      %swap3A_803 = arith.index_cast %swap3A_801 : i32 to index
      %swap3A_804 = arith.index_cast %swap3A_802 : i32 to index
      %swap3A_805 = arith.constant 80 : index
      %swap3A_806 = tpu.vector_load %arg7[%swap3A_803, %swap3A_804, %swap3A_805] {strides = array<i32>} : memref<2x4x128xf32, #tpu.memory_space<vmem>>, vector<1x1x16xf32>,
      %swap3A_807 = vector.shape_cast %swap3A_806 : vector<1x1x16xf32> to vector<16xf32>
      %swap3A_808 = vector.shape_cast %scan3A_759#5 : vector<16xf32> to vector<1x1x16xf32>
      tpu.vector_store %arg7[%swap3A_803, %swap3A_804, %swap3A_805], %swap3A_808 {strides = array<i32>} : memref<2x4x128xf32, #tpu.memory_space<vmem>>, vector<1x1x16xf32>,
      %swap3A_809 = arith.constant 1 : i32
      %swap3A_810 = arith.constant 0 : i32
      %swap3A_811 = arith.index_cast %swap3A_809 : i32 to index
      %swap3A_812 = arith.index_cast %swap3A_810 : i32 to index
      %swap3A_813 = arith.constant 96 : index
      %swap3A_814 = tpu.vector_load %arg7[%swap3A_811, %swap3A_812, %swap3A_813] {strides = array<i32>} : memref<2x4x128xf32, #tpu.memory_space<vmem>>, vector<1x1x16xf32>,
      %swap3A_815 = vector.shape_cast %swap3A_814 : vector<1x1x16xf32> to vector<16xf32>
      %swap3A_816 = vector.shape_cast %scan3A_759#6 : vector<16xf32> to vector<1x1x16xf32>
      tpu.vector_store %arg7[%swap3A_811, %swap3A_812, %swap3A_813], %swap3A_816 {strides = array<i32>} : memref<2x4x128xf32, #tpu.memory_space<vmem>>, vector<1x1x16xf32>,
      %swap3A_817 = arith.constant 1 : i32
      %swap3A_818 = arith.constant 0 : i32
      %swap3A_819 = arith.index_cast %swap3A_817 : i32 to index
      %swap3A_820 = arith.index_cast %swap3A_818 : i32 to index
      %swap3A_821 = arith.constant 112 : index
      %swap3A_822 = tpu.vector_load %arg7[%swap3A_819, %swap3A_820, %swap3A_821] {strides = array<i32>} : memref<2x4x128xf32, #tpu.memory_space<vmem>>, vector<1x1x16xf32>,
      %swap3A_823 = vector.shape_cast %swap3A_822 : vector<1x1x16xf32> to vector<16xf32>
      %swap3A_824 = vector.shape_cast %scan3A_759#7 : vector<16xf32> to vector<1x1x16xf32>
      tpu.vector_store %arg7[%swap3A_819, %swap3A_820, %swap3A_821], %swap3A_824 {strides = array<i32>} : memref<2x4x128xf32, #tpu.memory_space<vmem>>, vector<1x1x16xf32>,
      %get3A_825 = arith.constant 1 : i32
      %get3A_826 = arith.constant 32 : i32
      %get3A_827 = arith.index_cast %get3A_825 : i32 to index
      %get3A_828 = arith.index_cast %get3A_826 : i32 to index
      %get3A_829 = arith.constant 0 : index
      %get3A_830 = tpu.vector_load %arg6[%get3A_827, %get3A_828, %get3A_829] {strides = array<i32>} : memref<2x128x128xf32, #tpu.memory_space<vmem>>, vector<1x1x16xf32>,
      %get3A_831 = vector.shape_cast %get3A_830 : vector<1x1x16xf32> to vector<16xf32>
      %get3A_832 = arith.constant 1 : i32
      %get3A_833 = arith.constant 32 : i32
      %get3A_834 = arith.index_cast %get3A_832 : i32 to index
      %get3A_835 = arith.index_cast %get3A_833 : i32 to index
      %get3A_836 = arith.constant 16 : index
      %get3A_837 = tpu.vector_load %arg6[%get3A_834, %get3A_835, %get3A_836] {strides = array<i32>} : memref<2x128x128xf32, #tpu.memory_space<vmem>>, vector<1x1x16xf32>,
      %get3A_838 = vector.shape_cast %get3A_837 : vector<1x1x16xf32> to vector<16xf32>
      %get3A_839 = arith.constant 1 : i32
      %get3A_840 = arith.constant 32 : i32
      %get3A_841 = arith.index_cast %get3A_839 : i32 to index
      %get3A_842 = arith.index_cast %get3A_840 : i32 to index
      %get3A_843 = arith.constant 32 : index
      %get3A_844 = tpu.vector_load %arg6[%get3A_841, %get3A_842, %get3A_843] {strides = array<i32>} : memref<2x128x128xf32, #tpu.memory_space<vmem>>, vector<1x1x16xf32>,
      %get3A_845 = vector.shape_cast %get3A_844 : vector<1x1x16xf32> to vector<16xf32>
      %get3A_846 = arith.constant 1 : i32
      %get3A_847 = arith.constant 32 : i32
      %get3A_848 = arith.index_cast %get3A_846 : i32 to index
      %get3A_849 = arith.index_cast %get3A_847 : i32 to index
      %get3A_850 = arith.constant 48 : index
      %get3A_851 = tpu.vector_load %arg6[%get3A_848, %get3A_849, %get3A_850] {strides = array<i32>} : memref<2x128x128xf32, #tpu.memory_space<vmem>>, vector<1x1x16xf32>,
      %get3A_852 = vector.shape_cast %get3A_851 : vector<1x1x16xf32> to vector<16xf32>
      %get3A_853 = arith.constant 1 : i32
      %get3A_854 = arith.constant 32 : i32
      %get3A_855 = arith.index_cast %get3A_853 : i32 to index
      %get3A_856 = arith.index_cast %get3A_854 : i32 to index
      %get3A_857 = arith.constant 64 : index
      %get3A_858 = tpu.vector_load %arg6[%get3A_855, %get3A_856, %get3A_857] {strides = array<i32>} : memref<2x128x128xf32, #tpu.memory_space<vmem>>, vector<1x1x16xf32>,
      %get3A_859 = vector.shape_cast %get3A_858 : vector<1x1x16xf32> to vector<16xf32>
      %get3A_860 = arith.constant 1 : i32
      %get3A_861 = arith.constant 32 : i32
      %get3A_862 = arith.index_cast %get3A_860 : i32 to index
      %get3A_863 = arith.index_cast %get3A_861 : i32 to index
      %get3A_864 = arith.constant 80 : index
      %get3A_865 = tpu.vector_load %arg6[%get3A_862, %get3A_863, %get3A_864] {strides = array<i32>} : memref<2x128x128xf32, #tpu.memory_space<vmem>>, vector<1x1x16xf32>,
      %get3A_866 = vector.shape_cast %get3A_865 : vector<1x1x16xf32> to vector<16xf32>
      %get3A_867 = arith.constant 1 : i32
      %get3A_868 = arith.constant 32 : i32
      %get3A_869 = arith.index_cast %get3A_867 : i32 to index
      %get3A_870 = arith.index_cast %get3A_868 : i32 to index
      %get3A_871 = arith.constant 96 : index
      %get3A_872 = tpu.vector_load %arg6[%get3A_869, %get3A_870, %get3A_871] {strides = array<i32>} : memref<2x128x128xf32, #tpu.memory_space<vmem>>, vector<1x1x16xf32>,
      %get3A_873 = vector.shape_cast %get3A_872 : vector<1x1x16xf32> to vector<16xf32>
      %get3A_874 = arith.constant 1 : i32
      %get3A_875 = arith.constant 32 : i32
      %get3A_876 = arith.index_cast %get3A_874 : i32 to index
      %get3A_877 = arith.index_cast %get3A_875 : i32 to index
      %get3A_878 = arith.constant 112 : index
      %get3A_879 = tpu.vector_load %arg6[%get3A_876, %get3A_877, %get3A_878] {strides = array<i32>} : memref<2x128x128xf32, #tpu.memory_space<vmem>>, vector<1x1x16xf32>,
      %get3A_880 = vector.shape_cast %get3A_879 : vector<1x1x16xf32> to vector<16xf32>
      %scan3A_881 = arith.constant 1 : i32
      %scan3A_882 = arith.constant 31 : i32
      %scan3A_883 = arith.addi %scan3A_881, %scan3A_882 : i32
      %scan3A_884 = arith.constant 1 : i32
      %scan3A_885:8 = scf.for %scan3A_1225 = %scan3A_881 to %scan3A_883 step %scan3A_884 iter_args(%scan3A_1226 = %get3A_831, %scan3A_1227 = %get3A_838, %scan3A_1228 = %get3A_845, %scan3A_1229 = %get3A_852, %scan3A_1230 = %get3A_859, %scan3A_1231 = %get3A_866, %scan3A_1232 = %get3A_873, %scan3A_1233 = %get3A_880) -> (vector<16xf32>, vector<16xf32>, vector<16xf32>, vector<16xf32>, vector<16xf32>, vector<16xf32>, vector<16xf32>, vector<16xf32>)  : i32 {
        %add3A_1234 = arith.constant 32 : i32
        %add3A_1235 = arith.addi %add3A_1234, %scan3A_1225 : i32
        %get3A_1236 = arith.constant 1 : i32
        %get3A_1237 = arith.index_cast %get3A_1236 : i32 to index
        %get3A_1238 = arith.index_cast %add3A_1235 : i32 to index
        %get3A_1239 = arith.constant 0 : index
        %get3A_1240 = tpu.vector_load %arg6[%get3A_1237, %get3A_1238, %get3A_1239] {strides = array<i32>} : memref<2x128x128xf32, #tpu.memory_space<vmem>>, vector<1x1x16xf32>,
        %get3A_1241 = vector.shape_cast %get3A_1240 : vector<1x1x16xf32> to vector<16xf32>
        %add3A_1242 = arith.addf %scan3A_1226, %get3A_1241 : vector<16xf32>
        %add3A_1243 = arith.constant 32 : i32
        %add3A_1244 = arith.addi %add3A_1243, %scan3A_1225 : i32
        %get3A_1245 = arith.constant 1 : i32
        %get3A_1246 = arith.index_cast %get3A_1245 : i32 to index
        %get3A_1247 = arith.index_cast %add3A_1244 : i32 to index
        %get3A_1248 = arith.constant 16 : index
        %get3A_1249 = tpu.vector_load %arg6[%get3A_1246, %get3A_1247, %get3A_1248] {strides = array<i32>} : memref<2x128x128xf32, #tpu.memory_space<vmem>>, vector<1x1x16xf32>,
        %get3A_1250 = vector.shape_cast %get3A_1249 : vector<1x1x16xf32> to vector<16xf32>
        %add3A_1251 = arith.addf %scan3A_1227, %get3A_1250 : vector<16xf32>
        %add3A_1252 = arith.constant 32 : i32
        %add3A_1253 = arith.addi %add3A_1252, %scan3A_1225 : i32
        %get3A_1254 = arith.constant 1 : i32
        %get3A_1255 = arith.index_cast %get3A_1254 : i32 to index
        %get3A_1256 = arith.index_cast %add3A_1253 : i32 to index
        %get3A_1257 = arith.constant 32 : index
        %get3A_1258 = tpu.vector_load %arg6[%get3A_1255, %get3A_1256, %get3A_1257] {strides = array<i32>} : memref<2x128x128xf32, #tpu.memory_space<vmem>>, vector<1x1x16xf32>,
        %get3A_1259 = vector.shape_cast %get3A_1258 : vector<1x1x16xf32> to vector<16xf32>
        %add3A_1260 = arith.addf %scan3A_1228, %get3A_1259 : vector<16xf32>
        %add3A_1261 = arith.constant 32 : i32
        %add3A_1262 = arith.addi %add3A_1261, %scan3A_1225 : i32
        %get3A_1263 = arith.constant 1 : i32
        %get3A_1264 = arith.index_cast %get3A_1263 : i32 to index
        %get3A_1265 = arith.index_cast %add3A_1262 : i32 to index
        %get3A_1266 = arith.constant 48 : index
        %get3A_1267 = tpu.vector_load %arg6[%get3A_1264, %get3A_1265, %get3A_1266] {strides = array<i32>} : memref<2x128x128xf32, #tpu.memory_space<vmem>>, vector<1x1x16xf32>,
        %get3A_1268 = vector.shape_cast %get3A_1267 : vector<1x1x16xf32> to vector<16xf32>
        %add3A_1269 = arith.addf %scan3A_1229, %get3A_1268 : vector<16xf32>
        %add3A_1270 = arith.constant 32 : i32
        %add3A_1271 = arith.addi %add3A_1270, %scan3A_1225 : i32
        %get3A_1272 = arith.constant 1 : i32
        %get3A_1273 = arith.index_cast %get3A_1272 : i32 to index
        %get3A_1274 = arith.index_cast %add3A_1271 : i32 to index
        %get3A_1275 = arith.constant 64 : index
        %get3A_1276 = tpu.vector_load %arg6[%get3A_1273, %get3A_1274, %get3A_1275] {strides = array<i32>} : memref<2x128x128xf32, #tpu.memory_space<vmem>>, vector<1x1x16xf32>,
        %get3A_1277 = vector.shape_cast %get3A_1276 : vector<1x1x16xf32> to vector<16xf32>
        %add3A_1278 = arith.addf %scan3A_1230, %get3A_1277 : vector<16xf32>
        %add3A_1279 = arith.constant 32 : i32
        %add3A_1280 = arith.addi %add3A_1279, %scan3A_1225 : i32
        %get3A_1281 = arith.constant 1 : i32
        %get3A_1282 = arith.index_cast %get3A_1281 : i32 to index
        %get3A_1283 = arith.index_cast %add3A_1280 : i32 to index
        %get3A_1284 = arith.constant 80 : index
        %get3A_1285 = tpu.vector_load %arg6[%get3A_1282, %get3A_1283, %get3A_1284] {strides = array<i32>} : memref<2x128x128xf32, #tpu.memory_space<vmem>>, vector<1x1x16xf32>,
        %get3A_1286 = vector.shape_cast %get3A_1285 : vector<1x1x16xf32> to vector<16xf32>
        %add3A_1287 = arith.addf %scan3A_1231, %get3A_1286 : vector<16xf32>
        %add3A_1288 = arith.constant 32 : i32
        %add3A_1289 = arith.addi %add3A_1288, %scan3A_1225 : i32
        %get3A_1290 = arith.constant 1 : i32
        %get3A_1291 = arith.index_cast %get3A_1290 : i32 to index
        %get3A_1292 = arith.index_cast %add3A_1289 : i32 to index
        %get3A_1293 = arith.constant 96 : index
        %get3A_1294 = tpu.vector_load %arg6[%get3A_1291, %get3A_1292, %get3A_1293] {strides = array<i32>} : memref<2x128x128xf32, #tpu.memory_space<vmem>>, vector<1x1x16xf32>,
        %get3A_1295 = vector.shape_cast %get3A_1294 : vector<1x1x16xf32> to vector<16xf32>
        %add3A_1296 = arith.addf %scan3A_1232, %get3A_1295 : vector<16xf32>
        %add3A_1297 = arith.constant 32 : i32
        %add3A_1298 = arith.addi %add3A_1297, %scan3A_1225 : i32
        %get3A_1299 = arith.constant 1 : i32
        %get3A_1300 = arith.index_cast %get3A_1299 : i32 to index
        %get3A_1301 = arith.index_cast %add3A_1298 : i32 to index
        %get3A_1302 = arith.constant 112 : index
        %get3A_1303 = tpu.vector_load %arg6[%get3A_1300, %get3A_1301, %get3A_1302] {strides = array<i32>} : memref<2x128x128xf32, #tpu.memory_space<vmem>>, vector<1x1x16xf32>,
        %get3A_1304 = vector.shape_cast %get3A_1303 : vector<1x1x16xf32> to vector<16xf32>
        %add3A_1305 = arith.addf %scan3A_1233, %get3A_1304 : vector<16xf32>
        scf.yield %add3A_1242, %add3A_1251, %add3A_1260, %add3A_1269, %add3A_1278, %add3A_1287, %add3A_1296, %add3A_1305 : vector<16xf32>, vector<16xf32>, vector<16xf32>, vector<16xf32>, vector<16xf32>, vector<16xf32>, vector<16xf32>, vector<16xf32>
      }
      %scan3A_886 = arith.constant 31 : i32
      %swap3A_887 = arith.constant 1 : i32
      %swap3A_888 = arith.constant 1 : i32
      %swap3A_889 = arith.index_cast %swap3A_887 : i32 to index
      %swap3A_890 = arith.index_cast %swap3A_888 : i32 to index
      %swap3A_891 = arith.constant 0 : index
      %swap3A_892 = tpu.vector_load %arg7[%swap3A_889, %swap3A_890, %swap3A_891] {strides = array<i32>} : memref<2x4x128xf32, #tpu.memory_space<vmem>>, vector<1x1x16xf32>,
      %swap3A_893 = vector.shape_cast %swap3A_892 : vector<1x1x16xf32> to vector<16xf32>
      %swap3A_894 = vector.shape_cast %scan3A_885#0 : vector<16xf32> to vector<1x1x16xf32>
      tpu.vector_store %arg7[%swap3A_889, %swap3A_890, %swap3A_891], %swap3A_894 {strides = array<i32>} : memref<2x4x128xf32, #tpu.memory_space<vmem>>, vector<1x1x16xf32>,
      %swap3A_895 = arith.constant 1 : i32
      %swap3A_896 = arith.constant 1 : i32
      %swap3A_897 = arith.index_cast %swap3A_895 : i32 to index
      %swap3A_898 = arith.index_cast %swap3A_896 : i32 to index
      %swap3A_899 = arith.constant 16 : index
      %swap3A_900 = tpu.vector_load %arg7[%swap3A_897, %swap3A_898, %swap3A_899] {strides = array<i32>} : memref<2x4x128xf32, #tpu.memory_space<vmem>>, vector<1x1x16xf32>,
      %swap3A_901 = vector.shape_cast %swap3A_900 : vector<1x1x16xf32> to vector<16xf32>
      %swap3A_902 = vector.shape_cast %scan3A_885#1 : vector<16xf32> to vector<1x1x16xf32>
      tpu.vector_store %arg7[%swap3A_897, %swap3A_898, %swap3A_899], %swap3A_902 {strides = array<i32>} : memref<2x4x128xf32, #tpu.memory_space<vmem>>, vector<1x1x16xf32>,
      %swap3A_903 = arith.constant 1 : i32
      %swap3A_904 = arith.constant 1 : i32
      %swap3A_905 = arith.index_cast %swap3A_903 : i32 to index
      %swap3A_906 = arith.index_cast %swap3A_904 : i32 to index
      %swap3A_907 = arith.constant 32 : index
      %swap3A_908 = tpu.vector_load %arg7[%swap3A_905, %swap3A_906, %swap3A_907] {strides = array<i32>} : memref<2x4x128xf32, #tpu.memory_space<vmem>>, vector<1x1x16xf32>,
      %swap3A_909 = vector.shape_cast %swap3A_908 : vector<1x1x16xf32> to vector<16xf32>
      %swap3A_910 = vector.shape_cast %scan3A_885#2 : vector<16xf32> to vector<1x1x16xf32>
      tpu.vector_store %arg7[%swap3A_905, %swap3A_906, %swap3A_907], %swap3A_910 {strides = array<i32>} : memref<2x4x128xf32, #tpu.memory_space<vmem>>, vector<1x1x16xf32>,
      %swap3A_911 = arith.constant 1 : i32
      %swap3A_912 = arith.constant 1 : i32
      %swap3A_913 = arith.index_cast %swap3A_911 : i32 to index
      %swap3A_914 = arith.index_cast %swap3A_912 : i32 to index
      %swap3A_915 = arith.constant 48 : index
      %swap3A_916 = tpu.vector_load %arg7[%swap3A_913, %swap3A_914, %swap3A_915] {strides = array<i32>} : memref<2x4x128xf32, #tpu.memory_space<vmem>>, vector<1x1x16xf32>,
      %swap3A_917 = vector.shape_cast %swap3A_916 : vector<1x1x16xf32> to vector<16xf32>
      %swap3A_918 = vector.shape_cast %scan3A_885#3 : vector<16xf32> to vector<1x1x16xf32>
      tpu.vector_store %arg7[%swap3A_913, %swap3A_914, %swap3A_915], %swap3A_918 {strides = array<i32>} : memref<2x4x128xf32, #tpu.memory_space<vmem>>, vector<1x1x16xf32>,
      %swap3A_919 = arith.constant 1 : i32
      %swap3A_920 = arith.constant 1 : i32
      %swap3A_921 = arith.index_cast %swap3A_919 : i32 to index
      %swap3A_922 = arith.index_cast %swap3A_920 : i32 to index
      %swap3A_923 = arith.constant 64 : index
      %swap3A_924 = tpu.vector_load %arg7[%swap3A_921, %swap3A_922, %swap3A_923] {strides = array<i32>} : memref<2x4x128xf32, #tpu.memory_space<vmem>>, vector<1x1x16xf32>,
      %swap3A_925 = vector.shape_cast %swap3A_924 : vector<1x1x16xf32> to vector<16xf32>
      %swap3A_926 = vector.shape_cast %scan3A_885#4 : vector<16xf32> to vector<1x1x16xf32>
      tpu.vector_store %arg7[%swap3A_921, %swap3A_922, %swap3A_923], %swap3A_926 {strides = array<i32>} : memref<2x4x128xf32, #tpu.memory_space<vmem>>, vector<1x1x16xf32>,
      %swap3A_927 = arith.constant 1 : i32
      %swap3A_928 = arith.constant 1 : i32
      %swap3A_929 = arith.index_cast %swap3A_927 : i32 to index
      %swap3A_930 = arith.index_cast %swap3A_928 : i32 to index
      %swap3A_931 = arith.constant 80 : index
      %swap3A_932 = tpu.vector_load %arg7[%swap3A_929, %swap3A_930, %swap3A_931] {strides = array<i32>} : memref<2x4x128xf32, #tpu.memory_space<vmem>>, vector<1x1x16xf32>,
      %swap3A_933 = vector.shape_cast %swap3A_932 : vector<1x1x16xf32> to vector<16xf32>
      %swap3A_934 = vector.shape_cast %scan3A_885#5 : vector<16xf32> to vector<1x1x16xf32>
      tpu.vector_store %arg7[%swap3A_929, %swap3A_930, %swap3A_931], %swap3A_934 {strides = array<i32>} : memref<2x4x128xf32, #tpu.memory_space<vmem>>, vector<1x1x16xf32>,
      %swap3A_935 = arith.constant 1 : i32
      %swap3A_936 = arith.constant 1 : i32
      %swap3A_937 = arith.index_cast %swap3A_935 : i32 to index
      %swap3A_938 = arith.index_cast %swap3A_936 : i32 to index
      %swap3A_939 = arith.constant 96 : index
      %swap3A_940 = tpu.vector_load %arg7[%swap3A_937, %swap3A_938, %swap3A_939] {strides = array<i32>} : memref<2x4x128xf32, #tpu.memory_space<vmem>>, vector<1x1x16xf32>,
      %swap3A_941 = vector.shape_cast %swap3A_940 : vector<1x1x16xf32> to vector<16xf32>
      %swap3A_942 = vector.shape_cast %scan3A_885#6 : vector<16xf32> to vector<1x1x16xf32>
      tpu.vector_store %arg7[%swap3A_937, %swap3A_938, %swap3A_939], %swap3A_942 {strides = array<i32>} : memref<2x4x128xf32, #tpu.memory_space<vmem>>, vector<1x1x16xf32>,
      %swap3A_943 = arith.constant 1 : i32
      %swap3A_944 = arith.constant 1 : i32
      %swap3A_945 = arith.index_cast %swap3A_943 : i32 to index
      %swap3A_946 = arith.index_cast %swap3A_944 : i32 to index
      %swap3A_947 = arith.constant 112 : index
      %swap3A_948 = tpu.vector_load %arg7[%swap3A_945, %swap3A_946, %swap3A_947] {strides = array<i32>} : memref<2x4x128xf32, #tpu.memory_space<vmem>>, vector<1x1x16xf32>,
      %swap3A_949 = vector.shape_cast %swap3A_948 : vector<1x1x16xf32> to vector<16xf32>
      %swap3A_950 = vector.shape_cast %scan3A_885#7 : vector<16xf32> to vector<1x1x16xf32>
      tpu.vector_store %arg7[%swap3A_945, %swap3A_946, %swap3A_947], %swap3A_950 {strides = array<i32>} : memref<2x4x128xf32, #tpu.memory_space<vmem>>, vector<1x1x16xf32>,
      %get3A_951 = arith.constant 1 : i32
      %get3A_952 = arith.constant 64 : i32
      %get3A_953 = arith.index_cast %get3A_951 : i32 to index
      %get3A_954 = arith.index_cast %get3A_952 : i32 to index
      %get3A_955 = arith.constant 0 : index
      %get3A_956 = tpu.vector_load %arg6[%get3A_953, %get3A_954, %get3A_955] {strides = array<i32>} : memref<2x128x128xf32, #tpu.memory_space<vmem>>, vector<1x1x16xf32>,
      %get3A_957 = vector.shape_cast %get3A_956 : vector<1x1x16xf32> to vector<16xf32>
      %get3A_958 = arith.constant 1 : i32
      %get3A_959 = arith.constant 64 : i32
      %get3A_960 = arith.index_cast %get3A_958 : i32 to index
      %get3A_961 = arith.index_cast %get3A_959 : i32 to index
      %get3A_962 = arith.constant 16 : index
      %get3A_963 = tpu.vector_load %arg6[%get3A_960, %get3A_961, %get3A_962] {strides = array<i32>} : memref<2x128x128xf32, #tpu.memory_space<vmem>>, vector<1x1x16xf32>,
      %get3A_964 = vector.shape_cast %get3A_963 : vector<1x1x16xf32> to vector<16xf32>
      %get3A_965 = arith.constant 1 : i32
      %get3A_966 = arith.constant 64 : i32
      %get3A_967 = arith.index_cast %get3A_965 : i32 to index
      %get3A_968 = arith.index_cast %get3A_966 : i32 to index
      %get3A_969 = arith.constant 32 : index
      %get3A_970 = tpu.vector_load %arg6[%get3A_967, %get3A_968, %get3A_969] {strides = array<i32>} : memref<2x128x128xf32, #tpu.memory_space<vmem>>, vector<1x1x16xf32>,
      %get3A_971 = vector.shape_cast %get3A_970 : vector<1x1x16xf32> to vector<16xf32>
      %get3A_972 = arith.constant 1 : i32
      %get3A_973 = arith.constant 64 : i32
      %get3A_974 = arith.index_cast %get3A_972 : i32 to index
      %get3A_975 = arith.index_cast %get3A_973 : i32 to index
      %get3A_976 = arith.constant 48 : index
      %get3A_977 = tpu.vector_load %arg6[%get3A_974, %get3A_975, %get3A_976] {strides = array<i32>} : memref<2x128x128xf32, #tpu.memory_space<vmem>>, vector<1x1x16xf32>,
      %get3A_978 = vector.shape_cast %get3A_977 : vector<1x1x16xf32> to vector<16xf32>
      %get3A_979 = arith.constant 1 : i32
      %get3A_980 = arith.constant 64 : i32
      %get3A_981 = arith.index_cast %get3A_979 : i32 to index
      %get3A_982 = arith.index_cast %get3A_980 : i32 to index
      %get3A_983 = arith.constant 64 : index
      %get3A_984 = tpu.vector_load %arg6[%get3A_981, %get3A_982, %get3A_983] {strides = array<i32>} : memref<2x128x128xf32, #tpu.memory_space<vmem>>, vector<1x1x16xf32>,
      %get3A_985 = vector.shape_cast %get3A_984 : vector<1x1x16xf32> to vector<16xf32>
      %get3A_986 = arith.constant 1 : i32
      %get3A_987 = arith.constant 64 : i32
      %get3A_988 = arith.index_cast %get3A_986 : i32 to index
      %get3A_989 = arith.index_cast %get3A_987 : i32 to index
      %get3A_990 = arith.constant 80 : index
      %get3A_991 = tpu.vector_load %arg6[%get3A_988, %get3A_989, %get3A_990] {strides = array<i32>} : memref<2x128x128xf32, #tpu.memory_space<vmem>>, vector<1x1x16xf32>,
      %get3A_992 = vector.shape_cast %get3A_991 : vector<1x1x16xf32> to vector<16xf32>
      %get3A_993 = arith.constant 1 : i32
      %get3A_994 = arith.constant 64 : i32
      %get3A_995 = arith.index_cast %get3A_993 : i32 to index
      %get3A_996 = arith.index_cast %get3A_994 : i32 to index
      %get3A_997 = arith.constant 96 : index
      %get3A_998 = tpu.vector_load %arg6[%get3A_995, %get3A_996, %get3A_997] {strides = array<i32>} : memref<2x128x128xf32, #tpu.memory_space<vmem>>, vector<1x1x16xf32>,
      %get3A_999 = vector.shape_cast %get3A_998 : vector<1x1x16xf32> to vector<16xf32>
      %get3A_1000 = arith.constant 1 : i32
      %get3A_1001 = arith.constant 64 : i32
      %get3A_1002 = arith.index_cast %get3A_1000 : i32 to index
      %get3A_1003 = arith.index_cast %get3A_1001 : i32 to index
      %get3A_1004 = arith.constant 112 : index
      %get3A_1005 = tpu.vector_load %arg6[%get3A_1002, %get3A_1003, %get3A_1004] {strides = array<i32>} : memref<2x128x128xf32, #tpu.memory_space<vmem>>, vector<1x1x16xf32>,
      %get3A_1006 = vector.shape_cast %get3A_1005 : vector<1x1x16xf32> to vector<16xf32>
      %scan3A_1007 = arith.constant 1 : i32
      %scan3A_1008 = arith.constant 31 : i32
      %scan3A_1009 = arith.addi %scan3A_1007, %scan3A_1008 : i32
      %scan3A_1010 = arith.constant 1 : i32
      %scan3A_1011:8 = scf.for %scan3A_1225 = %scan3A_1007 to %scan3A_1009 step %scan3A_1010 iter_args(%scan3A_1226 = %get3A_957, %scan3A_1227 = %get3A_964, %scan3A_1228 = %get3A_971, %scan3A_1229 = %get3A_978, %scan3A_1230 = %get3A_985, %scan3A_1231 = %get3A_992, %scan3A_1232 = %get3A_999, %scan3A_1233 = %get3A_1006) -> (vector<16xf32>, vector<16xf32>, vector<16xf32>, vector<16xf32>, vector<16xf32>, vector<16xf32>, vector<16xf32>, vector<16xf32>)  : i32 {
        %add3A_1234 = arith.constant 64 : i32
        %add3A_1235 = arith.addi %add3A_1234, %scan3A_1225 : i32
        %get3A_1236 = arith.constant 1 : i32
        %get3A_1237 = arith.index_cast %get3A_1236 : i32 to index
        %get3A_1238 = arith.index_cast %add3A_1235 : i32 to index
        %get3A_1239 = arith.constant 0 : index
        %get3A_1240 = tpu.vector_load %arg6[%get3A_1237, %get3A_1238, %get3A_1239] {strides = array<i32>} : memref<2x128x128xf32, #tpu.memory_space<vmem>>, vector<1x1x16xf32>,
        %get3A_1241 = vector.shape_cast %get3A_1240 : vector<1x1x16xf32> to vector<16xf32>
        %add3A_1242 = arith.addf %scan3A_1226, %get3A_1241 : vector<16xf32>
        %add3A_1243 = arith.constant 64 : i32
        %add3A_1244 = arith.addi %add3A_1243, %scan3A_1225 : i32
        %get3A_1245 = arith.constant 1 : i32
        %get3A_1246 = arith.index_cast %get3A_1245 : i32 to index
        %get3A_1247 = arith.index_cast %add3A_1244 : i32 to index
        %get3A_1248 = arith.constant 16 : index
        %get3A_1249 = tpu.vector_load %arg6[%get3A_1246, %get3A_1247, %get3A_1248] {strides = array<i32>} : memref<2x128x128xf32, #tpu.memory_space<vmem>>, vector<1x1x16xf32>,
        %get3A_1250 = vector.shape_cast %get3A_1249 : vector<1x1x16xf32> to vector<16xf32>
        %add3A_1251 = arith.addf %scan3A_1227, %get3A_1250 : vector<16xf32>
        %add3A_1252 = arith.constant 64 : i32
        %add3A_1253 = arith.addi %add3A_1252, %scan3A_1225 : i32
        %get3A_1254 = arith.constant 1 : i32
        %get3A_1255 = arith.index_cast %get3A_1254 : i32 to index
        %get3A_1256 = arith.index_cast %add3A_1253 : i32 to index
        %get3A_1257 = arith.constant 32 : index
        %get3A_1258 = tpu.vector_load %arg6[%get3A_1255, %get3A_1256, %get3A_1257] {strides = array<i32>} : memref<2x128x128xf32, #tpu.memory_space<vmem>>, vector<1x1x16xf32>,
        %get3A_1259 = vector.shape_cast %get3A_1258 : vector<1x1x16xf32> to vector<16xf32>
        %add3A_1260 = arith.addf %scan3A_1228, %get3A_1259 : vector<16xf32>
        %add3A_1261 = arith.constant 64 : i32
        %add3A_1262 = arith.addi %add3A_1261, %scan3A_1225 : i32
        %get3A_1263 = arith.constant 1 : i32
        %get3A_1264 = arith.index_cast %get3A_1263 : i32 to index
        %get3A_1265 = arith.index_cast %add3A_1262 : i32 to index
        %get3A_1266 = arith.constant 48 : index
        %get3A_1267 = tpu.vector_load %arg6[%get3A_1264, %get3A_1265, %get3A_1266] {strides = array<i32>} : memref<2x128x128xf32, #tpu.memory_space<vmem>>, vector<1x1x16xf32>,
        %get3A_1268 = vector.shape_cast %get3A_1267 : vector<1x1x16xf32> to vector<16xf32>
        %add3A_1269 = arith.addf %scan3A_1229, %get3A_1268 : vector<16xf32>
        %add3A_1270 = arith.constant 64 : i32
        %add3A_1271 = arith.addi %add3A_1270, %scan3A_1225 : i32
        %get3A_1272 = arith.constant 1 : i32
        %get3A_1273 = arith.index_cast %get3A_1272 : i32 to index
        %get3A_1274 = arith.index_cast %add3A_1271 : i32 to index
        %get3A_1275 = arith.constant 64 : index
        %get3A_1276 = tpu.vector_load %arg6[%get3A_1273, %get3A_1274, %get3A_1275] {strides = array<i32>} : memref<2x128x128xf32, #tpu.memory_space<vmem>>, vector<1x1x16xf32>,
        %get3A_1277 = vector.shape_cast %get3A_1276 : vector<1x1x16xf32> to vector<16xf32>
        %add3A_1278 = arith.addf %scan3A_1230, %get3A_1277 : vector<16xf32>
        %add3A_1279 = arith.constant 64 : i32
        %add3A_1280 = arith.addi %add3A_1279, %scan3A_1225 : i32
        %get3A_1281 = arith.constant 1 : i32
        %get3A_1282 = arith.index_cast %get3A_1281 : i32 to index
        %get3A_1283 = arith.index_cast %add3A_1280 : i32 to index
        %get3A_1284 = arith.constant 80 : index
        %get3A_1285 = tpu.vector_load %arg6[%get3A_1282, %get3A_1283, %get3A_1284] {strides = array<i32>} : memref<2x128x128xf32, #tpu.memory_space<vmem>>, vector<1x1x16xf32>,
        %get3A_1286 = vector.shape_cast %get3A_1285 : vector<1x1x16xf32> to vector<16xf32>
        %add3A_1287 = arith.addf %scan3A_1231, %get3A_1286 : vector<16xf32>
        %add3A_1288 = arith.constant 64 : i32
        %add3A_1289 = arith.addi %add3A_1288, %scan3A_1225 : i32
        %get3A_1290 = arith.constant 1 : i32
        %get3A_1291 = arith.index_cast %get3A_1290 : i32 to index
        %get3A_1292 = arith.index_cast %add3A_1289 : i32 to index
        %get3A_1293 = arith.constant 96 : index
        %get3A_1294 = tpu.vector_load %arg6[%get3A_1291, %get3A_1292, %get3A_1293] {strides = array<i32>} : memref<2x128x128xf32, #tpu.memory_space<vmem>>, vector<1x1x16xf32>,
        %get3A_1295 = vector.shape_cast %get3A_1294 : vector<1x1x16xf32> to vector<16xf32>
        %add3A_1296 = arith.addf %scan3A_1232, %get3A_1295 : vector<16xf32>
        %add3A_1297 = arith.constant 64 : i32
        %add3A_1298 = arith.addi %add3A_1297, %scan3A_1225 : i32
        %get3A_1299 = arith.constant 1 : i32
        %get3A_1300 = arith.index_cast %get3A_1299 : i32 to index
        %get3A_1301 = arith.index_cast %add3A_1298 : i32 to index
        %get3A_1302 = arith.constant 112 : index
        %get3A_1303 = tpu.vector_load %arg6[%get3A_1300, %get3A_1301, %get3A_1302] {strides = array<i32>} : memref<2x128x128xf32, #tpu.memory_space<vmem>>, vector<1x1x16xf32>,
        %get3A_1304 = vector.shape_cast %get3A_1303 : vector<1x1x16xf32> to vector<16xf32>
        %add3A_1305 = arith.addf %scan3A_1233, %get3A_1304 : vector<16xf32>
        scf.yield %add3A_1242, %add3A_1251, %add3A_1260, %add3A_1269, %add3A_1278, %add3A_1287, %add3A_1296, %add3A_1305 : vector<16xf32>, vector<16xf32>, vector<16xf32>, vector<16xf32>, vector<16xf32>, vector<16xf32>, vector<16xf32>, vector<16xf32>
      }
      %scan3A_1012 = arith.constant 31 : i32
      %swap3A_1013 = arith.constant 1 : i32
      %swap3A_1014 = arith.constant 2 : i32
      %swap3A_1015 = arith.index_cast %swap3A_1013 : i32 to index
      %swap3A_1016 = arith.index_cast %swap3A_1014 : i32 to index
      %swap3A_1017 = arith.constant 0 : index
      %swap3A_1018 = tpu.vector_load %arg7[%swap3A_1015, %swap3A_1016, %swap3A_1017] {strides = array<i32>} : memref<2x4x128xf32, #tpu.memory_space<vmem>>, vector<1x1x16xf32>,
      %swap3A_1019 = vector.shape_cast %swap3A_1018 : vector<1x1x16xf32> to vector<16xf32>
      %swap3A_1020 = vector.shape_cast %scan3A_1011#0 : vector<16xf32> to vector<1x1x16xf32>
      tpu.vector_store %arg7[%swap3A_1015, %swap3A_1016, %swap3A_1017], %swap3A_1020 {strides = array<i32>} : memref<2x4x128xf32, #tpu.memory_space<vmem>>, vector<1x1x16xf32>,
      %swap3A_1021 = arith.constant 1 : i32
      %swap3A_1022 = arith.constant 2 : i32
      %swap3A_1023 = arith.index_cast %swap3A_1021 : i32 to index
      %swap3A_1024 = arith.index_cast %swap3A_1022 : i32 to index
      %swap3A_1025 = arith.constant 16 : index
      %swap3A_1026 = tpu.vector_load %arg7[%swap3A_1023, %swap3A_1024, %swap3A_1025] {strides = array<i32>} : memref<2x4x128xf32, #tpu.memory_space<vmem>>, vector<1x1x16xf32>,
      %swap3A_1027 = vector.shape_cast %swap3A_1026 : vector<1x1x16xf32> to vector<16xf32>
      %swap3A_1028 = vector.shape_cast %scan3A_1011#1 : vector<16xf32> to vector<1x1x16xf32>
      tpu.vector_store %arg7[%swap3A_1023, %swap3A_1024, %swap3A_1025], %swap3A_1028 {strides = array<i32>} : memref<2x4x128xf32, #tpu.memory_space<vmem>>, vector<1x1x16xf32>,
      %swap3A_1029 = arith.constant 1 : i32
      %swap3A_1030 = arith.constant 2 : i32
      %swap3A_1031 = arith.index_cast %swap3A_1029 : i32 to index
      %swap3A_1032 = arith.index_cast %swap3A_1030 : i32 to index
      %swap3A_1033 = arith.constant 32 : index
      %swap3A_1034 = tpu.vector_load %arg7[%swap3A_1031, %swap3A_1032, %swap3A_1033] {strides = array<i32>} : memref<2x4x128xf32, #tpu.memory_space<vmem>>, vector<1x1x16xf32>,
      %swap3A_1035 = vector.shape_cast %swap3A_1034 : vector<1x1x16xf32> to vector<16xf32>
      %swap3A_1036 = vector.shape_cast %scan3A_1011#2 : vector<16xf32> to vector<1x1x16xf32>
      tpu.vector_store %arg7[%swap3A_1031, %swap3A_1032, %swap3A_1033], %swap3A_1036 {strides = array<i32>} : memref<2x4x128xf32, #tpu.memory_space<vmem>>, vector<1x1x16xf32>,
      %swap3A_1037 = arith.constant 1 : i32
      %swap3A_1038 = arith.constant 2 : i32
      %swap3A_1039 = arith.index_cast %swap3A_1037 : i32 to index
      %swap3A_1040 = arith.index_cast %swap3A_1038 : i32 to index
      %swap3A_1041 = arith.constant 48 : index
      %swap3A_1042 = tpu.vector_load %arg7[%swap3A_1039, %swap3A_1040, %swap3A_1041] {strides = array<i32>} : memref<2x4x128xf32, #tpu.memory_space<vmem>>, vector<1x1x16xf32>,
      %swap3A_1043 = vector.shape_cast %swap3A_1042 : vector<1x1x16xf32> to vector<16xf32>
      %swap3A_1044 = vector.shape_cast %scan3A_1011#3 : vector<16xf32> to vector<1x1x16xf32>
      tpu.vector_store %arg7[%swap3A_1039, %swap3A_1040, %swap3A_1041], %swap3A_1044 {strides = array<i32>} : memref<2x4x128xf32, #tpu.memory_space<vmem>>, vector<1x1x16xf32>,
      %swap3A_1045 = arith.constant 1 : i32
      %swap3A_1046 = arith.constant 2 : i32
      %swap3A_1047 = arith.index_cast %swap3A_1045 : i32 to index
      %swap3A_1048 = arith.index_cast %swap3A_1046 : i32 to index
      %swap3A_1049 = arith.constant 64 : index
      %swap3A_1050 = tpu.vector_load %arg7[%swap3A_1047, %swap3A_1048, %swap3A_1049] {strides = array<i32>} : memref<2x4x128xf32, #tpu.memory_space<vmem>>, vector<1x1x16xf32>,
      %swap3A_1051 = vector.shape_cast %swap3A_1050 : vector<1x1x16xf32> to vector<16xf32>
      %swap3A_1052 = vector.shape_cast %scan3A_1011#4 : vector<16xf32> to vector<1x1x16xf32>
      tpu.vector_store %arg7[%swap3A_1047, %swap3A_1048, %swap3A_1049], %swap3A_1052 {strides = array<i32>} : memref<2x4x128xf32, #tpu.memory_space<vmem>>, vector<1x1x16xf32>,
      %swap3A_1053 = arith.constant 1 : i32
      %swap3A_1054 = arith.constant 2 : i32
      %swap3A_1055 = arith.index_cast %swap3A_1053 : i32 to index
      %swap3A_1056 = arith.index_cast %swap3A_1054 : i32 to index
      %swap3A_1057 = arith.constant 80 : index
      %swap3A_1058 = tpu.vector_load %arg7[%swap3A_1055, %swap3A_1056, %swap3A_1057] {strides = array<i32>} : memref<2x4x128xf32, #tpu.memory_space<vmem>>, vector<1x1x16xf32>,
      %swap3A_1059 = vector.shape_cast %swap3A_1058 : vector<1x1x16xf32> to vector<16xf32>
      %swap3A_1060 = vector.shape_cast %scan3A_1011#5 : vector<16xf32> to vector<1x1x16xf32>
      tpu.vector_store %arg7[%swap3A_1055, %swap3A_1056, %swap3A_1057], %swap3A_1060 {strides = array<i32>} : memref<2x4x128xf32, #tpu.memory_space<vmem>>, vector<1x1x16xf32>,
      %swap3A_1061 = arith.constant 1 : i32
      %swap3A_1062 = arith.constant 2 : i32
      %swap3A_1063 = arith.index_cast %swap3A_1061 : i32 to index
      %swap3A_1064 = arith.index_cast %swap3A_1062 : i32 to index
      %swap3A_1065 = arith.constant 96 : index
      %swap3A_1066 = tpu.vector_load %arg7[%swap3A_1063, %swap3A_1064, %swap3A_1065] {strides = array<i32>} : memref<2x4x128xf32, #tpu.memory_space<vmem>>, vector<1x1x16xf32>,
      %swap3A_1067 = vector.shape_cast %swap3A_1066 : vector<1x1x16xf32> to vector<16xf32>
      %swap3A_1068 = vector.shape_cast %scan3A_1011#6 : vector<16xf32> to vector<1x1x16xf32>
      tpu.vector_store %arg7[%swap3A_1063, %swap3A_1064, %swap3A_1065], %swap3A_1068 {strides = array<i32>} : memref<2x4x128xf32, #tpu.memory_space<vmem>>, vector<1x1x16xf32>,
      %swap3A_1069 = arith.constant 1 : i32
      %swap3A_1070 = arith.constant 2 : i32
      %swap3A_1071 = arith.index_cast %swap3A_1069 : i32 to index
      %swap3A_1072 = arith.index_cast %swap3A_1070 : i32 to index
      %swap3A_1073 = arith.constant 112 : index
      %swap3A_1074 = tpu.vector_load %arg7[%swap3A_1071, %swap3A_1072, %swap3A_1073] {strides = array<i32>} : memref<2x4x128xf32, #tpu.memory_space<vmem>>, vector<1x1x16xf32>,
      %swap3A_1075 = vector.shape_cast %swap3A_1074 : vector<1x1x16xf32> to vector<16xf32>
      %swap3A_1076 = vector.shape_cast %scan3A_1011#7 : vector<16xf32> to vector<1x1x16xf32>
      tpu.vector_store %arg7[%swap3A_1071, %swap3A_1072, %swap3A_1073], %swap3A_1076 {strides = array<i32>} : memref<2x4x128xf32, #tpu.memory_space<vmem>>, vector<1x1x16xf32>,
      %get3A_1077 = arith.constant 1 : i32
      %get3A_1078 = arith.constant 96 : i32
      %get3A_1079 = arith.index_cast %get3A_1077 : i32 to index
      %get3A_1080 = arith.index_cast %get3A_1078 : i32 to index
      %get3A_1081 = arith.constant 0 : index
      %get3A_1082 = tpu.vector_load %arg6[%get3A_1079, %get3A_1080, %get3A_1081] {strides = array<i32>} : memref<2x128x128xf32, #tpu.memory_space<vmem>>, vector<1x1x16xf32>,
      %get3A_1083 = vector.shape_cast %get3A_1082 : vector<1x1x16xf32> to vector<16xf32>
      %get3A_1084 = arith.constant 1 : i32
      %get3A_1085 = arith.constant 96 : i32
      %get3A_1086 = arith.index_cast %get3A_1084 : i32 to index
      %get3A_1087 = arith.index_cast %get3A_1085 : i32 to index
      %get3A_1088 = arith.constant 16 : index
      %get3A_1089 = tpu.vector_load %arg6[%get3A_1086, %get3A_1087, %get3A_1088] {strides = array<i32>} : memref<2x128x128xf32, #tpu.memory_space<vmem>>, vector<1x1x16xf32>,
      %get3A_1090 = vector.shape_cast %get3A_1089 : vector<1x1x16xf32> to vector<16xf32>
      %get3A_1091 = arith.constant 1 : i32
      %get3A_1092 = arith.constant 96 : i32
      %get3A_1093 = arith.index_cast %get3A_1091 : i32 to index
      %get3A_1094 = arith.index_cast %get3A_1092 : i32 to index
      %get3A_1095 = arith.constant 32 : index
      %get3A_1096 = tpu.vector_load %arg6[%get3A_1093, %get3A_1094, %get3A_1095] {strides = array<i32>} : memref<2x128x128xf32, #tpu.memory_space<vmem>>, vector<1x1x16xf32>,
      %get3A_1097 = vector.shape_cast %get3A_1096 : vector<1x1x16xf32> to vector<16xf32>
      %get3A_1098 = arith.constant 1 : i32
      %get3A_1099 = arith.constant 96 : i32
      %get3A_1100 = arith.index_cast %get3A_1098 : i32 to index
      %get3A_1101 = arith.index_cast %get3A_1099 : i32 to index
      %get3A_1102 = arith.constant 48 : index
      %get3A_1103 = tpu.vector_load %arg6[%get3A_1100, %get3A_1101, %get3A_1102] {strides = array<i32>} : memref<2x128x128xf32, #tpu.memory_space<vmem>>, vector<1x1x16xf32>,
      %get3A_1104 = vector.shape_cast %get3A_1103 : vector<1x1x16xf32> to vector<16xf32>
      %get3A_1105 = arith.constant 1 : i32
      %get3A_1106 = arith.constant 96 : i32
      %get3A_1107 = arith.index_cast %get3A_1105 : i32 to index
      %get3A_1108 = arith.index_cast %get3A_1106 : i32 to index
      %get3A_1109 = arith.constant 64 : index
      %get3A_1110 = tpu.vector_load %arg6[%get3A_1107, %get3A_1108, %get3A_1109] {strides = array<i32>} : memref<2x128x128xf32, #tpu.memory_space<vmem>>, vector<1x1x16xf32>,
      %get3A_1111 = vector.shape_cast %get3A_1110 : vector<1x1x16xf32> to vector<16xf32>
      %get3A_1112 = arith.constant 1 : i32
      %get3A_1113 = arith.constant 96 : i32
      %get3A_1114 = arith.index_cast %get3A_1112 : i32 to index
      %get3A_1115 = arith.index_cast %get3A_1113 : i32 to index
      %get3A_1116 = arith.constant 80 : index
      %get3A_1117 = tpu.vector_load %arg6[%get3A_1114, %get3A_1115, %get3A_1116] {strides = array<i32>} : memref<2x128x128xf32, #tpu.memory_space<vmem>>, vector<1x1x16xf32>,
      %get3A_1118 = vector.shape_cast %get3A_1117 : vector<1x1x16xf32> to vector<16xf32>
      %get3A_1119 = arith.constant 1 : i32
      %get3A_1120 = arith.constant 96 : i32
      %get3A_1121 = arith.index_cast %get3A_1119 : i32 to index
      %get3A_1122 = arith.index_cast %get3A_1120 : i32 to index
      %get3A_1123 = arith.constant 96 : index
      %get3A_1124 = tpu.vector_load %arg6[%get3A_1121, %get3A_1122, %get3A_1123] {strides = array<i32>} : memref<2x128x128xf32, #tpu.memory_space<vmem>>, vector<1x1x16xf32>,
      %get3A_1125 = vector.shape_cast %get3A_1124 : vector<1x1x16xf32> to vector<16xf32>
      %get3A_1126 = arith.constant 1 : i32
      %get3A_1127 = arith.constant 96 : i32
      %get3A_1128 = arith.index_cast %get3A_1126 : i32 to index
      %get3A_1129 = arith.index_cast %get3A_1127 : i32 to index
      %get3A_1130 = arith.constant 112 : index
      %get3A_1131 = tpu.vector_load %arg6[%get3A_1128, %get3A_1129, %get3A_1130] {strides = array<i32>} : memref<2x128x128xf32, #tpu.memory_space<vmem>>, vector<1x1x16xf32>,
      %get3A_1132 = vector.shape_cast %get3A_1131 : vector<1x1x16xf32> to vector<16xf32>
      %scan3A_1133 = arith.constant 1 : i32
      %scan3A_1134 = arith.constant 31 : i32
      %scan3A_1135 = arith.addi %scan3A_1133, %scan3A_1134 : i32
      %scan3A_1136 = arith.constant 1 : i32
      %scan3A_1137:8 = scf.for %scan3A_1225 = %scan3A_1133 to %scan3A_1135 step %scan3A_1136 iter_args(%scan3A_1226 = %get3A_1083, %scan3A_1227 = %get3A_1090, %scan3A_1228 = %get3A_1097, %scan3A_1229 = %get3A_1104, %scan3A_1230 = %get3A_1111, %scan3A_1231 = %get3A_1118, %scan3A_1232 = %get3A_1125, %scan3A_1233 = %get3A_1132) -> (vector<16xf32>, vector<16xf32>, vector<16xf32>, vector<16xf32>, vector<16xf32>, vector<16xf32>, vector<16xf32>, vector<16xf32>)  : i32 {
        %add3A_1234 = arith.constant 96 : i32
        %add3A_1235 = arith.addi %add3A_1234, %scan3A_1225 : i32
        %get3A_1236 = arith.constant 1 : i32
        %get3A_1237 = arith.index_cast %get3A_1236 : i32 to index
        %get3A_1238 = arith.index_cast %add3A_1235 : i32 to index
        %get3A_1239 = arith.constant 0 : index
        %get3A_1240 = tpu.vector_load %arg6[%get3A_1237, %get3A_1238, %get3A_1239] {strides = array<i32>} : memref<2x128x128xf32, #tpu.memory_space<vmem>>, vector<1x1x16xf32>,
        %get3A_1241 = vector.shape_cast %get3A_1240 : vector<1x1x16xf32> to vector<16xf32>
        %add3A_1242 = arith.addf %scan3A_1226, %get3A_1241 : vector<16xf32>
        %add3A_1243 = arith.constant 96 : i32
        %add3A_1244 = arith.addi %add3A_1243, %scan3A_1225 : i32
        %get3A_1245 = arith.constant 1 : i32
        %get3A_1246 = arith.index_cast %get3A_1245 : i32 to index
        %get3A_1247 = arith.index_cast %add3A_1244 : i32 to index
        %get3A_1248 = arith.constant 16 : index
        %get3A_1249 = tpu.vector_load %arg6[%get3A_1246, %get3A_1247, %get3A_1248] {strides = array<i32>} : memref<2x128x128xf32, #tpu.memory_space<vmem>>, vector<1x1x16xf32>,
        %get3A_1250 = vector.shape_cast %get3A_1249 : vector<1x1x16xf32> to vector<16xf32>
        %add3A_1251 = arith.addf %scan3A_1227, %get3A_1250 : vector<16xf32>
        %add3A_1252 = arith.constant 96 : i32
        %add3A_1253 = arith.addi %add3A_1252, %scan3A_1225 : i32
        %get3A_1254 = arith.constant 1 : i32
        %get3A_1255 = arith.index_cast %get3A_1254 : i32 to index
        %get3A_1256 = arith.index_cast %add3A_1253 : i32 to index
        %get3A_1257 = arith.constant 32 : index
        %get3A_1258 = tpu.vector_load %arg6[%get3A_1255, %get3A_1256, %get3A_1257] {strides = array<i32>} : memref<2x128x128xf32, #tpu.memory_space<vmem>>, vector<1x1x16xf32>,
        %get3A_1259 = vector.shape_cast %get3A_1258 : vector<1x1x16xf32> to vector<16xf32>
        %add3A_1260 = arith.addf %scan3A_1228, %get3A_1259 : vector<16xf32>
        %add3A_1261 = arith.constant 96 : i32
        %add3A_1262 = arith.addi %add3A_1261, %scan3A_1225 : i32
        %get3A_1263 = arith.constant 1 : i32
        %get3A_1264 = arith.index_cast %get3A_1263 : i32 to index
        %get3A_1265 = arith.index_cast %add3A_1262 : i32 to index
        %get3A_1266 = arith.constant 48 : index
        %get3A_1267 = tpu.vector_load %arg6[%get3A_1264, %get3A_1265, %get3A_1266] {strides = array<i32>} : memref<2x128x128xf32, #tpu.memory_space<vmem>>, vector<1x1x16xf32>,
        %get3A_1268 = vector.shape_cast %get3A_1267 : vector<1x1x16xf32> to vector<16xf32>
        %add3A_1269 = arith.addf %scan3A_1229, %get3A_1268 : vector<16xf32>
        %add3A_1270 = arith.constant 96 : i32
        %add3A_1271 = arith.addi %add3A_1270, %scan3A_1225 : i32
        %get3A_1272 = arith.constant 1 : i32
        %get3A_1273 = arith.index_cast %get3A_1272 : i32 to index
        %get3A_1274 = arith.index_cast %add3A_1271 : i32 to index
        %get3A_1275 = arith.constant 64 : index
        %get3A_1276 = tpu.vector_load %arg6[%get3A_1273, %get3A_1274, %get3A_1275] {strides = array<i32>} : memref<2x128x128xf32, #tpu.memory_space<vmem>>, vector<1x1x16xf32>,
        %get3A_1277 = vector.shape_cast %get3A_1276 : vector<1x1x16xf32> to vector<16xf32>
        %add3A_1278 = arith.addf %scan3A_1230, %get3A_1277 : vector<16xf32>
        %add3A_1279 = arith.constant 96 : i32
        %add3A_1280 = arith.addi %add3A_1279, %scan3A_1225 : i32
        %get3A_1281 = arith.constant 1 : i32
        %get3A_1282 = arith.index_cast %get3A_1281 : i32 to index
        %get3A_1283 = arith.index_cast %add3A_1280 : i32 to index
        %get3A_1284 = arith.constant 80 : index
        %get3A_1285 = tpu.vector_load %arg6[%get3A_1282, %get3A_1283, %get3A_1284] {strides = array<i32>} : memref<2x128x128xf32, #tpu.memory_space<vmem>>, vector<1x1x16xf32>,
        %get3A_1286 = vector.shape_cast %get3A_1285 : vector<1x1x16xf32> to vector<16xf32>
        %add3A_1287 = arith.addf %scan3A_1231, %get3A_1286 : vector<16xf32>
        %add3A_1288 = arith.constant 96 : i32
        %add3A_1289 = arith.addi %add3A_1288, %scan3A_1225 : i32
        %get3A_1290 = arith.constant 1 : i32
        %get3A_1291 = arith.index_cast %get3A_1290 : i32 to index
        %get3A_1292 = arith.index_cast %add3A_1289 : i32 to index
        %get3A_1293 = arith.constant 96 : index
        %get3A_1294 = tpu.vector_load %arg6[%get3A_1291, %get3A_1292, %get3A_1293] {strides = array<i32>} : memref<2x128x128xf32, #tpu.memory_space<vmem>>, vector<1x1x16xf32>,
        %get3A_1295 = vector.shape_cast %get3A_1294 : vector<1x1x16xf32> to vector<16xf32>
        %add3A_1296 = arith.addf %scan3A_1232, %get3A_1295 : vector<16xf32>
        %add3A_1297 = arith.constant 96 : i32
        %add3A_1298 = arith.addi %add3A_1297, %scan3A_1225 : i32
        %get3A_1299 = arith.constant 1 : i32
        %get3A_1300 = arith.index_cast %get3A_1299 : i32 to index
        %get3A_1301 = arith.index_cast %add3A_1298 : i32 to index
        %get3A_1302 = arith.constant 112 : index
        %get3A_1303 = tpu.vector_load %arg6[%get3A_1300, %get3A_1301, %get3A_1302] {strides = array<i32>} : memref<2x128x128xf32, #tpu.memory_space<vmem>>, vector<1x1x16xf32>,
        %get3A_1304 = vector.shape_cast %get3A_1303 : vector<1x1x16xf32> to vector<16xf32>
        %add3A_1305 = arith.addf %scan3A_1233, %get3A_1304 : vector<16xf32>
        scf.yield %add3A_1242, %add3A_1251, %add3A_1260, %add3A_1269, %add3A_1278, %add3A_1287, %add3A_1296, %add3A_1305 : vector<16xf32>, vector<16xf32>, vector<16xf32>, vector<16xf32>, vector<16xf32>, vector<16xf32>, vector<16xf32>, vector<16xf32>
      }
      %scan3A_1138 = arith.constant 31 : i32
      %swap3A_1139 = arith.constant 1 : i32
      %swap3A_1140 = arith.constant 3 : i32
      %swap3A_1141 = arith.index_cast %swap3A_1139 : i32 to index
      %swap3A_1142 = arith.index_cast %swap3A_1140 : i32 to index
      %swap3A_1143 = arith.constant 0 : index
      %swap3A_1144 = tpu.vector_load %arg7[%swap3A_1141, %swap3A_1142, %swap3A_1143] {strides = array<i32>} : memref<2x4x128xf32, #tpu.memory_space<vmem>>, vector<1x1x16xf32>,
      %swap3A_1145 = vector.shape_cast %swap3A_1144 : vector<1x1x16xf32> to vector<16xf32>
      %swap3A_1146 = vector.shape_cast %scan3A_1137#0 : vector<16xf32> to vector<1x1x16xf32>
      tpu.vector_store %arg7[%swap3A_1141, %swap3A_1142, %swap3A_1143], %swap3A_1146 {strides = array<i32>} : memref<2x4x128xf32, #tpu.memory_space<vmem>>, vector<1x1x16xf32>,
      %swap3A_1147 = arith.constant 1 : i32
      %swap3A_1148 = arith.constant 3 : i32
      %swap3A_1149 = arith.index_cast %swap3A_1147 : i32 to index
      %swap3A_1150 = arith.index_cast %swap3A_1148 : i32 to index
      %swap3A_1151 = arith.constant 16 : index
      %swap3A_1152 = tpu.vector_load %arg7[%swap3A_1149, %swap3A_1150, %swap3A_1151] {strides = array<i32>} : memref<2x4x128xf32, #tpu.memory_space<vmem>>, vector<1x1x16xf32>,
      %swap3A_1153 = vector.shape_cast %swap3A_1152 : vector<1x1x16xf32> to vector<16xf32>
      %swap3A_1154 = vector.shape_cast %scan3A_1137#1 : vector<16xf32> to vector<1x1x16xf32>
      tpu.vector_store %arg7[%swap3A_1149, %swap3A_1150, %swap3A_1151], %swap3A_1154 {strides = array<i32>} : memref<2x4x128xf32, #tpu.memory_space<vmem>>, vector<1x1x16xf32>,
      %swap3A_1155 = arith.constant 1 : i32
      %swap3A_1156 = arith.constant 3 : i32
      %swap3A_1157 = arith.index_cast %swap3A_1155 : i32 to index
      %swap3A_1158 = arith.index_cast %swap3A_1156 : i32 to index
      %swap3A_1159 = arith.constant 32 : index
      %swap3A_1160 = tpu.vector_load %arg7[%swap3A_1157, %swap3A_1158, %swap3A_1159] {strides = array<i32>} : memref<2x4x128xf32, #tpu.memory_space<vmem>>, vector<1x1x16xf32>,
      %swap3A_1161 = vector.shape_cast %swap3A_1160 : vector<1x1x16xf32> to vector<16xf32>
      %swap3A_1162 = vector.shape_cast %scan3A_1137#2 : vector<16xf32> to vector<1x1x16xf32>
      tpu.vector_store %arg7[%swap3A_1157, %swap3A_1158, %swap3A_1159], %swap3A_1162 {strides = array<i32>} : memref<2x4x128xf32, #tpu.memory_space<vmem>>, vector<1x1x16xf32>,
      %swap3A_1163 = arith.constant 1 : i32
      %swap3A_1164 = arith.constant 3 : i32
      %swap3A_1165 = arith.index_cast %swap3A_1163 : i32 to index
      %swap3A_1166 = arith.index_cast %swap3A_1164 : i32 to index
      %swap3A_1167 = arith.constant 48 : index
      %swap3A_1168 = tpu.vector_load %arg7[%swap3A_1165, %swap3A_1166, %swap3A_1167] {strides = array<i32>} : memref<2x4x128xf32, #tpu.memory_space<vmem>>, vector<1x1x16xf32>,
      %swap3A_1169 = vector.shape_cast %swap3A_1168 : vector<1x1x16xf32> to vector<16xf32>
      %swap3A_1170 = vector.shape_cast %scan3A_1137#3 : vector<16xf32> to vector<1x1x16xf32>
      tpu.vector_store %arg7[%swap3A_1165, %swap3A_1166, %swap3A_1167], %swap3A_1170 {strides = array<i32>} : memref<2x4x128xf32, #tpu.memory_space<vmem>>, vector<1x1x16xf32>,
      %swap3A_1171 = arith.constant 1 : i32
      %swap3A_1172 = arith.constant 3 : i32
      %swap3A_1173 = arith.index_cast %swap3A_1171 : i32 to index
      %swap3A_1174 = arith.index_cast %swap3A_1172 : i32 to index
      %swap3A_1175 = arith.constant 64 : index
      %swap3A_1176 = tpu.vector_load %arg7[%swap3A_1173, %swap3A_1174, %swap3A_1175] {strides = array<i32>} : memref<2x4x128xf32, #tpu.memory_space<vmem>>, vector<1x1x16xf32>,
      %swap3A_1177 = vector.shape_cast %swap3A_1176 : vector<1x1x16xf32> to vector<16xf32>
      %swap3A_1178 = vector.shape_cast %scan3A_1137#4 : vector<16xf32> to vector<1x1x16xf32>
      tpu.vector_store %arg7[%swap3A_1173, %swap3A_1174, %swap3A_1175], %swap3A_1178 {strides = array<i32>} : memref<2x4x128xf32, #tpu.memory_space<vmem>>, vector<1x1x16xf32>,
      %swap3A_1179 = arith.constant 1 : i32
      %swap3A_1180 = arith.constant 3 : i32
      %swap3A_1181 = arith.index_cast %swap3A_1179 : i32 to index
      %swap3A_1182 = arith.index_cast %swap3A_1180 : i32 to index
      %swap3A_1183 = arith.constant 80 : index
      %swap3A_1184 = tpu.vector_load %arg7[%swap3A_1181, %swap3A_1182, %swap3A_1183] {strides = array<i32>} : memref<2x4x128xf32, #tpu.memory_space<vmem>>, vector<1x1x16xf32>,
      %swap3A_1185 = vector.shape_cast %swap3A_1184 : vector<1x1x16xf32> to vector<16xf32>
      %swap3A_1186 = vector.shape_cast %scan3A_1137#5 : vector<16xf32> to vector<1x1x16xf32>
      tpu.vector_store %arg7[%swap3A_1181, %swap3A_1182, %swap3A_1183], %swap3A_1186 {strides = array<i32>} : memref<2x4x128xf32, #tpu.memory_space<vmem>>, vector<1x1x16xf32>,
      %swap3A_1187 = arith.constant 1 : i32
      %swap3A_1188 = arith.constant 3 : i32
      %swap3A_1189 = arith.index_cast %swap3A_1187 : i32 to index
      %swap3A_1190 = arith.index_cast %swap3A_1188 : i32 to index
      %swap3A_1191 = arith.constant 96 : index
      %swap3A_1192 = tpu.vector_load %arg7[%swap3A_1189, %swap3A_1190, %swap3A_1191] {strides = array<i32>} : memref<2x4x128xf32, #tpu.memory_space<vmem>>, vector<1x1x16xf32>,
      %swap3A_1193 = vector.shape_cast %swap3A_1192 : vector<1x1x16xf32> to vector<16xf32>
      %swap3A_1194 = vector.shape_cast %scan3A_1137#6 : vector<16xf32> to vector<1x1x16xf32>
      tpu.vector_store %arg7[%swap3A_1189, %swap3A_1190, %swap3A_1191], %swap3A_1194 {strides = array<i32>} : memref<2x4x128xf32, #tpu.memory_space<vmem>>, vector<1x1x16xf32>,
      %swap3A_1195 = arith.constant 1 : i32
      %swap3A_1196 = arith.constant 3 : i32
      %swap3A_1197 = arith.index_cast %swap3A_1195 : i32 to index
      %swap3A_1198 = arith.index_cast %swap3A_1196 : i32 to index
      %swap3A_1199 = arith.constant 112 : index
      %swap3A_1200 = tpu.vector_load %arg7[%swap3A_1197, %swap3A_1198, %swap3A_1199] {strides = array<i32>} : memref<2x4x128xf32, #tpu.memory_space<vmem>>, vector<1x1x16xf32>,
      %swap3A_1201 = vector.shape_cast %swap3A_1200 : vector<1x1x16xf32> to vector<16xf32>
      %swap3A_1202 = vector.shape_cast %scan3A_1137#7 : vector<16xf32> to vector<1x1x16xf32>
      tpu.vector_store %arg7[%swap3A_1197, %swap3A_1198, %swap3A_1199], %swap3A_1202 {strides = array<i32>} : memref<2x4x128xf32, #tpu.memory_space<vmem>>, vector<1x1x16xf32>,
      %mul3A_1203 = arith.constant 4 : i32
      %mul3A_1204 = arith.muli %add3A_681, %mul3A_1203 : i32
      %add3A_1205 = arith.addi %mul3A_5, %mul3A_1204 : i32
      %dma_start3A_1206 = arith.constant 1 : i32
      %dma_start3A_1207 = arith.constant 0 : i32
      %dma_start3A_1208 = arith.constant 0 : i32
      %dma_start3A_1209 = tpu.memref_slice %arg7[%dma_start3A_1206, %dma_start3A_1207, %dma_start3A_1208] : memref<2x4x128xf32, #tpu.memory_space<vmem>> -> memref<1x4x128xf32, #tpu.memory_space<vmem>>
      %dma_start3A_1210 = tpu.memref_squeeze %dma_start3A_1209 : memref<1x4x128xf32, #tpu.memory_space<vmem>> -> memref<4x128xf32, #tpu.memory_space<vmem>>
      %dma_start3A_1211 = arith.constant 0 : i32
      %dma_start3A_1212 = tpu.memref_slice %arg4[%add3A_1205, %dma_start3A_1211] : memref<10000x128xf32, #tpu.memory_space<hbm>> -> memref<4x128xf32, #tpu.memory_space<hbm>>
      %dma_start3A_1213 = arith.constant 0 : i32
      %dma_start3A_1214 = tpu.memref_slice %arg4[%add3A_1205, %dma_start3A_1213] : memref<10000x128xf32, #tpu.memory_space<hbm>> -> memref<4x128xf32, #tpu.memory_space<hbm>>
      %dma_start3A_1215 = arith.constant 0 : i32
      %dma_start3A_1216 = arith.constant 0 : i32
      %dma_start3A_1217 = tpu.memref_slice %arg7[%dma_start3A_1206, %dma_start3A_1215, %dma_start3A_1216] : memref<2x4x128xf32, #tpu.memory_space<vmem>> -> memref<1x4x128xf32, #tpu.memory_space<vmem>>
      %dma_start3A_1218 = tpu.memref_squeeze %dma_start3A_1217 : memref<1x4x128xf32, #tpu.memory_space<vmem>> -> memref<4x128xf32, #tpu.memory_space<vmem>>
      tpu.enqueue_dma source(%dma_start3A_1218 : memref<4x128xf32, #tpu.memory_space<vmem>>) target(%dma_start3A_1214 : memref<4x128xf32, #tpu.memory_space<hbm>>) target_semaphore(%arg12 : memref<!tpu.dma_semaphore, #tpu.memory_space<semaphore_mem>>)
      %add3A_1219 = arith.constant 2 : i32
      %add3A_1220 = arith.addi %add3A_681, %add3A_1219 : i32
      %lt3A_1221 = arith.cmpi slt, %add3A_1220, %select_n3A : i32
      %convert_element_type3A_1222 = arith.extui %lt3A_1221 : i1 to i32
      %cond3A_1223 = arith.constant 0 : i32
      %cond3A_1224 = arith.cmpi ne, %convert_element_type3A_1222, %cond3A_1223 : i32
      scf.if %cond3A_1224 {
        %add3A_1225 = arith.constant 2 : i32
        %add3A_1226 = arith.addi %add3A_681, %add3A_1225 : i32
        %mul3A_1227 = arith.constant 128 : i32
        %mul3A_1228 = arith.muli %add3A_1226, %mul3A_1227 : i32
        %add3A_1229 = arith.addi %sub3A_32, %mul3A_1228 : i32
        %dma_start3A_1230 = arith.constant 1 : i32
        %dma_start3A_1231 = arith.constant 0 : i32
        %dma_start3A_1232 = arith.constant 0 : i32
        %dma_start3A_1233 = tpu.memref_slice %arg6[%dma_start3A_1230, %dma_start3A_1231, %dma_start3A_1232] : memref<2x128x128xf32, #tpu.memory_space<vmem>> -> memref<1x128x128xf32, #tpu.memory_space<vmem>>
        %dma_start3A_1234 = tpu.memref_squeeze %dma_start3A_1233 : memref<1x128x128xf32, #tpu.memory_space<vmem>> -> memref<128x128xf32, #tpu.memory_space<vmem>>
        %dma_start3A_1235 = tpu.memref_slice %arg5[%add3A_1229] : memref<10240xi32, #tpu.memory_space<vmem>> -> memref<128xi32, #tpu.memory_space<vmem>>
        %dma_start3A_1236 = arith.constant 0 : i32
        %dma_start3A_1237 = arith.constant 0 : i32
        %dma_start3A_1238 = tpu.memref_slice %arg8[%dma_start3A_1236, %dma_start3A_1237] : memref<10000x128xf32, #tpu.memory_space<vmem_shared>> -> memref<10000x128xf32, #tpu.memory_space<vmem_shared>>
        tpu.enqueue_indirect_dma source(%dma_start3A_1238 : memref<10000x128xf32, #tpu.memory_space<vmem_shared>>) target(%dma_start3A_1234 : memref<128x128xf32, #tpu.memory_space<vmem>>) offsets(%dma_start3A_1235 : memref<128xi32, #tpu.memory_space<vmem>>) semaphore(%arg10 : memref<!tpu.dma_semaphore, #tpu.memory_space<semaphore_mem>>)
      } else {
      }
    }
    %sub3A_96 = arith.constant 2 : i32
    %sub3A_97 = arith.subi %select_n3A, %sub3A_96 : i32
    %add3A_98 = arith.constant 0 : i32
    %add3A_99 = arith.addi %sub3A_97, %add3A_98 : i32
    %mul3A_100 = arith.constant 4 : i32
    %mul3A_101 = arith.muli %add3A_99, %mul3A_100 : i32
    %add3A_102 = arith.addi %mul3A_5, %mul3A_101 : i32
    %dma_wait3A = arith.constant 0 : i32
    %dma_wait3A_103 = arith.constant 0 : i32
    %dma_wait3A_104 = arith.constant 0 : i32
    %dma_wait3A_105 = tpu.memref_slice %arg7[%dma_wait3A, %dma_wait3A_103, %dma_wait3A_104] : memref<2x4x128xf32, #tpu.memory_space<vmem>> -> memref<1x4x128xf32, #tpu.memory_space<vmem>>
    %dma_wait3A_106 = tpu.memref_squeeze %dma_wait3A_105 : memref<1x4x128xf32, #tpu.memory_space<vmem>> -> memref<4x128xf32, #tpu.memory_space<vmem>>
    %dma_wait3A_107 = arith.constant 0 : i32
    %dma_wait3A_108 = tpu.memref_slice %arg4[%add3A_102, %dma_wait3A_107] : memref<10000x128xf32, #tpu.memory_space<hbm>> -> memref<4x128xf32, #tpu.memory_space<hbm>>
    %dma_wait3A_109 = arith.constant 0 : i32
    %dma_wait3A_110 = tpu.memref_slice %arg4[%add3A_102, %dma_wait3A_109] : memref<10000x128xf32, #tpu.memory_space<hbm>> -> memref<4x128xf32, #tpu.memory_space<hbm>>
    %dma_wait3A_111 = arith.constant 0 : i32
    %dma_wait3A_112 = arith.constant 0 : i32
    %dma_wait3A_113 = tpu.memref_slice %arg7[%dma_wait3A, %dma_wait3A_111, %dma_wait3A_112] : memref<2x4x128xf32, #tpu.memory_space<vmem>> -> memref<1x4x128xf32, #tpu.memory_space<vmem>>
    %dma_wait3A_114 = tpu.memref_squeeze %dma_wait3A_113 : memref<1x4x128xf32, #tpu.memory_space<vmem>> -> memref<4x128xf32, #tpu.memory_space<vmem>>
    tpu.wait_dma2 semaphore(%arg11 : memref<!tpu.dma_semaphore, #tpu.memory_space<semaphore_mem>>) src(%dma_wait3A_114 : memref<4x128xf32, #tpu.memory_space<vmem>>) dst(%dma_wait3A_110 : memref<4x128xf32, #tpu.memory_space<hbm>>)
    %sub3A_115 = arith.constant 2 : i32
    %sub3A_116 = arith.subi %select_n3A, %sub3A_115 : i32
    %add3A_117 = arith.constant 1 : i32
    %add3A_118 = arith.addi %sub3A_116, %add3A_117 : i32
    %mul3A_119 = arith.constant 4 : i32
    %mul3A_120 = arith.muli %add3A_118, %mul3A_119 : i32
    %add3A_121 = arith.addi %mul3A_5, %mul3A_120 : i32
    %dma_wait3A_122 = arith.constant 1 : i32
    %dma_wait3A_123 = arith.constant 0 : i32
    %dma_wait3A_124 = arith.constant 0 : i32
    %dma_wait3A_125 = tpu.memref_slice %arg7[%dma_wait3A_122, %dma_wait3A_123, %dma_wait3A_124] : memref<2x4x128xf32, #tpu.memory_space<vmem>> -> memref<1x4x128xf32, #tpu.memory_space<vmem>>
    %dma_wait3A_126 = tpu.memref_squeeze %dma_wait3A_125 : memref<1x4x128xf32, #tpu.memory_space<vmem>> -> memref<4x128xf32, #tpu.memory_space<vmem>>
    %dma_wait3A_127 = arith.constant 0 : i32
    %dma_wait3A_128 = tpu.memref_slice %arg4[%add3A_121, %dma_wait3A_127] : memref<10000x128xf32, #tpu.memory_space<hbm>> -> memref<4x128xf32, #tpu.memory_space<hbm>>
    %dma_wait3A_129 = arith.constant 0 : i32
    %dma_wait3A_130 = tpu.memref_slice %arg4[%add3A_121, %dma_wait3A_129] : memref<10000x128xf32, #tpu.memory_space<hbm>> -> memref<4x128xf32, #tpu.memory_space<hbm>>
    %dma_wait3A_131 = arith.constant 0 : i32
    %dma_wait3A_132 = arith.constant 0 : i32
    %dma_wait3A_133 = tpu.memref_slice %arg7[%dma_wait3A_122, %dma_wait3A_131, %dma_wait3A_132] : memref<2x4x128xf32, #tpu.memory_space<vmem>> -> memref<1x4x128xf32, #tpu.memory_space<vmem>>
    %dma_wait3A_134 = tpu.memref_squeeze %dma_wait3A_133 : memref<1x4x128xf32, #tpu.memory_space<vmem>> -> memref<4x128xf32, #tpu.memory_space<vmem>>
    tpu.wait_dma2 semaphore(%arg12 : memref<!tpu.dma_semaphore, #tpu.memory_space<semaphore_mem>>) src(%dma_wait3A_134 : memref<4x128xf32, #tpu.memory_space<vmem>>) dst(%dma_wait3A_130 : memref<4x128xf32, #tpu.memory_space<hbm>>)
    return
  }
}

module attributes {stable_mosaic.version = 14 : i64} {
  func.func @body(%arg0: i32, %arg1: memref<1000x128xf32, #tpu.memory_space<vmem>>, %arg2: memref<128x128xf32, #tpu.memory_space<vmem>>, %arg3: memref<1x128xf32, #tpu.memory_space<vmem>>, %arg4: memref<1000x128xf32, #tpu.memory_space<vmem>>) attributes {dimension_semantics = [#tpu.dimension_semantics<arbitrary>], iteration_bounds = array<i64: 10>, scalar_prefetch = 0 : i64, scratch_operands = 0 : i64, tpu.core_type = #tpu.core_type<tc>, window_params = [{transform_indices = @transform_0, window_bounds = array<i64: 1000, 128>}, {pipeline_mode = #tpu.pipeline_mode<synchronous>, transform_indices = @transform_1, window_bounds = array<i64: 128, 128>}, {pipeline_mode = #tpu.pipeline_mode<synchronous>, transform_indices = @transform_2, window_bounds = array<i64: 1, 128>}, {transform_indices = @transform_3, window_bounds = array<i64: 1000, 128>}]} {
    %get3A = arith.constant 0 : index
    %get3A_0 = arith.constant 0 : index
    %get3A_1 = vector.load %arg1[%get3A, %get3A_0] : memref<1000x128xf32, #tpu.memory_space<vmem>>, vector<1000x128xf32>
    %get3A_2 = arith.constant 0 : index
    %get3A_3 = arith.constant 0 : index
    %get3A_4 = vector.load %arg2[%get3A_2, %get3A_3] : memref<128x128xf32, #tpu.memory_space<vmem>>, vector<128x128xf32>
    %dot_general3A = arith.constant dense<0.000000e+00> : vector<1000x128xf32>
    %dot_general3A_5 = tpu.matmul %get3A_1, %get3A_4, %dot_general3A {dimension_numbers = #tpu.dot_dimension_numbers<[1], [0], [0], [1], [0, 0, 1, 1], [], []>, transpose_lhs_hint = false} : vector<1000x128xf32>, vector<128x128xf32>, vector<1000x128xf32> -> vector<1000x128xf32>
    %get3A_6 = arith.constant 0 : index
    %get3A_7 = arith.constant 0 : index
    %get3A_8 = vector.load %arg3[%get3A_6, %get3A_7] : memref<1x128xf32, #tpu.memory_space<vmem>>, vector<1x128xf32>
    %add3A = vector.broadcast %get3A_8 : vector<1x128xf32> to vector<1000x128xf32>
    %add3A_9 = arith.addf %dot_general3A_5, %add3A : vector<1000x128xf32>
    %swap3A = arith.constant 0 : index
    %swap3A_10 = arith.constant 0 : index
    %swap3A_11 = vector.load %arg4[%swap3A, %swap3A_10] : memref<1000x128xf32, #tpu.memory_space<vmem>>, vector<1000x128xf32>
    tpu.vector_store %arg4[%swap3A, %swap3A_10], %add3A_9 {strides = array<i32>} : memref<1000x128xf32, #tpu.memory_space<vmem>>, vector<1000x128xf32>,
    return
  }
  func.func @transform_0(%arg0: i32) -> (i32, i32) {
    %c0_i32 = arith.constant 0 : i32
    %c0_i32_0 = arith.constant 0 : i32
    return %arg0, %c0_i32 : i32, i32
  }
  func.func @transform_1(%arg0: i32) -> (i32, i32) {
    %c0_i32 = arith.constant 0 : i32
    %c0_i32_0 = arith.constant 0 : i32
    %c0_i32_1 = arith.constant 0 : i32
    return %c0_i32, %c0_i32_0 : i32, i32
  }
  func.func @transform_2(%arg0: i32) -> (i32, i32) {
    %c0_i32 = arith.constant 0 : i32
    %c0_i32_0 = arith.constant 0 : i32
    %c0_i32_1 = arith.constant 0 : i32
    return %c0_i32, %c0_i32_0 : i32, i32
  }
  func.func @transform_3(%arg0: i32) -> (i32, i32) {
    %c0_i32 = arith.constant 0 : i32
    %c0_i32_0 = arith.constant 0 : i32
    return %arg0, %c0_i32 : i32, i32
  }
}

module attributes {stable_mosaic.version = 14 : i64} {
  func.func @body(%arg0: i32, %arg1: memref<1000x128xf32, #tpu.memory_space<vmem>>, %arg2: memref<1000x128xf32, #tpu.memory_space<vmem>>, %arg3: memref<128x128xf32, #tpu.memory_space<vmem>>, %arg4: memref<1000x128xf32, #tpu.memory_space<vmem>>) attributes {dimension_semantics = [#tpu.dimension_semantics<arbitrary>], iteration_bounds = array<i64: 10>, scalar_prefetch = 0 : i64, scratch_operands = 0 : i64, tpu.core_type = #tpu.core_type<tc>, window_params = [{transform_indices = @transform_0, window_bounds = array<i64: 1000, 128>}, {transform_indices = @transform_1, window_bounds = array<i64: 1000, 128>}, {pipeline_mode = #tpu.pipeline_mode<synchronous>, transform_indices = @transform_2, window_bounds = array<i64: 128, 128>}, {transform_indices = @transform_3, window_bounds = array<i64: 1000, 128>}]} {
    %get3A = arith.constant 0 : index
    %get3A_0 = arith.constant 0 : index
    %get3A_1 = vector.load %arg2[%get3A, %get3A_0] : memref<1000x128xf32, #tpu.memory_space<vmem>>, vector<1000x128xf32>
    %get3A_2 = arith.constant 0 : index
    %get3A_3 = arith.constant 0 : index
    %get3A_4 = vector.load %arg3[%get3A_2, %get3A_3] : memref<128x128xf32, #tpu.memory_space<vmem>>, vector<128x128xf32>
    %dot_general3A = arith.constant dense<0.000000e+00> : vector<1000x128xf32>
    %dot_general3A_5 = tpu.matmul %get3A_1, %get3A_4, %dot_general3A {dimension_numbers = #tpu.dot_dimension_numbers<[1], [0], [0], [1], [0, 0, 1, 1], [], []>, transpose_lhs_hint = false} : vector<1000x128xf32>, vector<128x128xf32>, vector<1000x128xf32> -> vector<1000x128xf32>
    %get3A_6 = arith.constant 0 : index
    %get3A_7 = arith.constant 0 : index
    %get3A_8 = vector.load %arg1[%get3A_6, %get3A_7] : memref<1000x128xf32, #tpu.memory_space<vmem>>, vector<1000x128xf32>
    %add3A = arith.addf %dot_general3A_5, %get3A_8 : vector<1000x128xf32>
    %max3A = arith.constant 0.000000e+00 : f32
    %max3A_9 = vector.broadcast %max3A : f32 to vector<1000x128xf32>
    %max3A_10 = arith.maximumf %add3A, %max3A_9 : vector<1000x128xf32>
    %swap3A = arith.constant 0 : index
    %swap3A_11 = arith.constant 0 : index
    %swap3A_12 = vector.load %arg4[%swap3A, %swap3A_11] : memref<1000x128xf32, #tpu.memory_space<vmem>>, vector<1000x128xf32>
    tpu.vector_store %arg4[%swap3A, %swap3A_11], %max3A_10 {strides = array<i32>} : memref<1000x128xf32, #tpu.memory_space<vmem>>, vector<1000x128xf32>,
    return
  }
  func.func @transform_0(%arg0: i32) -> (i32, i32) {
    %c0_i32 = arith.constant 0 : i32
    %c0_i32_0 = arith.constant 0 : i32
    return %arg0, %c0_i32 : i32, i32
  }
  func.func @transform_1(%arg0: i32) -> (i32, i32) {
    %c0_i32 = arith.constant 0 : i32
    %c0_i32_0 = arith.constant 0 : i32
    return %arg0, %c0_i32 : i32, i32
  }
  func.func @transform_2(%arg0: i32) -> (i32, i32) {
    %c0_i32 = arith.constant 0 : i32
    %c0_i32_0 = arith.constant 0 : i32
    %c0_i32_1 = arith.constant 0 : i32
    return %c0_i32, %c0_i32_0 : i32, i32
  }
  func.func @transform_3(%arg0: i32) -> (i32, i32) {
    %c0_i32 = arith.constant 0 : i32
    %c0_i32_0 = arith.constant 0 : i32
    return %arg0, %c0_i32 : i32, i32
  }
}

</mosaic_0001>

<sc_bundles>
// kernel: kernel.5.cloned.1.call-start
scs
__scs_entry_jumppad:
0x0: {  	(pc) =	sbr.rel $0x88, $3  }
0x1: {  	(tag) =	ssettag $0x0;
	lr =	simm.s32 $0x1  }
0x2: {  	[smem:$0x3F9B] =	sst lr;
	_ =	strace $0xD0000000  }
0x3: {  	_ = 	snop  }
0x4: {  	_ = 	snop  }
0x5: {  	_ = 	snop  }
0x6: {  	_ = 	snop  }
0x7: {  	_ = 	snop  }
__scs_overlays_trampoline_lowered:
0x8: {  	[smem:$0x3FAA] =	sst s0  }
0x9: {  	[smem:$0x3FAB] =	sst s1  }
0xa: {  	[smem:$0x3FAC] =	sst s2  }
0xb: {  	[smem:$0x3FAD] =	sst s3  }
0xc: {  	[smem:$0x3FAE] =	sst s4  }
0xd: {  	[smem:$0x3FAF] =	sst s5  }
0xe: {  	[smem:$0x3FB0] =	sst s6  }
0xf: {  	[smem:$0x3FB1] =	sst s7  }
0x10: {  	[smem:$0x3FB2] =	sst s8  }
0x11: {  	[smem:$0x3FB3] =	sst s9;
	s0 =	simm.s32 @!p0 $0x0  }
0x12: {  	s1 =	sld [smem:$0x3F99];
	s0 =	simm.s32 @p0 $0x1  }
0x13: {  	[smem:$0x3FB4] =	sst s0;
	s0 =	simm.s32 @!p1 $0x0  }
0x14: {  	s2 =	sld [smem:$0x3F98];
	s0 =	simm.s32 @p1 $0x1  }
0x15: {  	[smem:$0x3FB5] =	sst s0;
	s0 =	simm.s32 @!p2 $0x0  }
0x16: {  	s3 =	sld [smem:$0x3FDB];
	s0 =	simm.s32 @p2 $0x1  }
0x17: {  	s4 =	simm.s32 $0x1BF5;
	[smem:$0x3FB7] =	sst s0  }
0x18: {  	s0 =	sld [smem:$0x3F9A];
	_ =	swait.ge [sflag:s4], $0x0  }
0x19: {  	s7 =	sld [smem:$0x3F9B]  }
0x1a: {  	s8 =	sadd.s32 $0xFFFFE003, lr  }
0x1b: {  	s9 =	sadd.s32 $0xFFFFFEF7, lr;
	s5 =	simm.s32 $0xFFFFFFFF;
	p2 =	slt.u32 s8, $0xFFFFF086  }
0x1c: {  	p1 =	slt.u32 s9, $0xF7A;
	s5 =	simm.s32 @!p2 $0x0  }
0x1d: {  	s5 =	simm.s32 @p1 $0x1;
	p0 =	seq.s32 s7, s2  }
0x1e: {  	s7 =	smul.u32 @!p0 $0xF7A, s2;
	p2 =	seq.s32 @!p0 s5, $0x0  }
0x1f: {  	s9 =	smul.u32 $0xF7A, s1;
	s8 =	simm.s32 @!p0 $0x1BF5;
	p2 =	por !p2, p0  }
0x20: {  	[sflag:s8] =	ssyncset.s32 @!p0 $0xFFFFF086;
	s6 =	sadd.s32 @!p0 s3, s7;
	s7 =	simm.s32 @!p0 $0x108  }
0x21: {  	s3 =	sadd.s32 s3, s9;
	s6 =	sadd.s32 @!p0 $0x88, s6;
	s7 =	simm.s32 @p2 $0x1082  }
0x22: {  	[simem:s7], [sflag:s8] =	dma.local @!p0 [hbm:s6], $0xF7A  }
0x23: {  	s9 =	sor.u32 $0xD0000000, s2;
	s6 =	simm.s32 $0x108;
	_ =	swait.ge @!p0 [sflag:s8], $0x0  }
0x24: {  	s3 =	sadd.s32 $0x88, s3;
	s6 =	simm.s32 @!p1 $0x1082;
	[sflag:s4] =	ssyncset.s32 $0xFFFFF086  }
0x25: {  	[simem:s6], [sflag:s4] =	dma.local [hbm:s3], $0xF7A  }
0x26: {  	[smem:$0x3F9B] =	sst s1;
	(tag) =	ssettag s2;
	_ =	strace s9  }
0x27: {  	s1 =	sld [smem:$0x3FAB]  }
0x28: {  	s2 =	sld [smem:$0x3FAC]  }
0x29: {  	s4 =	sld [smem:$0x3FAE]  }
0x2a: {  	p0 =	seq.s32 s5, $0x0;
	s5 =	sld [smem:$0x3FAF]  }
0x2b: {  	s6 =	sld [smem:$0x3FB0]  }
0x2c: {  	s7 =	sld [smem:$0x3FB1]  }
0x2d: {  	s3 =	simm.s32 $0x108;
	s8 =	sld [smem:$0x3FB2]  }
0x2e: {  	s3 =	simm.s32 @!p0 $0x1082;
	s9 =	sld [smem:$0x3FB3]  }
0x2f: {  	lr =	sadd.s32 s0, s3;
	s0 =	sld [smem:$0x3FAA]  }
0x30: {  	s3 =	sld [smem:$0x3FAD]  }
0x31: {  	[smem:$0x3FB6] =	sst s10  }
0x32: {  	s10 =	sld [smem:$0x3FB4];
	_ =	sdelay $0x3  }
0x33: {  	p0 =	seq.s32 s10, $0x1;
	s10 =	sld [smem:$0x3FB6];
	_ =	sdelay $0x3  }
0x34: {  	[smem:$0x3FB6] =	sst s10  }
0x35: {  	s10 =	sld [smem:$0x3FB5];
	_ =	sdelay $0x3  }
0x36: {  	p1 =	seq.s32 s10, $0x1;
	s10 =	sld [smem:$0x3FB6];
	_ =	sdelay $0x3  }
0x37: {  	[smem:$0x3FB6] =	sst s10  }
0x38: {  	s10 =	sld [smem:$0x3FB7]  }
0x39: {  	_ = 	snop;
	(pc) =	sbr.ind lr, $3  }
0x3a: {  	_ = 	snop  }
0x3b: {  	_ = 	snop  }
0x3c: {  	p2 =	seq.s32 s10, $0x1;
	s10 =	sld [smem:$0x3FB6]  }
0x3d: {  	_ =	shalt  }
0x3e: {  	_ =	shalt  }
0x3f: {  	_ =	shalt  }
0x40: {  	_ =	shalt  }
0x41: {  	_ =	shalt  }
0x42: {  	_ =	shalt  }
0x43: {  	_ =	shalt  }
0x44: {  	_ =	shalt  }
0x45: {  	_ =	shalt  }
0x46: {  	_ =	shalt  }
0x47: {  	_ =	shalt  }
0x48: {  	_ =	shalt  }
0x49: {  	_ =	shalt  }
0x4a: {  	_ =	shalt  }
0x4b: {  	_ =	shalt  }
0x4c: {  	_ =	shalt  }
0x4d: {  	_ =	shalt  }
0x4e: {  	_ =	shalt  }
0x4f: {  	_ =	shalt  }
0x50: {  	_ =	shalt  }
0x51: {  	_ =	shalt  }
0x52: {  	_ =	shalt  }
0x53: {  	_ =	shalt  }
0x54: {  	_ =	shalt  }
0x55: {  	_ =	shalt  }
0x56: {  	_ =	shalt  }
0x57: {  	_ =	shalt  }
0x58: {  	_ =	shalt  }
0x59: {  	_ =	shalt  }
0x5a: {  	_ =	shalt  }
0x5b: {  	_ =	shalt  }
0x5c: {  	_ =	shalt  }
0x5d: {  	_ =	shalt  }
0x5e: {  	_ =	shalt  }
0x5f: {  	_ =	shalt  }
0x60: {  	_ =	shalt  }
0x61: {  	_ =	shalt  }
0x62: {  	_ =	shalt  }
0x63: {  	_ =	shalt  }
0x64: {  	_ =	shalt  }
0x65: {  	_ =	shalt  }
0x66: {  	_ =	shalt  }
0x67: {  	_ =	shalt  }
0x68: {  	_ =	shalt  }
0x69: {  	_ =	shalt  }
0x6a: {  	_ =	shalt  }
0x6b: {  	_ =	shalt  }
0x6c: {  	_ =	shalt  }
0x6d: {  	_ =	shalt  }
0x6e: {  	_ =	shalt  }
0x6f: {  	_ =	shalt  }
0x70: {  	_ =	shalt  }
0x71: {  	_ =	shalt  }
0x72: {  	_ =	shalt  }
0x73: {  	_ =	shalt  }
0x74: {  	_ =	shalt  }
0x75: {  	_ =	shalt  }
0x76: {  	_ =	shalt  }
0x77: {  	_ =	shalt  }
0x78: {  	_ =	shalt  }
0x79: {  	_ =	shalt  }
0x7a: {  	_ =	shalt  }
0x7b: {  	_ =	shalt  }
0x7c: {  	_ =	shalt  }
0x7d: {  	_ =	shalt  }
0x7e: {  	_ =	shalt  }
0x7f: {  	_ =	shalt  }
0x80: {  	_ =	shalt  }
0x81: {  	_ =	shalt  }
0x82: {  	_ =	shalt  }
0x83: {  	_ =	shalt  }
0x84: {  	_ =	shalt  }
0x85: {  	_ =	shalt  }
0x86: {  	_ =	shalt  }
0x87: {  	_ =	shalt  }
.Lfunc_end0:
.L_simem_size_0:
called_computation_lowered:
.L_overlay_start_0:
0x88: {  	s2 =	sld [smem:$0x3FD9]  }
0x89: {  	s3 =	sld [smem:$0x3FFE];
	_ =	sdelay $0x1  }
0x8a: {  	s1 =	srdreg.scid  }
0x8b: {  	s0 =	sand.u32 $0x1, s1  }
0x8c: {  	s17 =	sshll.u32 s0, $0xA;
	s2 =	sadd.s32 s3, s2  }
0x8d: {  	s2 =	sadd.s32 s2, s17  }
0x8e: {  	[smem:$0x3FC2] =	sst s2  }
0x8f: {  	_ = 	snop  }
0x90: {  	s2 =	sld [smem:$0x3FC8]  }
0x91: {  	s18 =	sld [smem:$0x3FD0];
	(tm) =	ssettm $0x1  }
0x92: {  	s4 =	sld [smem:$0x3FFB];
	_ =	sdelay $0x3  }
0x93: {  	_ =	strace s4  }
0x94: {  	s4 =	sld [smem:$0x3FFC];
	_ =	sdelay $0x3  }
0x95: {  	_ =	strace s4  }
0x96: {  	s4 =	sld [smem:$0x3FFD];
	_ =	sdelay $0x3  }
0x97: {  	_ =	strace s4  }
0x98: {  	_ =	strace $0x8FFFFFFF  }
0x99: {  	s19 =	sld [smem:$0x3FDB];
	_ =	sdelay $0x1  }
0x9a: {  	s5 =	simm.s32 $_scs_section_size  }
0x9b: {  	s6 =	simm.s32 $_size__tile_overlayer_lowered;
	s7 =	simm.s32 $_tile_overlayer_lowered  }
0x9c: {  	s22 =	simm.s32 $0x1BFF;
	s21 =	sshll.u32 s7, $0x1;
	s4 =	sadd.s32 s5, s19  }
0x9d: {  	s8 =	simm.s32 $0x0;
	s20 =	sshll.u32 s6, $0x1;
	s6 =	sadd.s32 s21, s4  }
0x9e: {  	[timem:s8], [sflag:s22] =	dma.local [hbm:s6], s20  }
0x9f: {  	_ =	swait.ge [sflag:s22], s20  }
0xa0: {  	s5 =	ssub.s32 $0x0, s20;
	[sflag:s22] =	ssyncset.done $0x0  }
0xa1: {  	[sflag:s22] =	ssyncadd.s32 s5;
	_ =	sdelay $0x1  }
0xa2: {  	s23 =	simm.s32 $0x1B8B  }
0xa3: {  	_ =	swait.ge [sflag:s23], $0x1  }
0xa4: {  	[sflag:s23] =	ssyncset.done $0x0  }
0xa5: {  	s25 =	simm.s32 $0x1B8E;
	s24 =	sld [smem:$0x3FFE];
	[sflag:s23] =	ssyncadd.s32 $0xFFFFFFFF  }
0xa6: {  	s26 =	simm.s32 $execute0_lowered;
	[smem:$0x3FD2] =	sst s25  }
0xa7: {  	s6 =	sshll.u32 s26, $0x1;
	_ =	strace $0x80000046;
	[dreg:$0x1] =	wrdreg $0xFFFFFFFF  }
0xa8: {  	s28 =	simm.s32 $_size_execute0_lowered;
	s4 =	sadd.s32 s4, s6;
	[dreg:$0x0] =	wrdreg $0x0  }
0xa9: {  	s6 =	sshll.u32 s28, $0x1;
	[dreg:$0x2] =	wrdreg s4  }
0xaa: {  	[dreg:$0x3] =	wrdreg s6  }
0xab: {  	[dreg:$0x4] =	wrdreg $0xC0  }
0xac: {  	_ =	task [dreg:s8], $0x5FFFF  }
0xad: {  	[dreg:$0x1] =	wrdreg $0xFFFFFFFF  }
0xae: {  	[dreg:$0x0] =	wrdreg $0x60  }
0xaf: {  	[dreg:$0x2] =	wrdreg s24  }
0xb0: {  	[dreg:$0x3] =	wrdreg s2  }
0xb1: {  	[dreg:$0x4] =	wrdreg s18  }
0xb2: {  	[dreg:$0x5] =	wrdreg $0xAC000  }
0xb3: {  	[dreg:$0x6] =	wrdreg $0x9  }
0xb4: {  	_ =	task.clear_ibuf [dreg:s8], $0x7FFFF;
	_ =	strace $0x90000046  }
0xb5: {  	s29 =	simm.s32 $0x9;
	_ =	strace $0x80000048  }
0xb6: {  	_ =	swait.ge [sflag:s29], $0x1  }
0xb7: {  	[sflag:s29] =	ssyncadd.s32 $0xFFFFFFFF  }
0xb8: {  	_ =	strace $0x90000048  }
0xb9: {  	_ =	sfence  }
0xba: {  	s30 =	sld [smem:$0x0];
	_ =	sdelay $0x2  }
0xbb: {  	s31 =	sshll.u32 s1, $0xD;
	s1 =	sshrl.u32 s1, $0x2  }
0xbc: {  	s3 =	sand.u32 $0x4000, s31;
	s1 =	sadd.s32 s1, s30  }
0xbd: {  	s0 =	sor.u32 s3, s0;
	s1 =	sshll.u32 s1, $0x11  }
0xbe: {  	s0 =	sor.u32 s1, s0  }
0xbf: {  	s0 =	sadd.s32 $0x8F2B, s0  }
0xc0: {  	[sflag:s0] =	ssyncadd.remote.s32 $0x1  }
0xc1: {  	_ =	sfence.sel $0xFFFF  }
0xc2: {  	[dreg:$0x0] =	wrdreg $0xFFFFFFFF;
	(pc) =	sbr.abs _section_cstart, $3  }
0xc3: {  	[dreg:$0x1] =	wrdreg $0xFFFFFFFF  }
0xc4: {  	_ =	task.clear_ibuf [dreg:s8], $0x2FFFF;
	_ =	strace $0x9FFFFFFF  }
0xc5: {  	(tm) =	ssettm $0x7FFFFFFF  }
tec
execute0_lowered:
.L_overlay_start_1:
0x0: {  	(tag) =	ssettag $0x1  }
0x1: {  	s5 =	rddreg [dreg:$0x0]  }
0x2: {  	s6 =	rddreg [dreg:$0x1]  }
0x3: {  	s1 =	srdreg.scid;
	s2 =	rddreg [dreg:$0x2]  }
0x4: {  	s0 =	stileid.u32;
	s3 =	rddreg [dreg:$0x3];
	s4 =	simm.s32 $0x0  }
0x5: {  	s18 =	simm.s32 $0x2800;
	s19 =	simm.s32 $0x6800;
	s20 =	simm.s32 $0x1  }
0x6: {  	s21 =	simm.s32 $0xA800;
	s22 =	simm.s32 $0x2;
	s8 =	smul.u32 $0x278, s0  }
0x7: {  	s7 =	sand.u32 $0x1, s1;
	s23 =	sshll.u32 s0, $0x1;
	s17 =	smul.u32 $0xFFFFFD80, s0  }
0x8: {  	[smem:$0x7FF] =	sst s4;
	s9 =	sor.u32 s7, s23;
	s29 =	smul.u32 $0xFFFFFEC0, s7  }
0x9: {  	s30 =	sshll.u32 s0, $0x6;
	_ =	strace $0x80000047;
	s11 =	smul.u32 $0x140, s9  }
0xa: {  	s12 =	ssub.s32 $0x2, s7;
	s23 =	simm.s32 $0xAA00;
	s26 =	smul.u32 $0x2800, s9  }
0xb: {  	s14 =	sshrl.u32 s12, $0x1;
	s8 =	smin.u32 s8, $0x2498;
	s31 =	smul.u32 $0x1400, s9  }
0xc: {  	s14 =	ssub.s32 s12, s14;
	s24 =	sshll.u32 s8, $0x7;
	s25 =	sshll.u32 s8, $0x4  }
0xd: {  	s12 =	sadd.s32 s17, s29;
	s17 =	simm.s32 $0x80;
	s10 =	smin.u32 s11, $0x25D0  }
0xe: {  	s15 =	sadd.s32 s24, s3;
	s28 =	ssub.s32 $0x2710, s11;
	s12 =	sadd.s32 $0x2710, s12  }
0xf: {  	s11 =	sshrl.u32 s11, $0x3;
	s24 =	simm.s32 $0x3;
	s13 =	sshll.u32 s10, $0x2  }
0x10: {  	s16 =	smin.u32 s28, $0x140;
	s10 =	sshll.u32 s10, $0x5;
	s12 =	smin.u32 s12, $0x140  }
0x11: {  	s15 =	sshrl.u32 s15, $0x3;
	s13 =	sadd.s32 s13, s5;
	s5 =	sadd.s32 s6, s25  }
0x12: {  	s6 =	sor.u32 $0x1C05, s30;
	s7 =	sshrl.u32 s16, $0x2;
	s8 =	ssub.s32 s26, s10  }
0x13: {  	s16 =	sadd.s32 s31, s2;
	s12 =	sshrl.u32 s12, $0x3;
	s25 =	simm.s32 $0x4  }
0x14: {  	s26 =	simm.s32 $0x0;
	s9 =	sadd.s32 $0x1600, s13;
	s10 =	sor.u32 $0x80, s8  }
0x15: {  	s13 =	smax.u32 s14, $0x1;
	s14 =	sadd.s32 $0x40, s16;
	s16 =	simm.s32 $0x5  }
.LBB2_1:
0x16: {  	[spmem:s15], [sflag:s6] =	dma.local [hbm:s5], $0x2780  }
0x17: {  	_ =	swait.ge [sflag:s16], $0x2780  }
0x18: {  	[sflag:s16] =	ssyncset.done $0x0  }
0x19: {  	[sflag:s16] =	ssyncadd.s32 $0xFFFFD880  }
0x1a: {  	[bflag:$0x0] =	sbarrier.arrive $0xFFFF  }
0x1b: {  	[tilespmem:s4], [sflag:$0x5] =	stream.linear.gather [hbm4b:s9+s4], $0x2800, $0x38;
	[tilespmem:$0x1E480] =	vst v63  }
0x1c: {  	_ =	swait.ge [sflag:s16], $0x2800  }
0x1d: {  	[sflag:s16] =	ssyncset.done $0x0  }
0x1e: {  	[sflag:s16] =	ssyncadd.s32 $0xFFFFD800  }
0x1f: {  	[tilespmem:s18], [sflag:$0x1] =	stream.indirect.gather [spmem:s3], $0x80, s8, s17, $0xb8;
	[tilespmem:$0x1E480] =	vst v63  }
0x20: {  	s28 =	simm.s32 $0x0  }
0x21: {  	[tilespmem:s19], [sflag:$0x2] =	stream.indirect.gather [spmem:s3], $0x80, s10, s17, $0xb8;
	[tilespmem:$0x1E480] =	vst v63  }
.LBB2_2:
0x22: {  	_ =	swait.ge [sflag:s20], $0x4000  }
0x23: {  	p0 =	seq.s32 s28, $0x0;
	[sflag:s20] =	ssyncset.done $0x0  }
0x24: {  	s29 =	simm.s32 @!p0 $0x3;
	[sflag:s20] =	ssyncadd.s32 $0xFFFFC000  }
0x25: {  	_ =	swait.ge @!p0 [sflag:s29], $0x200  }
0x26: {  	[sflag:s29] =	ssyncset.done @!p0 $0x0  }
0x27: {  	[sflag:s29] =	ssyncadd.s32 @!p0 $0xFFFFFE00  }
0x28: {  	v8 =	vld [tilespmem:$0x2800]  }
0x29: {  	v10 =	vld [tilespmem:$0x2810]  }
0x2a: {  	v5 =	vld [tilespmem:$0x2820]  }
0x2b: {  	v4 =	vld [tilespmem:$0x2830]  }
0x2c: {  	v3 =	vld [tilespmem:$0x2840]  }
0x2d: {  	v2 =	vld [tilespmem:$0x2850]  }
0x2e: {  	v1 =	vld [tilespmem:$0x2860]  }
0x2f: {  	s1 =	simm.s32 $0x0;
	v0 =	vld [tilespmem:$0x2870]  }
0x30: {  	v6 =	vld [tilespmem:s1+$0x28F0]  }
0x31: {  	v9 =	vld [tilespmem:s1+$0x2880]  }
0x32: {  	v13 =	vld [tilespmem:s1+$0x2890]  }
0x33: {  	v12 =	vld [tilespmem:s1+$0x28A0]  }
0x34: {  	v11 =	vld [tilespmem:s1+$0x28B0]  }
0x35: {  	v7 =	vld [tilespmem:s1+$0x28C0]  }
0x36: {  	v0 =	vadd.f32 v6, v0;
	v6 =	vld [tilespmem:s1+$0x28D0]  }
0x37: {  	s30 =	simm.s32 $0x80;
	s31 =	simm.s32 $0x400;
	s29 =	sshll.u32 s28, $0x1;
	v9 =	vadd.f32 v9, v8;
	v10 =	vadd.f32 v13, v10;
	v8 =	vld [tilespmem:s1+$0x28E0]  }
.LBB2_3:
0x38: {  	p1 =	sne.s32 s31, $0x3C00;
	v13 =	vld [tilespmem:s30+$0x28F0];
	v5 =	vadd.f32 v12, v5  }
0x39: {  	v14 =	vld [tilespmem:s30+$0x2880];
	v4 =	vadd.f32 v11, v4  }
0x3a: {  	v15 =	vld [tilespmem:s30+$0x2890];
	v3 =	vadd.f32 v7, v3  }
.Ltmp0:
0x3b: {  	v12 =	vld [tilespmem:s30+$0x28A0];
	v2 =	vadd.f32 v6, v2;
	(pc) =	sbr.rel @p1 .LBB2_3-.Ltmp0, $4  }
0x3c: {  	v11 =	vld [tilespmem:s30+$0x28B0];
	v1 =	vadd.f32 v8, v1  }
0x3d: {  	v7 =	vld [tilespmem:s30+$0x28C0];
	v0 =	vadd.f32 v13, v0  }
0x3e: {  	v9 =	vadd.f32 v14, v9;
	v6 =	vld [tilespmem:s30+$0x28D0]  }
0x3f: {  	v10 =	vadd.f32 v15, v10;
	v8 =	vld [tilespmem:s30+$0x28E0];
	s30 =	sshra.s32 s31, $0x2;
	s31 =	sadd.s32 $0x200, s31  }
0x40: {  	v14 =	vld [tilespmem:s30+$0x2880]  }
0x41: {  	v15 =	vld [tilespmem:s30+$0x2890]  }
0x42: {  	v16 =	vld [tilespmem:s30+$0x28A0]  }
0x43: {  	v18 =	vld [tilespmem:s30+$0x28C0]  }
0x44: {  	v17 =	vld [tilespmem:s30+$0x28B0]  }
0x45: {  	v13 =	vld [tilespmem:s30+$0x28F0];
	v5 =	vadd.f32 v12, v5;
	v4 =	vadd.f32 v11, v4  }
0x46: {  	v12 =	vld [tilespmem:s30+$0x28D0];
	v3 =	vadd.f32 v7, v3;
	v9 =	vadd.f32 v14, v9  }
0x47: {  	v11 =	vld [tilespmem:s30+$0x28E0];
	v2 =	vadd.f32 v6, v2;
	v10 =	vadd.f32 v15, v10  }
0x48: {  	v5 =	vadd.f32 v16, v5;
	v6 =	vadd.f32 v18, v3;
	v3 =	vld [tilespmem:$0x3820];
	[tilespmem:$0xA800] =	vst v9  }
0x49: {  	v4 =	vadd.f32 v17, v4;
	v9 =	vld [tilespmem:$0x3800];
	[tilespmem:$0xA810] =	vst v10  }
0x4a: {  	v1 =	vadd.f32 v8, v1;
	v10 =	vld [tilespmem:$0x3810];
	[tilespmem:$0xA820] =	vst v5  }
0x4b: {  	v2 =	vadd.f32 v12, v2;
	[tilespmem:$0xA830] =	vst v4;
	v4 =	vld [tilespmem:$0x3830]  }
0x4c: {  	v1 =	vadd.f32 v11, v1;
	[tilespmem:$0xA840] =	vst v6;
	v5 =	vld [tilespmem:$0x3840]  }
0x4d: {  	v6 =	vadd.f32 v13, v0;
	[tilespmem:$0xA850] =	vst v2;
	v2 =	vld [tilespmem:$0x3850]  }
0x4e: {  	v0 =	vld [tilespmem:$0x3860];
	[tilespmem:$0xA860] =	vst v1  }
0x4f: {  	s1 =	simm.s32 $0x0;
	v1 =	vld [tilespmem:$0x3870];
	[tilespmem:$0xA870] =	vst v6  }
0x50: {  	v6 =	vld [tilespmem:s1+$0x38F0]  }
0x51: {  	v8 =	vld [tilespmem:s1+$0x3880]  }
0x52: {  	v13 =	vld [tilespmem:s1+$0x3890]  }
0x53: {  	v12 =	vld [tilespmem:s1+$0x38A0]  }
0x54: {  	v11 =	vld [tilespmem:s1+$0x38B0]  }
0x55: {  	v7 =	vld [tilespmem:s1+$0x38C0]  }
0x56: {  	v1 =	vadd.f32 v6, v1;
	v6 =	vld [tilespmem:s1+$0x38D0]  }
0x57: {  	s31 =	simm.s32 $0x400;
	s30 =	simm.s32 $0x80;
	v9 =	vadd.f32 v8, v9;
	v10 =	vadd.f32 v13, v10;
	v8 =	vld [tilespmem:s1+$0x38E0]  }
.LBB2_5:
0x58: {  	p1 =	sne.s32 s31, $0x3C00;
	v13 =	vld [tilespmem:s30+$0x38F0];
	v3 =	vadd.f32 v12, v3  }
0x59: {  	v14 =	vld [tilespmem:s30+$0x3880];
	v4 =	vadd.f32 v11, v4  }
0x5a: {  	v15 =	vld [tilespmem:s30+$0x3890];
	v5 =	vadd.f32 v7, v5  }
.Ltmp1:
0x5b: {  	v12 =	vld [tilespmem:s30+$0x38A0];
	v2 =	vadd.f32 v6, v2;
	(pc) =	sbr.rel @p1 .LBB2_5-.Ltmp1, $4  }
0x5c: {  	v11 =	vld [tilespmem:s30+$0x38B0];
	v0 =	vadd.f32 v8, v0  }
0x5d: {  	v7 =	vld [tilespmem:s30+$0x38C0];
	v1 =	vadd.f32 v13, v1  }
0x5e: {  	v9 =	vadd.f32 v14, v9;
	v6 =	vld [tilespmem:s30+$0x38D0]  }
0x5f: {  	v10 =	vadd.f32 v15, v10;
	v8 =	vld [tilespmem:s30+$0x38E0];
	s30 =	sshra.s32 s31, $0x2;
	s31 =	sadd.s32 $0x200, s31  }
0x60: {  	v13 =	vld [tilespmem:s30+$0x38F0]  }
0x61: {  	v14 =	vld [tilespmem:s30+$0x3880]  }
0x62: {  	v15 =	vld [tilespmem:s30+$0x3890]  }
0x63: {  	v16 =	vld [tilespmem:s30+$0x38A0]  }
0x64: {  	v17 =	vld [tilespmem:s30+$0x38B0]  }
0x65: {  	v18 =	vld [tilespmem:s30+$0x38C0]  }
0x66: {  	v3 =	vadd.f32 v12, v3;
	v12 =	vld [tilespmem:s30+$0x38D0];
	v9 =	vadd.f32 v14, v9  }
0x67: {  	v4 =	vadd.f32 v11, v4;
	v11 =	vld [tilespmem:s30+$0x38E0];
	v10 =	vadd.f32 v15, v10  }
0x68: {  	v5 =	vadd.f32 v7, v5;
	v3 =	vadd.f32 v16, v3;
	[tilespmem:$0xA880] =	vst v9;
	v9 =	vld [tilespmem:$0x4800]  }
0x69: {  	v2 =	vadd.f32 v6, v2;
	v4 =	vadd.f32 v17, v4;
	[tilespmem:$0xA890] =	vst v10;
	v10 =	vld [tilespmem:$0x4810]  }
0x6a: {  	v5 =	vadd.f32 v18, v5;
	[tilespmem:$0xA8A0] =	vst v3;
	v3 =	vld [tilespmem:$0x4820]  }
0x6b: {  	v0 =	vadd.f32 v8, v0;
	v2 =	vadd.f32 v12, v2;
	[tilespmem:$0xA8B0] =	vst v4;
	v4 =	vld [tilespmem:$0x4830]  }
0x6c: {  	v1 =	vadd.f32 v13, v1;
	[tilespmem:$0xA8C0] =	vst v5;
	v5 =	vld [tilespmem:$0x4840]  }
0x6d: {  	v0 =	vadd.f32 v11, v0;
	[tilespmem:$0xA8D0] =	vst v2;
	v2 =	vld [tilespmem:$0x4850]  }
0x6e: {  	[tilespmem:$0xA8F0] =	vst v1;
	v1 =	vld [tilespmem:$0x4870]  }
0x6f: {  	s1 =	simm.s32 $0x0;
	[tilespmem:$0xA8E0] =	vst v0;
	v0 =	vld [tilespmem:$0x4860]  }
0x70: {  	v6 =	vld [tilespmem:s1+$0x48F0]  }
0x71: {  	v8 =	vld [tilespmem:s1+$0x4880]  }
0x72: {  	v13 =	vld [tilespmem:s1+$0x4890]  }
0x73: {  	v12 =	vld [tilespmem:s1+$0x48A0]  }
0x74: {  	v11 =	vld [tilespmem:s1+$0x48B0]  }
0x75: {  	v7 =	vld [tilespmem:s1+$0x48C0]  }
0x76: {  	v1 =	vadd.f32 v6, v1;
	v6 =	vld [tilespmem:s1+$0x48D0]  }
0x77: {  	s31 =	simm.s32 $0x400;
	s30 =	simm.s32 $0x80;
	v9 =	vadd.f32 v8, v9;
	v10 =	vadd.f32 v13, v10;
	v8 =	vld [tilespmem:s1+$0x48E0]  }
.LBB2_7:
0x78: {  	p1 =	sne.s32 s31, $0x3C00;
	v13 =	vld [tilespmem:s30+$0x48F0];
	v3 =	vadd.f32 v12, v3  }
0x79: {  	v14 =	vld [tilespmem:s30+$0x4880];
	v4 =	vadd.f32 v11, v4  }
0x7a: {  	v15 =	vld [tilespmem:s30+$0x4890];
	v5 =	vadd.f32 v7, v5  }
.Ltmp2:
0x7b: {  	v12 =	vld [tilespmem:s30+$0x48A0];
	v2 =	vadd.f32 v6, v2;
	(pc) =	sbr.rel @p1 .LBB2_7-.Ltmp2, $4  }
0x7c: {  	v11 =	vld [tilespmem:s30+$0x48B0];
	v0 =	vadd.f32 v8, v0  }
0x7d: {  	v7 =	vld [tilespmem:s30+$0x48C0];
	v1 =	vadd.f32 v13, v1  }
0x7e: {  	v9 =	vadd.f32 v14, v9;
	v6 =	vld [tilespmem:s30+$0x48D0]  }
0x7f: {  	v10 =	vadd.f32 v15, v10;
	v8 =	vld [tilespmem:s30+$0x48E0];
	s30 =	sshra.s32 s31, $0x2;
	s31 =	sadd.s32 $0x200, s31  }
0x80: {  	v13 =	vld [tilespmem:s30+$0x48F0]  }
0x81: {  	v14 =	vld [tilespmem:s30+$0x4880]  }
0x82: {  	v15 =	vld [tilespmem:s30+$0x4890]  }
0x83: {  	v16 =	vld [tilespmem:s30+$0x48A0]  }
0x84: {  	v17 =	vld [tilespmem:s30+$0x48B0]  }
0x85: {  	v18 =	vld [tilespmem:s30+$0x48C0];
	v3 =	vadd.f32 v12, v3  }
0x86: {  	v12 =	vld [tilespmem:s30+$0x48D0];
	v4 =	vadd.f32 v11, v4;
	v9 =	vadd.f32 v14, v9  }
0x87: {  	v11 =	vld [tilespmem:s30+$0x48E0];
	v5 =	vadd.f32 v7, v5;
	v10 =	vadd.f32 v15, v10  }
0x88: {  	v6 =	vadd.f32 v6, v2;
	v2 =	vld [tilespmem:$0x5820];
	v3 =	vadd.f32 v16, v3;
	[tilespmem:$0xA900] =	vst v9  }
0x89: {  	v4 =	vadd.f32 v17, v4;
	v14 =	vld [tilespmem:$0x5810];
	[tilespmem:$0xA910] =	vst v10  }
0x8a: {  	v0 =	vadd.f32 v8, v0;
	v5 =	vadd.f32 v18, v5;
	v9 =	vld [tilespmem:$0x5800];
	[tilespmem:$0xA920] =	vst v3  }
0x8b: {  	v6 =	vadd.f32 v12, v6;
	[tilespmem:$0xA930] =	vst v4;
	v3 =	vld [tilespmem:$0x5830]  }
0x8c: {  	v0 =	vadd.f32 v11, v0;
	[tilespmem:$0xA940] =	vst v5;
	v4 =	vld [tilespmem:$0x5840]  }
0x8d: {  	v5 =	vadd.f32 v13, v1;
	[tilespmem:$0xA950] =	vst v6;
	v1 =	vld [tilespmem:$0x5850]  }
0x8e: {  	[tilespmem:$0xA960] =	vst v0;
	v0 =	vld [tilespmem:$0x5860]  }
0x8f: {  	s1 =	simm.s32 $0x0;
	[tilespmem:$0xA970] =	vst v5;
	v5 =	vld [tilespmem:$0x5870]  }
0x90: {  	v7 =	vld [tilespmem:s1+$0x58F0]  }
0x91: {  	v8 =	vld [tilespmem:s1+$0x5880]  }
0x92: {  	v11 =	vld [tilespmem:s1+$0x5890]  }
0x93: {  	v12 =	vld [tilespmem:s1+$0x58A0]  }
0x94: {  	v10 =	vld [tilespmem:s1+$0x58B0]  }
0x95: {  	v6 =	vld [tilespmem:s1+$0x58C0]  }
0x96: {  	v5 =	vadd.f32 v7, v5;
	v7 =	vld [tilespmem:s1+$0x58D0]  }
0x97: {  	s31 =	simm.s32 $0x400;
	s30 =	simm.s32 $0x80;
	v8 =	vadd.f32 v8, v9;
	v9 =	vadd.f32 v11, v14;
	v11 =	vld [tilespmem:s1+$0x58E0]  }
.LBB2_9:
0x98: {  	p1 =	sne.s32 s31, $0x3C00;
	v13 =	vld [tilespmem:s30+$0x58F0];
	v2 =	vadd.f32 v12, v2  }
0x99: {  	v14 =	vld [tilespmem:s30+$0x5880];
	v3 =	vadd.f32 v10, v3  }
0x9a: {  	v15 =	vld [tilespmem:s30+$0x5890];
	v4 =	vadd.f32 v6, v4  }
.Ltmp3:
0x9b: {  	v12 =	vld [tilespmem:s30+$0x58A0];
	v1 =	vadd.f32 v7, v1;
	(pc) =	sbr.rel @p1 .LBB2_9-.Ltmp3, $4  }
0x9c: {  	v10 =	vld [tilespmem:s30+$0x58B0];
	v0 =	vadd.f32 v11, v0  }
0x9d: {  	v6 =	vld [tilespmem:s30+$0x58C0];
	v5 =	vadd.f32 v13, v5  }
0x9e: {  	v8 =	vadd.f32 v14, v8;
	v7 =	vld [tilespmem:s30+$0x58D0]  }
0x9f: {  	v9 =	vadd.f32 v15, v9;
	v11 =	vld [tilespmem:s30+$0x58E0];
	s30 =	sshra.s32 s31, $0x2;
	s31 =	sadd.s32 $0x200, s31  }
0xa0: {  	v14 =	vld [tilespmem:s30+$0x5880]  }
0xa1: {  	v15 =	vld [tilespmem:s30+$0x5890]  }
0xa2: {  	v16 =	vld [tilespmem:s30+$0x58A0]  }
0xa3: {  	v17 =	vld [tilespmem:s30+$0x58B0]  }
0xa4: {  	v18 =	vld [tilespmem:s30+$0x58C0]  }
0xa5: {  	v2 =	vadd.f32 v12, v2;
	v12 =	vld [tilespmem:s30+$0x58D0];
	v8 =	vadd.f32 v14, v8  }
0xa6: {  	v3 =	vadd.f32 v10, v3;
	v10 =	vld [tilespmem:s30+$0x58E0];
	v9 =	vadd.f32 v15, v9  }
0xa7: {  	v13 =	vld [tilespmem:s30+$0x58F0];
	v4 =	vadd.f32 v6, v4;
	v2 =	vadd.f32 v16, v2;
	[tilespmem:$0xA980] =	vst v8  }
0xa8: {  	v1 =	vadd.f32 v7, v1;
	v3 =	vadd.f32 v17, v3;
	[tilespmem:$0xA990] =	vst v9  }
0xa9: {  	v0 =	vadd.f32 v11, v0;
	v4 =	vadd.f32 v18, v4;
	[tilespmem:$0xA9A0] =	vst v2  }
0xaa: {  	v1 =	vadd.f32 v12, v1;
	[tilespmem:$0xA9B0] =	vst v3  }
0xab: {  	v0 =	vadd.f32 v10, v0;
	[tilespmem:$0xA9C0] =	vst v4  }
0xac: {  	s1 =	sadd.s32 s11, s28;
	v2 =	vadd.f32 v13, v5;
	[tilespmem:$0xA9D0] =	vst v1  }
0xad: {  	s1 =	sshll.u32 s1, $0x7;
	[tilespmem:$0xA9E0] =	vst v0  }
0xae: {  	s1 =	sadd.s32 s2, s1;
	[tilespmem:$0xA9F0] =	vst v2  }
0xaf: {  	[hbm4b:s1+s4] =	stream.linear.scatter [tilespmem:s21], [sflag:$0x3], $0x200, $0x38;
	[tilespmem:$0x1E480] =	vst v63  }
0xb0: {  	s1 =	sadd.s32 $0x2, s29  }
0xb1: {  	p1 =	sge.u32 s1, s7  }
0xb2: {  	s1 =	sshll.u32 @!p1 s1, $0x7  }
0xb3: {  	s1 =	sand.u32 @!p1 $0x3FFFFF80, s1  }
0xb4: {  	s30 =	simm.s32 @!p1 $0x80;
	s31 =	simm.s32 @!p1 $0x2800;
	s1 =	sadd.s32 @!p1 s1, s8  }
0xb5: {  	[tilespmem:s31], [sflag:$0x1] =	stream.indirect.gather @!p1 [spmem:s3], $0x80, s1, s30, $0xb8;
	[tilespmem:$0x1E480] =	vst v63  }
0xb6: {  	_ =	swait.ge [sflag:s22], $0x4000  }
0xb7: {  	[sflag:s22] =	ssyncset.done $0x0  }
0xb8: {  	s1 =	simm.s32 @!p0 $0x4;
	[sflag:s22] =	ssyncadd.s32 $0xFFFFC000  }
0xb9: {  	_ =	swait.ge @!p0 [sflag:s1], $0x200  }
0xba: {  	[sflag:s1] =	ssyncset.done @!p0 $0x0  }
0xbb: {  	[sflag:s1] =	ssyncadd.s32 @!p0 $0xFFFFFE00  }
0xbc: {  	v8 =	vld [tilespmem:$0x6800]  }
0xbd: {  	v10 =	vld [tilespmem:$0x6810]  }
0xbe: {  	v5 =	vld [tilespmem:$0x6820]  }
0xbf: {  	v4 =	vld [tilespmem:$0x6830]  }
0xc0: {  	v3 =	vld [tilespmem:$0x6840]  }
0xc1: {  	v2 =	vld [tilespmem:$0x6850]  }
0xc2: {  	v1 =	vld [tilespmem:$0x6860]  }
0xc3: {  	s1 =	simm.s32 $0x0;
	v0 =	vld [tilespmem:$0x6870]  }
0xc4: {  	v6 =	vld [tilespmem:s1+$0x68F0]  }
0xc5: {  	v9 =	vld [tilespmem:s1+$0x6880]  }
0xc6: {  	v13 =	vld [tilespmem:s1+$0x6890]  }
0xc7: {  	v12 =	vld [tilespmem:s1+$0x68A0]  }
0xc8: {  	v11 =	vld [tilespmem:s1+$0x68B0]  }
0xc9: {  	v7 =	vld [tilespmem:s1+$0x68C0]  }
0xca: {  	v0 =	vadd.f32 v6, v0;
	v6 =	vld [tilespmem:s1+$0x68D0]  }
0xcb: {  	s30 =	simm.s32 $0x80;
	s31 =	simm.s32 $0x400;
	v9 =	vadd.f32 v9, v8;
	v10 =	vadd.f32 v13, v10;
	v8 =	vld [tilespmem:s1+$0x68E0]  }
.LBB2_11:
0xcc: {  	p0 =	sne.s32 s31, $0x3C00;
	v13 =	vld [tilespmem:s30+$0x68F0];
	v5 =	vadd.f32 v12, v5  }
0xcd: {  	v14 =	vld [tilespmem:s30+$0x6880];
	v4 =	vadd.f32 v11, v4  }
0xce: {  	v15 =	vld [tilespmem:s30+$0x6890];
	v3 =	vadd.f32 v7, v3  }
.Ltmp4:
0xcf: {  	v12 =	vld [tilespmem:s30+$0x68A0];
	v2 =	vadd.f32 v6, v2;
	(pc) =	sbr.rel @p0 .LBB2_11-.Ltmp4, $4  }
0xd0: {  	v11 =	vld [tilespmem:s30+$0x68B0];
	v1 =	vadd.f32 v8, v1  }
0xd1: {  	v7 =	vld [tilespmem:s30+$0x68C0];
	v0 =	vadd.f32 v13, v0  }
0xd2: {  	v9 =	vadd.f32 v14, v9;
	v6 =	vld [tilespmem:s30+$0x68D0]  }
0xd3: {  	v10 =	vadd.f32 v15, v10;
	v8 =	vld [tilespmem:s30+$0x68E0];
	s30 =	sshra.s32 s31, $0x2;
	s31 =	sadd.s32 $0x200, s31  }
0xd4: {  	v14 =	vld [tilespmem:s30+$0x6880]  }
0xd5: {  	v15 =	vld [tilespmem:s30+$0x6890]  }
0xd6: {  	v16 =	vld [tilespmem:s30+$0x68A0]  }
0xd7: {  	v18 =	vld [tilespmem:s30+$0x68C0]  }
0xd8: {  	v17 =	vld [tilespmem:s30+$0x68B0]  }
0xd9: {  	v13 =	vld [tilespmem:s30+$0x68F0];
	v5 =	vadd.f32 v12, v5;
	v4 =	vadd.f32 v11, v4  }
0xda: {  	v12 =	vld [tilespmem:s30+$0x68D0];
	v3 =	vadd.f32 v7, v3;
	v9 =	vadd.f32 v14, v9  }
0xdb: {  	v11 =	vld [tilespmem:s30+$0x68E0];
	v2 =	vadd.f32 v6, v2;
	v10 =	vadd.f32 v15, v10  }
0xdc: {  	v5 =	vadd.f32 v16, v5;
	v6 =	vadd.f32 v18, v3;
	v3 =	vld [tilespmem:$0x7820];
	[tilespmem:$0xAA00] =	vst v9  }
0xdd: {  	v4 =	vadd.f32 v17, v4;
	v9 =	vld [tilespmem:$0x7800];
	[tilespmem:$0xAA10] =	vst v10  }
0xde: {  	v1 =	vadd.f32 v8, v1;
	v10 =	vld [tilespmem:$0x7810];
	[tilespmem:$0xAA20] =	vst v5  }
0xdf: {  	v2 =	vadd.f32 v12, v2;
	[tilespmem:$0xAA30] =	vst v4;
	v4 =	vld [tilespmem:$0x7830]  }
0xe0: {  	v1 =	vadd.f32 v11, v1;
	[tilespmem:$0xAA40] =	vst v6;
	v5 =	vld [tilespmem:$0x7840]  }
0xe1: {  	v6 =	vadd.f32 v13, v0;
	[tilespmem:$0xAA50] =	vst v2;
	v2 =	vld [tilespmem:$0x7850]  }
0xe2: {  	v0 =	vld [tilespmem:$0x7860];
	[tilespmem:$0xAA60] =	vst v1  }
0xe3: {  	s1 =	simm.s32 $0x0;
	v1 =	vld [tilespmem:$0x7870];
	[tilespmem:$0xAA70] =	vst v6  }
0xe4: {  	v6 =	vld [tilespmem:s1+$0x78F0]  }
0xe5: {  	v8 =	vld [tilespmem:s1+$0x7880]  }
0xe6: {  	v13 =	vld [tilespmem:s1+$0x7890]  }
0xe7: {  	v12 =	vld [tilespmem:s1+$0x78A0]  }
0xe8: {  	v11 =	vld [tilespmem:s1+$0x78B0]  }
0xe9: {  	v7 =	vld [tilespmem:s1+$0x78C0]  }
0xea: {  	v1 =	vadd.f32 v6, v1;
	v6 =	vld [tilespmem:s1+$0x78D0]  }
0xeb: {  	s31 =	simm.s32 $0x400;
	s30 =	simm.s32 $0x80;
	v9 =	vadd.f32 v8, v9;
	v10 =	vadd.f32 v13, v10;
	v8 =	vld [tilespmem:s1+$0x78E0]  }
.LBB2_13:
0xec: {  	p0 =	sne.s32 s31, $0x3C00;
	v13 =	vld [tilespmem:s30+$0x78F0];
	v3 =	vadd.f32 v12, v3  }
0xed: {  	v14 =	vld [tilespmem:s30+$0x7880];
	v4 =	vadd.f32 v11, v4  }
0xee: {  	v15 =	vld [tilespmem:s30+$0x7890];
	v5 =	vadd.f32 v7, v5  }
.Ltmp5:
0xef: {  	v12 =	vld [tilespmem:s30+$0x78A0];
	v2 =	vadd.f32 v6, v2;
	(pc) =	sbr.rel @p0 .LBB2_13-.Ltmp5, $4  }
0xf0: {  	v11 =	vld [tilespmem:s30+$0x78B0];
	v0 =	vadd.f32 v8, v0  }
0xf1: {  	v7 =	vld [tilespmem:s30+$0x78C0];
	v1 =	vadd.f32 v13, v1  }
0xf2: {  	v9 =	vadd.f32 v14, v9;
	v6 =	vld [tilespmem:s30+$0x78D0]  }
0xf3: {  	v10 =	vadd.f32 v15, v10;
	v8 =	vld [tilespmem:s30+$0x78E0];
	s30 =	sshra.s32 s31, $0x2;
	s31 =	sadd.s32 $0x200, s31  }
0xf4: {  	v13 =	vld [tilespmem:s30+$0x78F0]  }
0xf5: {  	v14 =	vld [tilespmem:s30+$0x7880]  }
0xf6: {  	v15 =	vld [tilespmem:s30+$0x7890]  }
0xf7: {  	v16 =	vld [tilespmem:s30+$0x78A0]  }
0xf8: {  	v17 =	vld [tilespmem:s30+$0x78B0]  }
0xf9: {  	v18 =	vld [tilespmem:s30+$0x78C0]  }
0xfa: {  	v3 =	vadd.f32 v12, v3;
	v12 =	vld [tilespmem:s30+$0x78D0];
	v9 =	vadd.f32 v14, v9  }
0xfb: {  	v4 =	vadd.f32 v11, v4;
	v11 =	vld [tilespmem:s30+$0x78E0];
	v10 =	vadd.f32 v15, v10  }
0xfc: {  	v5 =	vadd.f32 v7, v5;
	v3 =	vadd.f32 v16, v3;
	[tilespmem:$0xAA80] =	vst v9;
	v9 =	vld [tilespmem:$0x8800]  }
0xfd: {  	v2 =	vadd.f32 v6, v2;
	v4 =	vadd.f32 v17, v4;
	[tilespmem:$0xAA90] =	vst v10;
	v10 =	vld [tilespmem:$0x8810]  }
0xfe: {  	v5 =	vadd.f32 v18, v5;
	[tilespmem:$0xAAA0] =	vst v3;
	v3 =	vld [tilespmem:$0x8820]  }
0xff: {  	v0 =	vadd.f32 v8, v0;
	v2 =	vadd.f32 v12, v2;
	[tilespmem:$0xAAB0] =	vst v4;
	v4 =	vld [tilespmem:$0x8830]  }
0x100: {  	v1 =	vadd.f32 v13, v1;
	[tilespmem:$0xAAC0] =	vst v5;
	v5 =	vld [tilespmem:$0x8840]  }
0x101: {  	v0 =	vadd.f32 v11, v0;
	[tilespmem:$0xAAD0] =	vst v2;
	v2 =	vld [tilespmem:$0x8850]  }
0x102: {  	[tilespmem:$0xAAF0] =	vst v1;
	v1 =	vld [tilespmem:$0x8870]  }
0x103: {  	s1 =	simm.s32 $0x0;
	[tilespmem:$0xAAE0] =	vst v0;
	v0 =	vld [tilespmem:$0x8860]  }
0x104: {  	v6 =	vld [tilespmem:s1+$0x88F0]  }
0x105: {  	v8 =	vld [tilespmem:s1+$0x8880]  }
0x106: {  	v13 =	vld [tilespmem:s1+$0x8890]  }
0x107: {  	v12 =	vld [tilespmem:s1+$0x88A0]  }
0x108: {  	v11 =	vld [tilespmem:s1+$0x88B0]  }
0x109: {  	v7 =	vld [tilespmem:s1+$0x88C0]  }
0x10a: {  	v1 =	vadd.f32 v6, v1;
	v6 =	vld [tilespmem:s1+$0x88D0]  }
0x10b: {  	s31 =	simm.s32 $0x400;
	s30 =	simm.s32 $0x80;
	v9 =	vadd.f32 v8, v9;
	v10 =	vadd.f32 v13, v10;
	v8 =	vld [tilespmem:s1+$0x88E0]  }
.LBB2_15:
0x10c: {  	p0 =	sne.s32 s31, $0x3C00;
	v13 =	vld [tilespmem:s30+$0x88F0];
	v3 =	vadd.f32 v12, v3  }
0x10d: {  	v14 =	vld [tilespmem:s30+$0x8880];
	v4 =	vadd.f32 v11, v4  }
0x10e: {  	v15 =	vld [tilespmem:s30+$0x8890];
	v5 =	vadd.f32 v7, v5  }
.Ltmp6:
0x10f: {  	v12 =	vld [tilespmem:s30+$0x88A0];
	v2 =	vadd.f32 v6, v2;
	(pc) =	sbr.rel @p0 .LBB2_15-.Ltmp6, $4  }
0x110: {  	v11 =	vld [tilespmem:s30+$0x88B0];
	v0 =	vadd.f32 v8, v0  }
0x111: {  	v7 =	vld [tilespmem:s30+$0x88C0];
	v1 =	vadd.f32 v13, v1  }
0x112: {  	v9 =	vadd.f32 v14, v9;
	v6 =	vld [tilespmem:s30+$0x88D0]  }
0x113: {  	v10 =	vadd.f32 v15, v10;
	v8 =	vld [tilespmem:s30+$0x88E0];
	s30 =	sshra.s32 s31, $0x2;
	s31 =	sadd.s32 $0x200, s31  }
0x114: {  	v13 =	vld [tilespmem:s30+$0x88F0]  }
0x115: {  	v14 =	vld [tilespmem:s30+$0x8880]  }
0x116: {  	v15 =	vld [tilespmem:s30+$0x8890]  }
0x117: {  	v16 =	vld [tilespmem:s30+$0x88A0]  }
0x118: {  	v17 =	vld [tilespmem:s30+$0x88B0]  }
0x119: {  	v18 =	vld [tilespmem:s30+$0x88C0];
	v3 =	vadd.f32 v12, v3  }
0x11a: {  	v12 =	vld [tilespmem:s30+$0x88D0];
	v4 =	vadd.f32 v11, v4;
	v9 =	vadd.f32 v14, v9  }
0x11b: {  	v11 =	vld [tilespmem:s30+$0x88E0];
	v5 =	vadd.f32 v7, v5;
	v10 =	vadd.f32 v15, v10  }
0x11c: {  	v6 =	vadd.f32 v6, v2;
	v2 =	vld [tilespmem:$0x9820];
	v3 =	vadd.f32 v16, v3;
	[tilespmem:$0xAB00] =	vst v9  }
0x11d: {  	v4 =	vadd.f32 v17, v4;
	v14 =	vld [tilespmem:$0x9810];
	[tilespmem:$0xAB10] =	vst v10  }
0x11e: {  	v0 =	vadd.f32 v8, v0;
	v5 =	vadd.f32 v18, v5;
	v9 =	vld [tilespmem:$0x9800];
	[tilespmem:$0xAB20] =	vst v3  }
0x11f: {  	v6 =	vadd.f32 v12, v6;
	[tilespmem:$0xAB30] =	vst v4;
	v3 =	vld [tilespmem:$0x9830]  }
0x120: {  	v0 =	vadd.f32 v11, v0;
	[tilespmem:$0xAB40] =	vst v5;
	v4 =	vld [tilespmem:$0x9840]  }
0x121: {  	v5 =	vadd.f32 v13, v1;
	[tilespmem:$0xAB50] =	vst v6;
	v1 =	vld [tilespmem:$0x9850]  }
0x122: {  	[tilespmem:$0xAB60] =	vst v0;
	v0 =	vld [tilespmem:$0x9860]  }
0x123: {  	s1 =	simm.s32 $0x0;
	[tilespmem:$0xAB70] =	vst v5;
	v5 =	vld [tilespmem:$0x9870]  }
0x124: {  	v7 =	vld [tilespmem:s1+$0x98F0]  }
0x125: {  	v8 =	vld [tilespmem:s1+$0x9880]  }
0x126: {  	v11 =	vld [tilespmem:s1+$0x9890]  }
0x127: {  	v12 =	vld [tilespmem:s1+$0x98A0]  }
0x128: {  	v10 =	vld [tilespmem:s1+$0x98B0]  }
0x129: {  	v6 =	vld [tilespmem:s1+$0x98C0]  }
0x12a: {  	v5 =	vadd.f32 v7, v5;
	v7 =	vld [tilespmem:s1+$0x98D0]  }
0x12b: {  	s31 =	simm.s32 $0x400;
	s30 =	simm.s32 $0x80;
	v8 =	vadd.f32 v8, v9;
	v9 =	vadd.f32 v11, v14;
	v11 =	vld [tilespmem:s1+$0x98E0]  }
.LBB2_17:
0x12c: {  	p0 =	sne.s32 s31, $0x3C00;
	v13 =	vld [tilespmem:s30+$0x98F0];
	v2 =	vadd.f32 v12, v2  }
0x12d: {  	v14 =	vld [tilespmem:s30+$0x9880];
	v3 =	vadd.f32 v10, v3  }
0x12e: {  	v15 =	vld [tilespmem:s30+$0x9890];
	v4 =	vadd.f32 v6, v4  }
.Ltmp7:
0x12f: {  	v12 =	vld [tilespmem:s30+$0x98A0];
	v1 =	vadd.f32 v7, v1;
	(pc) =	sbr.rel @p0 .LBB2_17-.Ltmp7, $4  }
0x130: {  	v10 =	vld [tilespmem:s30+$0x98B0];
	v0 =	vadd.f32 v11, v0  }
0x131: {  	v6 =	vld [tilespmem:s30+$0x98C0];
	v5 =	vadd.f32 v13, v5  }
0x132: {  	v8 =	vadd.f32 v14, v8;
	v7 =	vld [tilespmem:s30+$0x98D0]  }
0x133: {  	v9 =	vadd.f32 v15, v9;
	v11 =	vld [tilespmem:s30+$0x98E0];
	s30 =	sshra.s32 s31, $0x2;
	s31 =	sadd.s32 $0x200, s31  }
0x134: {  	v14 =	vld [tilespmem:s30+$0x9880]  }
0x135: {  	v15 =	vld [tilespmem:s30+$0x9890]  }
0x136: {  	v16 =	vld [tilespmem:s30+$0x98A0]  }
0x137: {  	v17 =	vld [tilespmem:s30+$0x98B0]  }
0x138: {  	v18 =	vld [tilespmem:s30+$0x98C0]  }
0x139: {  	v2 =	vadd.f32 v12, v2;
	v61 =	vld [tilespmem:s30+$0x98D0];
	v8 =	vadd.f32 v14, v8  }
0x13a: {  	v13 =	vld [tilespmem:s30+$0x98F0];
	v3 =	vadd.f32 v10, v3;
	v9 =	vadd.f32 v15, v9  }
0x13b: {  	v62 =	vld [tilespmem:s30+$0x98E0];
	v4 =	vadd.f32 v6, v4;
	v2 =	vadd.f32 v16, v2;
	[tilespmem:$0xAB80] =	vst v8  }
0x13c: {  	v1 =	vadd.f32 v7, v1;
	v3 =	vadd.f32 v17, v3;
	[tilespmem:$0xAB90] =	vst v9  }
0x13d: {  	v4 =	vadd.f32 v18, v4;
	[tilespmem:$0xABA0] =	vst v2  }
0x13e: {  	v0 =	vadd.f32 v11, v0;
	v1 =	vadd.f32 v61, v1;
	[tilespmem:$0xABB0] =	vst v3  }
0x13f: {  	v63 =	vadd.f32 v13, v5;
	[tilespmem:$0xABC0] =	vst v4  }
0x140: {  	v0 =	vadd.f32 v62, v0;
	[tilespmem:$0xABD0] =	vst v1  }
0x141: {  	s1 =	sshll.u32 s28, $0x7;
	[tilespmem:$0xABF0] =	vst v63  }
0x142: {  	s1 =	sadd.s32 s14, s1;
	[tilespmem:$0xABE0] =	vst v0  }
0x143: {  	[hbm4b:s1+s4] =	stream.linear.scatter [tilespmem:s23], [sflag:$0x4], $0x200, $0x38;
	[tilespmem:$0x1E480] =	vst v63  }
0x144: {  	s1 =	sadd.s32 $0x3, s29  }
0x145: {  	p0 =	sge.u32 s1, s7  }
0x146: {  	s1 =	sshll.u32 @!p0 s1, $0x7  }
0x147: {  	s28 =	sadd.s32 $0x1, s28;
	s1 =	sand.u32 @!p0 $0x3FFFFF80, s1  }
0x148: {  	s29 =	simm.s32 @!p0 $0x80;
	s30 =	simm.s32 @!p0 $0x6800;
	s1 =	sadd.s32 @!p0 s1, s8  }
0x149: {  	[tilespmem:s30], [sflag:$0x2] =	stream.indirect.gather @!p0 [spmem:s3], $0x80, s1, s29, $0xb8;
	[tilespmem:$0x1E480] =	vst v63  }
0x14a: {  	p0 =	sne.s32 s28, s12  }
.Ltmp8:
0x14b: {  	_ = 	snop;
	(pc) =	sbr.rel @p0 .LBB2_2-.Ltmp8, $1  }
0x14c: {  	_ =	sdelay $0x3  }
0x14d: {  	s26 =	sadd.s32 $0x1, s26  }
0x14e: {  	_ =	swait.ge [sflag:s24], $0x200;
	p0 =	sne.s32 s26, s13  }
.Ltmp9:
0x14f: {  	[sflag:s24] =	ssyncset.done $0x0;
	(pc) =	sbr.rel @p0 .LBB2_1-.Ltmp9, $4  }
0x150: {  	[sflag:s24] =	ssyncadd.s32 $0xFFFFFE00  }
0x151: {  	_ =	swait.ge [sflag:s25], $0x200  }
0x152: {  	[sflag:s25] =	ssyncset.done $0x0  }
0x153: {  	[sflag:s25] =	ssyncadd.s32 $0xFFFFFE00  }
0x154: {  	_ =	sfence.sel $0x180000  }
0x155: {  	[bflag:$0x0] =	sbarrier.arrive $0xFFFF  }
0x156: {  	_ =	strace $0x90000047  }
0x157: {  	[bflag:$0x2] =	sbarrier.arrive $0xFFFF  }
0x158: {  	p0 =	sne.s32 s0, $0x0;
	s0 =	rddreg [dreg:$0x4]  }
0x159: {  	s0 =	sadd.s32 @!p0 $0x100000, s0  }
0x15a: {  	[sflag:s0] =	ssyncadd.tile.s32 @!p0 $0x1;
	_ =	shalt  }
.Lfunc_end2:
_tile_overlayer_lowered:
.L_overlay_start_2:
0x15b: {  	(tag) =	ssettag $0x2  }
0x15c: {  	s0 =	rddreg [dreg:$0x0];
	s2 =	stileid.u32  }
0x15d: {  	s1 =	rddreg [dreg:$0x1];
	p0 =	sne.s32 s2, $0x0  }
0x15e: {  	s3 =	rddreg [dreg:$0x2];
	[bflag:$0x3] =	sbarrier.arrive $0xFFFF;
	s2 =	simm.s32 @!p0 $0x1C05  }
0x15f: {  	[timem:s3], [sflag:s2] =	dma.local @!p0 [hbm:s0], s1  }
0x160: {  	s0 =	simm.s32 @!p0 $0x5  }
0x161: {  	_ =	swait.ge @!p0 [sflag:s0], s1  }
0x162: {  	s1 =	ssub.s32 @!p0 $0x0, s1;
	[sflag:s0] =	ssyncset.done @!p0 $0x0  }
0x163: {  	[sflag:s0] =	ssyncadd.s32 @!p0 s1  }
0x164: {  	[bflag:$0x3] =	sbarrier.arrive $0xFFFF  }
0x165: {  	_ =	shalt  }

</sc_bundles>
